<compile_context>
chip_gen: v7x
topology: tpu7x:2x2x1
jax: 0.10.2.dev20260603
libtpu: 0.0.44.dev20260713+nightly
codegen_flags: <defaults>
</compile_context>

<pallas_src>
import functools

import jax
import jax.numpy as jnp
from jax import lax
from jax.experimental import pallas as pl
from jax.experimental.pallas import tpu as pltpu
from jax.experimental.pallas import tpu_sc as plsc

N = 10000
E = 320000
D = 128
G = 16
L = 2

NC = 2
NS = 16
NW = NC * NS
EW = E // NW
CH = 80
NCHUNK = EW // CH
RS = 624
RT = N - NS * RS

BN = 2000
BE = 2000

f32 = jnp.float32
i32 = jnp.int32


def _ln(x, g, b):
    m = jnp.mean(x, axis=-1, keepdims=True)
    v = jnp.mean((x - m) * (x - m), axis=-1, keepdims=True)
    return (x - m) * lax.rsqrt(v + 1e-5) * g + b


def _embed_body(a_ref, emb_ref, out_ref):
    a = a_ref[0]
    oh = (a == lax.broadcasted_iota(i32, (BN, D), 1)).astype(f32)
    out_ref[...] = jnp.dot(oh, emb_ref[...], preferred_element_type=f32)


def _embed(atoms3, embp):
    return pl.pallas_call(
        _embed_body,
        grid=(N // BN,),
        in_specs=[
            pl.BlockSpec((1, BN, 1), lambda i: (i, 0, 0)),
            pl.BlockSpec((D, D), lambda i: (0, 0)),
        ],
        out_specs=pl.BlockSpec((BN, D), lambda i: (i, 0)),
        out_shape=jax.ShapeDtypeStruct((N, D), f32),
    )(atoms3, embp)


def _gather_body(h_hbm, pp_hbm, src_hbm, dst_hbm,
                 hd_out, hs_out, pd_out, ps_out,
                 idxs_big, idxd_big, bufs0, bufs1,
                 gsem0, gsem1, wsem0, wsem1):
    wid = lax.axis_index("s") * NC + lax.axis_index("c")
    wbase = wid * EW

    def fill_idx(k, carry):
        base = pl.multiple_of(wbase + k * CH, CH)
        pltpu.async_copy(src_hbm.at[pl.ds(base, CH)], idxs_big.at[k], gsem0)
        pltpu.async_copy(dst_hbm.at[pl.ds(base, CH)], idxd_big.at[k], gsem0)
        return carry

    lax.fori_loop(0, NCHUNK, fill_idx, 0)

    def drain_idx(k, carry):
        base = pl.multiple_of(wbase + k * CH, CH)
        pltpu.make_async_copy(src_hbm.at[pl.ds(base, CH)],
                              idxs_big.at[k], gsem0).wait()
        pltpu.make_async_copy(dst_hbm.at[pl.ds(base, CH)],
                              idxd_big.at[k], gsem0).wait()
        return carry

    lax.fori_loop(0, NCHUNK, drain_idx, 0)

    sets = ((bufs0, gsem0, wsem0), (bufs1, gsem1, wsem1))
    outs = (hd_out, hs_out, pd_out, ps_out)

    def srcs(k):
        return (h_hbm.at[idxd_big.at[k]],
                h_hbm.at[idxs_big.at[k]],
                pp_hbm.at[idxd_big.at[k]],
                pp_hbm.at[idxs_big.at[k]])

    def issue_gather(k, st):
        bufs, gs, _ = st
        for sref, b in zip(srcs(k), bufs):
            pltpu.async_copy(sref, b, gs)

    def drain_gather(k, st):
        bufs, gs, _ = st
        for sref, b in zip(srcs(k), bufs):
            pltpu.make_async_copy(sref, b, gs).wait()

    def issue_write(k, st):
        bufs, _, ws = st
        base = pl.multiple_of(wbase + k * CH, CH)
        for o, b in zip(outs, bufs):
            pltpu.async_copy(b, o.at[pl.ds(base, CH)], ws)

    def drain_write(k, st):
        bufs, _, ws = st
        base = pl.multiple_of(wbase + k * CH, CH)
        for o, b in zip(outs, bufs):
            pltpu.make_async_copy(b, o.at[pl.ds(base, CH)], ws).wait()

    issue_gather(0, sets[0])
    issue_gather(1, sets[1])

    def body(g, carry):
        k0 = 2 * g
        drain_gather(k0, sets[0])
        issue_write(k0, sets[0])
        drain_gather(k0 + 1, sets[1])
        issue_write(k0 + 1, sets[1])
        drain_write(k0, sets[0])
        issue_gather(k0 + 2, sets[0])

        @pl.when(k0 + 3 < NCHUNK)
        def _():
            drain_write(k0 + 1, sets[1])
            issue_gather(k0 + 3, sets[1])

        return carry

    lax.fori_loop(0, (NCHUNK - 1) // 2, body, 0)
    last = NCHUNK - 1
    drain_write(last - 1, sets[1])
    drain_gather(last, sets[0])
    issue_write(last, sets[0])
    drain_write(last, sets[0])


def _gather(h, pp, src, dst):
    mesh = plsc.VectorSubcoreMesh(core_axis_name="c", subcore_axis_name="s")
    fn = pl.kernel(
        _gather_body,
        out_type=[
            jax.ShapeDtypeStruct((E, D), f32),
            jax.ShapeDtypeStruct((E, D), f32),
            jax.ShapeDtypeStruct((E, D), f32),
            jax.ShapeDtypeStruct((E, D), f32),
        ],
        mesh=mesh,
        scratch_types=[
            pltpu.VMEM((NCHUNK, CH), i32),
            pltpu.VMEM((NCHUNK, CH), i32),
            [pltpu.VMEM((CH, D), f32)] * 4,
            [pltpu.VMEM((CH, D), f32)] * 4,
            pltpu.SemaphoreType.DMA,
            pltpu.SemaphoreType.DMA,
            pltpu.SemaphoreType.DMA,
            pltpu.SemaphoreType.DMA,
        ],
    )
    return fn(h, pp, src, dst)


def _scatter_body(has_pos, *refs):
    if has_pos:
        (msg_hbm, posw_hbm, dst_hbm, zn_hbm, mp_out, pp_out,
         acc, bmsg0, bmsg1, bidx0, bidx1, lsem0, lsem1) = refs
    else:
        (msg_hbm, dst_hbm, zn_hbm, mp_out,
         acc, bmsg0, bmsg1, bidx0, bidx1, lsem0, lsem1) = refs
    c = lax.axis_index("c")
    s = lax.axis_index("s")
    r0 = s * RS
    wid = s * NC + c
    wbase = wid * EW

    def one_pass(data_hbm, out_hbm):
        pltpu.sync_copy(zn_hbm.at[pl.ds(r0, RS)], acc.at[pl.ds(r0, RS)])

        @pl.when(s == 0)
        def _():
            pltpu.sync_copy(zn_hbm.at[pl.ds(NS * RS, RT)],
                            acc.at[pl.ds(NS * RS, RT)])

        plsc.subcore_barrier()

        sets = ((bmsg0, bidx0, lsem0), (bmsg1, bidx1, lsem1))

        def issue_load(k, st):
            bm, bi, ls = st
            base = pl.multiple_of(wbase + k * CH, CH)
            pltpu.async_copy(data_hbm.at[pl.ds(base, CH)], bm, ls)
            pltpu.async_copy(dst_hbm.at[pl.ds(base, CH)], bi, ls)

        def do_scatter(k, st):
            bm, bi, ls = st
            base = pl.multiple_of(wbase + k * CH, CH)
            pltpu.make_async_copy(data_hbm.at[pl.ds(base, CH)], bm, ls).wait()
            pltpu.make_async_copy(dst_hbm.at[pl.ds(base, CH)], bi, ls).wait()
            pltpu.sync_copy(bm, acc.at[bi], add=True)

        issue_load(0, sets[0])
        issue_load(1, sets[1])

        def body(g, carry):
            k0 = 2 * g
            do_scatter(k0, sets[0])
            issue_load(k0 + 2, sets[0])
            do_scatter(k0 + 1, sets[1])

            @pl.when(k0 + 3 < NCHUNK)
            def _():
                issue_load(k0 + 3, sets[1])

            return carry

        lax.fori_loop(0, (NCHUNK - 1) // 2, body, 0)
        do_scatter(NCHUNK - 1, sets[0])

        plsc.subcore_barrier()
        pltpu.sync_copy(acc.at[pl.ds(r0, RS)], out_hbm.at[c, pl.ds(r0, RS)])

        @pl.when(s == 0)
        def _():
            pltpu.sync_copy(acc.at[pl.ds(NS * RS, RT)],
                            out_hbm.at[c, pl.ds(NS * RS, RT)])

    one_pass(msg_hbm, mp_out)
    if has_pos:
        one_pass(posw_hbm, pp_out)


def _scatter(msg, dst, zn, posw=None):
    mesh = plsc.VectorSubcoreMesh(core_axis_name="c", subcore_axis_name="s")
    has_pos = posw is not None
    out_type = [jax.ShapeDtypeStruct((NC, N, D), f32)]
    args = [msg]
    if has_pos:
        out_type.append(jax.ShapeDtypeStruct((NC, N, D), f32))
        args.append(posw)
    args += [dst, zn]
    scratch = [
        pltpu.VMEM_SHARED((N, D), f32),
        pltpu.VMEM((CH, D), f32),
        pltpu.VMEM((CH, D), f32),
        pltpu.VMEM((CH,), i32),
        pltpu.VMEM((CH,), i32),
        pltpu.SemaphoreType.DMA,
        pltpu.SemaphoreType.DMA,
    ]
    fn = pl.kernel(
        functools.partial(_scatter_body, has_pos),
        out_type=out_type,
        mesh=mesh,
        scratch_types=scratch,
    )
    return fn(*args)


def _edge_body(has_pos, hd_ref, hs_ref, pd_ref, ps_ref,
               w1d_ref, w1s_ref, w1x_ref, b1_ref, g1_ref, be1_ref,
               w2_ref, b2_ref, g2_ref, be2_ref, *rest):
    dvec = pd_ref[...] - ps_ref[...]
    dist = jnp.sqrt(jnp.sum(dvec * dvec, axis=1, keepdims=True))
    t = (jnp.dot(hd_ref[...], w1d_ref[...], preferred_element_type=f32)
         + jnp.dot(hs_ref[...], w1s_ref[...], preferred_element_type=f32)
         + dist * w1x_ref[...] + b1_ref[...])
    x1 = jax.nn.relu(_ln(t, g1_ref[...], be1_ref[...]))
    msg = jax.nn.relu(_ln(jnp.dot(x1, w2_ref[...], preferred_element_type=f32)
                          + b2_ref[...], g2_ref[...], be2_ref[...]))
    if has_pos:
        (pw1_ref, pb1_ref, pg_ref, pbe_ref, pw2_ref, pb2_ref,
         msg_ref, posw_ref) = rest
        msg_ref[...] = msg
        y = jax.nn.relu(_ln(jnp.dot(msg, pw1_ref[...], preferred_element_type=f32)
                            + pb1_ref[...], pg_ref[...], pbe_ref[...]))
        sval = jnp.sum(y * pw2_ref[...], axis=1, keepdims=True) + pb2_ref[...]
        lane = lax.broadcasted_iota(i32, (BE, D), 1)
        posw_ref[...] = (jnp.where(lane < 3, dvec * sval, 0.0)
                         + (lane == 3).astype(f32))
    else:
        (msg_ref,) = rest
        msg_ref[...] = msg


def _edge(hd, hs, pd, ps, w1d, w1s, w1x, b1, g1, be1, w2, b2, g2, be2,
          pos_head=None):
    wspec = pl.BlockSpec((D, D), lambda i: (0, 0))
    rspec = pl.BlockSpec((1, D), lambda i: (0, 0))
    in_specs = [
        pl.BlockSpec((BE, D), lambda i: (i, 0)),
        pl.BlockSpec((BE, D), lambda i: (i, 0)),
        pl.BlockSpec((BE, D), lambda i: (i, 0)),
        pl.BlockSpec((BE, D), lambda i: (i, 0)),
        wspec, wspec, rspec, rspec, rspec, rspec,
        wspec, rspec, rspec, rspec,
    ]
    args = [hd, hs, pd, ps, w1d, w1s, w1x, b1, g1, be1, w2, b2, g2, be2]
    if pos_head is not None:
        pw1, pb1, pg, pbe, pw2, pb2 = pos_head
        in_specs += [wspec, rspec, rspec, rspec, rspec,
                     pl.BlockSpec((1, 1), lambda i: (0, 0))]
        args += [pw1, pb1, pg, pbe, pw2, pb2]
        out_specs = [pl.BlockSpec((BE, D), lambda i: (i, 0)),
                     pl.BlockSpec((BE, D), lambda i: (i, 0))]
        out_shape = [jax.ShapeDtypeStruct((E, D), f32),
                     jax.ShapeDtypeStruct((E, D), f32)]
    else:
        out_specs = pl.BlockSpec((BE, D), lambda i: (i, 0))
        out_shape = jax.ShapeDtypeStruct((E, D), f32)
    return pl.pallas_call(
        functools.partial(_edge_body, pos_head is not None),
        grid=(E // BE,),
        in_specs=in_specs,
        out_specs=out_specs,
        out_shape=out_shape,
    )(*args)


def _node_body(has_pos, h_ref, mp_ref,
               w1h_ref, w1m_ref, b1_ref, g1_ref, be1_ref,
               w2_ref, b2_ref, g2_ref, be2_ref, *rest):
    h = h_ref[...]
    ma = mp_ref[0] + mp_ref[1]
    t = (jnp.dot(h, w1h_ref[...], preferred_element_type=f32)
         + jnp.dot(ma, w1m_ref[...], preferred_element_type=f32) + b1_ref[...])
    u = jax.nn.relu(_ln(t, g1_ref[...], be1_ref[...]))
    upd = jax.nn.relu(_ln(jnp.dot(u, w2_ref[...], preferred_element_type=f32)
                          + b2_ref[...], g2_ref[...], be2_ref[...]))
    if has_pos:
        pp_ref, pos_ref, ho_ref, po_ref = rest
        ho_ref[...] = h + upd
        psum = pp_ref[0] + pp_ref[1]
        lane = lax.broadcasted_iota(i32, (BN, D), 1)
        cnt = jnp.sum(jnp.where(lane == 3, psum, 0.0), axis=1, keepdims=True)
        po_ref[...] = pos_ref[...] + (
            jnp.where(lane < 3, psum, 0.0) / jnp.maximum(cnt, 1.0))
    else:
        (ho_ref,) = rest
        ho_ref[...] = h + upd


def _node(h, mparts, w1h, w1m, b1, g1, be1, w2, b2, g2, be2,
          pos_part=None):
    wspec = pl.BlockSpec((D, D), lambda i: (0, 0))
    rspec = pl.BlockSpec((1, D), lambda i: (0, 0))
    in_specs = [
        pl.BlockSpec((BN, D), lambda i: (i, 0)),
        pl.BlockSpec((NC, BN, D), lambda i: (0, i, 0)),
        wspec, wspec, rspec, rspec, rspec, wspec, rspec, rspec, rspec,
    ]
    args = [h, mparts, w1h, w1m, b1, g1, be1, w2, b2, g2, be2]
    if pos_part is not None:
        pparts, pp = pos_part
        in_specs += [pl.BlockSpec((NC, BN, D), lambda i: (0, i, 0)),
                     pl.BlockSpec((BN, D), lambda i: (i, 0))]
        args += [pparts, pp]
        out_specs = [pl.BlockSpec((BN, D), lambda i: (i, 0)),
                     pl.BlockSpec((BN, D), lambda i: (i, 0))]
        out_shape = [jax.ShapeDtypeStruct((N, D), f32),
                     jax.ShapeDtypeStruct((N, D), f32)]
    else:
        out_specs = pl.BlockSpec((BN, D), lambda i: (i, 0))
        out_shape = jax.ShapeDtypeStruct((N, D), f32)
    return pl.pallas_call(
        functools.partial(_node_body, pos_part is not None),
        grid=(N // BN,),
        in_specs=in_specs,
        out_specs=out_specs,
        out_shape=out_shape,
    )(*args)


def _pool_body(h_ref, b_ref, w1_ref, b1_ref, w2t_ref, b2_ref, out_ref):
    b = b_ref[...]
    oh = (lax.broadcasted_iota(i32, (G, N), 0) == b).astype(f32)
    pooled = jnp.dot(oh, h_ref[...], preferred_element_type=f32)
    r = jax.nn.relu(jnp.dot(pooled, w1_ref[...], preferred_element_type=f32)
                    + b1_ref[...])
    out_ref[...] = jnp.sum(r * w2t_ref[...], axis=1, keepdims=True) + b2_ref[...]


def _pool(h, batch2, w1, b1, w2t, b2):
    return pl.pallas_call(
        _pool_body,
        grid=(1,),
        in_specs=[
            pl.BlockSpec((N, D), lambda i: (0, 0)),
            pl.BlockSpec((1, N), lambda i: (0, 0)),
            pl.BlockSpec((D, D), lambda i: (0, 0)),
            pl.BlockSpec((1, D), lambda i: (0, 0)),
            pl.BlockSpec((1, D), lambda i: (0, 0)),
            pl.BlockSpec((1, 1), lambda i: (0, 0)),
        ],
        out_specs=pl.BlockSpec((G, 1), lambda i: (0, 0)),
        out_shape=jax.ShapeDtypeStruct((G, 1), f32),
    )(h, batch2, w1, b1, w2t, b2)


def kernel(atoms, pos, edge_index, batch, emb,
           msg_W1, msg_b1, msg_g1, msg_be1, msg_W2, msg_b2, msg_g2, msg_be2,
           pos_W1, pos_b1, pos_g, pos_be, pos_W2, pos_b2,
           upd_W1, upd_b1, upd_g1, upd_be1, upd_W2, upd_b2, upd_g2, upd_be2,
           pred_W1, pred_b1, pred_W2, pred_b2):
    src = edge_index[0].astype(i32)
    dst = edge_index[1].astype(i32)
    posp = jnp.pad(pos.astype(f32), ((0, 0), (0, D - 3)))
    embp = jnp.pad(emb, ((0, D - emb.shape[0]), (0, 0)))
    atoms3 = atoms.astype(i32).reshape(N // BN, BN, 1)
    batch2 = batch.astype(i32).reshape(1, N)
    zn = jnp.zeros((N, D), f32)

    def r1(a):
        return a.reshape(1, D)

    h = _embed(atoms3, embp)
    pp = posp
    for l in range(L):
        w1d = msg_W1[l, :D]
        w1s = msg_W1[l, D:2 * D]
        w1x = msg_W1[l, 2 * D:2 * D + 1]
        hd, hs, pd, ps = _gather(h, pp, src, dst)
        if l < L - 1:
            pos_head = (pos_W1[l], r1(pos_b1[l]), r1(pos_g[l]), r1(pos_be[l]),
                        pos_W2[l].reshape(1, D), pos_b2[l].reshape(1, 1))
            msg, posw = _edge(hd, hs, pd, ps, w1d, w1s, w1x,
                              r1(msg_b1[l]), r1(msg_g1[l]), r1(msg_be1[l]),
                              msg_W2[l], r1(msg_b2[l]), r1(msg_g2[l]),
                              r1(msg_be2[l]), pos_head=pos_head)
            mparts, pparts = _scatter(msg, dst, zn, posw=posw)
            h, pp = _node(h, mparts,
                          upd_W1[l, :D], upd_W1[l, D:], r1(upd_b1[l]),
                          r1(upd_g1[l]), r1(upd_be1[l]), upd_W2[l],
                          r1(upd_b2[l]), r1(upd_g2[l]), r1(upd_be2[l]),
                          pos_part=(pparts, pp))
        else:
            msg = _edge(hd, hs, pd, ps, w1d, w1s, w1x,
                        r1(msg_b1[l]), r1(msg_g1[l]), r1(msg_be1[l]),
                        msg_W2[l], r1(msg_b2[l]), r1(msg_g2[l]),
                        r1(msg_be2[l]))
            (mparts,) = _scatter(msg, dst, zn)
            h = _node(h, mparts,
                      upd_W1[l, :D], upd_W1[l, D:], r1(upd_b1[l]),
                      r1(upd_g1[l]), r1(upd_be1[l]), upd_W2[l],
                      r1(upd_b2[l]), r1(upd_g2[l]), r1(upd_be2[l]))
    return _pool(h, batch2, pred_W1, pred_b1.reshape(1, D),
                 pred_W2.reshape(1, D), pred_b2.reshape(1, 1))

# --- scband reference (transcript-rebuilt; emitter-appended) ---
"""Pipeline reference for scband-egnnmodel-81999515615304 (READ-ONLY COPY).

The authoritative reference and input builder live on the scoring server;
editing this copy changes nothing except your own understanding.
"""

import jax, jax.numpy as jnp
import numpy as np

N = 10000
E = 320000
D = 128
L = 2
G = 16
VOCAB = 100

def _ln(x, g, b):
    m = jnp.mean(x, axis=-1, keepdims=True)
    v = jnp.var(x, axis=-1, keepdims=True)
    return (x - m) / jnp.sqrt(v + 1e-5) * g + b

def _mlp2(x, W1, b1, g1, be1, W2, b2, g2, be2):
    x = jax.nn.relu(_ln(x @ W1 + b1, g1, be1))
    return jax.nn.relu(_ln(x @ W2 + b2, g2, be2))

def setup_inputs(seed: int = 0):
    key = jax.random.key(seed)
    ks = iter(jax.random.split(key, 40))
    def w(shape):
        return jax.random.normal(next(ks), shape, dtype=jnp.float32) * 0.05
    d = {}
    d['atoms'] = jax.random.randint(next(ks), (N,), 0, VOCAB)
    d['pos'] = jax.random.normal(next(ks), (N, 3), dtype=jnp.float32)
    d['edge_index'] = jax.random.randint(next(ks), (2, E), 0, N)
    d['batch'] = jnp.sort(jax.random.randint(next(ks), (N,), 0, G))
    d['emb'] = w((VOCAB, D))
    d['msg_W1'] = w((L, 2 * D + 1, D)); d['msg_b1'] = jnp.zeros((L, D)); d['msg_g1'] = jnp.ones((L, D)); d['msg_be1'] = jnp.zeros((L, D))
    d['msg_W2'] = w((L, D, D)); d['msg_b2'] = jnp.zeros((L, D)); d['msg_g2'] = jnp.ones((L, D)); d['msg_be2'] = jnp.zeros((L, D))
    d['pos_W1'] = w((L - 1, D, D)); d['pos_b1'] = jnp.zeros((L - 1, D)); d['pos_g'] = jnp.ones((L - 1, D)); d['pos_be'] = jnp.zeros((L - 1, D))
    d['pos_W2'] = w((L - 1, D, 1)); d['pos_b2'] = jnp.zeros((L - 1, 1))
    d['upd_W1'] = w((L, 2 * D, D)); d['upd_b1'] = jnp.zeros((L, D)); d['upd_g1'] = jnp.ones((L, D)); d['upd_be1'] = jnp.zeros((L, D))
    d['upd_W2'] = w((L, D, D)); d['upd_b2'] = jnp.zeros((L, D)); d['upd_g2'] = jnp.ones((L, D)); d['upd_be2'] = jnp.zeros((L, D))
    d['pred_W1'] = w((D, D)); d['pred_b1'] = jnp.zeros((D,)); d['pred_W2'] = w((D, 1)); d['pred_b2'] = jnp.zeros((1,))
    return d

def _forward(pos, emb, msg_W1, msg_b1, msg_g1, msg_be1, msg_W2, msg_b2, msg_g2, msg_be2, pos_W1, pos_b1, pos_g, pos_be, pos_W2, pos_b2, upd_W1, upd_b1, upd_g1, upd_be1, upd_W2, upd_b2, upd_g2, upd_be2, pred_W1, pred_b1, pred_W2, pred_b2, atoms, edge_index, batch):
    src = edge_index[0]
    dst = edge_index[1]
    h = emb[atoms]
    for l in range(L):
        h_i = h[dst]; h_j = h[src]
        p_i = pos[dst]; p_j = pos[src]
        dist = jnp.linalg.norm(p_i - p_j, axis=-1, keepdims=True)
        msg = _mlp2(jnp.concatenate([h_i, h_j, dist], axis=-1), msg_W1[l], msg_b1[l], msg_g1[l], msg_be1[l], msg_W2[l], msg_b2[l], msg_g2[l], msg_be2[l])
        if l < L - 1:
            s = jax.nn.relu(_ln(msg @ pos_W1[l] + pos_b1[l], pos_g[l], pos_be[l])) @ pos_W2[l] + pos_b2[l]
            pos_diff = (p_i - p_j) * s
            pos_sum = jax.ops.segment_sum(pos_diff, dst, num_segments=N)
            cnt = jax.ops.segment_sum(jnp.ones((E, 1), jnp.float32), dst, num_segments=N)
            pos_new = pos + pos_sum / jnp.maximum(cnt, 1.0)
        else:
            pos_new = pos
        msg_aggr = jax.ops.segment_sum(msg, dst, num_segments=N)
        upd = _mlp2(jnp.concatenate([h, msg_aggr], axis=-1), upd_W1[l], upd_b1[l], upd_g1[l], upd_be1[l], upd_W2[l], upd_b2[l], upd_g2[l], upd_be2[l])
        h = h + upd
        pos = pos_new
    pooled = jax.ops.segment_sum(h, batch, num_segments=G)
    return jax.nn.relu(pooled @ pred_W1 + pred_b1) @ pred_W2 + pred_b2

def reference(atoms, pos, edge_index, batch, emb, msg_W1, msg_b1, msg_g1, msg_be1, msg_W2, msg_b2, msg_g2, msg_be2, pos_W1, pos_b1, pos_g, pos_be, pos_W2, pos_b2, upd_W1, upd_b1, upd_g1, upd_be1, upd_W2, upd_b2, upd_g2, upd_be2, pred_W1, pred_b1, pred_W2, pred_b2):
    return _forward(pos, emb, msg_W1, msg_b1, msg_g1, msg_be1, msg_W2, msg_b2, msg_g2, msg_be2, pos_W1, pos_b1, pos_g, pos_be, pos_W2, pos_b2, upd_W1, upd_b1, upd_g1, upd_be1, upd_W2, upd_b2, upd_g2, upd_be2, pred_W1, pred_b1, pred_W2, pred_b2, atoms, edge_index, batch)

if __name__ == "__main__":
    import jax
    _d = setup_inputs()
    print(jax.jit(kernel)(*tuple(_d.values())))

</pallas_src>

<mosaic_0001>
#map = affine_map<(d0, d1) -> (0, 0)>
#map1 = affine_map<(d0, d1) -> (0)>
module attributes {stable_mosaic.version = 14 : i64} {
  func.func @_gather_body(%arg0: i32, %arg1: i32, %arg2: memref<10000x128xf32, #tpu.memory_space<hbm>>, %arg3: memref<10000x128xf32, #tpu.memory_space<hbm>>, %arg4: memref<320000xi32, #tpu.memory_space<hbm>>, %arg5: memref<320000xi32, #tpu.memory_space<hbm>>, %arg6: memref<320000x128xf32, #tpu.memory_space<hbm>>, %arg7: memref<320000x128xf32, #tpu.memory_space<hbm>>, %arg8: memref<320000x128xf32, #tpu.memory_space<hbm>>, %arg9: memref<320000x128xf32, #tpu.memory_space<hbm>>, %arg10: memref<125x80xi32, #tpu.memory_space<vmem>>, %arg11: memref<125x80xi32, #tpu.memory_space<vmem>>, %arg12: memref<80x128xf32, #tpu.memory_space<vmem>>, %arg13: memref<80x128xf32, #tpu.memory_space<vmem>>, %arg14: memref<80x128xf32, #tpu.memory_space<vmem>>, %arg15: memref<80x128xf32, #tpu.memory_space<vmem>>, %arg16: memref<80x128xf32, #tpu.memory_space<vmem>>, %arg17: memref<80x128xf32, #tpu.memory_space<vmem>>, %arg18: memref<80x128xf32, #tpu.memory_space<vmem>>, %arg19: memref<80x128xf32, #tpu.memory_space<vmem>>, %arg20: memref<!tpu.dma_semaphore, #tpu.memory_space<semaphore_mem>>, %arg21: memref<!tpu.dma_semaphore, #tpu.memory_space<semaphore_mem>>, %arg22: memref<!tpu.dma_semaphore, #tpu.memory_space<semaphore_mem>>, %arg23: memref<!tpu.dma_semaphore, #tpu.memory_space<semaphore_mem>>) attributes {dimension_semantics = [#tpu.dimension_semantics<core_parallel>, #tpu.dimension_semantics<subcore_parallel>], iteration_bounds = array<i64: 2, 16>, scalar_prefetch = 0 : i64, scratch_operands = 14 : i64, tpu.core_type = #tpu.core_type<sc_vector_subcore>, window_params = [{transform_indices = #map}, {transform_indices = #map}, {transform_indices = #map1}, {transform_indices = #map1}, {transform_indices = #map}, {transform_indices = #map}, {transform_indices = #map}, {transform_indices = #map}]} {
    %mul3A = arith.constant 2 : i32
    %mul3A_0 = arith.muli %arg1, %mul3A : i32
    %add3A = arith.addi %mul3A_0, %arg0 : i32
    %mul3A_1 = arith.constant 10000 : i32
    %mul3A_2 = arith.muli %add3A, %mul3A_1 : i32
    %scan3A = arith.constant 0 : i32
    %scan3A_3 = arith.constant 0 : i32
    %scan3A_4 = arith.constant 125 : i32
    %scan3A_5 = arith.addi %scan3A_3, %scan3A_4 : i32
    %scan3A_6 = arith.constant 1 : i32
    scf.for %scan3A_158 = %scan3A_3 to %scan3A_5 step %scan3A_6  : i32 {
      %mul3A_159 = arith.constant 80 : i32
      %mul3A_160 = arith.muli %scan3A_158, %mul3A_159 : i32
      %add3A_161 = arith.addi %mul3A_2, %mul3A_160 : i32
      %multiple_of3A_162 = tpu.assume_multiple %add3A_161, 80 : i32
      %dma_start3A_163 = arith.constant 0 : i32
      %dma_start3A_164 = tpu.memref_slice %arg10[%scan3A_158, %dma_start3A_163] : memref<125x80xi32, #tpu.memory_space<vmem>> -> memref<1x80xi32, #tpu.memory_space<vmem>>
      %dma_start3A_165 = tpu.memref_squeeze %dma_start3A_164 : memref<1x80xi32, #tpu.memory_space<vmem>> -> memref<80xi32, #tpu.memory_space<vmem>>
      %dma_start3A_166 = tpu.memref_slice %arg4[%multiple_of3A_162] : memref<320000xi32, #tpu.memory_space<hbm>> -> memref<80xi32, #tpu.memory_space<hbm>>
      %dma_start3A_167 = arith.constant 0 : i32
      %dma_start3A_168 = tpu.memref_slice %arg10[%scan3A_158, %dma_start3A_167] : memref<125x80xi32, #tpu.memory_space<vmem>> -> memref<1x80xi32, #tpu.memory_space<vmem>>
      %dma_start3A_169 = tpu.memref_squeeze %dma_start3A_168 : memref<1x80xi32, #tpu.memory_space<vmem>> -> memref<80xi32, #tpu.memory_space<vmem>>
      %dma_start3A_170 = tpu.memref_slice %arg4[%multiple_of3A_162] : memref<320000xi32, #tpu.memory_space<hbm>> -> memref<80xi32, #tpu.memory_space<hbm>>
      tpu.enqueue_dma source(%dma_start3A_170 : memref<80xi32, #tpu.memory_space<hbm>>) target(%dma_start3A_169 : memref<80xi32, #tpu.memory_space<vmem>>) target_semaphore(%arg20 : memref<!tpu.dma_semaphore, #tpu.memory_space<semaphore_mem>>)
      %dma_start3A_171 = arith.constant 0 : i32
      %dma_start3A_172 = tpu.memref_slice %arg11[%scan3A_158, %dma_start3A_171] : memref<125x80xi32, #tpu.memory_space<vmem>> -> memref<1x80xi32, #tpu.memory_space<vmem>>
      %dma_start3A_173 = tpu.memref_squeeze %dma_start3A_172 : memref<1x80xi32, #tpu.memory_space<vmem>> -> memref<80xi32, #tpu.memory_space<vmem>>
      %dma_start3A_174 = tpu.memref_slice %arg5[%multiple_of3A_162] : memref<320000xi32, #tpu.memory_space<hbm>> -> memref<80xi32, #tpu.memory_space<hbm>>
      %dma_start3A_175 = arith.constant 0 : i32
      %dma_start3A_176 = tpu.memref_slice %arg11[%scan3A_158, %dma_start3A_175] : memref<125x80xi32, #tpu.memory_space<vmem>> -> memref<1x80xi32, #tpu.memory_space<vmem>>
      %dma_start3A_177 = tpu.memref_squeeze %dma_start3A_176 : memref<1x80xi32, #tpu.memory_space<vmem>> -> memref<80xi32, #tpu.memory_space<vmem>>
      %dma_start3A_178 = tpu.memref_slice %arg5[%multiple_of3A_162] : memref<320000xi32, #tpu.memory_space<hbm>> -> memref<80xi32, #tpu.memory_space<hbm>>
      tpu.enqueue_dma source(%dma_start3A_178 : memref<80xi32, #tpu.memory_space<hbm>>) target(%dma_start3A_177 : memref<80xi32, #tpu.memory_space<vmem>>) target_semaphore(%arg20 : memref<!tpu.dma_semaphore, #tpu.memory_space<semaphore_mem>>)
    }
    %scan3A_7 = arith.constant 125 : i32
    %scan3A_8 = arith.constant 0 : i32
    %scan3A_9 = arith.constant 0 : i32
    %scan3A_10 = arith.constant 125 : i32
    %scan3A_11 = arith.addi %scan3A_9, %scan3A_10 : i32
    %scan3A_12 = arith.constant 1 : i32
    scf.for %scan3A_158 = %scan3A_9 to %scan3A_11 step %scan3A_12  : i32 {
      %mul3A_159 = arith.constant 80 : i32
      %mul3A_160 = arith.muli %scan3A_158, %mul3A_159 : i32
      %add3A_161 = arith.addi %mul3A_2, %mul3A_160 : i32
      %multiple_of3A_162 = tpu.assume_multiple %add3A_161, 80 : i32
      %dma_wait3A_163 = arith.constant 0 : i32
      %dma_wait3A_164 = tpu.memref_slice %arg10[%scan3A_158, %dma_wait3A_163] : memref<125x80xi32, #tpu.memory_space<vmem>> -> memref<1x80xi32, #tpu.memory_space<vmem>>
      %dma_wait3A_165 = tpu.memref_squeeze %dma_wait3A_164 : memref<1x80xi32, #tpu.memory_space<vmem>> -> memref<80xi32, #tpu.memory_space<vmem>>
      %dma_wait3A_166 = tpu.memref_slice %arg4[%multiple_of3A_162] : memref<320000xi32, #tpu.memory_space<hbm>> -> memref<80xi32, #tpu.memory_space<hbm>>
      %dma_wait3A_167 = arith.constant 0 : i32
      %dma_wait3A_168 = tpu.memref_slice %arg10[%scan3A_158, %dma_wait3A_167] : memref<125x80xi32, #tpu.memory_space<vmem>> -> memref<1x80xi32, #tpu.memory_space<vmem>>
      %dma_wait3A_169 = tpu.memref_squeeze %dma_wait3A_168 : memref<1x80xi32, #tpu.memory_space<vmem>> -> memref<80xi32, #tpu.memory_space<vmem>>
      %dma_wait3A_170 = tpu.memref_slice %arg4[%multiple_of3A_162] : memref<320000xi32, #tpu.memory_space<hbm>> -> memref<80xi32, #tpu.memory_space<hbm>>
      tpu.wait_dma2 semaphore(%arg20 : memref<!tpu.dma_semaphore, #tpu.memory_space<semaphore_mem>>) src(%dma_wait3A_170 : memref<80xi32, #tpu.memory_space<hbm>>) dst(%dma_wait3A_169 : memref<80xi32, #tpu.memory_space<vmem>>)
      %dma_wait3A_171 = arith.constant 0 : i32
      %dma_wait3A_172 = tpu.memref_slice %arg11[%scan3A_158, %dma_wait3A_171] : memref<125x80xi32, #tpu.memory_space<vmem>> -> memref<1x80xi32, #tpu.memory_space<vmem>>
      %dma_wait3A_173 = tpu.memref_squeeze %dma_wait3A_172 : memref<1x80xi32, #tpu.memory_space<vmem>> -> memref<80xi32, #tpu.memory_space<vmem>>
      %dma_wait3A_174 = tpu.memref_slice %arg5[%multiple_of3A_162] : memref<320000xi32, #tpu.memory_space<hbm>> -> memref<80xi32, #tpu.memory_space<hbm>>
      %dma_wait3A_175 = arith.constant 0 : i32
      %dma_wait3A_176 = tpu.memref_slice %arg11[%scan3A_158, %dma_wait3A_175] : memref<125x80xi32, #tpu.memory_space<vmem>> -> memref<1x80xi32, #tpu.memory_space<vmem>>
      %dma_wait3A_177 = tpu.memref_squeeze %dma_wait3A_176 : memref<1x80xi32, #tpu.memory_space<vmem>> -> memref<80xi32, #tpu.memory_space<vmem>>
      %dma_wait3A_178 = tpu.memref_slice %arg5[%multiple_of3A_162] : memref<320000xi32, #tpu.memory_space<hbm>> -> memref<80xi32, #tpu.memory_space<hbm>>
      tpu.wait_dma2 semaphore(%arg20 : memref<!tpu.dma_semaphore, #tpu.memory_space<semaphore_mem>>) src(%dma_wait3A_178 : memref<80xi32, #tpu.memory_space<hbm>>) dst(%dma_wait3A_177 : memref<80xi32, #tpu.memory_space<vmem>>)
    }
    %scan3A_13 = arith.constant 125 : i32
    %dma_start3A = arith.constant 0 : i32
    %dma_start3A_14 = arith.constant 0 : i32
    %dma_start3A_15 = tpu.memref_slice %arg11[%dma_start3A, %dma_start3A_14] : memref<125x80xi32, #tpu.memory_space<vmem>> -> memref<1x80xi32, #tpu.memory_space<vmem>>
    %dma_start3A_16 = tpu.memref_squeeze %dma_start3A_15 : memref<1x80xi32, #tpu.memory_space<vmem>> -> memref<80xi32, #tpu.memory_space<vmem>>
    %dma_start3A_17 = arith.constant 0 : i32
    %dma_start3A_18 = arith.constant 0 : i32
    %dma_start3A_19 = tpu.memref_slice %arg2[%dma_start3A_17, %dma_start3A_18] : memref<10000x128xf32, #tpu.memory_space<hbm>> -> memref<10000x128xf32, #tpu.memory_space<hbm>>
    tpu.enqueue_indirect_dma source(%dma_start3A_19 : memref<10000x128xf32, #tpu.memory_space<hbm>>) target(%arg12 : memref<80x128xf32, #tpu.memory_space<vmem>>) offsets(%dma_start3A_16 : memref<80xi32, #tpu.memory_space<vmem>>) semaphore(%arg20 : memref<!tpu.dma_semaphore, #tpu.memory_space<semaphore_mem>>)
    %dma_start3A_20 = arith.constant 0 : i32
    %dma_start3A_21 = arith.constant 0 : i32
    %dma_start3A_22 = tpu.memref_slice %arg10[%dma_start3A_20, %dma_start3A_21] : memref<125x80xi32, #tpu.memory_space<vmem>> -> memref<1x80xi32, #tpu.memory_space<vmem>>
    %dma_start3A_23 = tpu.memref_squeeze %dma_start3A_22 : memref<1x80xi32, #tpu.memory_space<vmem>> -> memref<80xi32, #tpu.memory_space<vmem>>
    %dma_start3A_24 = arith.constant 0 : i32
    %dma_start3A_25 = arith.constant 0 : i32
    %dma_start3A_26 = tpu.memref_slice %arg2[%dma_start3A_24, %dma_start3A_25] : memref<10000x128xf32, #tpu.memory_space<hbm>> -> memref<10000x128xf32, #tpu.memory_space<hbm>>
    tpu.enqueue_indirect_dma source(%dma_start3A_26 : memref<10000x128xf32, #tpu.memory_space<hbm>>) target(%arg13 : memref<80x128xf32, #tpu.memory_space<vmem>>) offsets(%dma_start3A_23 : memref<80xi32, #tpu.memory_space<vmem>>) semaphore(%arg20 : memref<!tpu.dma_semaphore, #tpu.memory_space<semaphore_mem>>)
    %dma_start3A_27 = arith.constant 0 : i32
    %dma_start3A_28 = arith.constant 0 : i32
    %dma_start3A_29 = tpu.memref_slice %arg11[%dma_start3A_27, %dma_start3A_28] : memref<125x80xi32, #tpu.memory_space<vmem>> -> memref<1x80xi32, #tpu.memory_space<vmem>>
    %dma_start3A_30 = tpu.memref_squeeze %dma_start3A_29 : memref<1x80xi32, #tpu.memory_space<vmem>> -> memref<80xi32, #tpu.memory_space<vmem>>
    %dma_start3A_31 = arith.constant 0 : i32
    %dma_start3A_32 = arith.constant 0 : i32
    %dma_start3A_33 = tpu.memref_slice %arg3[%dma_start3A_31, %dma_start3A_32] : memref<10000x128xf32, #tpu.memory_space<hbm>> -> memref<10000x128xf32, #tpu.memory_space<hbm>>
    tpu.enqueue_indirect_dma source(%dma_start3A_33 : memref<10000x128xf32, #tpu.memory_space<hbm>>) target(%arg14 : memref<80x128xf32, #tpu.memory_space<vmem>>) offsets(%dma_start3A_30 : memref<80xi32, #tpu.memory_space<vmem>>) semaphore(%arg20 : memref<!tpu.dma_semaphore, #tpu.memory_space<semaphore_mem>>)
    %dma_start3A_34 = arith.constant 0 : i32
    %dma_start3A_35 = arith.constant 0 : i32
    %dma_start3A_36 = tpu.memref_slice %arg10[%dma_start3A_34, %dma_start3A_35] : memref<125x80xi32, #tpu.memory_space<vmem>> -> memref<1x80xi32, #tpu.memory_space<vmem>>
    %dma_start3A_37 = tpu.memref_squeeze %dma_start3A_36 : memref<1x80xi32, #tpu.memory_space<vmem>> -> memref<80xi32, #tpu.memory_space<vmem>>
    %dma_start3A_38 = arith.constant 0 : i32
    %dma_start3A_39 = arith.constant 0 : i32
    %dma_start3A_40 = tpu.memref_slice %arg3[%dma_start3A_38, %dma_start3A_39] : memref<10000x128xf32, #tpu.memory_space<hbm>> -> memref<10000x128xf32, #tpu.memory_space<hbm>>
    tpu.enqueue_indirect_dma source(%dma_start3A_40 : memref<10000x128xf32, #tpu.memory_space<hbm>>) target(%arg15 : memref<80x128xf32, #tpu.memory_space<vmem>>) offsets(%dma_start3A_37 : memref<80xi32, #tpu.memory_space<vmem>>) semaphore(%arg20 : memref<!tpu.dma_semaphore, #tpu.memory_space<semaphore_mem>>)
    %dma_start3A_41 = arith.constant 1 : i32
    %dma_start3A_42 = arith.constant 0 : i32
    %dma_start3A_43 = tpu.memref_slice %arg11[%dma_start3A_41, %dma_start3A_42] : memref<125x80xi32, #tpu.memory_space<vmem>> -> memref<1x80xi32, #tpu.memory_space<vmem>>
    %dma_start3A_44 = tpu.memref_squeeze %dma_start3A_43 : memref<1x80xi32, #tpu.memory_space<vmem>> -> memref<80xi32, #tpu.memory_space<vmem>>
    %dma_start3A_45 = arith.constant 0 : i32
    %dma_start3A_46 = arith.constant 0 : i32
    %dma_start3A_47 = tpu.memref_slice %arg2[%dma_start3A_45, %dma_start3A_46] : memref<10000x128xf32, #tpu.memory_space<hbm>> -> memref<10000x128xf32, #tpu.memory_space<hbm>>
    tpu.enqueue_indirect_dma source(%dma_start3A_47 : memref<10000x128xf32, #tpu.memory_space<hbm>>) target(%arg16 : memref<80x128xf32, #tpu.memory_space<vmem>>) offsets(%dma_start3A_44 : memref<80xi32, #tpu.memory_space<vmem>>) semaphore(%arg21 : memref<!tpu.dma_semaphore, #tpu.memory_space<semaphore_mem>>)
    %dma_start3A_48 = arith.constant 1 : i32
    %dma_start3A_49 = arith.constant 0 : i32
    %dma_start3A_50 = tpu.memref_slice %arg10[%dma_start3A_48, %dma_start3A_49] : memref<125x80xi32, #tpu.memory_space<vmem>> -> memref<1x80xi32, #tpu.memory_space<vmem>>
    %dma_start3A_51 = tpu.memref_squeeze %dma_start3A_50 : memref<1x80xi32, #tpu.memory_space<vmem>> -> memref<80xi32, #tpu.memory_space<vmem>>
    %dma_start3A_52 = arith.constant 0 : i32
    %dma_start3A_53 = arith.constant 0 : i32
    %dma_start3A_54 = tpu.memref_slice %arg2[%dma_start3A_52, %dma_start3A_53] : memref<10000x128xf32, #tpu.memory_space<hbm>> -> memref<10000x128xf32, #tpu.memory_space<hbm>>
    tpu.enqueue_indirect_dma source(%dma_start3A_54 : memref<10000x128xf32, #tpu.memory_space<hbm>>) target(%arg17 : memref<80x128xf32, #tpu.memory_space<vmem>>) offsets(%dma_start3A_51 : memref<80xi32, #tpu.memory_space<vmem>>) semaphore(%arg21 : memref<!tpu.dma_semaphore, #tpu.memory_space<semaphore_mem>>)
    %dma_start3A_55 = arith.constant 1 : i32
    %dma_start3A_56 = arith.constant 0 : i32
    %dma_start3A_57 = tpu.memref_slice %arg11[%dma_start3A_55, %dma_start3A_56] : memref<125x80xi32, #tpu.memory_space<vmem>> -> memref<1x80xi32, #tpu.memory_space<vmem>>
    %dma_start3A_58 = tpu.memref_squeeze %dma_start3A_57 : memref<1x80xi32, #tpu.memory_space<vmem>> -> memref<80xi32, #tpu.memory_space<vmem>>
    %dma_start3A_59 = arith.constant 0 : i32
    %dma_start3A_60 = arith.constant 0 : i32
    %dma_start3A_61 = tpu.memref_slice %arg3[%dma_start3A_59, %dma_start3A_60] : memref<10000x128xf32, #tpu.memory_space<hbm>> -> memref<10000x128xf32, #tpu.memory_space<hbm>>
    tpu.enqueue_indirect_dma source(%dma_start3A_61 : memref<10000x128xf32, #tpu.memory_space<hbm>>) target(%arg18 : memref<80x128xf32, #tpu.memory_space<vmem>>) offsets(%dma_start3A_58 : memref<80xi32, #tpu.memory_space<vmem>>) semaphore(%arg21 : memref<!tpu.dma_semaphore, #tpu.memory_space<semaphore_mem>>)
    %dma_start3A_62 = arith.constant 1 : i32
    %dma_start3A_63 = arith.constant 0 : i32
    %dma_start3A_64 = tpu.memref_slice %arg10[%dma_start3A_62, %dma_start3A_63] : memref<125x80xi32, #tpu.memory_space<vmem>> -> memref<1x80xi32, #tpu.memory_space<vmem>>
    %dma_start3A_65 = tpu.memref_squeeze %dma_start3A_64 : memref<1x80xi32, #tpu.memory_space<vmem>> -> memref<80xi32, #tpu.memory_space<vmem>>
    %dma_start3A_66 = arith.constant 0 : i32
    %dma_start3A_67 = arith.constant 0 : i32
    %dma_start3A_68 = tpu.memref_slice %arg3[%dma_start3A_66, %dma_start3A_67] : memref<10000x128xf32, #tpu.memory_space<hbm>> -> memref<10000x128xf32, #tpu.memory_space<hbm>>
    tpu.enqueue_indirect_dma source(%dma_start3A_68 : memref<10000x128xf32, #tpu.memory_space<hbm>>) target(%arg19 : memref<80x128xf32, #tpu.memory_space<vmem>>) offsets(%dma_start3A_65 : memref<80xi32, #tpu.memory_space<vmem>>) semaphore(%arg21 : memref<!tpu.dma_semaphore, #tpu.memory_space<semaphore_mem>>)
    %scan3A_69 = arith.constant 0 : i32
    %scan3A_70 = arith.constant 0 : i32
    %scan3A_71 = arith.constant 62 : i32
    %scan3A_72 = arith.addi %scan3A_70, %scan3A_71 : i32
    %scan3A_73 = arith.constant 1 : i32
    scf.for %scan3A_158 = %scan3A_70 to %scan3A_72 step %scan3A_73  : i32 {
      %mul3A_159 = arith.constant 2 : i32
      %mul3A_160 = arith.muli %mul3A_159, %scan3A_158 : i32
      %dma_wait3A_161 = arith.constant 0 : i32
      %dma_wait3A_162 = tpu.memref_slice %arg11[%mul3A_160, %dma_wait3A_161] : memref<125x80xi32, #tpu.memory_space<vmem>> -> memref<1x80xi32, #tpu.memory_space<vmem>>
      %dma_wait3A_163 = tpu.memref_squeeze %dma_wait3A_162 : memref<1x80xi32, #tpu.memory_space<vmem>> -> memref<80xi32, #tpu.memory_space<vmem>>
      %dma_wait3A_164 = arith.constant 0 : i32
      %dma_wait3A_165 = arith.constant 0 : i32
      %dma_wait3A_166 = tpu.memref_slice %arg2[%dma_wait3A_164, %dma_wait3A_165] : memref<10000x128xf32, #tpu.memory_space<hbm>> -> memref<10000x128xf32, #tpu.memory_space<hbm>>
      tpu.wait_indirect_dma semaphore(%arg20 : memref<!tpu.dma_semaphore, #tpu.memory_space<semaphore_mem>>) src(%dma_wait3A_166 : memref<10000x128xf32, #tpu.memory_space<hbm>>) dst(%arg12 : memref<80x128xf32, #tpu.memory_space<vmem>>)
      %dma_wait3A_167 = arith.constant 0 : i32
      %dma_wait3A_168 = tpu.memref_slice %arg10[%mul3A_160, %dma_wait3A_167] : memref<125x80xi32, #tpu.memory_space<vmem>> -> memref<1x80xi32, #tpu.memory_space<vmem>>
      %dma_wait3A_169 = tpu.memref_squeeze %dma_wait3A_168 : memref<1x80xi32, #tpu.memory_space<vmem>> -> memref<80xi32, #tpu.memory_space<vmem>>
      %dma_wait3A_170 = arith.constant 0 : i32
      %dma_wait3A_171 = arith.constant 0 : i32
      %dma_wait3A_172 = tpu.memref_slice %arg2[%dma_wait3A_170, %dma_wait3A_171] : memref<10000x128xf32, #tpu.memory_space<hbm>> -> memref<10000x128xf32, #tpu.memory_space<hbm>>
      tpu.wait_indirect_dma semaphore(%arg20 : memref<!tpu.dma_semaphore, #tpu.memory_space<semaphore_mem>>) src(%dma_wait3A_172 : memref<10000x128xf32, #tpu.memory_space<hbm>>) dst(%arg13 : memref<80x128xf32, #tpu.memory_space<vmem>>)
      %dma_wait3A_173 = arith.constant 0 : i32
      %dma_wait3A_174 = tpu.memref_slice %arg11[%mul3A_160, %dma_wait3A_173] : memref<125x80xi32, #tpu.memory_space<vmem>> -> memref<1x80xi32, #tpu.memory_space<vmem>>
      %dma_wait3A_175 = tpu.memref_squeeze %dma_wait3A_174 : memref<1x80xi32, #tpu.memory_space<vmem>> -> memref<80xi32, #tpu.memory_space<vmem>>
      %dma_wait3A_176 = arith.constant 0 : i32
      %dma_wait3A_177 = arith.constant 0 : i32
      %dma_wait3A_178 = tpu.memref_slice %arg3[%dma_wait3A_176, %dma_wait3A_177] : memref<10000x128xf32, #tpu.memory_space<hbm>> -> memref<10000x128xf32, #tpu.memory_space<hbm>>
      tpu.wait_indirect_dma semaphore(%arg20 : memref<!tpu.dma_semaphore, #tpu.memory_space<semaphore_mem>>) src(%dma_wait3A_178 : memref<10000x128xf32, #tpu.memory_space<hbm>>) dst(%arg14 : memref<80x128xf32, #tpu.memory_space<vmem>>)
      %dma_wait3A_179 = arith.constant 0 : i32
      %dma_wait3A_180 = tpu.memref_slice %arg10[%mul3A_160, %dma_wait3A_179] : memref<125x80xi32, #tpu.memory_space<vmem>> -> memref<1x80xi32, #tpu.memory_space<vmem>>
      %dma_wait3A_181 = tpu.memref_squeeze %dma_wait3A_180 : memref<1x80xi32, #tpu.memory_space<vmem>> -> memref<80xi32, #tpu.memory_space<vmem>>
      %dma_wait3A_182 = arith.constant 0 : i32
      %dma_wait3A_183 = arith.constant 0 : i32
      %dma_wait3A_184 = tpu.memref_slice %arg3[%dma_wait3A_182, %dma_wait3A_183] : memref<10000x128xf32, #tpu.memory_space<hbm>> -> memref<10000x128xf32, #tpu.memory_space<hbm>>
      tpu.wait_indirect_dma semaphore(%arg20 : memref<!tpu.dma_semaphore, #tpu.memory_space<semaphore_mem>>) src(%dma_wait3A_184 : memref<10000x128xf32, #tpu.memory_space<hbm>>) dst(%arg15 : memref<80x128xf32, #tpu.memory_space<vmem>>)
      %mul3A_185 = arith.constant 80 : i32
      %mul3A_186 = arith.muli %mul3A_160, %mul3A_185 : i32
      %add3A_187 = arith.addi %mul3A_2, %mul3A_186 : i32
      %multiple_of3A_188 = tpu.assume_multiple %add3A_187, 80 : i32
      %dma_start3A_189 = arith.constant 0 : i32
      %dma_start3A_190 = tpu.memref_slice %arg6[%multiple_of3A_188, %dma_start3A_189] : memref<320000x128xf32, #tpu.memory_space<hbm>> -> memref<80x128xf32, #tpu.memory_space<hbm>>
      %dma_start3A_191 = arith.constant 0 : i32
      %dma_start3A_192 = tpu.memref_slice %arg6[%multiple_of3A_188, %dma_start3A_191] : memref<320000x128xf32, #tpu.memory_space<hbm>> -> memref<80x128xf32, #tpu.memory_space<hbm>>
      tpu.enqueue_dma source(%arg12 : memref<80x128xf32, #tpu.memory_space<vmem>>) target(%dma_start3A_192 : memref<80x128xf32, #tpu.memory_space<hbm>>) target_semaphore(%arg22 : memref<!tpu.dma_semaphore, #tpu.memory_space<semaphore_mem>>)
      %dma_start3A_193 = arith.constant 0 : i32
      %dma_start3A_194 = tpu.memref_slice %arg7[%multiple_of3A_188, %dma_start3A_193] : memref<320000x128xf32, #tpu.memory_space<hbm>> -> memref<80x128xf32, #tpu.memory_space<hbm>>
      %dma_start3A_195 = arith.constant 0 : i32
      %dma_start3A_196 = tpu.memref_slice %arg7[%multiple_of3A_188, %dma_start3A_195] : memref<320000x128xf32, #tpu.memory_space<hbm>> -> memref<80x128xf32, #tpu.memory_space<hbm>>
      tpu.enqueue_dma source(%arg13 : memref<80x128xf32, #tpu.memory_space<vmem>>) target(%dma_start3A_196 : memref<80x128xf32, #tpu.memory_space<hbm>>) target_semaphore(%arg22 : memref<!tpu.dma_semaphore, #tpu.memory_space<semaphore_mem>>)
      %dma_start3A_197 = arith.constant 0 : i32
      %dma_start3A_198 = tpu.memref_slice %arg8[%multiple_of3A_188, %dma_start3A_197] : memref<320000x128xf32, #tpu.memory_space<hbm>> -> memref<80x128xf32, #tpu.memory_space<hbm>>
      %dma_start3A_199 = arith.constant 0 : i32
      %dma_start3A_200 = tpu.memref_slice %arg8[%multiple_of3A_188, %dma_start3A_199] : memref<320000x128xf32, #tpu.memory_space<hbm>> -> memref<80x128xf32, #tpu.memory_space<hbm>>
      tpu.enqueue_dma source(%arg14 : memref<80x128xf32, #tpu.memory_space<vmem>>) target(%dma_start3A_200 : memref<80x128xf32, #tpu.memory_space<hbm>>) target_semaphore(%arg22 : memref<!tpu.dma_semaphore, #tpu.memory_space<semaphore_mem>>)
      %dma_start3A_201 = arith.constant 0 : i32
      %dma_start3A_202 = tpu.memref_slice %arg9[%multiple_of3A_188, %dma_start3A_201] : memref<320000x128xf32, #tpu.memory_space<hbm>> -> memref<80x128xf32, #tpu.memory_space<hbm>>
      %dma_start3A_203 = arith.constant 0 : i32
      %dma_start3A_204 = tpu.memref_slice %arg9[%multiple_of3A_188, %dma_start3A_203] : memref<320000x128xf32, #tpu.memory_space<hbm>> -> memref<80x128xf32, #tpu.memory_space<hbm>>
      tpu.enqueue_dma source(%arg15 : memref<80x128xf32, #tpu.memory_space<vmem>>) target(%dma_start3A_204 : memref<80x128xf32, #tpu.memory_space<hbm>>) target_semaphore(%arg22 : memref<!tpu.dma_semaphore, #tpu.memory_space<semaphore_mem>>)
      %add3A_205 = arith.constant 1 : i32
      %add3A_206 = arith.addi %mul3A_160, %add3A_205 : i32
      %dma_wait3A_207 = arith.constant 0 : i32
      %dma_wait3A_208 = tpu.memref_slice %arg11[%add3A_206, %dma_wait3A_207] : memref<125x80xi32, #tpu.memory_space<vmem>> -> memref<1x80xi32, #tpu.memory_space<vmem>>
      %dma_wait3A_209 = tpu.memref_squeeze %dma_wait3A_208 : memref<1x80xi32, #tpu.memory_space<vmem>> -> memref<80xi32, #tpu.memory_space<vmem>>
      %dma_wait3A_210 = arith.constant 0 : i32
      %dma_wait3A_211 = arith.constant 0 : i32
      %dma_wait3A_212 = tpu.memref_slice %arg2[%dma_wait3A_210, %dma_wait3A_211] : memref<10000x128xf32, #tpu.memory_space<hbm>> -> memref<10000x128xf32, #tpu.memory_space<hbm>>
      tpu.wait_indirect_dma semaphore(%arg21 : memref<!tpu.dma_semaphore, #tpu.memory_space<semaphore_mem>>) src(%dma_wait3A_212 : memref<10000x128xf32, #tpu.memory_space<hbm>>) dst(%arg16 : memref<80x128xf32, #tpu.memory_space<vmem>>)
      %dma_wait3A_213 = arith.constant 0 : i32
      %dma_wait3A_214 = tpu.memref_slice %arg10[%add3A_206, %dma_wait3A_213] : memref<125x80xi32, #tpu.memory_space<vmem>> -> memref<1x80xi32, #tpu.memory_space<vmem>>
      %dma_wait3A_215 = tpu.memref_squeeze %dma_wait3A_214 : memref<1x80xi32, #tpu.memory_space<vmem>> -> memref<80xi32, #tpu.memory_space<vmem>>
      %dma_wait3A_216 = arith.constant 0 : i32
      %dma_wait3A_217 = arith.constant 0 : i32
      %dma_wait3A_218 = tpu.memref_slice %arg2[%dma_wait3A_216, %dma_wait3A_217] : memref<10000x128xf32, #tpu.memory_space<hbm>> -> memref<10000x128xf32, #tpu.memory_space<hbm>>
      tpu.wait_indirect_dma semaphore(%arg21 : memref<!tpu.dma_semaphore, #tpu.memory_space<semaphore_mem>>) src(%dma_wait3A_218 : memref<10000x128xf32, #tpu.memory_space<hbm>>) dst(%arg17 : memref<80x128xf32, #tpu.memory_space<vmem>>)
      %dma_wait3A_219 = arith.constant 0 : i32
      %dma_wait3A_220 = tpu.memref_slice %arg11[%add3A_206, %dma_wait3A_219] : memref<125x80xi32, #tpu.memory_space<vmem>> -> memref<1x80xi32, #tpu.memory_space<vmem>>
      %dma_wait3A_221 = tpu.memref_squeeze %dma_wait3A_220 : memref<1x80xi32, #tpu.memory_space<vmem>> -> memref<80xi32, #tpu.memory_space<vmem>>
      %dma_wait3A_222 = arith.constant 0 : i32
      %dma_wait3A_223 = arith.constant 0 : i32
      %dma_wait3A_224 = tpu.memref_slice %arg3[%dma_wait3A_222, %dma_wait3A_223] : memref<10000x128xf32, #tpu.memory_space<hbm>> -> memref<10000x128xf32, #tpu.memory_space<hbm>>
      tpu.wait_indirect_dma semaphore(%arg21 : memref<!tpu.dma_semaphore, #tpu.memory_space<semaphore_mem>>) src(%dma_wait3A_224 : memref<10000x128xf32, #tpu.memory_space<hbm>>) dst(%arg18 : memref<80x128xf32, #tpu.memory_space<vmem>>)
      %dma_wait3A_225 = arith.constant 0 : i32
      %dma_wait3A_226 = tpu.memref_slice %arg10[%add3A_206, %dma_wait3A_225] : memref<125x80xi32, #tpu.memory_space<vmem>> -> memref<1x80xi32, #tpu.memory_space<vmem>>
      %dma_wait3A_227 = tpu.memref_squeeze %dma_wait3A_226 : memref<1x80xi32, #tpu.memory_space<vmem>> -> memref<80xi32, #tpu.memory_space<vmem>>
      %dma_wait3A_228 = arith.constant 0 : i32
      %dma_wait3A_229 = arith.constant 0 : i32
      %dma_wait3A_230 = tpu.memref_slice %arg3[%dma_wait3A_228, %dma_wait3A_229] : memref<10000x128xf32, #tpu.memory_space<hbm>> -> memref<10000x128xf32, #tpu.memory_space<hbm>>
      tpu.wait_indirect_dma semaphore(%arg21 : memref<!tpu.dma_semaphore, #tpu.memory_space<semaphore_mem>>) src(%dma_wait3A_230 : memref<10000x128xf32, #tpu.memory_space<hbm>>) dst(%arg19 : memref<80x128xf32, #tpu.memory_space<vmem>>)
      %add3A_231 = arith.constant 1 : i32
      %add3A_232 = arith.addi %mul3A_160, %add3A_231 : i32
      %mul3A_233 = arith.constant 80 : i32
      %mul3A_234 = arith.muli %add3A_232, %mul3A_233 : i32
      %add3A_235 = arith.addi %mul3A_2, %mul3A_234 : i32
      %multiple_of3A_236 = tpu.assume_multiple %add3A_235, 80 : i32
      %dma_start3A_237 = arith.constant 0 : i32
      %dma_start3A_238 = tpu.memref_slice %arg6[%multiple_of3A_236, %dma_start3A_237] : memref<320000x128xf32, #tpu.memory_space<hbm>> -> memref<80x128xf32, #tpu.memory_space<hbm>>
      %dma_start3A_239 = arith.constant 0 : i32
      %dma_start3A_240 = tpu.memref_slice %arg6[%multiple_of3A_236, %dma_start3A_239] : memref<320000x128xf32, #tpu.memory_space<hbm>> -> memref<80x128xf32, #tpu.memory_space<hbm>>
      tpu.enqueue_dma source(%arg16 : memref<80x128xf32, #tpu.memory_space<vmem>>) target(%dma_start3A_240 : memref<80x128xf32, #tpu.memory_space<hbm>>) target_semaphore(%arg23 : memref<!tpu.dma_semaphore, #tpu.memory_space<semaphore_mem>>)
      %dma_start3A_241 = arith.constant 0 : i32
      %dma_start3A_242 = tpu.memref_slice %arg7[%multiple_of3A_236, %dma_start3A_241] : memref<320000x128xf32, #tpu.memory_space<hbm>> -> memref<80x128xf32, #tpu.memory_space<hbm>>
      %dma_start3A_243 = arith.constant 0 : i32
      %dma_start3A_244 = tpu.memref_slice %arg7[%multiple_of3A_236, %dma_start3A_243] : memref<320000x128xf32, #tpu.memory_space<hbm>> -> memref<80x128xf32, #tpu.memory_space<hbm>>
      tpu.enqueue_dma source(%arg17 : memref<80x128xf32, #tpu.memory_space<vmem>>) target(%dma_start3A_244 : memref<80x128xf32, #tpu.memory_space<hbm>>) target_semaphore(%arg23 : memref<!tpu.dma_semaphore, #tpu.memory_space<semaphore_mem>>)
      %dma_start3A_245 = arith.constant 0 : i32
      %dma_start3A_246 = tpu.memref_slice %arg8[%multiple_of3A_236, %dma_start3A_245] : memref<320000x128xf32, #tpu.memory_space<hbm>> -> memref<80x128xf32, #tpu.memory_space<hbm>>
      %dma_start3A_247 = arith.constant 0 : i32
      %dma_start3A_248 = tpu.memref_slice %arg8[%multiple_of3A_236, %dma_start3A_247] : memref<320000x128xf32, #tpu.memory_space<hbm>> -> memref<80x128xf32, #tpu.memory_space<hbm>>
      tpu.enqueue_dma source(%arg18 : memref<80x128xf32, #tpu.memory_space<vmem>>) target(%dma_start3A_248 : memref<80x128xf32, #tpu.memory_space<hbm>>) target_semaphore(%arg23 : memref<!tpu.dma_semaphore, #tpu.memory_space<semaphore_mem>>)
      %dma_start3A_249 = arith.constant 0 : i32
      %dma_start3A_250 = tpu.memref_slice %arg9[%multiple_of3A_236, %dma_start3A_249] : memref<320000x128xf32, #tpu.memory_space<hbm>> -> memref<80x128xf32, #tpu.memory_space<hbm>>
      %dma_start3A_251 = arith.constant 0 : i32
      %dma_start3A_252 = tpu.memref_slice %arg9[%multiple_of3A_236, %dma_start3A_251] : memref<320000x128xf32, #tpu.memory_space<hbm>> -> memref<80x128xf32, #tpu.memory_space<hbm>>
      tpu.enqueue_dma source(%arg19 : memref<80x128xf32, #tpu.memory_space<vmem>>) target(%dma_start3A_252 : memref<80x128xf32, #tpu.memory_space<hbm>>) target_semaphore(%arg23 : memref<!tpu.dma_semaphore, #tpu.memory_space<semaphore_mem>>)
      %mul3A_253 = arith.constant 80 : i32
      %mul3A_254 = arith.muli %mul3A_160, %mul3A_253 : i32
      %add3A_255 = arith.addi %mul3A_2, %mul3A_254 : i32
      %multiple_of3A_256 = tpu.assume_multiple %add3A_255, 80 : i32
      %dma_wait3A_257 = arith.constant 0 : i32
      %dma_wait3A_258 = tpu.memref_slice %arg6[%multiple_of3A_256, %dma_wait3A_257] : memref<320000x128xf32, #tpu.memory_space<hbm>> -> memref<80x128xf32, #tpu.memory_space<hbm>>
      %dma_wait3A_259 = arith.constant 0 : i32
      %dma_wait3A_260 = tpu.memref_slice %arg6[%multiple_of3A_256, %dma_wait3A_259] : memref<320000x128xf32, #tpu.memory_space<hbm>> -> memref<80x128xf32, #tpu.memory_space<hbm>>
      tpu.wait_dma2 semaphore(%arg22 : memref<!tpu.dma_semaphore, #tpu.memory_space<semaphore_mem>>) src(%arg12 : memref<80x128xf32, #tpu.memory_space<vmem>>) dst(%dma_wait3A_260 : memref<80x128xf32, #tpu.memory_space<hbm>>)
      %dma_wait3A_261 = arith.constant 0 : i32
      %dma_wait3A_262 = tpu.memref_slice %arg7[%multiple_of3A_256, %dma_wait3A_261] : memref<320000x128xf32, #tpu.memory_space<hbm>> -> memref<80x128xf32, #tpu.memory_space<hbm>>
      %dma_wait3A_263 = arith.constant 0 : i32
      %dma_wait3A_264 = tpu.memref_slice %arg7[%multiple_of3A_256, %dma_wait3A_263] : memref<320000x128xf32, #tpu.memory_space<hbm>> -> memref<80x128xf32, #tpu.memory_space<hbm>>
      tpu.wait_dma2 semaphore(%arg22 : memref<!tpu.dma_semaphore, #tpu.memory_space<semaphore_mem>>) src(%arg13 : memref<80x128xf32, #tpu.memory_space<vmem>>) dst(%dma_wait3A_264 : memref<80x128xf32, #tpu.memory_space<hbm>>)
      %dma_wait3A_265 = arith.constant 0 : i32
      %dma_wait3A_266 = tpu.memref_slice %arg8[%multiple_of3A_256, %dma_wait3A_265] : memref<320000x128xf32, #tpu.memory_space<hbm>> -> memref<80x128xf32, #tpu.memory_space<hbm>>
      %dma_wait3A_267 = arith.constant 0 : i32
      %dma_wait3A_268 = tpu.memref_slice %arg8[%multiple_of3A_256, %dma_wait3A_267] : memref<320000x128xf32, #tpu.memory_space<hbm>> -> memref<80x128xf32, #tpu.memory_space<hbm>>
      tpu.wait_dma2 semaphore(%arg22 : memref<!tpu.dma_semaphore, #tpu.memory_space<semaphore_mem>>) src(%arg14 : memref<80x128xf32, #tpu.memory_space<vmem>>) dst(%dma_wait3A_268 : memref<80x128xf32, #tpu.memory_space<hbm>>)
      %dma_wait3A_269 = arith.constant 0 : i32
      %dma_wait3A_270 = tpu.memref_slice %arg9[%multiple_of3A_256, %dma_wait3A_269] : memref<320000x128xf32, #tpu.memory_space<hbm>> -> memref<80x128xf32, #tpu.memory_space<hbm>>
      %dma_wait3A_271 = arith.constant 0 : i32
      %dma_wait3A_272 = tpu.memref_slice %arg9[%multiple_of3A_256, %dma_wait3A_271] : memref<320000x128xf32, #tpu.memory_space<hbm>> -> memref<80x128xf32, #tpu.memory_space<hbm>>
      tpu.wait_dma2 semaphore(%arg22 : memref<!tpu.dma_semaphore, #tpu.memory_space<semaphore_mem>>) src(%arg15 : memref<80x128xf32, #tpu.memory_space<vmem>>) dst(%dma_wait3A_272 : memref<80x128xf32, #tpu.memory_space<hbm>>)
      %add3A_273 = arith.constant 2 : i32
      %add3A_274 = arith.addi %mul3A_160, %add3A_273 : i32
      %dma_start3A_275 = arith.constant 0 : i32
      %dma_start3A_276 = tpu.memref_slice %arg11[%add3A_274, %dma_start3A_275] : memref<125x80xi32, #tpu.memory_space<vmem>> -> memref<1x80xi32, #tpu.memory_space<vmem>>
      %dma_start3A_277 = tpu.memref_squeeze %dma_start3A_276 : memref<1x80xi32, #tpu.memory_space<vmem>> -> memref<80xi32, #tpu.memory_space<vmem>>
      %dma_start3A_278 = arith.constant 0 : i32
      %dma_start3A_279 = arith.constant 0 : i32
      %dma_start3A_280 = tpu.memref_slice %arg2[%dma_start3A_278, %dma_start3A_279] : memref<10000x128xf32, #tpu.memory_space<hbm>> -> memref<10000x128xf32, #tpu.memory_space<hbm>>
      tpu.enqueue_indirect_dma source(%dma_start3A_280 : memref<10000x128xf32, #tpu.memory_space<hbm>>) target(%arg12 : memref<80x128xf32, #tpu.memory_space<vmem>>) offsets(%dma_start3A_277 : memref<80xi32, #tpu.memory_space<vmem>>) semaphore(%arg20 : memref<!tpu.dma_semaphore, #tpu.memory_space<semaphore_mem>>)
      %dma_start3A_281 = arith.constant 0 : i32
      %dma_start3A_282 = tpu.memref_slice %arg10[%add3A_274, %dma_start3A_281] : memref<125x80xi32, #tpu.memory_space<vmem>> -> memref<1x80xi32, #tpu.memory_space<vmem>>
      %dma_start3A_283 = tpu.memref_squeeze %dma_start3A_282 : memref<1x80xi32, #tpu.memory_space<vmem>> -> memref<80xi32, #tpu.memory_space<vmem>>
      %dma_start3A_284 = arith.constant 0 : i32
      %dma_start3A_285 = arith.constant 0 : i32
      %dma_start3A_286 = tpu.memref_slice %arg2[%dma_start3A_284, %dma_start3A_285] : memref<10000x128xf32, #tpu.memory_space<hbm>> -> memref<10000x128xf32, #tpu.memory_space<hbm>>
      tpu.enqueue_indirect_dma source(%dma_start3A_286 : memref<10000x128xf32, #tpu.memory_space<hbm>>) target(%arg13 : memref<80x128xf32, #tpu.memory_space<vmem>>) offsets(%dma_start3A_283 : memref<80xi32, #tpu.memory_space<vmem>>) semaphore(%arg20 : memref<!tpu.dma_semaphore, #tpu.memory_space<semaphore_mem>>)
      %dma_start3A_287 = arith.constant 0 : i32
      %dma_start3A_288 = tpu.memref_slice %arg11[%add3A_274, %dma_start3A_287] : memref<125x80xi32, #tpu.memory_space<vmem>> -> memref<1x80xi32, #tpu.memory_space<vmem>>
      %dma_start3A_289 = tpu.memref_squeeze %dma_start3A_288 : memref<1x80xi32, #tpu.memory_space<vmem>> -> memref<80xi32, #tpu.memory_space<vmem>>
      %dma_start3A_290 = arith.constant 0 : i32
      %dma_start3A_291 = arith.constant 0 : i32
      %dma_start3A_292 = tpu.memref_slice %arg3[%dma_start3A_290, %dma_start3A_291] : memref<10000x128xf32, #tpu.memory_space<hbm>> -> memref<10000x128xf32, #tpu.memory_space<hbm>>
      tpu.enqueue_indirect_dma source(%dma_start3A_292 : memref<10000x128xf32, #tpu.memory_space<hbm>>) target(%arg14 : memref<80x128xf32, #tpu.memory_space<vmem>>) offsets(%dma_start3A_289 : memref<80xi32, #tpu.memory_space<vmem>>) semaphore(%arg20 : memref<!tpu.dma_semaphore, #tpu.memory_space<semaphore_mem>>)
      %dma_start3A_293 = arith.constant 0 : i32
      %dma_start3A_294 = tpu.memref_slice %arg10[%add3A_274, %dma_start3A_293] : memref<125x80xi32, #tpu.memory_space<vmem>> -> memref<1x80xi32, #tpu.memory_space<vmem>>
      %dma_start3A_295 = tpu.memref_squeeze %dma_start3A_294 : memref<1x80xi32, #tpu.memory_space<vmem>> -> memref<80xi32, #tpu.memory_space<vmem>>
      %dma_start3A_296 = arith.constant 0 : i32
      %dma_start3A_297 = arith.constant 0 : i32
      %dma_start3A_298 = tpu.memref_slice %arg3[%dma_start3A_296, %dma_start3A_297] : memref<10000x128xf32, #tpu.memory_space<hbm>> -> memref<10000x128xf32, #tpu.memory_space<hbm>>
      tpu.enqueue_indirect_dma source(%dma_start3A_298 : memref<10000x128xf32, #tpu.memory_space<hbm>>) target(%arg15 : memref<80x128xf32, #tpu.memory_space<vmem>>) offsets(%dma_start3A_295 : memref<80xi32, #tpu.memory_space<vmem>>) semaphore(%arg20 : memref<!tpu.dma_semaphore, #tpu.memory_space<semaphore_mem>>)
      %add3A_299 = arith.constant 3 : i32
      %add3A_300 = arith.addi %mul3A_160, %add3A_299 : i32
      %lt3A = arith.constant 125 : i32
      %lt3A_301 = arith.cmpi slt, %add3A_300, %lt3A : i32
      %convert_element_type3A = arith.extui %lt3A_301 : i1 to i32
      %cond3A = arith.constant 0 : i32
      %cond3A_302 = arith.cmpi ne, %convert_element_type3A, %cond3A : i32
      scf.if %cond3A_302 {
        %add3A_303 = arith.constant 1 : i32
        %add3A_304 = arith.addi %mul3A_160, %add3A_303 : i32
        %mul3A_305 = arith.constant 80 : i32
        %mul3A_306 = arith.muli %add3A_304, %mul3A_305 : i32
        %add3A_307 = arith.addi %mul3A_2, %mul3A_306 : i32
        %multiple_of3A_308 = tpu.assume_multiple %add3A_307, 80 : i32
        %dma_wait3A_309 = arith.constant 0 : i32
        %dma_wait3A_310 = tpu.memref_slice %arg6[%multiple_of3A_308, %dma_wait3A_309] : memref<320000x128xf32, #tpu.memory_space<hbm>> -> memref<80x128xf32, #tpu.memory_space<hbm>>
        %dma_wait3A_311 = arith.constant 0 : i32
        %dma_wait3A_312 = tpu.memref_slice %arg6[%multiple_of3A_308, %dma_wait3A_311] : memref<320000x128xf32, #tpu.memory_space<hbm>> -> memref<80x128xf32, #tpu.memory_space<hbm>>
        tpu.wait_dma2 semaphore(%arg23 : memref<!tpu.dma_semaphore, #tpu.memory_space<semaphore_mem>>) src(%arg16 : memref<80x128xf32, #tpu.memory_space<vmem>>) dst(%dma_wait3A_312 : memref<80x128xf32, #tpu.memory_space<hbm>>)
        %dma_wait3A_313 = arith.constant 0 : i32
        %dma_wait3A_314 = tpu.memref_slice %arg7[%multiple_of3A_308, %dma_wait3A_313] : memref<320000x128xf32, #tpu.memory_space<hbm>> -> memref<80x128xf32, #tpu.memory_space<hbm>>
        %dma_wait3A_315 = arith.constant 0 : i32
        %dma_wait3A_316 = tpu.memref_slice %arg7[%multiple_of3A_308, %dma_wait3A_315] : memref<320000x128xf32, #tpu.memory_space<hbm>> -> memref<80x128xf32, #tpu.memory_space<hbm>>
        tpu.wait_dma2 semaphore(%arg23 : memref<!tpu.dma_semaphore, #tpu.memory_space<semaphore_mem>>) src(%arg17 : memref<80x128xf32, #tpu.memory_space<vmem>>) dst(%dma_wait3A_316 : memref<80x128xf32, #tpu.memory_space<hbm>>)
        %dma_wait3A_317 = arith.constant 0 : i32
        %dma_wait3A_318 = tpu.memref_slice %arg8[%multiple_of3A_308, %dma_wait3A_317] : memref<320000x128xf32, #tpu.memory_space<hbm>> -> memref<80x128xf32, #tpu.memory_space<hbm>>
        %dma_wait3A_319 = arith.constant 0 : i32
        %dma_wait3A_320 = tpu.memref_slice %arg8[%multiple_of3A_308, %dma_wait3A_319] : memref<320000x128xf32, #tpu.memory_space<hbm>> -> memref<80x128xf32, #tpu.memory_space<hbm>>
        tpu.wait_dma2 semaphore(%arg23 : memref<!tpu.dma_semaphore, #tpu.memory_space<semaphore_mem>>) src(%arg18 : memref<80x128xf32, #tpu.memory_space<vmem>>) dst(%dma_wait3A_320 : memref<80x128xf32, #tpu.memory_space<hbm>>)
        %dma_wait3A_321 = arith.constant 0 : i32
        %dma_wait3A_322 = tpu.memref_slice %arg9[%multiple_of3A_308, %dma_wait3A_321] : memref<320000x128xf32, #tpu.memory_space<hbm>> -> memref<80x128xf32, #tpu.memory_space<hbm>>
        %dma_wait3A_323 = arith.constant 0 : i32
        %dma_wait3A_324 = tpu.memref_slice %arg9[%multiple_of3A_308, %dma_wait3A_323] : memref<320000x128xf32, #tpu.memory_space<hbm>> -> memref<80x128xf32, #tpu.memory_space<hbm>>
        tpu.wait_dma2 semaphore(%arg23 : memref<!tpu.dma_semaphore, #tpu.memory_space<semaphore_mem>>) src(%arg19 : memref<80x128xf32, #tpu.memory_space<vmem>>) dst(%dma_wait3A_324 : memref<80x128xf32, #tpu.memory_space<hbm>>)
        %add3A_325 = arith.constant 3 : i32
        %add3A_326 = arith.addi %mul3A_160, %add3A_325 : i32
        %dma_start3A_327 = arith.constant 0 : i32
        %dma_start3A_328 = tpu.memref_slice %arg11[%add3A_326, %dma_start3A_327] : memref<125x80xi32, #tpu.memory_space<vmem>> -> memref<1x80xi32, #tpu.memory_space<vmem>>
        %dma_start3A_329 = tpu.memref_squeeze %dma_start3A_328 : memref<1x80xi32, #tpu.memory_space<vmem>> -> memref<80xi32, #tpu.memory_space<vmem>>
        %dma_start3A_330 = arith.constant 0 : i32
        %dma_start3A_331 = arith.constant 0 : i32
        %dma_start3A_332 = tpu.memref_slice %arg2[%dma_start3A_330, %dma_start3A_331] : memref<10000x128xf32, #tpu.memory_space<hbm>> -> memref<10000x128xf32, #tpu.memory_space<hbm>>
        tpu.enqueue_indirect_dma source(%dma_start3A_332 : memref<10000x128xf32, #tpu.memory_space<hbm>>) target(%arg16 : memref<80x128xf32, #tpu.memory_space<vmem>>) offsets(%dma_start3A_329 : memref<80xi32, #tpu.memory_space<vmem>>) semaphore(%arg21 : memref<!tpu.dma_semaphore, #tpu.memory_space<semaphore_mem>>)
        %dma_start3A_333 = arith.constant 0 : i32
        %dma_start3A_334 = tpu.memref_slice %arg10[%add3A_326, %dma_start3A_333] : memref<125x80xi32, #tpu.memory_space<vmem>> -> memref<1x80xi32, #tpu.memory_space<vmem>>
        %dma_start3A_335 = tpu.memref_squeeze %dma_start3A_334 : memref<1x80xi32, #tpu.memory_space<vmem>> -> memref<80xi32, #tpu.memory_space<vmem>>
        %dma_start3A_336 = arith.constant 0 : i32
        %dma_start3A_337 = arith.constant 0 : i32
        %dma_start3A_338 = tpu.memref_slice %arg2[%dma_start3A_336, %dma_start3A_337] : memref<10000x128xf32, #tpu.memory_space<hbm>> -> memref<10000x128xf32, #tpu.memory_space<hbm>>
        tpu.enqueue_indirect_dma source(%dma_start3A_338 : memref<10000x128xf32, #tpu.memory_space<hbm>>) target(%arg17 : memref<80x128xf32, #tpu.memory_space<vmem>>) offsets(%dma_start3A_335 : memref<80xi32, #tpu.memory_space<vmem>>) semaphore(%arg21 : memref<!tpu.dma_semaphore, #tpu.memory_space<semaphore_mem>>)
        %dma_start3A_339 = arith.constant 0 : i32
        %dma_start3A_340 = tpu.memref_slice %arg11[%add3A_326, %dma_start3A_339] : memref<125x80xi32, #tpu.memory_space<vmem>> -> memref<1x80xi32, #tpu.memory_space<vmem>>
        %dma_start3A_341 = tpu.memref_squeeze %dma_start3A_340 : memref<1x80xi32, #tpu.memory_space<vmem>> -> memref<80xi32, #tpu.memory_space<vmem>>
        %dma_start3A_342 = arith.constant 0 : i32
        %dma_start3A_343 = arith.constant 0 : i32
        %dma_start3A_344 = tpu.memref_slice %arg3[%dma_start3A_342, %dma_start3A_343] : memref<10000x128xf32, #tpu.memory_space<hbm>> -> memref<10000x128xf32, #tpu.memory_space<hbm>>
        tpu.enqueue_indirect_dma source(%dma_start3A_344 : memref<10000x128xf32, #tpu.memory_space<hbm>>) target(%arg18 : memref<80x128xf32, #tpu.memory_space<vmem>>) offsets(%dma_start3A_341 : memref<80xi32, #tpu.memory_space<vmem>>) semaphore(%arg21 : memref<!tpu.dma_semaphore, #tpu.memory_space<semaphore_mem>>)
        %dma_start3A_345 = arith.constant 0 : i32
        %dma_start3A_346 = tpu.memref_slice %arg10[%add3A_326, %dma_start3A_345] : memref<125x80xi32, #tpu.memory_space<vmem>> -> memref<1x80xi32, #tpu.memory_space<vmem>>
        %dma_start3A_347 = tpu.memref_squeeze %dma_start3A_346 : memref<1x80xi32, #tpu.memory_space<vmem>> -> memref<80xi32, #tpu.memory_space<vmem>>
        %dma_start3A_348 = arith.constant 0 : i32
        %dma_start3A_349 = arith.constant 0 : i32
        %dma_start3A_350 = tpu.memref_slice %arg3[%dma_start3A_348, %dma_start3A_349] : memref<10000x128xf32, #tpu.memory_space<hbm>> -> memref<10000x128xf32, #tpu.memory_space<hbm>>
        tpu.enqueue_indirect_dma source(%dma_start3A_350 : memref<10000x128xf32, #tpu.memory_space<hbm>>) target(%arg19 : memref<80x128xf32, #tpu.memory_space<vmem>>) offsets(%dma_start3A_347 : memref<80xi32, #tpu.memory_space<vmem>>) semaphore(%arg21 : memref<!tpu.dma_semaphore, #tpu.memory_space<semaphore_mem>>)
      } else {
      }
    }
    %scan3A_74 = arith.constant 62 : i32
    %add3A_75 = arith.constant 9840 : i32
    %add3A_76 = arith.addi %mul3A_2, %add3A_75 : i32
    %multiple_of3A = tpu.assume_multiple %add3A_76, 80 : i32
    %dma_wait3A = arith.constant 0 : i32
    %dma_wait3A_77 = tpu.memref_slice %arg6[%multiple_of3A, %dma_wait3A] : memref<320000x128xf32, #tpu.memory_space<hbm>> -> memref<80x128xf32, #tpu.memory_space<hbm>>
    %dma_wait3A_78 = arith.constant 0 : i32
    %dma_wait3A_79 = tpu.memref_slice %arg6[%multiple_of3A, %dma_wait3A_78] : memref<320000x128xf32, #tpu.memory_space<hbm>> -> memref<80x128xf32, #tpu.memory_space<hbm>>
    tpu.wait_dma2 semaphore(%arg23 : memref<!tpu.dma_semaphore, #tpu.memory_space<semaphore_mem>>) src(%arg16 : memref<80x128xf32, #tpu.memory_space<vmem>>) dst(%dma_wait3A_79 : memref<80x128xf32, #tpu.memory_space<hbm>>)
    %dma_wait3A_80 = arith.constant 0 : i32
    %dma_wait3A_81 = tpu.memref_slice %arg7[%multiple_of3A, %dma_wait3A_80] : memref<320000x128xf32, #tpu.memory_space<hbm>> -> memref<80x128xf32, #tpu.memory_space<hbm>>
    %dma_wait3A_82 = arith.constant 0 : i32
    %dma_wait3A_83 = tpu.memref_slice %arg7[%multiple_of3A, %dma_wait3A_82] : memref<320000x128xf32, #tpu.memory_space<hbm>> -> memref<80x128xf32, #tpu.memory_space<hbm>>
    tpu.wait_dma2 semaphore(%arg23 : memref<!tpu.dma_semaphore, #tpu.memory_space<semaphore_mem>>) src(%arg17 : memref<80x128xf32, #tpu.memory_space<vmem>>) dst(%dma_wait3A_83 : memref<80x128xf32, #tpu.memory_space<hbm>>)
    %dma_wait3A_84 = arith.constant 0 : i32
    %dma_wait3A_85 = tpu.memref_slice %arg8[%multiple_of3A, %dma_wait3A_84] : memref<320000x128xf32, #tpu.memory_space<hbm>> -> memref<80x128xf32, #tpu.memory_space<hbm>>
    %dma_wait3A_86 = arith.constant 0 : i32
    %dma_wait3A_87 = tpu.memref_slice %arg8[%multiple_of3A, %dma_wait3A_86] : memref<320000x128xf32, #tpu.memory_space<hbm>> -> memref<80x128xf32, #tpu.memory_space<hbm>>
    tpu.wait_dma2 semaphore(%arg23 : memref<!tpu.dma_semaphore, #tpu.memory_space<semaphore_mem>>) src(%arg18 : memref<80x128xf32, #tpu.memory_space<vmem>>) dst(%dma_wait3A_87 : memref<80x128xf32, #tpu.memory_space<hbm>>)
    %dma_wait3A_88 = arith.constant 0 : i32
    %dma_wait3A_89 = tpu.memref_slice %arg9[%multiple_of3A, %dma_wait3A_88] : memref<320000x128xf32, #tpu.memory_space<hbm>> -> memref<80x128xf32, #tpu.memory_space<hbm>>
    %dma_wait3A_90 = arith.constant 0 : i32
    %dma_wait3A_91 = tpu.memref_slice %arg9[%multiple_of3A, %dma_wait3A_90] : memref<320000x128xf32, #tpu.memory_space<hbm>> -> memref<80x128xf32, #tpu.memory_space<hbm>>
    tpu.wait_dma2 semaphore(%arg23 : memref<!tpu.dma_semaphore, #tpu.memory_space<semaphore_mem>>) src(%arg19 : memref<80x128xf32, #tpu.memory_space<vmem>>) dst(%dma_wait3A_91 : memref<80x128xf32, #tpu.memory_space<hbm>>)
    %dma_wait3A_92 = arith.constant 124 : i32
    %dma_wait3A_93 = arith.constant 0 : i32
    %dma_wait3A_94 = tpu.memref_slice %arg11[%dma_wait3A_92, %dma_wait3A_93] : memref<125x80xi32, #tpu.memory_space<vmem>> -> memref<1x80xi32, #tpu.memory_space<vmem>>
    %dma_wait3A_95 = tpu.memref_squeeze %dma_wait3A_94 : memref<1x80xi32, #tpu.memory_space<vmem>> -> memref<80xi32, #tpu.memory_space<vmem>>
    %dma_wait3A_96 = arith.constant 0 : i32
    %dma_wait3A_97 = arith.constant 0 : i32
    %dma_wait3A_98 = tpu.memref_slice %arg2[%dma_wait3A_96, %dma_wait3A_97] : memref<10000x128xf32, #tpu.memory_space<hbm>> -> memref<10000x128xf32, #tpu.memory_space<hbm>>
    tpu.wait_indirect_dma semaphore(%arg20 : memref<!tpu.dma_semaphore, #tpu.memory_space<semaphore_mem>>) src(%dma_wait3A_98 : memref<10000x128xf32, #tpu.memory_space<hbm>>) dst(%arg12 : memref<80x128xf32, #tpu.memory_space<vmem>>)
    %dma_wait3A_99 = arith.constant 124 : i32
    %dma_wait3A_100 = arith.constant 0 : i32
    %dma_wait3A_101 = tpu.memref_slice %arg10[%dma_wait3A_99, %dma_wait3A_100] : memref<125x80xi32, #tpu.memory_space<vmem>> -> memref<1x80xi32, #tpu.memory_space<vmem>>
    %dma_wait3A_102 = tpu.memref_squeeze %dma_wait3A_101 : memref<1x80xi32, #tpu.memory_space<vmem>> -> memref<80xi32, #tpu.memory_space<vmem>>
    %dma_wait3A_103 = arith.constant 0 : i32
    %dma_wait3A_104 = arith.constant 0 : i32
    %dma_wait3A_105 = tpu.memref_slice %arg2[%dma_wait3A_103, %dma_wait3A_104] : memref<10000x128xf32, #tpu.memory_space<hbm>> -> memref<10000x128xf32, #tpu.memory_space<hbm>>
    tpu.wait_indirect_dma semaphore(%arg20 : memref<!tpu.dma_semaphore, #tpu.memory_space<semaphore_mem>>) src(%dma_wait3A_105 : memref<10000x128xf32, #tpu.memory_space<hbm>>) dst(%arg13 : memref<80x128xf32, #tpu.memory_space<vmem>>)
    %dma_wait3A_106 = arith.constant 124 : i32
    %dma_wait3A_107 = arith.constant 0 : i32
    %dma_wait3A_108 = tpu.memref_slice %arg11[%dma_wait3A_106, %dma_wait3A_107] : memref<125x80xi32, #tpu.memory_space<vmem>> -> memref<1x80xi32, #tpu.memory_space<vmem>>
    %dma_wait3A_109 = tpu.memref_squeeze %dma_wait3A_108 : memref<1x80xi32, #tpu.memory_space<vmem>> -> memref<80xi32, #tpu.memory_space<vmem>>
    %dma_wait3A_110 = arith.constant 0 : i32
    %dma_wait3A_111 = arith.constant 0 : i32
    %dma_wait3A_112 = tpu.memref_slice %arg3[%dma_wait3A_110, %dma_wait3A_111] : memref<10000x128xf32, #tpu.memory_space<hbm>> -> memref<10000x128xf32, #tpu.memory_space<hbm>>
    tpu.wait_indirect_dma semaphore(%arg20 : memref<!tpu.dma_semaphore, #tpu.memory_space<semaphore_mem>>) src(%dma_wait3A_112 : memref<10000x128xf32, #tpu.memory_space<hbm>>) dst(%arg14 : memref<80x128xf32, #tpu.memory_space<vmem>>)
    %dma_wait3A_113 = arith.constant 124 : i32
    %dma_wait3A_114 = arith.constant 0 : i32
    %dma_wait3A_115 = tpu.memref_slice %arg10[%dma_wait3A_113, %dma_wait3A_114] : memref<125x80xi32, #tpu.memory_space<vmem>> -> memref<1x80xi32, #tpu.memory_space<vmem>>
    %dma_wait3A_116 = tpu.memref_squeeze %dma_wait3A_115 : memref<1x80xi32, #tpu.memory_space<vmem>> -> memref<80xi32, #tpu.memory_space<vmem>>
    %dma_wait3A_117 = arith.constant 0 : i32
    %dma_wait3A_118 = arith.constant 0 : i32
    %dma_wait3A_119 = tpu.memref_slice %arg3[%dma_wait3A_117, %dma_wait3A_118] : memref<10000x128xf32, #tpu.memory_space<hbm>> -> memref<10000x128xf32, #tpu.memory_space<hbm>>
    tpu.wait_indirect_dma semaphore(%arg20 : memref<!tpu.dma_semaphore, #tpu.memory_space<semaphore_mem>>) src(%dma_wait3A_119 : memref<10000x128xf32, #tpu.memory_space<hbm>>) dst(%arg15 : memref<80x128xf32, #tpu.memory_space<vmem>>)
    %add3A_120 = arith.constant 9920 : i32
    %add3A_121 = arith.addi %mul3A_2, %add3A_120 : i32
    %multiple_of3A_122 = tpu.assume_multiple %add3A_121, 80 : i32
    %dma_start3A_123 = arith.constant 0 : i32
    %dma_start3A_124 = tpu.memref_slice %arg6[%multiple_of3A_122, %dma_start3A_123] : memref<320000x128xf32, #tpu.memory_space<hbm>> -> memref<80x128xf32, #tpu.memory_space<hbm>>
    %dma_start3A_125 = arith.constant 0 : i32
    %dma_start3A_126 = tpu.memref_slice %arg6[%multiple_of3A_122, %dma_start3A_125] : memref<320000x128xf32, #tpu.memory_space<hbm>> -> memref<80x128xf32, #tpu.memory_space<hbm>>
    tpu.enqueue_dma source(%arg12 : memref<80x128xf32, #tpu.memory_space<vmem>>) target(%dma_start3A_126 : memref<80x128xf32, #tpu.memory_space<hbm>>) target_semaphore(%arg22 : memref<!tpu.dma_semaphore, #tpu.memory_space<semaphore_mem>>)
    %dma_start3A_127 = arith.constant 0 : i32
    %dma_start3A_128 = tpu.memref_slice %arg7[%multiple_of3A_122, %dma_start3A_127] : memref<320000x128xf32, #tpu.memory_space<hbm>> -> memref<80x128xf32, #tpu.memory_space<hbm>>
    %dma_start3A_129 = arith.constant 0 : i32
    %dma_start3A_130 = tpu.memref_slice %arg7[%multiple_of3A_122, %dma_start3A_129] : memref<320000x128xf32, #tpu.memory_space<hbm>> -> memref<80x128xf32, #tpu.memory_space<hbm>>
    tpu.enqueue_dma source(%arg13 : memref<80x128xf32, #tpu.memory_space<vmem>>) target(%dma_start3A_130 : memref<80x128xf32, #tpu.memory_space<hbm>>) target_semaphore(%arg22 : memref<!tpu.dma_semaphore, #tpu.memory_space<semaphore_mem>>)
    %dma_start3A_131 = arith.constant 0 : i32
    %dma_start3A_132 = tpu.memref_slice %arg8[%multiple_of3A_122, %dma_start3A_131] : memref<320000x128xf32, #tpu.memory_space<hbm>> -> memref<80x128xf32, #tpu.memory_space<hbm>>
    %dma_start3A_133 = arith.constant 0 : i32
    %dma_start3A_134 = tpu.memref_slice %arg8[%multiple_of3A_122, %dma_start3A_133] : memref<320000x128xf32, #tpu.memory_space<hbm>> -> memref<80x128xf32, #tpu.memory_space<hbm>>
    tpu.enqueue_dma source(%arg14 : memref<80x128xf32, #tpu.memory_space<vmem>>) target(%dma_start3A_134 : memref<80x128xf32, #tpu.memory_space<hbm>>) target_semaphore(%arg22 : memref<!tpu.dma_semaphore, #tpu.memory_space<semaphore_mem>>)
    %dma_start3A_135 = arith.constant 0 : i32
    %dma_start3A_136 = tpu.memref_slice %arg9[%multiple_of3A_122, %dma_start3A_135] : memref<320000x128xf32, #tpu.memory_space<hbm>> -> memref<80x128xf32, #tpu.memory_space<hbm>>
    %dma_start3A_137 = arith.constant 0 : i32
    %dma_start3A_138 = tpu.memref_slice %arg9[%multiple_of3A_122, %dma_start3A_137] : memref<320000x128xf32, #tpu.memory_space<hbm>> -> memref<80x128xf32, #tpu.memory_space<hbm>>
    tpu.enqueue_dma source(%arg15 : memref<80x128xf32, #tpu.memory_space<vmem>>) target(%dma_start3A_138 : memref<80x128xf32, #tpu.memory_space<hbm>>) target_semaphore(%arg22 : memref<!tpu.dma_semaphore, #tpu.memory_space<semaphore_mem>>)
    %add3A_139 = arith.constant 9920 : i32
    %add3A_140 = arith.addi %mul3A_2, %add3A_139 : i32
    %multiple_of3A_141 = tpu.assume_multiple %add3A_140, 80 : i32
    %dma_wait3A_142 = arith.constant 0 : i32
    %dma_wait3A_143 = tpu.memref_slice %arg6[%multiple_of3A_141, %dma_wait3A_142] : memref<320000x128xf32, #tpu.memory_space<hbm>> -> memref<80x128xf32, #tpu.memory_space<hbm>>
    %dma_wait3A_144 = arith.constant 0 : i32
    %dma_wait3A_145 = tpu.memref_slice %arg6[%multiple_of3A_141, %dma_wait3A_144] : memref<320000x128xf32, #tpu.memory_space<hbm>> -> memref<80x128xf32, #tpu.memory_space<hbm>>
    tpu.wait_dma2 semaphore(%arg22 : memref<!tpu.dma_semaphore, #tpu.memory_space<semaphore_mem>>) src(%arg12 : memref<80x128xf32, #tpu.memory_space<vmem>>) dst(%dma_wait3A_145 : memref<80x128xf32, #tpu.memory_space<hbm>>)
    %dma_wait3A_146 = arith.constant 0 : i32
    %dma_wait3A_147 = tpu.memref_slice %arg7[%multiple_of3A_141, %dma_wait3A_146] : memref<320000x128xf32, #tpu.memory_space<hbm>> -> memref<80x128xf32, #tpu.memory_space<hbm>>
    %dma_wait3A_148 = arith.constant 0 : i32
    %dma_wait3A_149 = tpu.memref_slice %arg7[%multiple_of3A_141, %dma_wait3A_148] : memref<320000x128xf32, #tpu.memory_space<hbm>> -> memref<80x128xf32, #tpu.memory_space<hbm>>
    tpu.wait_dma2 semaphore(%arg22 : memref<!tpu.dma_semaphore, #tpu.memory_space<semaphore_mem>>) src(%arg13 : memref<80x128xf32, #tpu.memory_space<vmem>>) dst(%dma_wait3A_149 : memref<80x128xf32, #tpu.memory_space<hbm>>)
    %dma_wait3A_150 = arith.constant 0 : i32
    %dma_wait3A_151 = tpu.memref_slice %arg8[%multiple_of3A_141, %dma_wait3A_150] : memref<320000x128xf32, #tpu.memory_space<hbm>> -> memref<80x128xf32, #tpu.memory_space<hbm>>
    %dma_wait3A_152 = arith.constant 0 : i32
    %dma_wait3A_153 = tpu.memref_slice %arg8[%multiple_of3A_141, %dma_wait3A_152] : memref<320000x128xf32, #tpu.memory_space<hbm>> -> memref<80x128xf32, #tpu.memory_space<hbm>>
    tpu.wait_dma2 semaphore(%arg22 : memref<!tpu.dma_semaphore, #tpu.memory_space<semaphore_mem>>) src(%arg14 : memref<80x128xf32, #tpu.memory_space<vmem>>) dst(%dma_wait3A_153 : memref<80x128xf32, #tpu.memory_space<hbm>>)
    %dma_wait3A_154 = arith.constant 0 : i32
    %dma_wait3A_155 = tpu.memref_slice %arg9[%multiple_of3A_141, %dma_wait3A_154] : memref<320000x128xf32, #tpu.memory_space<hbm>> -> memref<80x128xf32, #tpu.memory_space<hbm>>
    %dma_wait3A_156 = arith.constant 0 : i32
    %dma_wait3A_157 = tpu.memref_slice %arg9[%multiple_of3A_141, %dma_wait3A_156] : memref<320000x128xf32, #tpu.memory_space<hbm>> -> memref<80x128xf32, #tpu.memory_space<hbm>>
    tpu.wait_dma2 semaphore(%arg22 : memref<!tpu.dma_semaphore, #tpu.memory_space<semaphore_mem>>) src(%arg15 : memref<80x128xf32, #tpu.memory_space<vmem>>) dst(%dma_wait3A_157 : memref<80x128xf32, #tpu.memory_space<hbm>>)
    return
  }
}

#map = affine_map<(d0, d1) -> (0, 0)>
#map1 = affine_map<(d0, d1) -> (0)>
module attributes {stable_mosaic.version = 14 : i64} {
  func.func @_gather_body(%arg0: i32, %arg1: i32, %arg2: memref<10000x128xf32, #tpu.memory_space<hbm>>, %arg3: memref<10000x128xf32, #tpu.memory_space<hbm>>, %arg4: memref<320000xi32, #tpu.memory_space<hbm>>, %arg5: memref<320000xi32, #tpu.memory_space<hbm>>, %arg6: memref<320000x128xf32, #tpu.memory_space<hbm>>, %arg7: memref<320000x128xf32, #tpu.memory_space<hbm>>, %arg8: memref<320000x128xf32, #tpu.memory_space<hbm>>, %arg9: memref<320000x128xf32, #tpu.memory_space<hbm>>, %arg10: memref<125x80xi32, #tpu.memory_space<vmem>>, %arg11: memref<125x80xi32, #tpu.memory_space<vmem>>, %arg12: memref<80x128xf32, #tpu.memory_space<vmem>>, %arg13: memref<80x128xf32, #tpu.memory_space<vmem>>, %arg14: memref<80x128xf32, #tpu.memory_space<vmem>>, %arg15: memref<80x128xf32, #tpu.memory_space<vmem>>, %arg16: memref<80x128xf32, #tpu.memory_space<vmem>>, %arg17: memref<80x128xf32, #tpu.memory_space<vmem>>, %arg18: memref<80x128xf32, #tpu.memory_space<vmem>>, %arg19: memref<80x128xf32, #tpu.memory_space<vmem>>, %arg20: memref<!tpu.dma_semaphore, #tpu.memory_space<semaphore_mem>>, %arg21: memref<!tpu.dma_semaphore, #tpu.memory_space<semaphore_mem>>, %arg22: memref<!tpu.dma_semaphore, #tpu.memory_space<semaphore_mem>>, %arg23: memref<!tpu.dma_semaphore, #tpu.memory_space<semaphore_mem>>) attributes {dimension_semantics = [#tpu.dimension_semantics<core_parallel>, #tpu.dimension_semantics<subcore_parallel>], iteration_bounds = array<i64: 2, 16>, scalar_prefetch = 0 : i64, scratch_operands = 14 : i64, tpu.core_type = #tpu.core_type<sc_vector_subcore>, window_params = [{transform_indices = #map}, {transform_indices = #map}, {transform_indices = #map1}, {transform_indices = #map1}, {transform_indices = #map}, {transform_indices = #map}, {transform_indices = #map}, {transform_indices = #map}]} {
    %mul3A = arith.constant 2 : i32
    %mul3A_0 = arith.muli %arg1, %mul3A : i32
    %add3A = arith.addi %mul3A_0, %arg0 : i32
    %mul3A_1 = arith.constant 10000 : i32
    %mul3A_2 = arith.muli %add3A, %mul3A_1 : i32
    %scan3A = arith.constant 0 : i32
    %scan3A_3 = arith.constant 0 : i32
    %scan3A_4 = arith.constant 125 : i32
    %scan3A_5 = arith.addi %scan3A_3, %scan3A_4 : i32
    %scan3A_6 = arith.constant 1 : i32
    scf.for %scan3A_158 = %scan3A_3 to %scan3A_5 step %scan3A_6  : i32 {
      %mul3A_159 = arith.constant 80 : i32
      %mul3A_160 = arith.muli %scan3A_158, %mul3A_159 : i32
      %add3A_161 = arith.addi %mul3A_2, %mul3A_160 : i32
      %multiple_of3A_162 = tpu.assume_multiple %add3A_161, 80 : i32
      %dma_start3A_163 = arith.constant 0 : i32
      %dma_start3A_164 = tpu.memref_slice %arg10[%scan3A_158, %dma_start3A_163] : memref<125x80xi32, #tpu.memory_space<vmem>> -> memref<1x80xi32, #tpu.memory_space<vmem>>
      %dma_start3A_165 = tpu.memref_squeeze %dma_start3A_164 : memref<1x80xi32, #tpu.memory_space<vmem>> -> memref<80xi32, #tpu.memory_space<vmem>>
      %dma_start3A_166 = tpu.memref_slice %arg4[%multiple_of3A_162] : memref<320000xi32, #tpu.memory_space<hbm>> -> memref<80xi32, #tpu.memory_space<hbm>>
      %dma_start3A_167 = arith.constant 0 : i32
      %dma_start3A_168 = tpu.memref_slice %arg10[%scan3A_158, %dma_start3A_167] : memref<125x80xi32, #tpu.memory_space<vmem>> -> memref<1x80xi32, #tpu.memory_space<vmem>>
      %dma_start3A_169 = tpu.memref_squeeze %dma_start3A_168 : memref<1x80xi32, #tpu.memory_space<vmem>> -> memref<80xi32, #tpu.memory_space<vmem>>
      %dma_start3A_170 = tpu.memref_slice %arg4[%multiple_of3A_162] : memref<320000xi32, #tpu.memory_space<hbm>> -> memref<80xi32, #tpu.memory_space<hbm>>
      tpu.enqueue_dma source(%dma_start3A_170 : memref<80xi32, #tpu.memory_space<hbm>>) target(%dma_start3A_169 : memref<80xi32, #tpu.memory_space<vmem>>) target_semaphore(%arg20 : memref<!tpu.dma_semaphore, #tpu.memory_space<semaphore_mem>>)
      %dma_start3A_171 = arith.constant 0 : i32
      %dma_start3A_172 = tpu.memref_slice %arg11[%scan3A_158, %dma_start3A_171] : memref<125x80xi32, #tpu.memory_space<vmem>> -> memref<1x80xi32, #tpu.memory_space<vmem>>
      %dma_start3A_173 = tpu.memref_squeeze %dma_start3A_172 : memref<1x80xi32, #tpu.memory_space<vmem>> -> memref<80xi32, #tpu.memory_space<vmem>>
      %dma_start3A_174 = tpu.memref_slice %arg5[%multiple_of3A_162] : memref<320000xi32, #tpu.memory_space<hbm>> -> memref<80xi32, #tpu.memory_space<hbm>>
      %dma_start3A_175 = arith.constant 0 : i32
      %dma_start3A_176 = tpu.memref_slice %arg11[%scan3A_158, %dma_start3A_175] : memref<125x80xi32, #tpu.memory_space<vmem>> -> memref<1x80xi32, #tpu.memory_space<vmem>>
      %dma_start3A_177 = tpu.memref_squeeze %dma_start3A_176 : memref<1x80xi32, #tpu.memory_space<vmem>> -> memref<80xi32, #tpu.memory_space<vmem>>
      %dma_start3A_178 = tpu.memref_slice %arg5[%multiple_of3A_162] : memref<320000xi32, #tpu.memory_space<hbm>> -> memref<80xi32, #tpu.memory_space<hbm>>
      tpu.enqueue_dma source(%dma_start3A_178 : memref<80xi32, #tpu.memory_space<hbm>>) target(%dma_start3A_177 : memref<80xi32, #tpu.memory_space<vmem>>) target_semaphore(%arg20 : memref<!tpu.dma_semaphore, #tpu.memory_space<semaphore_mem>>)
    }
    %scan3A_7 = arith.constant 125 : i32
    %scan3A_8 = arith.constant 0 : i32
    %scan3A_9 = arith.constant 0 : i32
    %scan3A_10 = arith.constant 125 : i32
    %scan3A_11 = arith.addi %scan3A_9, %scan3A_10 : i32
    %scan3A_12 = arith.constant 1 : i32
    scf.for %scan3A_158 = %scan3A_9 to %scan3A_11 step %scan3A_12  : i32 {
      %mul3A_159 = arith.constant 80 : i32
      %mul3A_160 = arith.muli %scan3A_158, %mul3A_159 : i32
      %add3A_161 = arith.addi %mul3A_2, %mul3A_160 : i32
      %multiple_of3A_162 = tpu.assume_multiple %add3A_161, 80 : i32
      %dma_wait3A_163 = arith.constant 0 : i32
      %dma_wait3A_164 = tpu.memref_slice %arg10[%scan3A_158, %dma_wait3A_163] : memref<125x80xi32, #tpu.memory_space<vmem>> -> memref<1x80xi32, #tpu.memory_space<vmem>>
      %dma_wait3A_165 = tpu.memref_squeeze %dma_wait3A_164 : memref<1x80xi32, #tpu.memory_space<vmem>> -> memref<80xi32, #tpu.memory_space<vmem>>
      %dma_wait3A_166 = tpu.memref_slice %arg4[%multiple_of3A_162] : memref<320000xi32, #tpu.memory_space<hbm>> -> memref<80xi32, #tpu.memory_space<hbm>>
      %dma_wait3A_167 = arith.constant 0 : i32
      %dma_wait3A_168 = tpu.memref_slice %arg10[%scan3A_158, %dma_wait3A_167] : memref<125x80xi32, #tpu.memory_space<vmem>> -> memref<1x80xi32, #tpu.memory_space<vmem>>
      %dma_wait3A_169 = tpu.memref_squeeze %dma_wait3A_168 : memref<1x80xi32, #tpu.memory_space<vmem>> -> memref<80xi32, #tpu.memory_space<vmem>>
      %dma_wait3A_170 = tpu.memref_slice %arg4[%multiple_of3A_162] : memref<320000xi32, #tpu.memory_space<hbm>> -> memref<80xi32, #tpu.memory_space<hbm>>
      tpu.wait_dma2 semaphore(%arg20 : memref<!tpu.dma_semaphore, #tpu.memory_space<semaphore_mem>>) src(%dma_wait3A_170 : memref<80xi32, #tpu.memory_space<hbm>>) dst(%dma_wait3A_169 : memref<80xi32, #tpu.memory_space<vmem>>)
      %dma_wait3A_171 = arith.constant 0 : i32
      %dma_wait3A_172 = tpu.memref_slice %arg11[%scan3A_158, %dma_wait3A_171] : memref<125x80xi32, #tpu.memory_space<vmem>> -> memref<1x80xi32, #tpu.memory_space<vmem>>
      %dma_wait3A_173 = tpu.memref_squeeze %dma_wait3A_172 : memref<1x80xi32, #tpu.memory_space<vmem>> -> memref<80xi32, #tpu.memory_space<vmem>>
      %dma_wait3A_174 = tpu.memref_slice %arg5[%multiple_of3A_162] : memref<320000xi32, #tpu.memory_space<hbm>> -> memref<80xi32, #tpu.memory_space<hbm>>
      %dma_wait3A_175 = arith.constant 0 : i32
      %dma_wait3A_176 = tpu.memref_slice %arg11[%scan3A_158, %dma_wait3A_175] : memref<125x80xi32, #tpu.memory_space<vmem>> -> memref<1x80xi32, #tpu.memory_space<vmem>>
      %dma_wait3A_177 = tpu.memref_squeeze %dma_wait3A_176 : memref<1x80xi32, #tpu.memory_space<vmem>> -> memref<80xi32, #tpu.memory_space<vmem>>
      %dma_wait3A_178 = tpu.memref_slice %arg5[%multiple_of3A_162] : memref<320000xi32, #tpu.memory_space<hbm>> -> memref<80xi32, #tpu.memory_space<hbm>>
      tpu.wait_dma2 semaphore(%arg20 : memref<!tpu.dma_semaphore, #tpu.memory_space<semaphore_mem>>) src(%dma_wait3A_178 : memref<80xi32, #tpu.memory_space<hbm>>) dst(%dma_wait3A_177 : memref<80xi32, #tpu.memory_space<vmem>>)
    }
    %scan3A_13 = arith.constant 125 : i32
    %dma_start3A = arith.constant 0 : i32
    %dma_start3A_14 = arith.constant 0 : i32
    %dma_start3A_15 = tpu.memref_slice %arg11[%dma_start3A, %dma_start3A_14] : memref<125x80xi32, #tpu.memory_space<vmem>> -> memref<1x80xi32, #tpu.memory_space<vmem>>
    %dma_start3A_16 = tpu.memref_squeeze %dma_start3A_15 : memref<1x80xi32, #tpu.memory_space<vmem>> -> memref<80xi32, #tpu.memory_space<vmem>>
    %dma_start3A_17 = arith.constant 0 : i32
    %dma_start3A_18 = arith.constant 0 : i32
    %dma_start3A_19 = tpu.memref_slice %arg2[%dma_start3A_17, %dma_start3A_18] : memref<10000x128xf32, #tpu.memory_space<hbm>> -> memref<10000x128xf32, #tpu.memory_space<hbm>>
    tpu.enqueue_indirect_dma source(%dma_start3A_19 : memref<10000x128xf32, #tpu.memory_space<hbm>>) target(%arg12 : memref<80x128xf32, #tpu.memory_space<vmem>>) offsets(%dma_start3A_16 : memref<80xi32, #tpu.memory_space<vmem>>) semaphore(%arg20 : memref<!tpu.dma_semaphore, #tpu.memory_space<semaphore_mem>>)
    %dma_start3A_20 = arith.constant 0 : i32
    %dma_start3A_21 = arith.constant 0 : i32
    %dma_start3A_22 = tpu.memref_slice %arg10[%dma_start3A_20, %dma_start3A_21] : memref<125x80xi32, #tpu.memory_space<vmem>> -> memref<1x80xi32, #tpu.memory_space<vmem>>
    %dma_start3A_23 = tpu.memref_squeeze %dma_start3A_22 : memref<1x80xi32, #tpu.memory_space<vmem>> -> memref<80xi32, #tpu.memory_space<vmem>>
    %dma_start3A_24 = arith.constant 0 : i32
    %dma_start3A_25 = arith.constant 0 : i32
    %dma_start3A_26 = tpu.memref_slice %arg2[%dma_start3A_24, %dma_start3A_25] : memref<10000x128xf32, #tpu.memory_space<hbm>> -> memref<10000x128xf32, #tpu.memory_space<hbm>>
    tpu.enqueue_indirect_dma source(%dma_start3A_26 : memref<10000x128xf32, #tpu.memory_space<hbm>>) target(%arg13 : memref<80x128xf32, #tpu.memory_space<vmem>>) offsets(%dma_start3A_23 : memref<80xi32, #tpu.memory_space<vmem>>) semaphore(%arg20 : memref<!tpu.dma_semaphore, #tpu.memory_space<semaphore_mem>>)
    %dma_start3A_27 = arith.constant 0 : i32
    %dma_start3A_28 = arith.constant 0 : i32
    %dma_start3A_29 = tpu.memref_slice %arg11[%dma_start3A_27, %dma_start3A_28] : memref<125x80xi32, #tpu.memory_space<vmem>> -> memref<1x80xi32, #tpu.memory_space<vmem>>
    %dma_start3A_30 = tpu.memref_squeeze %dma_start3A_29 : memref<1x80xi32, #tpu.memory_space<vmem>> -> memref<80xi32, #tpu.memory_space<vmem>>
    %dma_start3A_31 = arith.constant 0 : i32
    %dma_start3A_32 = arith.constant 0 : i32
    %dma_start3A_33 = tpu.memref_slice %arg3[%dma_start3A_31, %dma_start3A_32] : memref<10000x128xf32, #tpu.memory_space<hbm>> -> memref<10000x128xf32, #tpu.memory_space<hbm>>
    tpu.enqueue_indirect_dma source(%dma_start3A_33 : memref<10000x128xf32, #tpu.memory_space<hbm>>) target(%arg14 : memref<80x128xf32, #tpu.memory_space<vmem>>) offsets(%dma_start3A_30 : memref<80xi32, #tpu.memory_space<vmem>>) semaphore(%arg20 : memref<!tpu.dma_semaphore, #tpu.memory_space<semaphore_mem>>)
    %dma_start3A_34 = arith.constant 0 : i32
    %dma_start3A_35 = arith.constant 0 : i32
    %dma_start3A_36 = tpu.memref_slice %arg10[%dma_start3A_34, %dma_start3A_35] : memref<125x80xi32, #tpu.memory_space<vmem>> -> memref<1x80xi32, #tpu.memory_space<vmem>>
    %dma_start3A_37 = tpu.memref_squeeze %dma_start3A_36 : memref<1x80xi32, #tpu.memory_space<vmem>> -> memref<80xi32, #tpu.memory_space<vmem>>
    %dma_start3A_38 = arith.constant 0 : i32
    %dma_start3A_39 = arith.constant 0 : i32
    %dma_start3A_40 = tpu.memref_slice %arg3[%dma_start3A_38, %dma_start3A_39] : memref<10000x128xf32, #tpu.memory_space<hbm>> -> memref<10000x128xf32, #tpu.memory_space<hbm>>
    tpu.enqueue_indirect_dma source(%dma_start3A_40 : memref<10000x128xf32, #tpu.memory_space<hbm>>) target(%arg15 : memref<80x128xf32, #tpu.memory_space<vmem>>) offsets(%dma_start3A_37 : memref<80xi32, #tpu.memory_space<vmem>>) semaphore(%arg20 : memref<!tpu.dma_semaphore, #tpu.memory_space<semaphore_mem>>)
    %dma_start3A_41 = arith.constant 1 : i32
    %dma_start3A_42 = arith.constant 0 : i32
    %dma_start3A_43 = tpu.memref_slice %arg11[%dma_start3A_41, %dma_start3A_42] : memref<125x80xi32, #tpu.memory_space<vmem>> -> memref<1x80xi32, #tpu.memory_space<vmem>>
    %dma_start3A_44 = tpu.memref_squeeze %dma_start3A_43 : memref<1x80xi32, #tpu.memory_space<vmem>> -> memref<80xi32, #tpu.memory_space<vmem>>
    %dma_start3A_45 = arith.constant 0 : i32
    %dma_start3A_46 = arith.constant 0 : i32
    %dma_start3A_47 = tpu.memref_slice %arg2[%dma_start3A_45, %dma_start3A_46] : memref<10000x128xf32, #tpu.memory_space<hbm>> -> memref<10000x128xf32, #tpu.memory_space<hbm>>
    tpu.enqueue_indirect_dma source(%dma_start3A_47 : memref<10000x128xf32, #tpu.memory_space<hbm>>) target(%arg16 : memref<80x128xf32, #tpu.memory_space<vmem>>) offsets(%dma_start3A_44 : memref<80xi32, #tpu.memory_space<vmem>>) semaphore(%arg21 : memref<!tpu.dma_semaphore, #tpu.memory_space<semaphore_mem>>)
    %dma_start3A_48 = arith.constant 1 : i32
    %dma_start3A_49 = arith.constant 0 : i32
    %dma_start3A_50 = tpu.memref_slice %arg10[%dma_start3A_48, %dma_start3A_49] : memref<125x80xi32, #tpu.memory_space<vmem>> -> memref<1x80xi32, #tpu.memory_space<vmem>>
    %dma_start3A_51 = tpu.memref_squeeze %dma_start3A_50 : memref<1x80xi32, #tpu.memory_space<vmem>> -> memref<80xi32, #tpu.memory_space<vmem>>
    %dma_start3A_52 = arith.constant 0 : i32
    %dma_start3A_53 = arith.constant 0 : i32
    %dma_start3A_54 = tpu.memref_slice %arg2[%dma_start3A_52, %dma_start3A_53] : memref<10000x128xf32, #tpu.memory_space<hbm>> -> memref<10000x128xf32, #tpu.memory_space<hbm>>
    tpu.enqueue_indirect_dma source(%dma_start3A_54 : memref<10000x128xf32, #tpu.memory_space<hbm>>) target(%arg17 : memref<80x128xf32, #tpu.memory_space<vmem>>) offsets(%dma_start3A_51 : memref<80xi32, #tpu.memory_space<vmem>>) semaphore(%arg21 : memref<!tpu.dma_semaphore, #tpu.memory_space<semaphore_mem>>)
    %dma_start3A_55 = arith.constant 1 : i32
    %dma_start3A_56 = arith.constant 0 : i32
    %dma_start3A_57 = tpu.memref_slice %arg11[%dma_start3A_55, %dma_start3A_56] : memref<125x80xi32, #tpu.memory_space<vmem>> -> memref<1x80xi32, #tpu.memory_space<vmem>>
    %dma_start3A_58 = tpu.memref_squeeze %dma_start3A_57 : memref<1x80xi32, #tpu.memory_space<vmem>> -> memref<80xi32, #tpu.memory_space<vmem>>
    %dma_start3A_59 = arith.constant 0 : i32
    %dma_start3A_60 = arith.constant 0 : i32
    %dma_start3A_61 = tpu.memref_slice %arg3[%dma_start3A_59, %dma_start3A_60] : memref<10000x128xf32, #tpu.memory_space<hbm>> -> memref<10000x128xf32, #tpu.memory_space<hbm>>
    tpu.enqueue_indirect_dma source(%dma_start3A_61 : memref<10000x128xf32, #tpu.memory_space<hbm>>) target(%arg18 : memref<80x128xf32, #tpu.memory_space<vmem>>) offsets(%dma_start3A_58 : memref<80xi32, #tpu.memory_space<vmem>>) semaphore(%arg21 : memref<!tpu.dma_semaphore, #tpu.memory_space<semaphore_mem>>)
    %dma_start3A_62 = arith.constant 1 : i32
    %dma_start3A_63 = arith.constant 0 : i32
    %dma_start3A_64 = tpu.memref_slice %arg10[%dma_start3A_62, %dma_start3A_63] : memref<125x80xi32, #tpu.memory_space<vmem>> -> memref<1x80xi32, #tpu.memory_space<vmem>>
    %dma_start3A_65 = tpu.memref_squeeze %dma_start3A_64 : memref<1x80xi32, #tpu.memory_space<vmem>> -> memref<80xi32, #tpu.memory_space<vmem>>
    %dma_start3A_66 = arith.constant 0 : i32
    %dma_start3A_67 = arith.constant 0 : i32
    %dma_start3A_68 = tpu.memref_slice %arg3[%dma_start3A_66, %dma_start3A_67] : memref<10000x128xf32, #tpu.memory_space<hbm>> -> memref<10000x128xf32, #tpu.memory_space<hbm>>
    tpu.enqueue_indirect_dma source(%dma_start3A_68 : memref<10000x128xf32, #tpu.memory_space<hbm>>) target(%arg19 : memref<80x128xf32, #tpu.memory_space<vmem>>) offsets(%dma_start3A_65 : memref<80xi32, #tpu.memory_space<vmem>>) semaphore(%arg21 : memref<!tpu.dma_semaphore, #tpu.memory_space<semaphore_mem>>)
    %scan3A_69 = arith.constant 0 : i32
    %scan3A_70 = arith.constant 0 : i32
    %scan3A_71 = arith.constant 62 : i32
    %scan3A_72 = arith.addi %scan3A_70, %scan3A_71 : i32
    %scan3A_73 = arith.constant 1 : i32
    scf.for %scan3A_158 = %scan3A_70 to %scan3A_72 step %scan3A_73  : i32 {
      %mul3A_159 = arith.constant 2 : i32
      %mul3A_160 = arith.muli %mul3A_159, %scan3A_158 : i32
      %dma_wait3A_161 = arith.constant 0 : i32
      %dma_wait3A_162 = tpu.memref_slice %arg11[%mul3A_160, %dma_wait3A_161] : memref<125x80xi32, #tpu.memory_space<vmem>> -> memref<1x80xi32, #tpu.memory_space<vmem>>
      %dma_wait3A_163 = tpu.memref_squeeze %dma_wait3A_162 : memref<1x80xi32, #tpu.memory_space<vmem>> -> memref<80xi32, #tpu.memory_space<vmem>>
      %dma_wait3A_164 = arith.constant 0 : i32
      %dma_wait3A_165 = arith.constant 0 : i32
      %dma_wait3A_166 = tpu.memref_slice %arg2[%dma_wait3A_164, %dma_wait3A_165] : memref<10000x128xf32, #tpu.memory_space<hbm>> -> memref<10000x128xf32, #tpu.memory_space<hbm>>
      tpu.wait_indirect_dma semaphore(%arg20 : memref<!tpu.dma_semaphore, #tpu.memory_space<semaphore_mem>>) src(%dma_wait3A_166 : memref<10000x128xf32, #tpu.memory_space<hbm>>) dst(%arg12 : memref<80x128xf32, #tpu.memory_space<vmem>>)
      %dma_wait3A_167 = arith.constant 0 : i32
      %dma_wait3A_168 = tpu.memref_slice %arg10[%mul3A_160, %dma_wait3A_167] : memref<125x80xi32, #tpu.memory_space<vmem>> -> memref<1x80xi32, #tpu.memory_space<vmem>>
      %dma_wait3A_169 = tpu.memref_squeeze %dma_wait3A_168 : memref<1x80xi32, #tpu.memory_space<vmem>> -> memref<80xi32, #tpu.memory_space<vmem>>
      %dma_wait3A_170 = arith.constant 0 : i32
      %dma_wait3A_171 = arith.constant 0 : i32
      %dma_wait3A_172 = tpu.memref_slice %arg2[%dma_wait3A_170, %dma_wait3A_171] : memref<10000x128xf32, #tpu.memory_space<hbm>> -> memref<10000x128xf32, #tpu.memory_space<hbm>>
      tpu.wait_indirect_dma semaphore(%arg20 : memref<!tpu.dma_semaphore, #tpu.memory_space<semaphore_mem>>) src(%dma_wait3A_172 : memref<10000x128xf32, #tpu.memory_space<hbm>>) dst(%arg13 : memref<80x128xf32, #tpu.memory_space<vmem>>)
      %dma_wait3A_173 = arith.constant 0 : i32
      %dma_wait3A_174 = tpu.memref_slice %arg11[%mul3A_160, %dma_wait3A_173] : memref<125x80xi32, #tpu.memory_space<vmem>> -> memref<1x80xi32, #tpu.memory_space<vmem>>
      %dma_wait3A_175 = tpu.memref_squeeze %dma_wait3A_174 : memref<1x80xi32, #tpu.memory_space<vmem>> -> memref<80xi32, #tpu.memory_space<vmem>>
      %dma_wait3A_176 = arith.constant 0 : i32
      %dma_wait3A_177 = arith.constant 0 : i32
      %dma_wait3A_178 = tpu.memref_slice %arg3[%dma_wait3A_176, %dma_wait3A_177] : memref<10000x128xf32, #tpu.memory_space<hbm>> -> memref<10000x128xf32, #tpu.memory_space<hbm>>
      tpu.wait_indirect_dma semaphore(%arg20 : memref<!tpu.dma_semaphore, #tpu.memory_space<semaphore_mem>>) src(%dma_wait3A_178 : memref<10000x128xf32, #tpu.memory_space<hbm>>) dst(%arg14 : memref<80x128xf32, #tpu.memory_space<vmem>>)
      %dma_wait3A_179 = arith.constant 0 : i32
      %dma_wait3A_180 = tpu.memref_slice %arg10[%mul3A_160, %dma_wait3A_179] : memref<125x80xi32, #tpu.memory_space<vmem>> -> memref<1x80xi32, #tpu.memory_space<vmem>>
      %dma_wait3A_181 = tpu.memref_squeeze %dma_wait3A_180 : memref<1x80xi32, #tpu.memory_space<vmem>> -> memref<80xi32, #tpu.memory_space<vmem>>
      %dma_wait3A_182 = arith.constant 0 : i32
      %dma_wait3A_183 = arith.constant 0 : i32
      %dma_wait3A_184 = tpu.memref_slice %arg3[%dma_wait3A_182, %dma_wait3A_183] : memref<10000x128xf32, #tpu.memory_space<hbm>> -> memref<10000x128xf32, #tpu.memory_space<hbm>>
      tpu.wait_indirect_dma semaphore(%arg20 : memref<!tpu.dma_semaphore, #tpu.memory_space<semaphore_mem>>) src(%dma_wait3A_184 : memref<10000x128xf32, #tpu.memory_space<hbm>>) dst(%arg15 : memref<80x128xf32, #tpu.memory_space<vmem>>)
      %mul3A_185 = arith.constant 80 : i32
      %mul3A_186 = arith.muli %mul3A_160, %mul3A_185 : i32
      %add3A_187 = arith.addi %mul3A_2, %mul3A_186 : i32
      %multiple_of3A_188 = tpu.assume_multiple %add3A_187, 80 : i32
      %dma_start3A_189 = arith.constant 0 : i32
      %dma_start3A_190 = tpu.memref_slice %arg6[%multiple_of3A_188, %dma_start3A_189] : memref<320000x128xf32, #tpu.memory_space<hbm>> -> memref<80x128xf32, #tpu.memory_space<hbm>>
      %dma_start3A_191 = arith.constant 0 : i32
      %dma_start3A_192 = tpu.memref_slice %arg6[%multiple_of3A_188, %dma_start3A_191] : memref<320000x128xf32, #tpu.memory_space<hbm>> -> memref<80x128xf32, #tpu.memory_space<hbm>>
      tpu.enqueue_dma source(%arg12 : memref<80x128xf32, #tpu.memory_space<vmem>>) target(%dma_start3A_192 : memref<80x128xf32, #tpu.memory_space<hbm>>) target_semaphore(%arg22 : memref<!tpu.dma_semaphore, #tpu.memory_space<semaphore_mem>>)
      %dma_start3A_193 = arith.constant 0 : i32
      %dma_start3A_194 = tpu.memref_slice %arg7[%multiple_of3A_188, %dma_start3A_193] : memref<320000x128xf32, #tpu.memory_space<hbm>> -> memref<80x128xf32, #tpu.memory_space<hbm>>
      %dma_start3A_195 = arith.constant 0 : i32
      %dma_start3A_196 = tpu.memref_slice %arg7[%multiple_of3A_188, %dma_start3A_195] : memref<320000x128xf32, #tpu.memory_space<hbm>> -> memref<80x128xf32, #tpu.memory_space<hbm>>
      tpu.enqueue_dma source(%arg13 : memref<80x128xf32, #tpu.memory_space<vmem>>) target(%dma_start3A_196 : memref<80x128xf32, #tpu.memory_space<hbm>>) target_semaphore(%arg22 : memref<!tpu.dma_semaphore, #tpu.memory_space<semaphore_mem>>)
      %dma_start3A_197 = arith.constant 0 : i32
      %dma_start3A_198 = tpu.memref_slice %arg8[%multiple_of3A_188, %dma_start3A_197] : memref<320000x128xf32, #tpu.memory_space<hbm>> -> memref<80x128xf32, #tpu.memory_space<hbm>>
      %dma_start3A_199 = arith.constant 0 : i32
      %dma_start3A_200 = tpu.memref_slice %arg8[%multiple_of3A_188, %dma_start3A_199] : memref<320000x128xf32, #tpu.memory_space<hbm>> -> memref<80x128xf32, #tpu.memory_space<hbm>>
      tpu.enqueue_dma source(%arg14 : memref<80x128xf32, #tpu.memory_space<vmem>>) target(%dma_start3A_200 : memref<80x128xf32, #tpu.memory_space<hbm>>) target_semaphore(%arg22 : memref<!tpu.dma_semaphore, #tpu.memory_space<semaphore_mem>>)
      %dma_start3A_201 = arith.constant 0 : i32
      %dma_start3A_202 = tpu.memref_slice %arg9[%multiple_of3A_188, %dma_start3A_201] : memref<320000x128xf32, #tpu.memory_space<hbm>> -> memref<80x128xf32, #tpu.memory_space<hbm>>
      %dma_start3A_203 = arith.constant 0 : i32
      %dma_start3A_204 = tpu.memref_slice %arg9[%multiple_of3A_188, %dma_start3A_203] : memref<320000x128xf32, #tpu.memory_space<hbm>> -> memref<80x128xf32, #tpu.memory_space<hbm>>
      tpu.enqueue_dma source(%arg15 : memref<80x128xf32, #tpu.memory_space<vmem>>) target(%dma_start3A_204 : memref<80x128xf32, #tpu.memory_space<hbm>>) target_semaphore(%arg22 : memref<!tpu.dma_semaphore, #tpu.memory_space<semaphore_mem>>)
      %add3A_205 = arith.constant 1 : i32
      %add3A_206 = arith.addi %mul3A_160, %add3A_205 : i32
      %dma_wait3A_207 = arith.constant 0 : i32
      %dma_wait3A_208 = tpu.memref_slice %arg11[%add3A_206, %dma_wait3A_207] : memref<125x80xi32, #tpu.memory_space<vmem>> -> memref<1x80xi32, #tpu.memory_space<vmem>>
      %dma_wait3A_209 = tpu.memref_squeeze %dma_wait3A_208 : memref<1x80xi32, #tpu.memory_space<vmem>> -> memref<80xi32, #tpu.memory_space<vmem>>
      %dma_wait3A_210 = arith.constant 0 : i32
      %dma_wait3A_211 = arith.constant 0 : i32
      %dma_wait3A_212 = tpu.memref_slice %arg2[%dma_wait3A_210, %dma_wait3A_211] : memref<10000x128xf32, #tpu.memory_space<hbm>> -> memref<10000x128xf32, #tpu.memory_space<hbm>>
      tpu.wait_indirect_dma semaphore(%arg21 : memref<!tpu.dma_semaphore, #tpu.memory_space<semaphore_mem>>) src(%dma_wait3A_212 : memref<10000x128xf32, #tpu.memory_space<hbm>>) dst(%arg16 : memref<80x128xf32, #tpu.memory_space<vmem>>)
      %dma_wait3A_213 = arith.constant 0 : i32
      %dma_wait3A_214 = tpu.memref_slice %arg10[%add3A_206, %dma_wait3A_213] : memref<125x80xi32, #tpu.memory_space<vmem>> -> memref<1x80xi32, #tpu.memory_space<vmem>>
      %dma_wait3A_215 = tpu.memref_squeeze %dma_wait3A_214 : memref<1x80xi32, #tpu.memory_space<vmem>> -> memref<80xi32, #tpu.memory_space<vmem>>
      %dma_wait3A_216 = arith.constant 0 : i32
      %dma_wait3A_217 = arith.constant 0 : i32
      %dma_wait3A_218 = tpu.memref_slice %arg2[%dma_wait3A_216, %dma_wait3A_217] : memref<10000x128xf32, #tpu.memory_space<hbm>> -> memref<10000x128xf32, #tpu.memory_space<hbm>>
      tpu.wait_indirect_dma semaphore(%arg21 : memref<!tpu.dma_semaphore, #tpu.memory_space<semaphore_mem>>) src(%dma_wait3A_218 : memref<10000x128xf32, #tpu.memory_space<hbm>>) dst(%arg17 : memref<80x128xf32, #tpu.memory_space<vmem>>)
      %dma_wait3A_219 = arith.constant 0 : i32
      %dma_wait3A_220 = tpu.memref_slice %arg11[%add3A_206, %dma_wait3A_219] : memref<125x80xi32, #tpu.memory_space<vmem>> -> memref<1x80xi32, #tpu.memory_space<vmem>>
      %dma_wait3A_221 = tpu.memref_squeeze %dma_wait3A_220 : memref<1x80xi32, #tpu.memory_space<vmem>> -> memref<80xi32, #tpu.memory_space<vmem>>
      %dma_wait3A_222 = arith.constant 0 : i32
      %dma_wait3A_223 = arith.constant 0 : i32
      %dma_wait3A_224 = tpu.memref_slice %arg3[%dma_wait3A_222, %dma_wait3A_223] : memref<10000x128xf32, #tpu.memory_space<hbm>> -> memref<10000x128xf32, #tpu.memory_space<hbm>>
      tpu.wait_indirect_dma semaphore(%arg21 : memref<!tpu.dma_semaphore, #tpu.memory_space<semaphore_mem>>) src(%dma_wait3A_224 : memref<10000x128xf32, #tpu.memory_space<hbm>>) dst(%arg18 : memref<80x128xf32, #tpu.memory_space<vmem>>)
      %dma_wait3A_225 = arith.constant 0 : i32
      %dma_wait3A_226 = tpu.memref_slice %arg10[%add3A_206, %dma_wait3A_225] : memref<125x80xi32, #tpu.memory_space<vmem>> -> memref<1x80xi32, #tpu.memory_space<vmem>>
      %dma_wait3A_227 = tpu.memref_squeeze %dma_wait3A_226 : memref<1x80xi32, #tpu.memory_space<vmem>> -> memref<80xi32, #tpu.memory_space<vmem>>
      %dma_wait3A_228 = arith.constant 0 : i32
      %dma_wait3A_229 = arith.constant 0 : i32
      %dma_wait3A_230 = tpu.memref_slice %arg3[%dma_wait3A_228, %dma_wait3A_229] : memref<10000x128xf32, #tpu.memory_space<hbm>> -> memref<10000x128xf32, #tpu.memory_space<hbm>>
      tpu.wait_indirect_dma semaphore(%arg21 : memref<!tpu.dma_semaphore, #tpu.memory_space<semaphore_mem>>) src(%dma_wait3A_230 : memref<10000x128xf32, #tpu.memory_space<hbm>>) dst(%arg19 : memref<80x128xf32, #tpu.memory_space<vmem>>)
      %add3A_231 = arith.constant 1 : i32
      %add3A_232 = arith.addi %mul3A_160, %add3A_231 : i32
      %mul3A_233 = arith.constant 80 : i32
      %mul3A_234 = arith.muli %add3A_232, %mul3A_233 : i32
      %add3A_235 = arith.addi %mul3A_2, %mul3A_234 : i32
      %multiple_of3A_236 = tpu.assume_multiple %add3A_235, 80 : i32
      %dma_start3A_237 = arith.constant 0 : i32
      %dma_start3A_238 = tpu.memref_slice %arg6[%multiple_of3A_236, %dma_start3A_237] : memref<320000x128xf32, #tpu.memory_space<hbm>> -> memref<80x128xf32, #tpu.memory_space<hbm>>
      %dma_start3A_239 = arith.constant 0 : i32
      %dma_start3A_240 = tpu.memref_slice %arg6[%multiple_of3A_236, %dma_start3A_239] : memref<320000x128xf32, #tpu.memory_space<hbm>> -> memref<80x128xf32, #tpu.memory_space<hbm>>
      tpu.enqueue_dma source(%arg16 : memref<80x128xf32, #tpu.memory_space<vmem>>) target(%dma_start3A_240 : memref<80x128xf32, #tpu.memory_space<hbm>>) target_semaphore(%arg23 : memref<!tpu.dma_semaphore, #tpu.memory_space<semaphore_mem>>)
      %dma_start3A_241 = arith.constant 0 : i32
      %dma_start3A_242 = tpu.memref_slice %arg7[%multiple_of3A_236, %dma_start3A_241] : memref<320000x128xf32, #tpu.memory_space<hbm>> -> memref<80x128xf32, #tpu.memory_space<hbm>>
      %dma_start3A_243 = arith.constant 0 : i32
      %dma_start3A_244 = tpu.memref_slice %arg7[%multiple_of3A_236, %dma_start3A_243] : memref<320000x128xf32, #tpu.memory_space<hbm>> -> memref<80x128xf32, #tpu.memory_space<hbm>>
      tpu.enqueue_dma source(%arg17 : memref<80x128xf32, #tpu.memory_space<vmem>>) target(%dma_start3A_244 : memref<80x128xf32, #tpu.memory_space<hbm>>) target_semaphore(%arg23 : memref<!tpu.dma_semaphore, #tpu.memory_space<semaphore_mem>>)
      %dma_start3A_245 = arith.constant 0 : i32
      %dma_start3A_246 = tpu.memref_slice %arg8[%multiple_of3A_236, %dma_start3A_245] : memref<320000x128xf32, #tpu.memory_space<hbm>> -> memref<80x128xf32, #tpu.memory_space<hbm>>
      %dma_start3A_247 = arith.constant 0 : i32
      %dma_start3A_248 = tpu.memref_slice %arg8[%multiple_of3A_236, %dma_start3A_247] : memref<320000x128xf32, #tpu.memory_space<hbm>> -> memref<80x128xf32, #tpu.memory_space<hbm>>
      tpu.enqueue_dma source(%arg18 : memref<80x128xf32, #tpu.memory_space<vmem>>) target(%dma_start3A_248 : memref<80x128xf32, #tpu.memory_space<hbm>>) target_semaphore(%arg23 : memref<!tpu.dma_semaphore, #tpu.memory_space<semaphore_mem>>)
      %dma_start3A_249 = arith.constant 0 : i32
      %dma_start3A_250 = tpu.memref_slice %arg9[%multiple_of3A_236, %dma_start3A_249] : memref<320000x128xf32, #tpu.memory_space<hbm>> -> memref<80x128xf32, #tpu.memory_space<hbm>>
      %dma_start3A_251 = arith.constant 0 : i32
      %dma_start3A_252 = tpu.memref_slice %arg9[%multiple_of3A_236, %dma_start3A_251] : memref<320000x128xf32, #tpu.memory_space<hbm>> -> memref<80x128xf32, #tpu.memory_space<hbm>>
      tpu.enqueue_dma source(%arg19 : memref<80x128xf32, #tpu.memory_space<vmem>>) target(%dma_start3A_252 : memref<80x128xf32, #tpu.memory_space<hbm>>) target_semaphore(%arg23 : memref<!tpu.dma_semaphore, #tpu.memory_space<semaphore_mem>>)
      %mul3A_253 = arith.constant 80 : i32
      %mul3A_254 = arith.muli %mul3A_160, %mul3A_253 : i32
      %add3A_255 = arith.addi %mul3A_2, %mul3A_254 : i32
      %multiple_of3A_256 = tpu.assume_multiple %add3A_255, 80 : i32
      %dma_wait3A_257 = arith.constant 0 : i32
      %dma_wait3A_258 = tpu.memref_slice %arg6[%multiple_of3A_256, %dma_wait3A_257] : memref<320000x128xf32, #tpu.memory_space<hbm>> -> memref<80x128xf32, #tpu.memory_space<hbm>>
      %dma_wait3A_259 = arith.constant 0 : i32
      %dma_wait3A_260 = tpu.memref_slice %arg6[%multiple_of3A_256, %dma_wait3A_259] : memref<320000x128xf32, #tpu.memory_space<hbm>> -> memref<80x128xf32, #tpu.memory_space<hbm>>
      tpu.wait_dma2 semaphore(%arg22 : memref<!tpu.dma_semaphore, #tpu.memory_space<semaphore_mem>>) src(%arg12 : memref<80x128xf32, #tpu.memory_space<vmem>>) dst(%dma_wait3A_260 : memref<80x128xf32, #tpu.memory_space<hbm>>)
      %dma_wait3A_261 = arith.constant 0 : i32
      %dma_wait3A_262 = tpu.memref_slice %arg7[%multiple_of3A_256, %dma_wait3A_261] : memref<320000x128xf32, #tpu.memory_space<hbm>> -> memref<80x128xf32, #tpu.memory_space<hbm>>
      %dma_wait3A_263 = arith.constant 0 : i32
      %dma_wait3A_264 = tpu.memref_slice %arg7[%multiple_of3A_256, %dma_wait3A_263] : memref<320000x128xf32, #tpu.memory_space<hbm>> -> memref<80x128xf32, #tpu.memory_space<hbm>>
      tpu.wait_dma2 semaphore(%arg22 : memref<!tpu.dma_semaphore, #tpu.memory_space<semaphore_mem>>) src(%arg13 : memref<80x128xf32, #tpu.memory_space<vmem>>) dst(%dma_wait3A_264 : memref<80x128xf32, #tpu.memory_space<hbm>>)
      %dma_wait3A_265 = arith.constant 0 : i32
      %dma_wait3A_266 = tpu.memref_slice %arg8[%multiple_of3A_256, %dma_wait3A_265] : memref<320000x128xf32, #tpu.memory_space<hbm>> -> memref<80x128xf32, #tpu.memory_space<hbm>>
      %dma_wait3A_267 = arith.constant 0 : i32
      %dma_wait3A_268 = tpu.memref_slice %arg8[%multiple_of3A_256, %dma_wait3A_267] : memref<320000x128xf32, #tpu.memory_space<hbm>> -> memref<80x128xf32, #tpu.memory_space<hbm>>
      tpu.wait_dma2 semaphore(%arg22 : memref<!tpu.dma_semaphore, #tpu.memory_space<semaphore_mem>>) src(%arg14 : memref<80x128xf32, #tpu.memory_space<vmem>>) dst(%dma_wait3A_268 : memref<80x128xf32, #tpu.memory_space<hbm>>)
      %dma_wait3A_269 = arith.constant 0 : i32
      %dma_wait3A_270 = tpu.memref_slice %arg9[%multiple_of3A_256, %dma_wait3A_269] : memref<320000x128xf32, #tpu.memory_space<hbm>> -> memref<80x128xf32, #tpu.memory_space<hbm>>
      %dma_wait3A_271 = arith.constant 0 : i32
      %dma_wait3A_272 = tpu.memref_slice %arg9[%multiple_of3A_256, %dma_wait3A_271] : memref<320000x128xf32, #tpu.memory_space<hbm>> -> memref<80x128xf32, #tpu.memory_space<hbm>>
      tpu.wait_dma2 semaphore(%arg22 : memref<!tpu.dma_semaphore, #tpu.memory_space<semaphore_mem>>) src(%arg15 : memref<80x128xf32, #tpu.memory_space<vmem>>) dst(%dma_wait3A_272 : memref<80x128xf32, #tpu.memory_space<hbm>>)
      %add3A_273 = arith.constant 2 : i32
      %add3A_274 = arith.addi %mul3A_160, %add3A_273 : i32
      %dma_start3A_275 = arith.constant 0 : i32
      %dma_start3A_276 = tpu.memref_slice %arg11[%add3A_274, %dma_start3A_275] : memref<125x80xi32, #tpu.memory_space<vmem>> -> memref<1x80xi32, #tpu.memory_space<vmem>>
      %dma_start3A_277 = tpu.memref_squeeze %dma_start3A_276 : memref<1x80xi32, #tpu.memory_space<vmem>> -> memref<80xi32, #tpu.memory_space<vmem>>
      %dma_start3A_278 = arith.constant 0 : i32
      %dma_start3A_279 = arith.constant 0 : i32
      %dma_start3A_280 = tpu.memref_slice %arg2[%dma_start3A_278, %dma_start3A_279] : memref<10000x128xf32, #tpu.memory_space<hbm>> -> memref<10000x128xf32, #tpu.memory_space<hbm>>
      tpu.enqueue_indirect_dma source(%dma_start3A_280 : memref<10000x128xf32, #tpu.memory_space<hbm>>) target(%arg12 : memref<80x128xf32, #tpu.memory_space<vmem>>) offsets(%dma_start3A_277 : memref<80xi32, #tpu.memory_space<vmem>>) semaphore(%arg20 : memref<!tpu.dma_semaphore, #tpu.memory_space<semaphore_mem>>)
      %dma_start3A_281 = arith.constant 0 : i32
      %dma_start3A_282 = tpu.memref_slice %arg10[%add3A_274, %dma_start3A_281] : memref<125x80xi32, #tpu.memory_space<vmem>> -> memref<1x80xi32, #tpu.memory_space<vmem>>
      %dma_start3A_283 = tpu.memref_squeeze %dma_start3A_282 : memref<1x80xi32, #tpu.memory_space<vmem>> -> memref<80xi32, #tpu.memory_space<vmem>>
      %dma_start3A_284 = arith.constant 0 : i32
      %dma_start3A_285 = arith.constant 0 : i32
      %dma_start3A_286 = tpu.memref_slice %arg2[%dma_start3A_284, %dma_start3A_285] : memref<10000x128xf32, #tpu.memory_space<hbm>> -> memref<10000x128xf32, #tpu.memory_space<hbm>>
      tpu.enqueue_indirect_dma source(%dma_start3A_286 : memref<10000x128xf32, #tpu.memory_space<hbm>>) target(%arg13 : memref<80x128xf32, #tpu.memory_space<vmem>>) offsets(%dma_start3A_283 : memref<80xi32, #tpu.memory_space<vmem>>) semaphore(%arg20 : memref<!tpu.dma_semaphore, #tpu.memory_space<semaphore_mem>>)
      %dma_start3A_287 = arith.constant 0 : i32
      %dma_start3A_288 = tpu.memref_slice %arg11[%add3A_274, %dma_start3A_287] : memref<125x80xi32, #tpu.memory_space<vmem>> -> memref<1x80xi32, #tpu.memory_space<vmem>>
      %dma_start3A_289 = tpu.memref_squeeze %dma_start3A_288 : memref<1x80xi32, #tpu.memory_space<vmem>> -> memref<80xi32, #tpu.memory_space<vmem>>
      %dma_start3A_290 = arith.constant 0 : i32
      %dma_start3A_291 = arith.constant 0 : i32
      %dma_start3A_292 = tpu.memref_slice %arg3[%dma_start3A_290, %dma_start3A_291] : memref<10000x128xf32, #tpu.memory_space<hbm>> -> memref<10000x128xf32, #tpu.memory_space<hbm>>
      tpu.enqueue_indirect_dma source(%dma_start3A_292 : memref<10000x128xf32, #tpu.memory_space<hbm>>) target(%arg14 : memref<80x128xf32, #tpu.memory_space<vmem>>) offsets(%dma_start3A_289 : memref<80xi32, #tpu.memory_space<vmem>>) semaphore(%arg20 : memref<!tpu.dma_semaphore, #tpu.memory_space<semaphore_mem>>)
      %dma_start3A_293 = arith.constant 0 : i32
      %dma_start3A_294 = tpu.memref_slice %arg10[%add3A_274, %dma_start3A_293] : memref<125x80xi32, #tpu.memory_space<vmem>> -> memref<1x80xi32, #tpu.memory_space<vmem>>
      %dma_start3A_295 = tpu.memref_squeeze %dma_start3A_294 : memref<1x80xi32, #tpu.memory_space<vmem>> -> memref<80xi32, #tpu.memory_space<vmem>>
      %dma_start3A_296 = arith.constant 0 : i32
      %dma_start3A_297 = arith.constant 0 : i32
      %dma_start3A_298 = tpu.memref_slice %arg3[%dma_start3A_296, %dma_start3A_297] : memref<10000x128xf32, #tpu.memory_space<hbm>> -> memref<10000x128xf32, #tpu.memory_space<hbm>>
      tpu.enqueue_indirect_dma source(%dma_start3A_298 : memref<10000x128xf32, #tpu.memory_space<hbm>>) target(%arg15 : memref<80x128xf32, #tpu.memory_space<vmem>>) offsets(%dma_start3A_295 : memref<80xi32, #tpu.memory_space<vmem>>) semaphore(%arg20 : memref<!tpu.dma_semaphore, #tpu.memory_space<semaphore_mem>>)
      %add3A_299 = arith.constant 3 : i32
      %add3A_300 = arith.addi %mul3A_160, %add3A_299 : i32
      %lt3A = arith.constant 125 : i32
      %lt3A_301 = arith.cmpi slt, %add3A_300, %lt3A : i32
      %convert_element_type3A = arith.extui %lt3A_301 : i1 to i32
      %cond3A = arith.constant 0 : i32
      %cond3A_302 = arith.cmpi ne, %convert_element_type3A, %cond3A : i32
      scf.if %cond3A_302 {
        %add3A_303 = arith.constant 1 : i32
        %add3A_304 = arith.addi %mul3A_160, %add3A_303 : i32
        %mul3A_305 = arith.constant 80 : i32
        %mul3A_306 = arith.muli %add3A_304, %mul3A_305 : i32
        %add3A_307 = arith.addi %mul3A_2, %mul3A_306 : i32
        %multiple_of3A_308 = tpu.assume_multiple %add3A_307, 80 : i32
        %dma_wait3A_309 = arith.constant 0 : i32
        %dma_wait3A_310 = tpu.memref_slice %arg6[%multiple_of3A_308, %dma_wait3A_309] : memref<320000x128xf32, #tpu.memory_space<hbm>> -> memref<80x128xf32, #tpu.memory_space<hbm>>
        %dma_wait3A_311 = arith.constant 0 : i32
        %dma_wait3A_312 = tpu.memref_slice %arg6[%multiple_of3A_308, %dma_wait3A_311] : memref<320000x128xf32, #tpu.memory_space<hbm>> -> memref<80x128xf32, #tpu.memory_space<hbm>>
        tpu.wait_dma2 semaphore(%arg23 : memref<!tpu.dma_semaphore, #tpu.memory_space<semaphore_mem>>) src(%arg16 : memref<80x128xf32, #tpu.memory_space<vmem>>) dst(%dma_wait3A_312 : memref<80x128xf32, #tpu.memory_space<hbm>>)
        %dma_wait3A_313 = arith.constant 0 : i32
        %dma_wait3A_314 = tpu.memref_slice %arg7[%multiple_of3A_308, %dma_wait3A_313] : memref<320000x128xf32, #tpu.memory_space<hbm>> -> memref<80x128xf32, #tpu.memory_space<hbm>>
        %dma_wait3A_315 = arith.constant 0 : i32
        %dma_wait3A_316 = tpu.memref_slice %arg7[%multiple_of3A_308, %dma_wait3A_315] : memref<320000x128xf32, #tpu.memory_space<hbm>> -> memref<80x128xf32, #tpu.memory_space<hbm>>
        tpu.wait_dma2 semaphore(%arg23 : memref<!tpu.dma_semaphore, #tpu.memory_space<semaphore_mem>>) src(%arg17 : memref<80x128xf32, #tpu.memory_space<vmem>>) dst(%dma_wait3A_316 : memref<80x128xf32, #tpu.memory_space<hbm>>)
        %dma_wait3A_317 = arith.constant 0 : i32
        %dma_wait3A_318 = tpu.memref_slice %arg8[%multiple_of3A_308, %dma_wait3A_317] : memref<320000x128xf32, #tpu.memory_space<hbm>> -> memref<80x128xf32, #tpu.memory_space<hbm>>
        %dma_wait3A_319 = arith.constant 0 : i32
        %dma_wait3A_320 = tpu.memref_slice %arg8[%multiple_of3A_308, %dma_wait3A_319] : memref<320000x128xf32, #tpu.memory_space<hbm>> -> memref<80x128xf32, #tpu.memory_space<hbm>>
        tpu.wait_dma2 semaphore(%arg23 : memref<!tpu.dma_semaphore, #tpu.memory_space<semaphore_mem>>) src(%arg18 : memref<80x128xf32, #tpu.memory_space<vmem>>) dst(%dma_wait3A_320 : memref<80x128xf32, #tpu.memory_space<hbm>>)
        %dma_wait3A_321 = arith.constant 0 : i32
        %dma_wait3A_322 = tpu.memref_slice %arg9[%multiple_of3A_308, %dma_wait3A_321] : memref<320000x128xf32, #tpu.memory_space<hbm>> -> memref<80x128xf32, #tpu.memory_space<hbm>>
        %dma_wait3A_323 = arith.constant 0 : i32
        %dma_wait3A_324 = tpu.memref_slice %arg9[%multiple_of3A_308, %dma_wait3A_323] : memref<320000x128xf32, #tpu.memory_space<hbm>> -> memref<80x128xf32, #tpu.memory_space<hbm>>
        tpu.wait_dma2 semaphore(%arg23 : memref<!tpu.dma_semaphore, #tpu.memory_space<semaphore_mem>>) src(%arg19 : memref<80x128xf32, #tpu.memory_space<vmem>>) dst(%dma_wait3A_324 : memref<80x128xf32, #tpu.memory_space<hbm>>)
        %add3A_325 = arith.constant 3 : i32
        %add3A_326 = arith.addi %mul3A_160, %add3A_325 : i32
        %dma_start3A_327 = arith.constant 0 : i32
        %dma_start3A_328 = tpu.memref_slice %arg11[%add3A_326, %dma_start3A_327] : memref<125x80xi32, #tpu.memory_space<vmem>> -> memref<1x80xi32, #tpu.memory_space<vmem>>
        %dma_start3A_329 = tpu.memref_squeeze %dma_start3A_328 : memref<1x80xi32, #tpu.memory_space<vmem>> -> memref<80xi32, #tpu.memory_space<vmem>>
        %dma_start3A_330 = arith.constant 0 : i32
        %dma_start3A_331 = arith.constant 0 : i32
        %dma_start3A_332 = tpu.memref_slice %arg2[%dma_start3A_330, %dma_start3A_331] : memref<10000x128xf32, #tpu.memory_space<hbm>> -> memref<10000x128xf32, #tpu.memory_space<hbm>>
        tpu.enqueue_indirect_dma source(%dma_start3A_332 : memref<10000x128xf32, #tpu.memory_space<hbm>>) target(%arg16 : memref<80x128xf32, #tpu.memory_space<vmem>>) offsets(%dma_start3A_329 : memref<80xi32, #tpu.memory_space<vmem>>) semaphore(%arg21 : memref<!tpu.dma_semaphore, #tpu.memory_space<semaphore_mem>>)
        %dma_start3A_333 = arith.constant 0 : i32
        %dma_start3A_334 = tpu.memref_slice %arg10[%add3A_326, %dma_start3A_333] : memref<125x80xi32, #tpu.memory_space<vmem>> -> memref<1x80xi32, #tpu.memory_space<vmem>>
        %dma_start3A_335 = tpu.memref_squeeze %dma_start3A_334 : memref<1x80xi32, #tpu.memory_space<vmem>> -> memref<80xi32, #tpu.memory_space<vmem>>
        %dma_start3A_336 = arith.constant 0 : i32
        %dma_start3A_337 = arith.constant 0 : i32
        %dma_start3A_338 = tpu.memref_slice %arg2[%dma_start3A_336, %dma_start3A_337] : memref<10000x128xf32, #tpu.memory_space<hbm>> -> memref<10000x128xf32, #tpu.memory_space<hbm>>
        tpu.enqueue_indirect_dma source(%dma_start3A_338 : memref<10000x128xf32, #tpu.memory_space<hbm>>) target(%arg17 : memref<80x128xf32, #tpu.memory_space<vmem>>) offsets(%dma_start3A_335 : memref<80xi32, #tpu.memory_space<vmem>>) semaphore(%arg21 : memref<!tpu.dma_semaphore, #tpu.memory_space<semaphore_mem>>)
        %dma_start3A_339 = arith.constant 0 : i32
        %dma_start3A_340 = tpu.memref_slice %arg11[%add3A_326, %dma_start3A_339] : memref<125x80xi32, #tpu.memory_space<vmem>> -> memref<1x80xi32, #tpu.memory_space<vmem>>
        %dma_start3A_341 = tpu.memref_squeeze %dma_start3A_340 : memref<1x80xi32, #tpu.memory_space<vmem>> -> memref<80xi32, #tpu.memory_space<vmem>>
        %dma_start3A_342 = arith.constant 0 : i32
        %dma_start3A_343 = arith.constant 0 : i32
        %dma_start3A_344 = tpu.memref_slice %arg3[%dma_start3A_342, %dma_start3A_343] : memref<10000x128xf32, #tpu.memory_space<hbm>> -> memref<10000x128xf32, #tpu.memory_space<hbm>>
        tpu.enqueue_indirect_dma source(%dma_start3A_344 : memref<10000x128xf32, #tpu.memory_space<hbm>>) target(%arg18 : memref<80x128xf32, #tpu.memory_space<vmem>>) offsets(%dma_start3A_341 : memref<80xi32, #tpu.memory_space<vmem>>) semaphore(%arg21 : memref<!tpu.dma_semaphore, #tpu.memory_space<semaphore_mem>>)
        %dma_start3A_345 = arith.constant 0 : i32
        %dma_start3A_346 = tpu.memref_slice %arg10[%add3A_326, %dma_start3A_345] : memref<125x80xi32, #tpu.memory_space<vmem>> -> memref<1x80xi32, #tpu.memory_space<vmem>>
        %dma_start3A_347 = tpu.memref_squeeze %dma_start3A_346 : memref<1x80xi32, #tpu.memory_space<vmem>> -> memref<80xi32, #tpu.memory_space<vmem>>
        %dma_start3A_348 = arith.constant 0 : i32
        %dma_start3A_349 = arith.constant 0 : i32
        %dma_start3A_350 = tpu.memref_slice %arg3[%dma_start3A_348, %dma_start3A_349] : memref<10000x128xf32, #tpu.memory_space<hbm>> -> memref<10000x128xf32, #tpu.memory_space<hbm>>
        tpu.enqueue_indirect_dma source(%dma_start3A_350 : memref<10000x128xf32, #tpu.memory_space<hbm>>) target(%arg19 : memref<80x128xf32, #tpu.memory_space<vmem>>) offsets(%dma_start3A_347 : memref<80xi32, #tpu.memory_space<vmem>>) semaphore(%arg21 : memref<!tpu.dma_semaphore, #tpu.memory_space<semaphore_mem>>)
      } else {
      }
    }
    %scan3A_74 = arith.constant 62 : i32
    %add3A_75 = arith.constant 9840 : i32
    %add3A_76 = arith.addi %mul3A_2, %add3A_75 : i32
    %multiple_of3A = tpu.assume_multiple %add3A_76, 80 : i32
    %dma_wait3A = arith.constant 0 : i32
    %dma_wait3A_77 = tpu.memref_slice %arg6[%multiple_of3A, %dma_wait3A] : memref<320000x128xf32, #tpu.memory_space<hbm>> -> memref<80x128xf32, #tpu.memory_space<hbm>>
    %dma_wait3A_78 = arith.constant 0 : i32
    %dma_wait3A_79 = tpu.memref_slice %arg6[%multiple_of3A, %dma_wait3A_78] : memref<320000x128xf32, #tpu.memory_space<hbm>> -> memref<80x128xf32, #tpu.memory_space<hbm>>
    tpu.wait_dma2 semaphore(%arg23 : memref<!tpu.dma_semaphore, #tpu.memory_space<semaphore_mem>>) src(%arg16 : memref<80x128xf32, #tpu.memory_space<vmem>>) dst(%dma_wait3A_79 : memref<80x128xf32, #tpu.memory_space<hbm>>)
    %dma_wait3A_80 = arith.constant 0 : i32
    %dma_wait3A_81 = tpu.memref_slice %arg7[%multiple_of3A, %dma_wait3A_80] : memref<320000x128xf32, #tpu.memory_space<hbm>> -> memref<80x128xf32, #tpu.memory_space<hbm>>
    %dma_wait3A_82 = arith.constant 0 : i32
    %dma_wait3A_83 = tpu.memref_slice %arg7[%multiple_of3A, %dma_wait3A_82] : memref<320000x128xf32, #tpu.memory_space<hbm>> -> memref<80x128xf32, #tpu.memory_space<hbm>>
    tpu.wait_dma2 semaphore(%arg23 : memref<!tpu.dma_semaphore, #tpu.memory_space<semaphore_mem>>) src(%arg17 : memref<80x128xf32, #tpu.memory_space<vmem>>) dst(%dma_wait3A_83 : memref<80x128xf32, #tpu.memory_space<hbm>>)
    %dma_wait3A_84 = arith.constant 0 : i32
    %dma_wait3A_85 = tpu.memref_slice %arg8[%multiple_of3A, %dma_wait3A_84] : memref<320000x128xf32, #tpu.memory_space<hbm>> -> memref<80x128xf32, #tpu.memory_space<hbm>>
    %dma_wait3A_86 = arith.constant 0 : i32
    %dma_wait3A_87 = tpu.memref_slice %arg8[%multiple_of3A, %dma_wait3A_86] : memref<320000x128xf32, #tpu.memory_space<hbm>> -> memref<80x128xf32, #tpu.memory_space<hbm>>
    tpu.wait_dma2 semaphore(%arg23 : memref<!tpu.dma_semaphore, #tpu.memory_space<semaphore_mem>>) src(%arg18 : memref<80x128xf32, #tpu.memory_space<vmem>>) dst(%dma_wait3A_87 : memref<80x128xf32, #tpu.memory_space<hbm>>)
    %dma_wait3A_88 = arith.constant 0 : i32
    %dma_wait3A_89 = tpu.memref_slice %arg9[%multiple_of3A, %dma_wait3A_88] : memref<320000x128xf32, #tpu.memory_space<hbm>> -> memref<80x128xf32, #tpu.memory_space<hbm>>
    %dma_wait3A_90 = arith.constant 0 : i32
    %dma_wait3A_91 = tpu.memref_slice %arg9[%multiple_of3A, %dma_wait3A_90] : memref<320000x128xf32, #tpu.memory_space<hbm>> -> memref<80x128xf32, #tpu.memory_space<hbm>>
    tpu.wait_dma2 semaphore(%arg23 : memref<!tpu.dma_semaphore, #tpu.memory_space<semaphore_mem>>) src(%arg19 : memref<80x128xf32, #tpu.memory_space<vmem>>) dst(%dma_wait3A_91 : memref<80x128xf32, #tpu.memory_space<hbm>>)
    %dma_wait3A_92 = arith.constant 124 : i32
    %dma_wait3A_93 = arith.constant 0 : i32
    %dma_wait3A_94 = tpu.memref_slice %arg11[%dma_wait3A_92, %dma_wait3A_93] : memref<125x80xi32, #tpu.memory_space<vmem>> -> memref<1x80xi32, #tpu.memory_space<vmem>>
    %dma_wait3A_95 = tpu.memref_squeeze %dma_wait3A_94 : memref<1x80xi32, #tpu.memory_space<vmem>> -> memref<80xi32, #tpu.memory_space<vmem>>
    %dma_wait3A_96 = arith.constant 0 : i32
    %dma_wait3A_97 = arith.constant 0 : i32
    %dma_wait3A_98 = tpu.memref_slice %arg2[%dma_wait3A_96, %dma_wait3A_97] : memref<10000x128xf32, #tpu.memory_space<hbm>> -> memref<10000x128xf32, #tpu.memory_space<hbm>>
    tpu.wait_indirect_dma semaphore(%arg20 : memref<!tpu.dma_semaphore, #tpu.memory_space<semaphore_mem>>) src(%dma_wait3A_98 : memref<10000x128xf32, #tpu.memory_space<hbm>>) dst(%arg12 : memref<80x128xf32, #tpu.memory_space<vmem>>)
    %dma_wait3A_99 = arith.constant 124 : i32
    %dma_wait3A_100 = arith.constant 0 : i32
    %dma_wait3A_101 = tpu.memref_slice %arg10[%dma_wait3A_99, %dma_wait3A_100] : memref<125x80xi32, #tpu.memory_space<vmem>> -> memref<1x80xi32, #tpu.memory_space<vmem>>
    %dma_wait3A_102 = tpu.memref_squeeze %dma_wait3A_101 : memref<1x80xi32, #tpu.memory_space<vmem>> -> memref<80xi32, #tpu.memory_space<vmem>>
    %dma_wait3A_103 = arith.constant 0 : i32
    %dma_wait3A_104 = arith.constant 0 : i32
    %dma_wait3A_105 = tpu.memref_slice %arg2[%dma_wait3A_103, %dma_wait3A_104] : memref<10000x128xf32, #tpu.memory_space<hbm>> -> memref<10000x128xf32, #tpu.memory_space<hbm>>
    tpu.wait_indirect_dma semaphore(%arg20 : memref<!tpu.dma_semaphore, #tpu.memory_space<semaphore_mem>>) src(%dma_wait3A_105 : memref<10000x128xf32, #tpu.memory_space<hbm>>) dst(%arg13 : memref<80x128xf32, #tpu.memory_space<vmem>>)
    %dma_wait3A_106 = arith.constant 124 : i32
    %dma_wait3A_107 = arith.constant 0 : i32
    %dma_wait3A_108 = tpu.memref_slice %arg11[%dma_wait3A_106, %dma_wait3A_107] : memref<125x80xi32, #tpu.memory_space<vmem>> -> memref<1x80xi32, #tpu.memory_space<vmem>>
    %dma_wait3A_109 = tpu.memref_squeeze %dma_wait3A_108 : memref<1x80xi32, #tpu.memory_space<vmem>> -> memref<80xi32, #tpu.memory_space<vmem>>
    %dma_wait3A_110 = arith.constant 0 : i32
    %dma_wait3A_111 = arith.constant 0 : i32
    %dma_wait3A_112 = tpu.memref_slice %arg3[%dma_wait3A_110, %dma_wait3A_111] : memref<10000x128xf32, #tpu.memory_space<hbm>> -> memref<10000x128xf32, #tpu.memory_space<hbm>>
    tpu.wait_indirect_dma semaphore(%arg20 : memref<!tpu.dma_semaphore, #tpu.memory_space<semaphore_mem>>) src(%dma_wait3A_112 : memref<10000x128xf32, #tpu.memory_space<hbm>>) dst(%arg14 : memref<80x128xf32, #tpu.memory_space<vmem>>)
    %dma_wait3A_113 = arith.constant 124 : i32
    %dma_wait3A_114 = arith.constant 0 : i32
    %dma_wait3A_115 = tpu.memref_slice %arg10[%dma_wait3A_113, %dma_wait3A_114] : memref<125x80xi32, #tpu.memory_space<vmem>> -> memref<1x80xi32, #tpu.memory_space<vmem>>
    %dma_wait3A_116 = tpu.memref_squeeze %dma_wait3A_115 : memref<1x80xi32, #tpu.memory_space<vmem>> -> memref<80xi32, #tpu.memory_space<vmem>>
    %dma_wait3A_117 = arith.constant 0 : i32
    %dma_wait3A_118 = arith.constant 0 : i32
    %dma_wait3A_119 = tpu.memref_slice %arg3[%dma_wait3A_117, %dma_wait3A_118] : memref<10000x128xf32, #tpu.memory_space<hbm>> -> memref<10000x128xf32, #tpu.memory_space<hbm>>
    tpu.wait_indirect_dma semaphore(%arg20 : memref<!tpu.dma_semaphore, #tpu.memory_space<semaphore_mem>>) src(%dma_wait3A_119 : memref<10000x128xf32, #tpu.memory_space<hbm>>) dst(%arg15 : memref<80x128xf32, #tpu.memory_space<vmem>>)
    %add3A_120 = arith.constant 9920 : i32
    %add3A_121 = arith.addi %mul3A_2, %add3A_120 : i32
    %multiple_of3A_122 = tpu.assume_multiple %add3A_121, 80 : i32
    %dma_start3A_123 = arith.constant 0 : i32
    %dma_start3A_124 = tpu.memref_slice %arg6[%multiple_of3A_122, %dma_start3A_123] : memref<320000x128xf32, #tpu.memory_space<hbm>> -> memref<80x128xf32, #tpu.memory_space<hbm>>
    %dma_start3A_125 = arith.constant 0 : i32
    %dma_start3A_126 = tpu.memref_slice %arg6[%multiple_of3A_122, %dma_start3A_125] : memref<320000x128xf32, #tpu.memory_space<hbm>> -> memref<80x128xf32, #tpu.memory_space<hbm>>
    tpu.enqueue_dma source(%arg12 : memref<80x128xf32, #tpu.memory_space<vmem>>) target(%dma_start3A_126 : memref<80x128xf32, #tpu.memory_space<hbm>>) target_semaphore(%arg22 : memref<!tpu.dma_semaphore, #tpu.memory_space<semaphore_mem>>)
    %dma_start3A_127 = arith.constant 0 : i32
    %dma_start3A_128 = tpu.memref_slice %arg7[%multiple_of3A_122, %dma_start3A_127] : memref<320000x128xf32, #tpu.memory_space<hbm>> -> memref<80x128xf32, #tpu.memory_space<hbm>>
    %dma_start3A_129 = arith.constant 0 : i32
    %dma_start3A_130 = tpu.memref_slice %arg7[%multiple_of3A_122, %dma_start3A_129] : memref<320000x128xf32, #tpu.memory_space<hbm>> -> memref<80x128xf32, #tpu.memory_space<hbm>>
    tpu.enqueue_dma source(%arg13 : memref<80x128xf32, #tpu.memory_space<vmem>>) target(%dma_start3A_130 : memref<80x128xf32, #tpu.memory_space<hbm>>) target_semaphore(%arg22 : memref<!tpu.dma_semaphore, #tpu.memory_space<semaphore_mem>>)
    %dma_start3A_131 = arith.constant 0 : i32
    %dma_start3A_132 = tpu.memref_slice %arg8[%multiple_of3A_122, %dma_start3A_131] : memref<320000x128xf32, #tpu.memory_space<hbm>> -> memref<80x128xf32, #tpu.memory_space<hbm>>
    %dma_start3A_133 = arith.constant 0 : i32
    %dma_start3A_134 = tpu.memref_slice %arg8[%multiple_of3A_122, %dma_start3A_133] : memref<320000x128xf32, #tpu.memory_space<hbm>> -> memref<80x128xf32, #tpu.memory_space<hbm>>
    tpu.enqueue_dma source(%arg14 : memref<80x128xf32, #tpu.memory_space<vmem>>) target(%dma_start3A_134 : memref<80x128xf32, #tpu.memory_space<hbm>>) target_semaphore(%arg22 : memref<!tpu.dma_semaphore, #tpu.memory_space<semaphore_mem>>)
    %dma_start3A_135 = arith.constant 0 : i32
    %dma_start3A_136 = tpu.memref_slice %arg9[%multiple_of3A_122, %dma_start3A_135] : memref<320000x128xf32, #tpu.memory_space<hbm>> -> memref<80x128xf32, #tpu.memory_space<hbm>>
    %dma_start3A_137 = arith.constant 0 : i32
    %dma_start3A_138 = tpu.memref_slice %arg9[%multiple_of3A_122, %dma_start3A_137] : memref<320000x128xf32, #tpu.memory_space<hbm>> -> memref<80x128xf32, #tpu.memory_space<hbm>>
    tpu.enqueue_dma source(%arg15 : memref<80x128xf32, #tpu.memory_space<vmem>>) target(%dma_start3A_138 : memref<80x128xf32, #tpu.memory_space<hbm>>) target_semaphore(%arg22 : memref<!tpu.dma_semaphore, #tpu.memory_space<semaphore_mem>>)
    %add3A_139 = arith.constant 9920 : i32
    %add3A_140 = arith.addi %mul3A_2, %add3A_139 : i32
    %multiple_of3A_141 = tpu.assume_multiple %add3A_140, 80 : i32
    %dma_wait3A_142 = arith.constant 0 : i32
    %dma_wait3A_143 = tpu.memref_slice %arg6[%multiple_of3A_141, %dma_wait3A_142] : memref<320000x128xf32, #tpu.memory_space<hbm>> -> memref<80x128xf32, #tpu.memory_space<hbm>>
    %dma_wait3A_144 = arith.constant 0 : i32
    %dma_wait3A_145 = tpu.memref_slice %arg6[%multiple_of3A_141, %dma_wait3A_144] : memref<320000x128xf32, #tpu.memory_space<hbm>> -> memref<80x128xf32, #tpu.memory_space<hbm>>
    tpu.wait_dma2 semaphore(%arg22 : memref<!tpu.dma_semaphore, #tpu.memory_space<semaphore_mem>>) src(%arg12 : memref<80x128xf32, #tpu.memory_space<vmem>>) dst(%dma_wait3A_145 : memref<80x128xf32, #tpu.memory_space<hbm>>)
    %dma_wait3A_146 = arith.constant 0 : i32
    %dma_wait3A_147 = tpu.memref_slice %arg7[%multiple_of3A_141, %dma_wait3A_146] : memref<320000x128xf32, #tpu.memory_space<hbm>> -> memref<80x128xf32, #tpu.memory_space<hbm>>
    %dma_wait3A_148 = arith.constant 0 : i32
    %dma_wait3A_149 = tpu.memref_slice %arg7[%multiple_of3A_141, %dma_wait3A_148] : memref<320000x128xf32, #tpu.memory_space<hbm>> -> memref<80x128xf32, #tpu.memory_space<hbm>>
    tpu.wait_dma2 semaphore(%arg22 : memref<!tpu.dma_semaphore, #tpu.memory_space<semaphore_mem>>) src(%arg13 : memref<80x128xf32, #tpu.memory_space<vmem>>) dst(%dma_wait3A_149 : memref<80x128xf32, #tpu.memory_space<hbm>>)
    %dma_wait3A_150 = arith.constant 0 : i32
    %dma_wait3A_151 = tpu.memref_slice %arg8[%multiple_of3A_141, %dma_wait3A_150] : memref<320000x128xf32, #tpu.memory_space<hbm>> -> memref<80x128xf32, #tpu.memory_space<hbm>>
    %dma_wait3A_152 = arith.constant 0 : i32
    %dma_wait3A_153 = tpu.memref_slice %arg8[%multiple_of3A_141, %dma_wait3A_152] : memref<320000x128xf32, #tpu.memory_space<hbm>> -> memref<80x128xf32, #tpu.memory_space<hbm>>
    tpu.wait_dma2 semaphore(%arg22 : memref<!tpu.dma_semaphore, #tpu.memory_space<semaphore_mem>>) src(%arg14 : memref<80x128xf32, #tpu.memory_space<vmem>>) dst(%dma_wait3A_153 : memref<80x128xf32, #tpu.memory_space<hbm>>)
    %dma_wait3A_154 = arith.constant 0 : i32
    %dma_wait3A_155 = tpu.memref_slice %arg9[%multiple_of3A_141, %dma_wait3A_154] : memref<320000x128xf32, #tpu.memory_space<hbm>> -> memref<80x128xf32, #tpu.memory_space<hbm>>
    %dma_wait3A_156 = arith.constant 0 : i32
    %dma_wait3A_157 = tpu.memref_slice %arg9[%multiple_of3A_141, %dma_wait3A_156] : memref<320000x128xf32, #tpu.memory_space<hbm>> -> memref<80x128xf32, #tpu.memory_space<hbm>>
    tpu.wait_dma2 semaphore(%arg22 : memref<!tpu.dma_semaphore, #tpu.memory_space<semaphore_mem>>) src(%arg15 : memref<80x128xf32, #tpu.memory_space<vmem>>) dst(%dma_wait3A_157 : memref<80x128xf32, #tpu.memory_space<hbm>>)
    return
  }
}

#map = affine_map<(d0, d1) -> (0, 0)>
#map1 = affine_map<(d0, d1) -> (0)>
#map2 = affine_map<(d0, d1) -> (0, 0, 0)>
module attributes {stable_mosaic.version = 14 : i64} {
  func.func @_scatter_body(%arg0: i32, %arg1: i32, %arg2: memref<320000x128xf32, #tpu.memory_space<hbm>>, %arg3: memref<320000x128xf32, #tpu.memory_space<hbm>>, %arg4: memref<320000xi32, #tpu.memory_space<hbm>>, %arg5: memref<10000x128xf32, #tpu.memory_space<hbm>>, %arg6: memref<2x10000x128xf32, #tpu.memory_space<hbm>>, %arg7: memref<2x10000x128xf32, #tpu.memory_space<hbm>>, %arg8: memref<10000x128xf32, #tpu.memory_space<vmem_shared>>, %arg9: memref<80x128xf32, #tpu.memory_space<vmem>>, %arg10: memref<80x128xf32, #tpu.memory_space<vmem>>, %arg11: memref<80xi32, #tpu.memory_space<vmem>>, %arg12: memref<80xi32, #tpu.memory_space<vmem>>, %arg13: memref<!tpu.dma_semaphore, #tpu.memory_space<semaphore_mem>>, %arg14: memref<!tpu.dma_semaphore, #tpu.memory_space<semaphore_mem>>) attributes {dimension_semantics = [#tpu.dimension_semantics<core_parallel>, #tpu.dimension_semantics<subcore_parallel>], iteration_bounds = array<i64: 2, 16>, scalar_prefetch = 0 : i64, scratch_operands = 7 : i64, tpu.core_type = #tpu.core_type<sc_vector_subcore>, window_params = [{transform_indices = #map}, {transform_indices = #map}, {transform_indices = #map1}, {transform_indices = #map}, {transform_indices = #map2}, {transform_indices = #map2}]} {
    %mul3A = arith.constant 624 : i32
    %mul3A_0 = arith.muli %arg1, %mul3A : i32
    %mul3A_1 = arith.constant 2 : i32
    %mul3A_2 = arith.muli %arg1, %mul3A_1 : i32
    %add3A = arith.addi %mul3A_2, %arg0 : i32
    %mul3A_3 = arith.constant 10000 : i32
    %mul3A_4 = arith.muli %add3A, %mul3A_3 : i32
    "tpu.region"() ({
      %run_scoped3A = tpu.sem_alloc : memref<!tpu.dma_semaphore, #tpu.memory_space<semaphore_mem>>
      %dma_start3A_87 = arith.constant 0 : i32
      %dma_start3A_88 = tpu.memref_slice %arg8[%mul3A_0, %dma_start3A_87] : memref<10000x128xf32, #tpu.memory_space<vmem_shared>> -> memref<624x128xf32, #tpu.memory_space<vmem_shared>>
      %dma_start3A_89 = arith.constant 0 : i32
      %dma_start3A_90 = tpu.memref_slice %arg5[%mul3A_0, %dma_start3A_89] : memref<10000x128xf32, #tpu.memory_space<hbm>> -> memref<624x128xf32, #tpu.memory_space<hbm>>
      tpu.enqueue_dma source(%dma_start3A_90 : memref<624x128xf32, #tpu.memory_space<hbm>>) target(%dma_start3A_88 : memref<624x128xf32, #tpu.memory_space<vmem_shared>>) target_semaphore(%run_scoped3A : memref<!tpu.dma_semaphore, #tpu.memory_space<semaphore_mem>>)
      %dma_wait3A_91 = arith.constant 0 : i32
      %dma_wait3A_92 = tpu.memref_slice %arg8[%mul3A_0, %dma_wait3A_91] : memref<10000x128xf32, #tpu.memory_space<vmem_shared>> -> memref<624x128xf32, #tpu.memory_space<vmem_shared>>
      %dma_wait3A_93 = arith.constant 0 : i32
      %dma_wait3A_94 = tpu.memref_slice %arg5[%mul3A_0, %dma_wait3A_93] : memref<10000x128xf32, #tpu.memory_space<hbm>> -> memref<624x128xf32, #tpu.memory_space<hbm>>
      tpu.wait_dma2 semaphore(%run_scoped3A : memref<!tpu.dma_semaphore, #tpu.memory_space<semaphore_mem>>) src(%dma_wait3A_94 : memref<624x128xf32, #tpu.memory_space<hbm>>) dst(%dma_wait3A_92 : memref<624x128xf32, #tpu.memory_space<vmem_shared>>)
      tpu.yield
    }) : () -> ()
    %eq3A = arith.constant 0 : i32
    %eq3A_5 = arith.cmpi eq, %arg1, %eq3A : i32
    %convert_element_type3A = arith.extui %eq3A_5 : i1 to i32
    %cond3A = arith.constant 0 : i32
    %cond3A_6 = arith.cmpi ne, %convert_element_type3A, %cond3A : i32
    scf.if %cond3A_6 {
      "tpu.region"() ({
        %run_scoped3A = tpu.sem_alloc : memref<!tpu.dma_semaphore, #tpu.memory_space<semaphore_mem>>
        %dma_start3A_87 = arith.constant 9984 : i32
        %dma_start3A_88 = arith.constant 0 : i32
        %dma_start3A_89 = tpu.memref_slice %arg8[%dma_start3A_87, %dma_start3A_88] : memref<10000x128xf32, #tpu.memory_space<vmem_shared>> -> memref<16x128xf32, #tpu.memory_space<vmem_shared>>
        %dma_start3A_90 = arith.constant 9984 : i32
        %dma_start3A_91 = arith.constant 0 : i32
        %dma_start3A_92 = tpu.memref_slice %arg5[%dma_start3A_90, %dma_start3A_91] : memref<10000x128xf32, #tpu.memory_space<hbm>> -> memref<16x128xf32, #tpu.memory_space<hbm>>
        tpu.enqueue_dma source(%dma_start3A_92 : memref<16x128xf32, #tpu.memory_space<hbm>>) target(%dma_start3A_89 : memref<16x128xf32, #tpu.memory_space<vmem_shared>>) target_semaphore(%run_scoped3A : memref<!tpu.dma_semaphore, #tpu.memory_space<semaphore_mem>>)
        %dma_wait3A_93 = arith.constant 9984 : i32
        %dma_wait3A_94 = arith.constant 0 : i32
        %dma_wait3A_95 = tpu.memref_slice %arg8[%dma_wait3A_93, %dma_wait3A_94] : memref<10000x128xf32, #tpu.memory_space<vmem_shared>> -> memref<16x128xf32, #tpu.memory_space<vmem_shared>>
        %dma_wait3A_96 = arith.constant 9984 : i32
        %dma_wait3A_97 = arith.constant 0 : i32
        %dma_wait3A_98 = tpu.memref_slice %arg5[%dma_wait3A_96, %dma_wait3A_97] : memref<10000x128xf32, #tpu.memory_space<hbm>> -> memref<16x128xf32, #tpu.memory_space<hbm>>
        tpu.wait_dma2 semaphore(%run_scoped3A : memref<!tpu.dma_semaphore, #tpu.memory_space<semaphore_mem>>) src(%dma_wait3A_98 : memref<16x128xf32, #tpu.memory_space<hbm>>) dst(%dma_wait3A_95 : memref<16x128xf32, #tpu.memory_space<vmem_shared>>)
        tpu.yield
      }) : () -> ()
    } else {
    }
    %barrier3A = arith.constant 0 : index
    tpu.barrier barrier_id(%barrier3A)
    %add3A_7 = arith.constant 0 : i32
    %add3A_8 = arith.addi %mul3A_4, %add3A_7 : i32
    %multiple_of3A = tpu.assume_multiple %add3A_8, 80 : i32
    %dma_start3A = arith.constant 0 : i32
    %dma_start3A_9 = tpu.memref_slice %arg2[%multiple_of3A, %dma_start3A] : memref<320000x128xf32, #tpu.memory_space<hbm>> -> memref<80x128xf32, #tpu.memory_space<hbm>>
    %dma_start3A_10 = arith.constant 0 : i32
    %dma_start3A_11 = tpu.memref_slice %arg2[%multiple_of3A, %dma_start3A_10] : memref<320000x128xf32, #tpu.memory_space<hbm>> -> memref<80x128xf32, #tpu.memory_space<hbm>>
    tpu.enqueue_dma source(%dma_start3A_11 : memref<80x128xf32, #tpu.memory_space<hbm>>) target(%arg9 : memref<80x128xf32, #tpu.memory_space<vmem>>) target_semaphore(%arg13 : memref<!tpu.dma_semaphore, #tpu.memory_space<semaphore_mem>>)
    %dma_start3A_12 = tpu.memref_slice %arg4[%multiple_of3A] : memref<320000xi32, #tpu.memory_space<hbm>> -> memref<80xi32, #tpu.memory_space<hbm>>
    %dma_start3A_13 = tpu.memref_slice %arg4[%multiple_of3A] : memref<320000xi32, #tpu.memory_space<hbm>> -> memref<80xi32, #tpu.memory_space<hbm>>
    tpu.enqueue_dma source(%dma_start3A_13 : memref<80xi32, #tpu.memory_space<hbm>>) target(%arg11 : memref<80xi32, #tpu.memory_space<vmem>>) target_semaphore(%arg13 : memref<!tpu.dma_semaphore, #tpu.memory_space<semaphore_mem>>)
    %add3A_14 = arith.constant 80 : i32
    %add3A_15 = arith.addi %mul3A_4, %add3A_14 : i32
    %multiple_of3A_16 = tpu.assume_multiple %add3A_15, 80 : i32
    %dma_start3A_17 = arith.constant 0 : i32
    %dma_start3A_18 = tpu.memref_slice %arg2[%multiple_of3A_16, %dma_start3A_17] : memref<320000x128xf32, #tpu.memory_space<hbm>> -> memref<80x128xf32, #tpu.memory_space<hbm>>
    %dma_start3A_19 = arith.constant 0 : i32
    %dma_start3A_20 = tpu.memref_slice %arg2[%multiple_of3A_16, %dma_start3A_19] : memref<320000x128xf32, #tpu.memory_space<hbm>> -> memref<80x128xf32, #tpu.memory_space<hbm>>
    tpu.enqueue_dma source(%dma_start3A_20 : memref<80x128xf32, #tpu.memory_space<hbm>>) target(%arg10 : memref<80x128xf32, #tpu.memory_space<vmem>>) target_semaphore(%arg14 : memref<!tpu.dma_semaphore, #tpu.memory_space<semaphore_mem>>)
    %dma_start3A_21 = tpu.memref_slice %arg4[%multiple_of3A_16] : memref<320000xi32, #tpu.memory_space<hbm>> -> memref<80xi32, #tpu.memory_space<hbm>>
    %dma_start3A_22 = tpu.memref_slice %arg4[%multiple_of3A_16] : memref<320000xi32, #tpu.memory_space<hbm>> -> memref<80xi32, #tpu.memory_space<hbm>>
    tpu.enqueue_dma source(%dma_start3A_22 : memref<80xi32, #tpu.memory_space<hbm>>) target(%arg12 : memref<80xi32, #tpu.memory_space<vmem>>) target_semaphore(%arg14 : memref<!tpu.dma_semaphore, #tpu.memory_space<semaphore_mem>>)
    %scan3A = arith.constant 0 : i32
    %scan3A_23 = arith.constant 0 : i32
    %scan3A_24 = arith.constant 62 : i32
    %scan3A_25 = arith.addi %scan3A_23, %scan3A_24 : i32
    %scan3A_26 = arith.constant 1 : i32
    scf.for %scan3A_87 = %scan3A_23 to %scan3A_25 step %scan3A_26  : i32 {
      %mul3A_88 = arith.constant 2 : i32
      %mul3A_89 = arith.muli %mul3A_88, %scan3A_87 : i32
      %mul3A_90 = arith.constant 80 : i32
      %mul3A_91 = arith.muli %mul3A_89, %mul3A_90 : i32
      %add3A_92 = arith.addi %mul3A_4, %mul3A_91 : i32
      %multiple_of3A_93 = tpu.assume_multiple %add3A_92, 80 : i32
      %dma_wait3A_94 = arith.constant 0 : i32
      %dma_wait3A_95 = tpu.memref_slice %arg2[%multiple_of3A_93, %dma_wait3A_94] : memref<320000x128xf32, #tpu.memory_space<hbm>> -> memref<80x128xf32, #tpu.memory_space<hbm>>
      %dma_wait3A_96 = arith.constant 0 : i32
      %dma_wait3A_97 = tpu.memref_slice %arg2[%multiple_of3A_93, %dma_wait3A_96] : memref<320000x128xf32, #tpu.memory_space<hbm>> -> memref<80x128xf32, #tpu.memory_space<hbm>>
      tpu.wait_dma2 semaphore(%arg13 : memref<!tpu.dma_semaphore, #tpu.memory_space<semaphore_mem>>) src(%dma_wait3A_97 : memref<80x128xf32, #tpu.memory_space<hbm>>) dst(%arg9 : memref<80x128xf32, #tpu.memory_space<vmem>>)
      %dma_wait3A_98 = tpu.memref_slice %arg4[%multiple_of3A_93] : memref<320000xi32, #tpu.memory_space<hbm>> -> memref<80xi32, #tpu.memory_space<hbm>>
      %dma_wait3A_99 = tpu.memref_slice %arg4[%multiple_of3A_93] : memref<320000xi32, #tpu.memory_space<hbm>> -> memref<80xi32, #tpu.memory_space<hbm>>
      tpu.wait_dma2 semaphore(%arg13 : memref<!tpu.dma_semaphore, #tpu.memory_space<semaphore_mem>>) src(%dma_wait3A_99 : memref<80xi32, #tpu.memory_space<hbm>>) dst(%arg11 : memref<80xi32, #tpu.memory_space<vmem>>)
      "tpu.region"() ({
        %run_scoped3A = tpu.sem_alloc : memref<!tpu.dma_semaphore, #tpu.memory_space<semaphore_mem>>
        %dma_start3A_130 = arith.constant 0 : i32
        %dma_start3A_131 = arith.constant 0 : i32
        %dma_start3A_132 = tpu.memref_slice %arg8[%dma_start3A_130, %dma_start3A_131] : memref<10000x128xf32, #tpu.memory_space<vmem_shared>> -> memref<10000x128xf32, #tpu.memory_space<vmem_shared>>
        tpu.enqueue_indirect_dma source(%arg9 : memref<80x128xf32, #tpu.memory_space<vmem>>) target(%dma_start3A_132 : memref<10000x128xf32, #tpu.memory_space<vmem_shared>>) offsets(%arg11 : memref<80xi32, #tpu.memory_space<vmem>>) semaphore(%run_scoped3A : memref<!tpu.dma_semaphore, #tpu.memory_space<semaphore_mem>>) {add = true}
        %dma_wait3A_133 = arith.constant 0 : i32
        %dma_wait3A_134 = arith.constant 0 : i32
        %dma_wait3A_135 = tpu.memref_slice %arg8[%dma_wait3A_133, %dma_wait3A_134] : memref<10000x128xf32, #tpu.memory_space<vmem_shared>> -> memref<10000x128xf32, #tpu.memory_space<vmem_shared>>
        tpu.wait_indirect_dma semaphore(%run_scoped3A : memref<!tpu.dma_semaphore, #tpu.memory_space<semaphore_mem>>) src(%arg9 : memref<80x128xf32, #tpu.memory_space<vmem>>) dst(%dma_wait3A_135 : memref<10000x128xf32, #tpu.memory_space<vmem_shared>>)
        tpu.yield
      }) : () -> ()
      %add3A_100 = arith.constant 2 : i32
      %add3A_101 = arith.addi %mul3A_89, %add3A_100 : i32
      %mul3A_102 = arith.constant 80 : i32
      %mul3A_103 = arith.muli %add3A_101, %mul3A_102 : i32
      %add3A_104 = arith.addi %mul3A_4, %mul3A_103 : i32
      %multiple_of3A_105 = tpu.assume_multiple %add3A_104, 80 : i32
      %dma_start3A_106 = arith.constant 0 : i32
      %dma_start3A_107 = tpu.memref_slice %arg2[%multiple_of3A_105, %dma_start3A_106] : memref<320000x128xf32, #tpu.memory_space<hbm>> -> memref<80x128xf32, #tpu.memory_space<hbm>>
      %dma_start3A_108 = arith.constant 0 : i32
      %dma_start3A_109 = tpu.memref_slice %arg2[%multiple_of3A_105, %dma_start3A_108] : memref<320000x128xf32, #tpu.memory_space<hbm>> -> memref<80x128xf32, #tpu.memory_space<hbm>>
      tpu.enqueue_dma source(%dma_start3A_109 : memref<80x128xf32, #tpu.memory_space<hbm>>) target(%arg9 : memref<80x128xf32, #tpu.memory_space<vmem>>) target_semaphore(%arg13 : memref<!tpu.dma_semaphore, #tpu.memory_space<semaphore_mem>>)
      %dma_start3A_110 = tpu.memref_slice %arg4[%multiple_of3A_105] : memref<320000xi32, #tpu.memory_space<hbm>> -> memref<80xi32, #tpu.memory_space<hbm>>
      %dma_start3A_111 = tpu.memref_slice %arg4[%multiple_of3A_105] : memref<320000xi32, #tpu.memory_space<hbm>> -> memref<80xi32, #tpu.memory_space<hbm>>
      tpu.enqueue_dma source(%dma_start3A_111 : memref<80xi32, #tpu.memory_space<hbm>>) target(%arg11 : memref<80xi32, #tpu.memory_space<vmem>>) target_semaphore(%arg13 : memref<!tpu.dma_semaphore, #tpu.memory_space<semaphore_mem>>)
      %add3A_112 = arith.constant 1 : i32
      %add3A_113 = arith.addi %mul3A_89, %add3A_112 : i32
      %mul3A_114 = arith.constant 80 : i32
      %mul3A_115 = arith.muli %add3A_113, %mul3A_114 : i32
      %add3A_116 = arith.addi %mul3A_4, %mul3A_115 : i32
      %multiple_of3A_117 = tpu.assume_multiple %add3A_116, 80 : i32
      %dma_wait3A_118 = arith.constant 0 : i32
      %dma_wait3A_119 = tpu.memref_slice %arg2[%multiple_of3A_117, %dma_wait3A_118] : memref<320000x128xf32, #tpu.memory_space<hbm>> -> memref<80x128xf32, #tpu.memory_space<hbm>>
      %dma_wait3A_120 = arith.constant 0 : i32
      %dma_wait3A_121 = tpu.memref_slice %arg2[%multiple_of3A_117, %dma_wait3A_120] : memref<320000x128xf32, #tpu.memory_space<hbm>> -> memref<80x128xf32, #tpu.memory_space<hbm>>
      tpu.wait_dma2 semaphore(%arg14 : memref<!tpu.dma_semaphore, #tpu.memory_space<semaphore_mem>>) src(%dma_wait3A_121 : memref<80x128xf32, #tpu.memory_space<hbm>>) dst(%arg10 : memref<80x128xf32, #tpu.memory_space<vmem>>)
      %dma_wait3A_122 = tpu.memref_slice %arg4[%multiple_of3A_117] : memref<320000xi32, #tpu.memory_space<hbm>> -> memref<80xi32, #tpu.memory_space<hbm>>
      %dma_wait3A_123 = tpu.memref_slice %arg4[%multiple_of3A_117] : memref<320000xi32, #tpu.memory_space<hbm>> -> memref<80xi32, #tpu.memory_space<hbm>>
      tpu.wait_dma2 semaphore(%arg14 : memref<!tpu.dma_semaphore, #tpu.memory_space<semaphore_mem>>) src(%dma_wait3A_123 : memref<80xi32, #tpu.memory_space<hbm>>) dst(%arg12 : memref<80xi32, #tpu.memory_space<vmem>>)
      "tpu.region"() ({
        %run_scoped3A = tpu.sem_alloc : memref<!tpu.dma_semaphore, #tpu.memory_space<semaphore_mem>>
        %dma_start3A_130 = arith.constant 0 : i32
        %dma_start3A_131 = arith.constant 0 : i32
        %dma_start3A_132 = tpu.memref_slice %arg8[%dma_start3A_130, %dma_start3A_131] : memref<10000x128xf32, #tpu.memory_space<vmem_shared>> -> memref<10000x128xf32, #tpu.memory_space<vmem_shared>>
        tpu.enqueue_indirect_dma source(%arg10 : memref<80x128xf32, #tpu.memory_space<vmem>>) target(%dma_start3A_132 : memref<10000x128xf32, #tpu.memory_space<vmem_shared>>) offsets(%arg12 : memref<80xi32, #tpu.memory_space<vmem>>) semaphore(%run_scoped3A : memref<!tpu.dma_semaphore, #tpu.memory_space<semaphore_mem>>) {add = true}
        %dma_wait3A_133 = arith.constant 0 : i32
        %dma_wait3A_134 = arith.constant 0 : i32
        %dma_wait3A_135 = tpu.memref_slice %arg8[%dma_wait3A_133, %dma_wait3A_134] : memref<10000x128xf32, #tpu.memory_space<vmem_shared>> -> memref<10000x128xf32, #tpu.memory_space<vmem_shared>>
        tpu.wait_indirect_dma semaphore(%run_scoped3A : memref<!tpu.dma_semaphore, #tpu.memory_space<semaphore_mem>>) src(%arg10 : memref<80x128xf32, #tpu.memory_space<vmem>>) dst(%dma_wait3A_135 : memref<10000x128xf32, #tpu.memory_space<vmem_shared>>)
        tpu.yield
      }) : () -> ()
      %add3A_124 = arith.constant 3 : i32
      %add3A_125 = arith.addi %mul3A_89, %add3A_124 : i32
      %lt3A = arith.constant 125 : i32
      %lt3A_126 = arith.cmpi slt, %add3A_125, %lt3A : i32
      %convert_element_type3A_127 = arith.extui %lt3A_126 : i1 to i32
      %cond3A_128 = arith.constant 0 : i32
      %cond3A_129 = arith.cmpi ne, %convert_element_type3A_127, %cond3A_128 : i32
      scf.if %cond3A_129 {
        %add3A_130 = arith.constant 3 : i32
        %add3A_131 = arith.addi %mul3A_89, %add3A_130 : i32
        %mul3A_132 = arith.constant 80 : i32
        %mul3A_133 = arith.muli %add3A_131, %mul3A_132 : i32
        %add3A_134 = arith.addi %mul3A_4, %mul3A_133 : i32
        %multiple_of3A_135 = tpu.assume_multiple %add3A_134, 80 : i32
        %dma_start3A_136 = arith.constant 0 : i32
        %dma_start3A_137 = tpu.memref_slice %arg2[%multiple_of3A_135, %dma_start3A_136] : memref<320000x128xf32, #tpu.memory_space<hbm>> -> memref<80x128xf32, #tpu.memory_space<hbm>>
        %dma_start3A_138 = arith.constant 0 : i32
        %dma_start3A_139 = tpu.memref_slice %arg2[%multiple_of3A_135, %dma_start3A_138] : memref<320000x128xf32, #tpu.memory_space<hbm>> -> memref<80x128xf32, #tpu.memory_space<hbm>>
        tpu.enqueue_dma source(%dma_start3A_139 : memref<80x128xf32, #tpu.memory_space<hbm>>) target(%arg10 : memref<80x128xf32, #tpu.memory_space<vmem>>) target_semaphore(%arg14 : memref<!tpu.dma_semaphore, #tpu.memory_space<semaphore_mem>>)
        %dma_start3A_140 = tpu.memref_slice %arg4[%multiple_of3A_135] : memref<320000xi32, #tpu.memory_space<hbm>> -> memref<80xi32, #tpu.memory_space<hbm>>
        %dma_start3A_141 = tpu.memref_slice %arg4[%multiple_of3A_135] : memref<320000xi32, #tpu.memory_space<hbm>> -> memref<80xi32, #tpu.memory_space<hbm>>
        tpu.enqueue_dma source(%dma_start3A_141 : memref<80xi32, #tpu.memory_space<hbm>>) target(%arg12 : memref<80xi32, #tpu.memory_space<vmem>>) target_semaphore(%arg14 : memref<!tpu.dma_semaphore, #tpu.memory_space<semaphore_mem>>)
      } else {
      }
    }
    %scan3A_27 = arith.constant 62 : i32
    %add3A_28 = arith.constant 9920 : i32
    %add3A_29 = arith.addi %mul3A_4, %add3A_28 : i32
    %multiple_of3A_30 = tpu.assume_multiple %add3A_29, 80 : i32
    %dma_wait3A = arith.constant 0 : i32
    %dma_wait3A_31 = tpu.memref_slice %arg2[%multiple_of3A_30, %dma_wait3A] : memref<320000x128xf32, #tpu.memory_space<hbm>> -> memref<80x128xf32, #tpu.memory_space<hbm>>
    %dma_wait3A_32 = arith.constant 0 : i32
    %dma_wait3A_33 = tpu.memref_slice %arg2[%multiple_of3A_30, %dma_wait3A_32] : memref<320000x128xf32, #tpu.memory_space<hbm>> -> memref<80x128xf32, #tpu.memory_space<hbm>>
    tpu.wait_dma2 semaphore(%arg13 : memref<!tpu.dma_semaphore, #tpu.memory_space<semaphore_mem>>) src(%dma_wait3A_33 : memref<80x128xf32, #tpu.memory_space<hbm>>) dst(%arg9 : memref<80x128xf32, #tpu.memory_space<vmem>>)
    %dma_wait3A_34 = tpu.memref_slice %arg4[%multiple_of3A_30] : memref<320000xi32, #tpu.memory_space<hbm>> -> memref<80xi32, #tpu.memory_space<hbm>>
    %dma_wait3A_35 = tpu.memref_slice %arg4[%multiple_of3A_30] : memref<320000xi32, #tpu.memory_space<hbm>> -> memref<80xi32, #tpu.memory_space<hbm>>
    tpu.wait_dma2 semaphore(%arg13 : memref<!tpu.dma_semaphore, #tpu.memory_space<semaphore_mem>>) src(%dma_wait3A_35 : memref<80xi32, #tpu.memory_space<hbm>>) dst(%arg11 : memref<80xi32, #tpu.memory_space<vmem>>)
    "tpu.region"() ({
      %run_scoped3A = tpu.sem_alloc : memref<!tpu.dma_semaphore, #tpu.memory_space<semaphore_mem>>
      %dma_start3A_87 = arith.constant 0 : i32
      %dma_start3A_88 = arith.constant 0 : i32
      %dma_start3A_89 = tpu.memref_slice %arg8[%dma_start3A_87, %dma_start3A_88] : memref<10000x128xf32, #tpu.memory_space<vmem_shared>> -> memref<10000x128xf32, #tpu.memory_space<vmem_shared>>
      tpu.enqueue_indirect_dma source(%arg9 : memref<80x128xf32, #tpu.memory_space<vmem>>) target(%dma_start3A_89 : memref<10000x128xf32, #tpu.memory_space<vmem_shared>>) offsets(%arg11 : memref<80xi32, #tpu.memory_space<vmem>>) semaphore(%run_scoped3A : memref<!tpu.dma_semaphore, #tpu.memory_space<semaphore_mem>>) {add = true}
      %dma_wait3A_90 = arith.constant 0 : i32
      %dma_wait3A_91 = arith.constant 0 : i32
      %dma_wait3A_92 = tpu.memref_slice %arg8[%dma_wait3A_90, %dma_wait3A_91] : memref<10000x128xf32, #tpu.memory_space<vmem_shared>> -> memref<10000x128xf32, #tpu.memory_space<vmem_shared>>
      tpu.wait_indirect_dma semaphore(%run_scoped3A : memref<!tpu.dma_semaphore, #tpu.memory_space<semaphore_mem>>) src(%arg9 : memref<80x128xf32, #tpu.memory_space<vmem>>) dst(%dma_wait3A_92 : memref<10000x128xf32, #tpu.memory_space<vmem_shared>>)
      tpu.yield
    }) : () -> ()
    %barrier3A_36 = arith.constant 0 : index
    tpu.barrier barrier_id(%barrier3A_36)
    "tpu.region"() ({
      %run_scoped3A = tpu.sem_alloc : memref<!tpu.dma_semaphore, #tpu.memory_space<semaphore_mem>>
      %dma_start3A_87 = arith.constant 0 : i32
      %dma_start3A_88 = tpu.memref_slice %arg6[%arg0, %mul3A_0, %dma_start3A_87] : memref<2x10000x128xf32, #tpu.memory_space<hbm>> -> memref<1x624x128xf32, #tpu.memory_space<hbm>>
      %dma_start3A_89 = tpu.memref_squeeze %dma_start3A_88 : memref<1x624x128xf32, #tpu.memory_space<hbm>> -> memref<624x128xf32, #tpu.memory_space<hbm>>
      %dma_start3A_90 = arith.constant 0 : i32
      %dma_start3A_91 = tpu.memref_slice %arg8[%mul3A_0, %dma_start3A_90] : memref<10000x128xf32, #tpu.memory_space<vmem_shared>> -> memref<624x128xf32, #tpu.memory_space<vmem_shared>>
      tpu.enqueue_dma source(%dma_start3A_91 : memref<624x128xf32, #tpu.memory_space<vmem_shared>>) target(%dma_start3A_89 : memref<624x128xf32, #tpu.memory_space<hbm>>) target_semaphore(%run_scoped3A : memref<!tpu.dma_semaphore, #tpu.memory_space<semaphore_mem>>)
      %dma_wait3A_92 = arith.constant 0 : i32
      %dma_wait3A_93 = tpu.memref_slice %arg6[%arg0, %mul3A_0, %dma_wait3A_92] : memref<2x10000x128xf32, #tpu.memory_space<hbm>> -> memref<1x624x128xf32, #tpu.memory_space<hbm>>
      %dma_wait3A_94 = tpu.memref_squeeze %dma_wait3A_93 : memref<1x624x128xf32, #tpu.memory_space<hbm>> -> memref<624x128xf32, #tpu.memory_space<hbm>>
      %dma_wait3A_95 = arith.constant 0 : i32
      %dma_wait3A_96 = tpu.memref_slice %arg8[%mul3A_0, %dma_wait3A_95] : memref<10000x128xf32, #tpu.memory_space<vmem_shared>> -> memref<624x128xf32, #tpu.memory_space<vmem_shared>>
      tpu.wait_dma2 semaphore(%run_scoped3A : memref<!tpu.dma_semaphore, #tpu.memory_space<semaphore_mem>>) src(%dma_wait3A_96 : memref<624x128xf32, #tpu.memory_space<vmem_shared>>) dst(%dma_wait3A_94 : memref<624x128xf32, #tpu.memory_space<hbm>>)
      tpu.yield
    }) : () -> ()
    %eq3A_37 = arith.constant 0 : i32
    %eq3A_38 = arith.cmpi eq, %arg1, %eq3A_37 : i32
    %convert_element_type3A_39 = arith.extui %eq3A_38 : i1 to i32
    %cond3A_40 = arith.constant 0 : i32
    %cond3A_41 = arith.cmpi ne, %convert_element_type3A_39, %cond3A_40 : i32
    scf.if %cond3A_41 {
      "tpu.region"() ({
        %run_scoped3A = tpu.sem_alloc : memref<!tpu.dma_semaphore, #tpu.memory_space<semaphore_mem>>
        %dma_start3A_87 = arith.constant 9984 : i32
        %dma_start3A_88 = arith.constant 0 : i32
        %dma_start3A_89 = tpu.memref_slice %arg6[%arg0, %dma_start3A_87, %dma_start3A_88] : memref<2x10000x128xf32, #tpu.memory_space<hbm>> -> memref<1x16x128xf32, #tpu.memory_space<hbm>>
        %dma_start3A_90 = tpu.memref_squeeze %dma_start3A_89 : memref<1x16x128xf32, #tpu.memory_space<hbm>> -> memref<16x128xf32, #tpu.memory_space<hbm>>
        %dma_start3A_91 = arith.constant 9984 : i32
        %dma_start3A_92 = arith.constant 0 : i32
        %dma_start3A_93 = tpu.memref_slice %arg8[%dma_start3A_91, %dma_start3A_92] : memref<10000x128xf32, #tpu.memory_space<vmem_shared>> -> memref<16x128xf32, #tpu.memory_space<vmem_shared>>
        tpu.enqueue_dma source(%dma_start3A_93 : memref<16x128xf32, #tpu.memory_space<vmem_shared>>) target(%dma_start3A_90 : memref<16x128xf32, #tpu.memory_space<hbm>>) target_semaphore(%run_scoped3A : memref<!tpu.dma_semaphore, #tpu.memory_space<semaphore_mem>>)
        %dma_wait3A_94 = arith.constant 9984 : i32
        %dma_wait3A_95 = arith.constant 0 : i32
        %dma_wait3A_96 = tpu.memref_slice %arg6[%arg0, %dma_wait3A_94, %dma_wait3A_95] : memref<2x10000x128xf32, #tpu.memory_space<hbm>> -> memref<1x16x128xf32, #tpu.memory_space<hbm>>
        %dma_wait3A_97 = tpu.memref_squeeze %dma_wait3A_96 : memref<1x16x128xf32, #tpu.memory_space<hbm>> -> memref<16x128xf32, #tpu.memory_space<hbm>>
        %dma_wait3A_98 = arith.constant 9984 : i32
        %dma_wait3A_99 = arith.constant 0 : i32
        %dma_wait3A_100 = tpu.memref_slice %arg8[%dma_wait3A_98, %dma_wait3A_99] : memref<10000x128xf32, #tpu.memory_space<vmem_shared>> -> memref<16x128xf32, #tpu.memory_space<vmem_shared>>
        tpu.wait_dma2 semaphore(%run_scoped3A : memref<!tpu.dma_semaphore, #tpu.memory_space<semaphore_mem>>) src(%dma_wait3A_100 : memref<16x128xf32, #tpu.memory_space<vmem_shared>>) dst(%dma_wait3A_97 : memref<16x128xf32, #tpu.memory_space<hbm>>)
        tpu.yield
      }) : () -> ()
    } else {
    }
    "tpu.region"() ({
      %run_scoped3A = tpu.sem_alloc : memref<!tpu.dma_semaphore, #tpu.memory_space<semaphore_mem>>
      %dma_start3A_87 = arith.constant 0 : i32
      %dma_start3A_88 = tpu.memref_slice %arg8[%mul3A_0, %dma_start3A_87] : memref<10000x128xf32, #tpu.memory_space<vmem_shared>> -> memref<624x128xf32, #tpu.memory_space<vmem_shared>>
      %dma_start3A_89 = arith.constant 0 : i32
      %dma_start3A_90 = tpu.memref_slice %arg5[%mul3A_0, %dma_start3A_89] : memref<10000x128xf32, #tpu.memory_space<hbm>> -> memref<624x128xf32, #tpu.memory_space<hbm>>
      tpu.enqueue_dma source(%dma_start3A_90 : memref<624x128xf32, #tpu.memory_space<hbm>>) target(%dma_start3A_88 : memref<624x128xf32, #tpu.memory_space<vmem_shared>>) target_semaphore(%run_scoped3A : memref<!tpu.dma_semaphore, #tpu.memory_space<semaphore_mem>>)
      %dma_wait3A_91 = arith.constant 0 : i32
      %dma_wait3A_92 = tpu.memref_slice %arg8[%mul3A_0, %dma_wait3A_91] : memref<10000x128xf32, #tpu.memory_space<vmem_shared>> -> memref<624x128xf32, #tpu.memory_space<vmem_shared>>
      %dma_wait3A_93 = arith.constant 0 : i32
      %dma_wait3A_94 = tpu.memref_slice %arg5[%mul3A_0, %dma_wait3A_93] : memref<10000x128xf32, #tpu.memory_space<hbm>> -> memref<624x128xf32, #tpu.memory_space<hbm>>
      tpu.wait_dma2 semaphore(%run_scoped3A : memref<!tpu.dma_semaphore, #tpu.memory_space<semaphore_mem>>) src(%dma_wait3A_94 : memref<624x128xf32, #tpu.memory_space<hbm>>) dst(%dma_wait3A_92 : memref<624x128xf32, #tpu.memory_space<vmem_shared>>)
      tpu.yield
    }) : () -> ()
    %eq3A_42 = arith.constant 0 : i32
    %eq3A_43 = arith.cmpi eq, %arg1, %eq3A_42 : i32
    %convert_element_type3A_44 = arith.extui %eq3A_43 : i1 to i32
    %cond3A_45 = arith.constant 0 : i32
    %cond3A_46 = arith.cmpi ne, %convert_element_type3A_44, %cond3A_45 : i32
    scf.if %cond3A_46 {
      "tpu.region"() ({
        %run_scoped3A = tpu.sem_alloc : memref<!tpu.dma_semaphore, #tpu.memory_space<semaphore_mem>>
        %dma_start3A_87 = arith.constant 9984 : i32
        %dma_start3A_88 = arith.constant 0 : i32
        %dma_start3A_89 = tpu.memref_slice %arg8[%dma_start3A_87, %dma_start3A_88] : memref<10000x128xf32, #tpu.memory_space<vmem_shared>> -> memref<16x128xf32, #tpu.memory_space<vmem_shared>>
        %dma_start3A_90 = arith.constant 9984 : i32
        %dma_start3A_91 = arith.constant 0 : i32
        %dma_start3A_92 = tpu.memref_slice %arg5[%dma_start3A_90, %dma_start3A_91] : memref<10000x128xf32, #tpu.memory_space<hbm>> -> memref<16x128xf32, #tpu.memory_space<hbm>>
        tpu.enqueue_dma source(%dma_start3A_92 : memref<16x128xf32, #tpu.memory_space<hbm>>) target(%dma_start3A_89 : memref<16x128xf32, #tpu.memory_space<vmem_shared>>) target_semaphore(%run_scoped3A : memref<!tpu.dma_semaphore, #tpu.memory_space<semaphore_mem>>)
        %dma_wait3A_93 = arith.constant 9984 : i32
        %dma_wait3A_94 = arith.constant 0 : i32
        %dma_wait3A_95 = tpu.memref_slice %arg8[%dma_wait3A_93, %dma_wait3A_94] : memref<10000x128xf32, #tpu.memory_space<vmem_shared>> -> memref<16x128xf32, #tpu.memory_space<vmem_shared>>
        %dma_wait3A_96 = arith.constant 9984 : i32
        %dma_wait3A_97 = arith.constant 0 : i32
        %dma_wait3A_98 = tpu.memref_slice %arg5[%dma_wait3A_96, %dma_wait3A_97] : memref<10000x128xf32, #tpu.memory_space<hbm>> -> memref<16x128xf32, #tpu.memory_space<hbm>>
        tpu.wait_dma2 semaphore(%run_scoped3A : memref<!tpu.dma_semaphore, #tpu.memory_space<semaphore_mem>>) src(%dma_wait3A_98 : memref<16x128xf32, #tpu.memory_space<hbm>>) dst(%dma_wait3A_95 : memref<16x128xf32, #tpu.memory_space<vmem_shared>>)
        tpu.yield
      }) : () -> ()
    } else {
    }
    %barrier3A_47 = arith.constant 0 : index
    tpu.barrier barrier_id(%barrier3A_47)
    %add3A_48 = arith.constant 0 : i32
    %add3A_49 = arith.addi %mul3A_4, %add3A_48 : i32
    %multiple_of3A_50 = tpu.assume_multiple %add3A_49, 80 : i32
    %dma_start3A_51 = arith.constant 0 : i32
    %dma_start3A_52 = tpu.memref_slice %arg3[%multiple_of3A_50, %dma_start3A_51] : memref<320000x128xf32, #tpu.memory_space<hbm>> -> memref<80x128xf32, #tpu.memory_space<hbm>>
    %dma_start3A_53 = arith.constant 0 : i32
    %dma_start3A_54 = tpu.memref_slice %arg3[%multiple_of3A_50, %dma_start3A_53] : memref<320000x128xf32, #tpu.memory_space<hbm>> -> memref<80x128xf32, #tpu.memory_space<hbm>>
    tpu.enqueue_dma source(%dma_start3A_54 : memref<80x128xf32, #tpu.memory_space<hbm>>) target(%arg9 : memref<80x128xf32, #tpu.memory_space<vmem>>) target_semaphore(%arg13 : memref<!tpu.dma_semaphore, #tpu.memory_space<semaphore_mem>>)
    %dma_start3A_55 = tpu.memref_slice %arg4[%multiple_of3A_50] : memref<320000xi32, #tpu.memory_space<hbm>> -> memref<80xi32, #tpu.memory_space<hbm>>
    %dma_start3A_56 = tpu.memref_slice %arg4[%multiple_of3A_50] : memref<320000xi32, #tpu.memory_space<hbm>> -> memref<80xi32, #tpu.memory_space<hbm>>
    tpu.enqueue_dma source(%dma_start3A_56 : memref<80xi32, #tpu.memory_space<hbm>>) target(%arg11 : memref<80xi32, #tpu.memory_space<vmem>>) target_semaphore(%arg13 : memref<!tpu.dma_semaphore, #tpu.memory_space<semaphore_mem>>)
    %add3A_57 = arith.constant 80 : i32
    %add3A_58 = arith.addi %mul3A_4, %add3A_57 : i32
    %multiple_of3A_59 = tpu.assume_multiple %add3A_58, 80 : i32
    %dma_start3A_60 = arith.constant 0 : i32
    %dma_start3A_61 = tpu.memref_slice %arg3[%multiple_of3A_59, %dma_start3A_60] : memref<320000x128xf32, #tpu.memory_space<hbm>> -> memref<80x128xf32, #tpu.memory_space<hbm>>
    %dma_start3A_62 = arith.constant 0 : i32
    %dma_start3A_63 = tpu.memref_slice %arg3[%multiple_of3A_59, %dma_start3A_62] : memref<320000x128xf32, #tpu.memory_space<hbm>> -> memref<80x128xf32, #tpu.memory_space<hbm>>
    tpu.enqueue_dma source(%dma_start3A_63 : memref<80x128xf32, #tpu.memory_space<hbm>>) target(%arg10 : memref<80x128xf32, #tpu.memory_space<vmem>>) target_semaphore(%arg14 : memref<!tpu.dma_semaphore, #tpu.memory_space<semaphore_mem>>)
    %dma_start3A_64 = tpu.memref_slice %arg4[%multiple_of3A_59] : memref<320000xi32, #tpu.memory_space<hbm>> -> memref<80xi32, #tpu.memory_space<hbm>>
    %dma_start3A_65 = tpu.memref_slice %arg4[%multiple_of3A_59] : memref<320000xi32, #tpu.memory_space<hbm>> -> memref<80xi32, #tpu.memory_space<hbm>>
    tpu.enqueue_dma source(%dma_start3A_65 : memref<80xi32, #tpu.memory_space<hbm>>) target(%arg12 : memref<80xi32, #tpu.memory_space<vmem>>) target_semaphore(%arg14 : memref<!tpu.dma_semaphore, #tpu.memory_space<semaphore_mem>>)
    %scan3A_66 = arith.constant 0 : i32
    %scan3A_67 = arith.constant 0 : i32
    %scan3A_68 = arith.constant 62 : i32
    %scan3A_69 = arith.addi %scan3A_67, %scan3A_68 : i32
    %scan3A_70 = arith.constant 1 : i32
    scf.for %scan3A_87 = %scan3A_67 to %scan3A_69 step %scan3A_70  : i32 {
      %mul3A_88 = arith.constant 2 : i32
      %mul3A_89 = arith.muli %mul3A_88, %scan3A_87 : i32
      %mul3A_90 = arith.constant 80 : i32
      %mul3A_91 = arith.muli %mul3A_89, %mul3A_90 : i32
      %add3A_92 = arith.addi %mul3A_4, %mul3A_91 : i32
      %multiple_of3A_93 = tpu.assume_multiple %add3A_92, 80 : i32
      %dma_wait3A_94 = arith.constant 0 : i32
      %dma_wait3A_95 = tpu.memref_slice %arg3[%multiple_of3A_93, %dma_wait3A_94] : memref<320000x128xf32, #tpu.memory_space<hbm>> -> memref<80x128xf32, #tpu.memory_space<hbm>>
      %dma_wait3A_96 = arith.constant 0 : i32
      %dma_wait3A_97 = tpu.memref_slice %arg3[%multiple_of3A_93, %dma_wait3A_96] : memref<320000x128xf32, #tpu.memory_space<hbm>> -> memref<80x128xf32, #tpu.memory_space<hbm>>
      tpu.wait_dma2 semaphore(%arg13 : memref<!tpu.dma_semaphore, #tpu.memory_space<semaphore_mem>>) src(%dma_wait3A_97 : memref<80x128xf32, #tpu.memory_space<hbm>>) dst(%arg9 : memref<80x128xf32, #tpu.memory_space<vmem>>)
      %dma_wait3A_98 = tpu.memref_slice %arg4[%multiple_of3A_93] : memref<320000xi32, #tpu.memory_space<hbm>> -> memref<80xi32, #tpu.memory_space<hbm>>
      %dma_wait3A_99 = tpu.memref_slice %arg4[%multiple_of3A_93] : memref<320000xi32, #tpu.memory_space<hbm>> -> memref<80xi32, #tpu.memory_space<hbm>>
      tpu.wait_dma2 semaphore(%arg13 : memref<!tpu.dma_semaphore, #tpu.memory_space<semaphore_mem>>) src(%dma_wait3A_99 : memref<80xi32, #tpu.memory_space<hbm>>) dst(%arg11 : memref<80xi32, #tpu.memory_space<vmem>>)
      "tpu.region"() ({
        %run_scoped3A = tpu.sem_alloc : memref<!tpu.dma_semaphore, #tpu.memory_space<semaphore_mem>>
        %dma_start3A_130 = arith.constant 0 : i32
        %dma_start3A_131 = arith.constant 0 : i32
        %dma_start3A_132 = tpu.memref_slice %arg8[%dma_start3A_130, %dma_start3A_131] : memref<10000x128xf32, #tpu.memory_space<vmem_shared>> -> memref<10000x128xf32, #tpu.memory_space<vmem_shared>>
        tpu.enqueue_indirect_dma source(%arg9 : memref<80x128xf32, #tpu.memory_space<vmem>>) target(%dma_start3A_132 : memref<10000x128xf32, #tpu.memory_space<vmem_shared>>) offsets(%arg11 : memref<80xi32, #tpu.memory_space<vmem>>) semaphore(%run_scoped3A : memref<!tpu.dma_semaphore, #tpu.memory_space<semaphore_mem>>) {add = true}
        %dma_wait3A_133 = arith.constant 0 : i32
        %dma_wait3A_134 = arith.constant 0 : i32
        %dma_wait3A_135 = tpu.memref_slice %arg8[%dma_wait3A_133, %dma_wait3A_134] : memref<10000x128xf32, #tpu.memory_space<vmem_shared>> -> memref<10000x128xf32, #tpu.memory_space<vmem_shared>>
        tpu.wait_indirect_dma semaphore(%run_scoped3A : memref<!tpu.dma_semaphore, #tpu.memory_space<semaphore_mem>>) src(%arg9 : memref<80x128xf32, #tpu.memory_space<vmem>>) dst(%dma_wait3A_135 : memref<10000x128xf32, #tpu.memory_space<vmem_shared>>)
        tpu.yield
      }) : () -> ()
      %add3A_100 = arith.constant 2 : i32
      %add3A_101 = arith.addi %mul3A_89, %add3A_100 : i32
      %mul3A_102 = arith.constant 80 : i32
      %mul3A_103 = arith.muli %add3A_101, %mul3A_102 : i32
      %add3A_104 = arith.addi %mul3A_4, %mul3A_103 : i32
      %multiple_of3A_105 = tpu.assume_multiple %add3A_104, 80 : i32
      %dma_start3A_106 = arith.constant 0 : i32
      %dma_start3A_107 = tpu.memref_slice %arg3[%multiple_of3A_105, %dma_start3A_106] : memref<320000x128xf32, #tpu.memory_space<hbm>> -> memref<80x128xf32, #tpu.memory_space<hbm>>
      %dma_start3A_108 = arith.constant 0 : i32
      %dma_start3A_109 = tpu.memref_slice %arg3[%multiple_of3A_105, %dma_start3A_108] : memref<320000x128xf32, #tpu.memory_space<hbm>> -> memref<80x128xf32, #tpu.memory_space<hbm>>
      tpu.enqueue_dma source(%dma_start3A_109 : memref<80x128xf32, #tpu.memory_space<hbm>>) target(%arg9 : memref<80x128xf32, #tpu.memory_space<vmem>>) target_semaphore(%arg13 : memref<!tpu.dma_semaphore, #tpu.memory_space<semaphore_mem>>)
      %dma_start3A_110 = tpu.memref_slice %arg4[%multiple_of3A_105] : memref<320000xi32, #tpu.memory_space<hbm>> -> memref<80xi32, #tpu.memory_space<hbm>>
      %dma_start3A_111 = tpu.memref_slice %arg4[%multiple_of3A_105] : memref<320000xi32, #tpu.memory_space<hbm>> -> memref<80xi32, #tpu.memory_space<hbm>>
      tpu.enqueue_dma source(%dma_start3A_111 : memref<80xi32, #tpu.memory_space<hbm>>) target(%arg11 : memref<80xi32, #tpu.memory_space<vmem>>) target_semaphore(%arg13 : memref<!tpu.dma_semaphore, #tpu.memory_space<semaphore_mem>>)
      %add3A_112 = arith.constant 1 : i32
      %add3A_113 = arith.addi %mul3A_89, %add3A_112 : i32
      %mul3A_114 = arith.constant 80 : i32
      %mul3A_115 = arith.muli %add3A_113, %mul3A_114 : i32
      %add3A_116 = arith.addi %mul3A_4, %mul3A_115 : i32
      %multiple_of3A_117 = tpu.assume_multiple %add3A_116, 80 : i32
      %dma_wait3A_118 = arith.constant 0 : i32
      %dma_wait3A_119 = tpu.memref_slice %arg3[%multiple_of3A_117, %dma_wait3A_118] : memref<320000x128xf32, #tpu.memory_space<hbm>> -> memref<80x128xf32, #tpu.memory_space<hbm>>
      %dma_wait3A_120 = arith.constant 0 : i32
      %dma_wait3A_121 = tpu.memref_slice %arg3[%multiple_of3A_117, %dma_wait3A_120] : memref<320000x128xf32, #tpu.memory_space<hbm>> -> memref<80x128xf32, #tpu.memory_space<hbm>>
      tpu.wait_dma2 semaphore(%arg14 : memref<!tpu.dma_semaphore, #tpu.memory_space<semaphore_mem>>) src(%dma_wait3A_121 : memref<80x128xf32, #tpu.memory_space<hbm>>) dst(%arg10 : memref<80x128xf32, #tpu.memory_space<vmem>>)
      %dma_wait3A_122 = tpu.memref_slice %arg4[%multiple_of3A_117] : memref<320000xi32, #tpu.memory_space<hbm>> -> memref<80xi32, #tpu.memory_space<hbm>>
      %dma_wait3A_123 = tpu.memref_slice %arg4[%multiple_of3A_117] : memref<320000xi32, #tpu.memory_space<hbm>> -> memref<80xi32, #tpu.memory_space<hbm>>
      tpu.wait_dma2 semaphore(%arg14 : memref<!tpu.dma_semaphore, #tpu.memory_space<semaphore_mem>>) src(%dma_wait3A_123 : memref<80xi32, #tpu.memory_space<hbm>>) dst(%arg12 : memref<80xi32, #tpu.memory_space<vmem>>)
      "tpu.region"() ({
        %run_scoped3A = tpu.sem_alloc : memref<!tpu.dma_semaphore, #tpu.memory_space<semaphore_mem>>
        %dma_start3A_130 = arith.constant 0 : i32
        %dma_start3A_131 = arith.constant 0 : i32
        %dma_start3A_132 = tpu.memref_slice %arg8[%dma_start3A_130, %dma_start3A_131] : memref<10000x128xf32, #tpu.memory_space<vmem_shared>> -> memref<10000x128xf32, #tpu.memory_space<vmem_shared>>
        tpu.enqueue_indirect_dma source(%arg10 : memref<80x128xf32, #tpu.memory_space<vmem>>) target(%dma_start3A_132 : memref<10000x128xf32, #tpu.memory_space<vmem_shared>>) offsets(%arg12 : memref<80xi32, #tpu.memory_space<vmem>>) semaphore(%run_scoped3A : memref<!tpu.dma_semaphore, #tpu.memory_space<semaphore_mem>>) {add = true}
        %dma_wait3A_133 = arith.constant 0 : i32
        %dma_wait3A_134 = arith.constant 0 : i32
        %dma_wait3A_135 = tpu.memref_slice %arg8[%dma_wait3A_133, %dma_wait3A_134] : memref<10000x128xf32, #tpu.memory_space<vmem_shared>> -> memref<10000x128xf32, #tpu.memory_space<vmem_shared>>
        tpu.wait_indirect_dma semaphore(%run_scoped3A : memref<!tpu.dma_semaphore, #tpu.memory_space<semaphore_mem>>) src(%arg10 : memref<80x128xf32, #tpu.memory_space<vmem>>) dst(%dma_wait3A_135 : memref<10000x128xf32, #tpu.memory_space<vmem_shared>>)
        tpu.yield
      }) : () -> ()
      %add3A_124 = arith.constant 3 : i32
      %add3A_125 = arith.addi %mul3A_89, %add3A_124 : i32
      %lt3A = arith.constant 125 : i32
      %lt3A_126 = arith.cmpi slt, %add3A_125, %lt3A : i32
      %convert_element_type3A_127 = arith.extui %lt3A_126 : i1 to i32
      %cond3A_128 = arith.constant 0 : i32
      %cond3A_129 = arith.cmpi ne, %convert_element_type3A_127, %cond3A_128 : i32
      scf.if %cond3A_129 {
        %add3A_130 = arith.constant 3 : i32
        %add3A_131 = arith.addi %mul3A_89, %add3A_130 : i32
        %mul3A_132 = arith.constant 80 : i32
        %mul3A_133 = arith.muli %add3A_131, %mul3A_132 : i32
        %add3A_134 = arith.addi %mul3A_4, %mul3A_133 : i32
        %multiple_of3A_135 = tpu.assume_multiple %add3A_134, 80 : i32
        %dma_start3A_136 = arith.constant 0 : i32
        %dma_start3A_137 = tpu.memref_slice %arg3[%multiple_of3A_135, %dma_start3A_136] : memref<320000x128xf32, #tpu.memory_space<hbm>> -> memref<80x128xf32, #tpu.memory_space<hbm>>
        %dma_start3A_138 = arith.constant 0 : i32
        %dma_start3A_139 = tpu.memref_slice %arg3[%multiple_of3A_135, %dma_start3A_138] : memref<320000x128xf32, #tpu.memory_space<hbm>> -> memref<80x128xf32, #tpu.memory_space<hbm>>
        tpu.enqueue_dma source(%dma_start3A_139 : memref<80x128xf32, #tpu.memory_space<hbm>>) target(%arg10 : memref<80x128xf32, #tpu.memory_space<vmem>>) target_semaphore(%arg14 : memref<!tpu.dma_semaphore, #tpu.memory_space<semaphore_mem>>)
        %dma_start3A_140 = tpu.memref_slice %arg4[%multiple_of3A_135] : memref<320000xi32, #tpu.memory_space<hbm>> -> memref<80xi32, #tpu.memory_space<hbm>>
        %dma_start3A_141 = tpu.memref_slice %arg4[%multiple_of3A_135] : memref<320000xi32, #tpu.memory_space<hbm>> -> memref<80xi32, #tpu.memory_space<hbm>>
        tpu.enqueue_dma source(%dma_start3A_141 : memref<80xi32, #tpu.memory_space<hbm>>) target(%arg12 : memref<80xi32, #tpu.memory_space<vmem>>) target_semaphore(%arg14 : memref<!tpu.dma_semaphore, #tpu.memory_space<semaphore_mem>>)
      } else {
      }
    }
    %scan3A_71 = arith.constant 62 : i32
    %add3A_72 = arith.constant 9920 : i32
    %add3A_73 = arith.addi %mul3A_4, %add3A_72 : i32
    %multiple_of3A_74 = tpu.assume_multiple %add3A_73, 80 : i32
    %dma_wait3A_75 = arith.constant 0 : i32
    %dma_wait3A_76 = tpu.memref_slice %arg3[%multiple_of3A_74, %dma_wait3A_75] : memref<320000x128xf32, #tpu.memory_space<hbm>> -> memref<80x128xf32, #tpu.memory_space<hbm>>
    %dma_wait3A_77 = arith.constant 0 : i32
    %dma_wait3A_78 = tpu.memref_slice %arg3[%multiple_of3A_74, %dma_wait3A_77] : memref<320000x128xf32, #tpu.memory_space<hbm>> -> memref<80x128xf32, #tpu.memory_space<hbm>>
    tpu.wait_dma2 semaphore(%arg13 : memref<!tpu.dma_semaphore, #tpu.memory_space<semaphore_mem>>) src(%dma_wait3A_78 : memref<80x128xf32, #tpu.memory_space<hbm>>) dst(%arg9 : memref<80x128xf32, #tpu.memory_space<vmem>>)
    %dma_wait3A_79 = tpu.memref_slice %arg4[%multiple_of3A_74] : memref<320000xi32, #tpu.memory_space<hbm>> -> memref<80xi32, #tpu.memory_space<hbm>>
    %dma_wait3A_80 = tpu.memref_slice %arg4[%multiple_of3A_74] : memref<320000xi32, #tpu.memory_space<hbm>> -> memref<80xi32, #tpu.memory_space<hbm>>
    tpu.wait_dma2 semaphore(%arg13 : memref<!tpu.dma_semaphore, #tpu.memory_space<semaphore_mem>>) src(%dma_wait3A_80 : memref<80xi32, #tpu.memory_space<hbm>>) dst(%arg11 : memref<80xi32, #tpu.memory_space<vmem>>)
    "tpu.region"() ({
      %run_scoped3A = tpu.sem_alloc : memref<!tpu.dma_semaphore, #tpu.memory_space<semaphore_mem>>
      %dma_start3A_87 = arith.constant 0 : i32
      %dma_start3A_88 = arith.constant 0 : i32
      %dma_start3A_89 = tpu.memref_slice %arg8[%dma_start3A_87, %dma_start3A_88] : memref<10000x128xf32, #tpu.memory_space<vmem_shared>> -> memref<10000x128xf32, #tpu.memory_space<vmem_shared>>
      tpu.enqueue_indirect_dma source(%arg9 : memref<80x128xf32, #tpu.memory_space<vmem>>) target(%dma_start3A_89 : memref<10000x128xf32, #tpu.memory_space<vmem_shared>>) offsets(%arg11 : memref<80xi32, #tpu.memory_space<vmem>>) semaphore(%run_scoped3A : memref<!tpu.dma_semaphore, #tpu.memory_space<semaphore_mem>>) {add = true}
      %dma_wait3A_90 = arith.constant 0 : i32
      %dma_wait3A_91 = arith.constant 0 : i32
      %dma_wait3A_92 = tpu.memref_slice %arg8[%dma_wait3A_90, %dma_wait3A_91] : memref<10000x128xf32, #tpu.memory_space<vmem_shared>> -> memref<10000x128xf32, #tpu.memory_space<vmem_shared>>
      tpu.wait_indirect_dma semaphore(%run_scoped3A : memref<!tpu.dma_semaphore, #tpu.memory_space<semaphore_mem>>) src(%arg9 : memref<80x128xf32, #tpu.memory_space<vmem>>) dst(%dma_wait3A_92 : memref<10000x128xf32, #tpu.memory_space<vmem_shared>>)
      tpu.yield
    }) : () -> ()
    %barrier3A_81 = arith.constant 0 : index
    tpu.barrier barrier_id(%barrier3A_81)
    "tpu.region"() ({
      %run_scoped3A = tpu.sem_alloc : memref<!tpu.dma_semaphore, #tpu.memory_space<semaphore_mem>>
      %dma_start3A_87 = arith.constant 0 : i32
      %dma_start3A_88 = tpu.memref_slice %arg7[%arg0, %mul3A_0, %dma_start3A_87] : memref<2x10000x128xf32, #tpu.memory_space<hbm>> -> memref<1x624x128xf32, #tpu.memory_space<hbm>>
      %dma_start3A_89 = tpu.memref_squeeze %dma_start3A_88 : memref<1x624x128xf32, #tpu.memory_space<hbm>> -> memref<624x128xf32, #tpu.memory_space<hbm>>
      %dma_start3A_90 = arith.constant 0 : i32
      %dma_start3A_91 = tpu.memref_slice %arg8[%mul3A_0, %dma_start3A_90] : memref<10000x128xf32, #tpu.memory_space<vmem_shared>> -> memref<624x128xf32, #tpu.memory_space<vmem_shared>>
      tpu.enqueue_dma source(%dma_start3A_91 : memref<624x128xf32, #tpu.memory_space<vmem_shared>>) target(%dma_start3A_89 : memref<624x128xf32, #tpu.memory_space<hbm>>) target_semaphore(%run_scoped3A : memref<!tpu.dma_semaphore, #tpu.memory_space<semaphore_mem>>)
      %dma_wait3A_92 = arith.constant 0 : i32
      %dma_wait3A_93 = tpu.memref_slice %arg7[%arg0, %mul3A_0, %dma_wait3A_92] : memref<2x10000x128xf32, #tpu.memory_space<hbm>> -> memref<1x624x128xf32, #tpu.memory_space<hbm>>
      %dma_wait3A_94 = tpu.memref_squeeze %dma_wait3A_93 : memref<1x624x128xf32, #tpu.memory_space<hbm>> -> memref<624x128xf32, #tpu.memory_space<hbm>>
      %dma_wait3A_95 = arith.constant 0 : i32
      %dma_wait3A_96 = tpu.memref_slice %arg8[%mul3A_0, %dma_wait3A_95] : memref<10000x128xf32, #tpu.memory_space<vmem_shared>> -> memref<624x128xf32, #tpu.memory_space<vmem_shared>>
      tpu.wait_dma2 semaphore(%run_scoped3A : memref<!tpu.dma_semaphore, #tpu.memory_space<semaphore_mem>>) src(%dma_wait3A_96 : memref<624x128xf32, #tpu.memory_space<vmem_shared>>) dst(%dma_wait3A_94 : memref<624x128xf32, #tpu.memory_space<hbm>>)
      tpu.yield
    }) : () -> ()
    %eq3A_82 = arith.constant 0 : i32
    %eq3A_83 = arith.cmpi eq, %arg1, %eq3A_82 : i32
    %convert_element_type3A_84 = arith.extui %eq3A_83 : i1 to i32
    %cond3A_85 = arith.constant 0 : i32
    %cond3A_86 = arith.cmpi ne, %convert_element_type3A_84, %cond3A_85 : i32
    scf.if %cond3A_86 {
      "tpu.region"() ({
        %run_scoped3A = tpu.sem_alloc : memref<!tpu.dma_semaphore, #tpu.memory_space<semaphore_mem>>
        %dma_start3A_87 = arith.constant 9984 : i32
        %dma_start3A_88 = arith.constant 0 : i32
        %dma_start3A_89 = tpu.memref_slice %arg7[%arg0, %dma_start3A_87, %dma_start3A_88] : memref<2x10000x128xf32, #tpu.memory_space<hbm>> -> memref<1x16x128xf32, #tpu.memory_space<hbm>>
        %dma_start3A_90 = tpu.memref_squeeze %dma_start3A_89 : memref<1x16x128xf32, #tpu.memory_space<hbm>> -> memref<16x128xf32, #tpu.memory_space<hbm>>
        %dma_start3A_91 = arith.constant 9984 : i32
        %dma_start3A_92 = arith.constant 0 : i32
        %dma_start3A_93 = tpu.memref_slice %arg8[%dma_start3A_91, %dma_start3A_92] : memref<10000x128xf32, #tpu.memory_space<vmem_shared>> -> memref<16x128xf32, #tpu.memory_space<vmem_shared>>
        tpu.enqueue_dma source(%dma_start3A_93 : memref<16x128xf32, #tpu.memory_space<vmem_shared>>) target(%dma_start3A_90 : memref<16x128xf32, #tpu.memory_space<hbm>>) target_semaphore(%run_scoped3A : memref<!tpu.dma_semaphore, #tpu.memory_space<semaphore_mem>>)
        %dma_wait3A_94 = arith.constant 9984 : i32
        %dma_wait3A_95 = arith.constant 0 : i32
        %dma_wait3A_96 = tpu.memref_slice %arg7[%arg0, %dma_wait3A_94, %dma_wait3A_95] : memref<2x10000x128xf32, #tpu.memory_space<hbm>> -> memref<1x16x128xf32, #tpu.memory_space<hbm>>
        %dma_wait3A_97 = tpu.memref_squeeze %dma_wait3A_96 : memref<1x16x128xf32, #tpu.memory_space<hbm>> -> memref<16x128xf32, #tpu.memory_space<hbm>>
        %dma_wait3A_98 = arith.constant 9984 : i32
        %dma_wait3A_99 = arith.constant 0 : i32
        %dma_wait3A_100 = tpu.memref_slice %arg8[%dma_wait3A_98, %dma_wait3A_99] : memref<10000x128xf32, #tpu.memory_space<vmem_shared>> -> memref<16x128xf32, #tpu.memory_space<vmem_shared>>
        tpu.wait_dma2 semaphore(%run_scoped3A : memref<!tpu.dma_semaphore, #tpu.memory_space<semaphore_mem>>) src(%dma_wait3A_100 : memref<16x128xf32, #tpu.memory_space<vmem_shared>>) dst(%dma_wait3A_97 : memref<16x128xf32, #tpu.memory_space<hbm>>)
        tpu.yield
      }) : () -> ()
    } else {
    }
    return
  }
}

#map = affine_map<(d0, d1) -> (0, 0)>
#map1 = affine_map<(d0, d1) -> (0)>
#map2 = affine_map<(d0, d1) -> (0, 0, 0)>
module attributes {stable_mosaic.version = 14 : i64} {
  func.func @_scatter_body(%arg0: i32, %arg1: i32, %arg2: memref<320000x128xf32, #tpu.memory_space<hbm>>, %arg3: memref<320000xi32, #tpu.memory_space<hbm>>, %arg4: memref<10000x128xf32, #tpu.memory_space<hbm>>, %arg5: memref<2x10000x128xf32, #tpu.memory_space<hbm>>, %arg6: memref<10000x128xf32, #tpu.memory_space<vmem_shared>>, %arg7: memref<80x128xf32, #tpu.memory_space<vmem>>, %arg8: memref<80x128xf32, #tpu.memory_space<vmem>>, %arg9: memref<80xi32, #tpu.memory_space<vmem>>, %arg10: memref<80xi32, #tpu.memory_space<vmem>>, %arg11: memref<!tpu.dma_semaphore, #tpu.memory_space<semaphore_mem>>, %arg12: memref<!tpu.dma_semaphore, #tpu.memory_space<semaphore_mem>>) attributes {dimension_semantics = [#tpu.dimension_semantics<core_parallel>, #tpu.dimension_semantics<subcore_parallel>], iteration_bounds = array<i64: 2, 16>, scalar_prefetch = 0 : i64, scratch_operands = 7 : i64, tpu.core_type = #tpu.core_type<sc_vector_subcore>, window_params = [{transform_indices = #map}, {transform_indices = #map1}, {transform_indices = #map}, {transform_indices = #map2}]} {
    %mul3A = arith.constant 624 : i32
    %mul3A_0 = arith.muli %arg1, %mul3A : i32
    %mul3A_1 = arith.constant 2 : i32
    %mul3A_2 = arith.muli %arg1, %mul3A_1 : i32
    %add3A = arith.addi %mul3A_2, %arg0 : i32
    %mul3A_3 = arith.constant 10000 : i32
    %mul3A_4 = arith.muli %add3A, %mul3A_3 : i32
    "tpu.region"() ({
      %run_scoped3A = tpu.sem_alloc : memref<!tpu.dma_semaphore, #tpu.memory_space<semaphore_mem>>
      %dma_start3A_42 = arith.constant 0 : i32
      %dma_start3A_43 = tpu.memref_slice %arg6[%mul3A_0, %dma_start3A_42] : memref<10000x128xf32, #tpu.memory_space<vmem_shared>> -> memref<624x128xf32, #tpu.memory_space<vmem_shared>>
      %dma_start3A_44 = arith.constant 0 : i32
      %dma_start3A_45 = tpu.memref_slice %arg4[%mul3A_0, %dma_start3A_44] : memref<10000x128xf32, #tpu.memory_space<hbm>> -> memref<624x128xf32, #tpu.memory_space<hbm>>
      tpu.enqueue_dma source(%dma_start3A_45 : memref<624x128xf32, #tpu.memory_space<hbm>>) target(%dma_start3A_43 : memref<624x128xf32, #tpu.memory_space<vmem_shared>>) target_semaphore(%run_scoped3A : memref<!tpu.dma_semaphore, #tpu.memory_space<semaphore_mem>>)
      %dma_wait3A_46 = arith.constant 0 : i32
      %dma_wait3A_47 = tpu.memref_slice %arg6[%mul3A_0, %dma_wait3A_46] : memref<10000x128xf32, #tpu.memory_space<vmem_shared>> -> memref<624x128xf32, #tpu.memory_space<vmem_shared>>
      %dma_wait3A_48 = arith.constant 0 : i32
      %dma_wait3A_49 = tpu.memref_slice %arg4[%mul3A_0, %dma_wait3A_48] : memref<10000x128xf32, #tpu.memory_space<hbm>> -> memref<624x128xf32, #tpu.memory_space<hbm>>
      tpu.wait_dma2 semaphore(%run_scoped3A : memref<!tpu.dma_semaphore, #tpu.memory_space<semaphore_mem>>) src(%dma_wait3A_49 : memref<624x128xf32, #tpu.memory_space<hbm>>) dst(%dma_wait3A_47 : memref<624x128xf32, #tpu.memory_space<vmem_shared>>)
      tpu.yield
    }) : () -> ()
    %eq3A = arith.constant 0 : i32
    %eq3A_5 = arith.cmpi eq, %arg1, %eq3A : i32
    %convert_element_type3A = arith.extui %eq3A_5 : i1 to i32
    %cond3A = arith.constant 0 : i32
    %cond3A_6 = arith.cmpi ne, %convert_element_type3A, %cond3A : i32
    scf.if %cond3A_6 {
      "tpu.region"() ({
        %run_scoped3A = tpu.sem_alloc : memref<!tpu.dma_semaphore, #tpu.memory_space<semaphore_mem>>
        %dma_start3A_42 = arith.constant 9984 : i32
        %dma_start3A_43 = arith.constant 0 : i32
        %dma_start3A_44 = tpu.memref_slice %arg6[%dma_start3A_42, %dma_start3A_43] : memref<10000x128xf32, #tpu.memory_space<vmem_shared>> -> memref<16x128xf32, #tpu.memory_space<vmem_shared>>
        %dma_start3A_45 = arith.constant 9984 : i32
        %dma_start3A_46 = arith.constant 0 : i32
        %dma_start3A_47 = tpu.memref_slice %arg4[%dma_start3A_45, %dma_start3A_46] : memref<10000x128xf32, #tpu.memory_space<hbm>> -> memref<16x128xf32, #tpu.memory_space<hbm>>
        tpu.enqueue_dma source(%dma_start3A_47 : memref<16x128xf32, #tpu.memory_space<hbm>>) target(%dma_start3A_44 : memref<16x128xf32, #tpu.memory_space<vmem_shared>>) target_semaphore(%run_scoped3A : memref<!tpu.dma_semaphore, #tpu.memory_space<semaphore_mem>>)
        %dma_wait3A_48 = arith.constant 9984 : i32
        %dma_wait3A_49 = arith.constant 0 : i32
        %dma_wait3A_50 = tpu.memref_slice %arg6[%dma_wait3A_48, %dma_wait3A_49] : memref<10000x128xf32, #tpu.memory_space<vmem_shared>> -> memref<16x128xf32, #tpu.memory_space<vmem_shared>>
        %dma_wait3A_51 = arith.constant 9984 : i32
        %dma_wait3A_52 = arith.constant 0 : i32
        %dma_wait3A_53 = tpu.memref_slice %arg4[%dma_wait3A_51, %dma_wait3A_52] : memref<10000x128xf32, #tpu.memory_space<hbm>> -> memref<16x128xf32, #tpu.memory_space<hbm>>
        tpu.wait_dma2 semaphore(%run_scoped3A : memref<!tpu.dma_semaphore, #tpu.memory_space<semaphore_mem>>) src(%dma_wait3A_53 : memref<16x128xf32, #tpu.memory_space<hbm>>) dst(%dma_wait3A_50 : memref<16x128xf32, #tpu.memory_space<vmem_shared>>)
        tpu.yield
      }) : () -> ()
    } else {
    }
    %barrier3A = arith.constant 0 : index
    tpu.barrier barrier_id(%barrier3A)
    %add3A_7 = arith.constant 0 : i32
    %add3A_8 = arith.addi %mul3A_4, %add3A_7 : i32
    %multiple_of3A = tpu.assume_multiple %add3A_8, 80 : i32
    %dma_start3A = arith.constant 0 : i32
    %dma_start3A_9 = tpu.memref_slice %arg2[%multiple_of3A, %dma_start3A] : memref<320000x128xf32, #tpu.memory_space<hbm>> -> memref<80x128xf32, #tpu.memory_space<hbm>>
    %dma_start3A_10 = arith.constant 0 : i32
    %dma_start3A_11 = tpu.memref_slice %arg2[%multiple_of3A, %dma_start3A_10] : memref<320000x128xf32, #tpu.memory_space<hbm>> -> memref<80x128xf32, #tpu.memory_space<hbm>>
    tpu.enqueue_dma source(%dma_start3A_11 : memref<80x128xf32, #tpu.memory_space<hbm>>) target(%arg7 : memref<80x128xf32, #tpu.memory_space<vmem>>) target_semaphore(%arg11 : memref<!tpu.dma_semaphore, #tpu.memory_space<semaphore_mem>>)
    %dma_start3A_12 = tpu.memref_slice %arg3[%multiple_of3A] : memref<320000xi32, #tpu.memory_space<hbm>> -> memref<80xi32, #tpu.memory_space<hbm>>
    %dma_start3A_13 = tpu.memref_slice %arg3[%multiple_of3A] : memref<320000xi32, #tpu.memory_space<hbm>> -> memref<80xi32, #tpu.memory_space<hbm>>
    tpu.enqueue_dma source(%dma_start3A_13 : memref<80xi32, #tpu.memory_space<hbm>>) target(%arg9 : memref<80xi32, #tpu.memory_space<vmem>>) target_semaphore(%arg11 : memref<!tpu.dma_semaphore, #tpu.memory_space<semaphore_mem>>)
    %add3A_14 = arith.constant 80 : i32
    %add3A_15 = arith.addi %mul3A_4, %add3A_14 : i32
    %multiple_of3A_16 = tpu.assume_multiple %add3A_15, 80 : i32
    %dma_start3A_17 = arith.constant 0 : i32
    %dma_start3A_18 = tpu.memref_slice %arg2[%multiple_of3A_16, %dma_start3A_17] : memref<320000x128xf32, #tpu.memory_space<hbm>> -> memref<80x128xf32, #tpu.memory_space<hbm>>
    %dma_start3A_19 = arith.constant 0 : i32
    %dma_start3A_20 = tpu.memref_slice %arg2[%multiple_of3A_16, %dma_start3A_19] : memref<320000x128xf32, #tpu.memory_space<hbm>> -> memref<80x128xf32, #tpu.memory_space<hbm>>
    tpu.enqueue_dma source(%dma_start3A_20 : memref<80x128xf32, #tpu.memory_space<hbm>>) target(%arg8 : memref<80x128xf32, #tpu.memory_space<vmem>>) target_semaphore(%arg12 : memref<!tpu.dma_semaphore, #tpu.memory_space<semaphore_mem>>)
    %dma_start3A_21 = tpu.memref_slice %arg3[%multiple_of3A_16] : memref<320000xi32, #tpu.memory_space<hbm>> -> memref<80xi32, #tpu.memory_space<hbm>>
    %dma_start3A_22 = tpu.memref_slice %arg3[%multiple_of3A_16] : memref<320000xi32, #tpu.memory_space<hbm>> -> memref<80xi32, #tpu.memory_space<hbm>>
    tpu.enqueue_dma source(%dma_start3A_22 : memref<80xi32, #tpu.memory_space<hbm>>) target(%arg10 : memref<80xi32, #tpu.memory_space<vmem>>) target_semaphore(%arg12 : memref<!tpu.dma_semaphore, #tpu.memory_space<semaphore_mem>>)
    %scan3A = arith.constant 0 : i32
    %scan3A_23 = arith.constant 0 : i32
    %scan3A_24 = arith.constant 62 : i32
    %scan3A_25 = arith.addi %scan3A_23, %scan3A_24 : i32
    %scan3A_26 = arith.constant 1 : i32
    scf.for %scan3A_42 = %scan3A_23 to %scan3A_25 step %scan3A_26  : i32 {
      %mul3A_43 = arith.constant 2 : i32
      %mul3A_44 = arith.muli %mul3A_43, %scan3A_42 : i32
      %mul3A_45 = arith.constant 80 : i32
      %mul3A_46 = arith.muli %mul3A_44, %mul3A_45 : i32
      %add3A_47 = arith.addi %mul3A_4, %mul3A_46 : i32
      %multiple_of3A_48 = tpu.assume_multiple %add3A_47, 80 : i32
      %dma_wait3A_49 = arith.constant 0 : i32
      %dma_wait3A_50 = tpu.memref_slice %arg2[%multiple_of3A_48, %dma_wait3A_49] : memref<320000x128xf32, #tpu.memory_space<hbm>> -> memref<80x128xf32, #tpu.memory_space<hbm>>
      %dma_wait3A_51 = arith.constant 0 : i32
      %dma_wait3A_52 = tpu.memref_slice %arg2[%multiple_of3A_48, %dma_wait3A_51] : memref<320000x128xf32, #tpu.memory_space<hbm>> -> memref<80x128xf32, #tpu.memory_space<hbm>>
      tpu.wait_dma2 semaphore(%arg11 : memref<!tpu.dma_semaphore, #tpu.memory_space<semaphore_mem>>) src(%dma_wait3A_52 : memref<80x128xf32, #tpu.memory_space<hbm>>) dst(%arg7 : memref<80x128xf32, #tpu.memory_space<vmem>>)
      %dma_wait3A_53 = tpu.memref_slice %arg3[%multiple_of3A_48] : memref<320000xi32, #tpu.memory_space<hbm>> -> memref<80xi32, #tpu.memory_space<hbm>>
      %dma_wait3A_54 = tpu.memref_slice %arg3[%multiple_of3A_48] : memref<320000xi32, #tpu.memory_space<hbm>> -> memref<80xi32, #tpu.memory_space<hbm>>
      tpu.wait_dma2 semaphore(%arg11 : memref<!tpu.dma_semaphore, #tpu.memory_space<semaphore_mem>>) src(%dma_wait3A_54 : memref<80xi32, #tpu.memory_space<hbm>>) dst(%arg9 : memref<80xi32, #tpu.memory_space<vmem>>)
      "tpu.region"() ({
        %run_scoped3A = tpu.sem_alloc : memref<!tpu.dma_semaphore, #tpu.memory_space<semaphore_mem>>
        %dma_start3A_85 = arith.constant 0 : i32
        %dma_start3A_86 = arith.constant 0 : i32
        %dma_start3A_87 = tpu.memref_slice %arg6[%dma_start3A_85, %dma_start3A_86] : memref<10000x128xf32, #tpu.memory_space<vmem_shared>> -> memref<10000x128xf32, #tpu.memory_space<vmem_shared>>
        tpu.enqueue_indirect_dma source(%arg7 : memref<80x128xf32, #tpu.memory_space<vmem>>) target(%dma_start3A_87 : memref<10000x128xf32, #tpu.memory_space<vmem_shared>>) offsets(%arg9 : memref<80xi32, #tpu.memory_space<vmem>>) semaphore(%run_scoped3A : memref<!tpu.dma_semaphore, #tpu.memory_space<semaphore_mem>>) {add = true}
        %dma_wait3A_88 = arith.constant 0 : i32
        %dma_wait3A_89 = arith.constant 0 : i32
        %dma_wait3A_90 = tpu.memref_slice %arg6[%dma_wait3A_88, %dma_wait3A_89] : memref<10000x128xf32, #tpu.memory_space<vmem_shared>> -> memref<10000x128xf32, #tpu.memory_space<vmem_shared>>
        tpu.wait_indirect_dma semaphore(%run_scoped3A : memref<!tpu.dma_semaphore, #tpu.memory_space<semaphore_mem>>) src(%arg7 : memref<80x128xf32, #tpu.memory_space<vmem>>) dst(%dma_wait3A_90 : memref<10000x128xf32, #tpu.memory_space<vmem_shared>>)
        tpu.yield
      }) : () -> ()
      %add3A_55 = arith.constant 2 : i32
      %add3A_56 = arith.addi %mul3A_44, %add3A_55 : i32
      %mul3A_57 = arith.constant 80 : i32
      %mul3A_58 = arith.muli %add3A_56, %mul3A_57 : i32
      %add3A_59 = arith.addi %mul3A_4, %mul3A_58 : i32
      %multiple_of3A_60 = tpu.assume_multiple %add3A_59, 80 : i32
      %dma_start3A_61 = arith.constant 0 : i32
      %dma_start3A_62 = tpu.memref_slice %arg2[%multiple_of3A_60, %dma_start3A_61] : memref<320000x128xf32, #tpu.memory_space<hbm>> -> memref<80x128xf32, #tpu.memory_space<hbm>>
      %dma_start3A_63 = arith.constant 0 : i32
      %dma_start3A_64 = tpu.memref_slice %arg2[%multiple_of3A_60, %dma_start3A_63] : memref<320000x128xf32, #tpu.memory_space<hbm>> -> memref<80x128xf32, #tpu.memory_space<hbm>>
      tpu.enqueue_dma source(%dma_start3A_64 : memref<80x128xf32, #tpu.memory_space<hbm>>) target(%arg7 : memref<80x128xf32, #tpu.memory_space<vmem>>) target_semaphore(%arg11 : memref<!tpu.dma_semaphore, #tpu.memory_space<semaphore_mem>>)
      %dma_start3A_65 = tpu.memref_slice %arg3[%multiple_of3A_60] : memref<320000xi32, #tpu.memory_space<hbm>> -> memref<80xi32, #tpu.memory_space<hbm>>
      %dma_start3A_66 = tpu.memref_slice %arg3[%multiple_of3A_60] : memref<320000xi32, #tpu.memory_space<hbm>> -> memref<80xi32, #tpu.memory_space<hbm>>
      tpu.enqueue_dma source(%dma_start3A_66 : memref<80xi32, #tpu.memory_space<hbm>>) target(%arg9 : memref<80xi32, #tpu.memory_space<vmem>>) target_semaphore(%arg11 : memref<!tpu.dma_semaphore, #tpu.memory_space<semaphore_mem>>)
      %add3A_67 = arith.constant 1 : i32
      %add3A_68 = arith.addi %mul3A_44, %add3A_67 : i32
      %mul3A_69 = arith.constant 80 : i32
      %mul3A_70 = arith.muli %add3A_68, %mul3A_69 : i32
      %add3A_71 = arith.addi %mul3A_4, %mul3A_70 : i32
      %multiple_of3A_72 = tpu.assume_multiple %add3A_71, 80 : i32
      %dma_wait3A_73 = arith.constant 0 : i32
      %dma_wait3A_74 = tpu.memref_slice %arg2[%multiple_of3A_72, %dma_wait3A_73] : memref<320000x128xf32, #tpu.memory_space<hbm>> -> memref<80x128xf32, #tpu.memory_space<hbm>>
      %dma_wait3A_75 = arith.constant 0 : i32
      %dma_wait3A_76 = tpu.memref_slice %arg2[%multiple_of3A_72, %dma_wait3A_75] : memref<320000x128xf32, #tpu.memory_space<hbm>> -> memref<80x128xf32, #tpu.memory_space<hbm>>
      tpu.wait_dma2 semaphore(%arg12 : memref<!tpu.dma_semaphore, #tpu.memory_space<semaphore_mem>>) src(%dma_wait3A_76 : memref<80x128xf32, #tpu.memory_space<hbm>>) dst(%arg8 : memref<80x128xf32, #tpu.memory_space<vmem>>)
      %dma_wait3A_77 = tpu.memref_slice %arg3[%multiple_of3A_72] : memref<320000xi32, #tpu.memory_space<hbm>> -> memref<80xi32, #tpu.memory_space<hbm>>
      %dma_wait3A_78 = tpu.memref_slice %arg3[%multiple_of3A_72] : memref<320000xi32, #tpu.memory_space<hbm>> -> memref<80xi32, #tpu.memory_space<hbm>>
      tpu.wait_dma2 semaphore(%arg12 : memref<!tpu.dma_semaphore, #tpu.memory_space<semaphore_mem>>) src(%dma_wait3A_78 : memref<80xi32, #tpu.memory_space<hbm>>) dst(%arg10 : memref<80xi32, #tpu.memory_space<vmem>>)
      "tpu.region"() ({
        %run_scoped3A = tpu.sem_alloc : memref<!tpu.dma_semaphore, #tpu.memory_space<semaphore_mem>>
        %dma_start3A_85 = arith.constant 0 : i32
        %dma_start3A_86 = arith.constant 0 : i32
        %dma_start3A_87 = tpu.memref_slice %arg6[%dma_start3A_85, %dma_start3A_86] : memref<10000x128xf32, #tpu.memory_space<vmem_shared>> -> memref<10000x128xf32, #tpu.memory_space<vmem_shared>>
        tpu.enqueue_indirect_dma source(%arg8 : memref<80x128xf32, #tpu.memory_space<vmem>>) target(%dma_start3A_87 : memref<10000x128xf32, #tpu.memory_space<vmem_shared>>) offsets(%arg10 : memref<80xi32, #tpu.memory_space<vmem>>) semaphore(%run_scoped3A : memref<!tpu.dma_semaphore, #tpu.memory_space<semaphore_mem>>) {add = true}
        %dma_wait3A_88 = arith.constant 0 : i32
        %dma_wait3A_89 = arith.constant 0 : i32
        %dma_wait3A_90 = tpu.memref_slice %arg6[%dma_wait3A_88, %dma_wait3A_89] : memref<10000x128xf32, #tpu.memory_space<vmem_shared>> -> memref<10000x128xf32, #tpu.memory_space<vmem_shared>>
        tpu.wait_indirect_dma semaphore(%run_scoped3A : memref<!tpu.dma_semaphore, #tpu.memory_space<semaphore_mem>>) src(%arg8 : memref<80x128xf32, #tpu.memory_space<vmem>>) dst(%dma_wait3A_90 : memref<10000x128xf32, #tpu.memory_space<vmem_shared>>)
        tpu.yield
      }) : () -> ()
      %add3A_79 = arith.constant 3 : i32
      %add3A_80 = arith.addi %mul3A_44, %add3A_79 : i32
      %lt3A = arith.constant 125 : i32
      %lt3A_81 = arith.cmpi slt, %add3A_80, %lt3A : i32
      %convert_element_type3A_82 = arith.extui %lt3A_81 : i1 to i32
      %cond3A_83 = arith.constant 0 : i32
      %cond3A_84 = arith.cmpi ne, %convert_element_type3A_82, %cond3A_83 : i32
      scf.if %cond3A_84 {
        %add3A_85 = arith.constant 3 : i32
        %add3A_86 = arith.addi %mul3A_44, %add3A_85 : i32
        %mul3A_87 = arith.constant 80 : i32
        %mul3A_88 = arith.muli %add3A_86, %mul3A_87 : i32
        %add3A_89 = arith.addi %mul3A_4, %mul3A_88 : i32
        %multiple_of3A_90 = tpu.assume_multiple %add3A_89, 80 : i32
        %dma_start3A_91 = arith.constant 0 : i32
        %dma_start3A_92 = tpu.memref_slice %arg2[%multiple_of3A_90, %dma_start3A_91] : memref<320000x128xf32, #tpu.memory_space<hbm>> -> memref<80x128xf32, #tpu.memory_space<hbm>>
        %dma_start3A_93 = arith.constant 0 : i32
        %dma_start3A_94 = tpu.memref_slice %arg2[%multiple_of3A_90, %dma_start3A_93] : memref<320000x128xf32, #tpu.memory_space<hbm>> -> memref<80x128xf32, #tpu.memory_space<hbm>>
        tpu.enqueue_dma source(%dma_start3A_94 : memref<80x128xf32, #tpu.memory_space<hbm>>) target(%arg8 : memref<80x128xf32, #tpu.memory_space<vmem>>) target_semaphore(%arg12 : memref<!tpu.dma_semaphore, #tpu.memory_space<semaphore_mem>>)
        %dma_start3A_95 = tpu.memref_slice %arg3[%multiple_of3A_90] : memref<320000xi32, #tpu.memory_space<hbm>> -> memref<80xi32, #tpu.memory_space<hbm>>
        %dma_start3A_96 = tpu.memref_slice %arg3[%multiple_of3A_90] : memref<320000xi32, #tpu.memory_space<hbm>> -> memref<80xi32, #tpu.memory_space<hbm>>
        tpu.enqueue_dma source(%dma_start3A_96 : memref<80xi32, #tpu.memory_space<hbm>>) target(%arg10 : memref<80xi32, #tpu.memory_space<vmem>>) target_semaphore(%arg12 : memref<!tpu.dma_semaphore, #tpu.memory_space<semaphore_mem>>)
      } else {
      }
    }
    %scan3A_27 = arith.constant 62 : i32
    %add3A_28 = arith.constant 9920 : i32
    %add3A_29 = arith.addi %mul3A_4, %add3A_28 : i32
    %multiple_of3A_30 = tpu.assume_multiple %add3A_29, 80 : i32
    %dma_wait3A = arith.constant 0 : i32
    %dma_wait3A_31 = tpu.memref_slice %arg2[%multiple_of3A_30, %dma_wait3A] : memref<320000x128xf32, #tpu.memory_space<hbm>> -> memref<80x128xf32, #tpu.memory_space<hbm>>
    %dma_wait3A_32 = arith.constant 0 : i32
    %dma_wait3A_33 = tpu.memref_slice %arg2[%multiple_of3A_30, %dma_wait3A_32] : memref<320000x128xf32, #tpu.memory_space<hbm>> -> memref<80x128xf32, #tpu.memory_space<hbm>>
    tpu.wait_dma2 semaphore(%arg11 : memref<!tpu.dma_semaphore, #tpu.memory_space<semaphore_mem>>) src(%dma_wait3A_33 : memref<80x128xf32, #tpu.memory_space<hbm>>) dst(%arg7 : memref<80x128xf32, #tpu.memory_space<vmem>>)
    %dma_wait3A_34 = tpu.memref_slice %arg3[%multiple_of3A_30] : memref<320000xi32, #tpu.memory_space<hbm>> -> memref<80xi32, #tpu.memory_space<hbm>>
    %dma_wait3A_35 = tpu.memref_slice %arg3[%multiple_of3A_30] : memref<320000xi32, #tpu.memory_space<hbm>> -> memref<80xi32, #tpu.memory_space<hbm>>
    tpu.wait_dma2 semaphore(%arg11 : memref<!tpu.dma_semaphore, #tpu.memory_space<semaphore_mem>>) src(%dma_wait3A_35 : memref<80xi32, #tpu.memory_space<hbm>>) dst(%arg9 : memref<80xi32, #tpu.memory_space<vmem>>)
    "tpu.region"() ({
      %run_scoped3A = tpu.sem_alloc : memref<!tpu.dma_semaphore, #tpu.memory_space<semaphore_mem>>
      %dma_start3A_42 = arith.constant 0 : i32
      %dma_start3A_43 = arith.constant 0 : i32
      %dma_start3A_44 = tpu.memref_slice %arg6[%dma_start3A_42, %dma_start3A_43] : memref<10000x128xf32, #tpu.memory_space<vmem_shared>> -> memref<10000x128xf32, #tpu.memory_space<vmem_shared>>
      tpu.enqueue_indirect_dma source(%arg7 : memref<80x128xf32, #tpu.memory_space<vmem>>) target(%dma_start3A_44 : memref<10000x128xf32, #tpu.memory_space<vmem_shared>>) offsets(%arg9 : memref<80xi32, #tpu.memory_space<vmem>>) semaphore(%run_scoped3A : memref<!tpu.dma_semaphore, #tpu.memory_space<semaphore_mem>>) {add = true}
      %dma_wait3A_45 = arith.constant 0 : i32
      %dma_wait3A_46 = arith.constant 0 : i32
      %dma_wait3A_47 = tpu.memref_slice %arg6[%dma_wait3A_45, %dma_wait3A_46] : memref<10000x128xf32, #tpu.memory_space<vmem_shared>> -> memref<10000x128xf32, #tpu.memory_space<vmem_shared>>
      tpu.wait_indirect_dma semaphore(%run_scoped3A : memref<!tpu.dma_semaphore, #tpu.memory_space<semaphore_mem>>) src(%arg7 : memref<80x128xf32, #tpu.memory_space<vmem>>) dst(%dma_wait3A_47 : memref<10000x128xf32, #tpu.memory_space<vmem_shared>>)
      tpu.yield
    }) : () -> ()
    %barrier3A_36 = arith.constant 0 : index
    tpu.barrier barrier_id(%barrier3A_36)
    "tpu.region"() ({
      %run_scoped3A = tpu.sem_alloc : memref<!tpu.dma_semaphore, #tpu.memory_space<semaphore_mem>>
      %dma_start3A_42 = arith.constant 0 : i32
      %dma_start3A_43 = tpu.memref_slice %arg5[%arg0, %mul3A_0, %dma_start3A_42] : memref<2x10000x128xf32, #tpu.memory_space<hbm>> -> memref<1x624x128xf32, #tpu.memory_space<hbm>>
      %dma_start3A_44 = tpu.memref_squeeze %dma_start3A_43 : memref<1x624x128xf32, #tpu.memory_space<hbm>> -> memref<624x128xf32, #tpu.memory_space<hbm>>
      %dma_start3A_45 = arith.constant 0 : i32
      %dma_start3A_46 = tpu.memref_slice %arg6[%mul3A_0, %dma_start3A_45] : memref<10000x128xf32, #tpu.memory_space<vmem_shared>> -> memref<624x128xf32, #tpu.memory_space<vmem_shared>>
      tpu.enqueue_dma source(%dma_start3A_46 : memref<624x128xf32, #tpu.memory_space<vmem_shared>>) target(%dma_start3A_44 : memref<624x128xf32, #tpu.memory_space<hbm>>) target_semaphore(%run_scoped3A : memref<!tpu.dma_semaphore, #tpu.memory_space<semaphore_mem>>)
      %dma_wait3A_47 = arith.constant 0 : i32
      %dma_wait3A_48 = tpu.memref_slice %arg5[%arg0, %mul3A_0, %dma_wait3A_47] : memref<2x10000x128xf32, #tpu.memory_space<hbm>> -> memref<1x624x128xf32, #tpu.memory_space<hbm>>
      %dma_wait3A_49 = tpu.memref_squeeze %dma_wait3A_48 : memref<1x624x128xf32, #tpu.memory_space<hbm>> -> memref<624x128xf32, #tpu.memory_space<hbm>>
      %dma_wait3A_50 = arith.constant 0 : i32
      %dma_wait3A_51 = tpu.memref_slice %arg6[%mul3A_0, %dma_wait3A_50] : memref<10000x128xf32, #tpu.memory_space<vmem_shared>> -> memref<624x128xf32, #tpu.memory_space<vmem_shared>>
      tpu.wait_dma2 semaphore(%run_scoped3A : memref<!tpu.dma_semaphore, #tpu.memory_space<semaphore_mem>>) src(%dma_wait3A_51 : memref<624x128xf32, #tpu.memory_space<vmem_shared>>) dst(%dma_wait3A_49 : memref<624x128xf32, #tpu.memory_space<hbm>>)
      tpu.yield
    }) : () -> ()
    %eq3A_37 = arith.constant 0 : i32
    %eq3A_38 = arith.cmpi eq, %arg1, %eq3A_37 : i32
    %convert_element_type3A_39 = arith.extui %eq3A_38 : i1 to i32
    %cond3A_40 = arith.constant 0 : i32
    %cond3A_41 = arith.cmpi ne, %convert_element_type3A_39, %cond3A_40 : i32
    scf.if %cond3A_41 {
      "tpu.region"() ({
        %run_scoped3A = tpu.sem_alloc : memref<!tpu.dma_semaphore, #tpu.memory_space<semaphore_mem>>
        %dma_start3A_42 = arith.constant 9984 : i32
        %dma_start3A_43 = arith.constant 0 : i32
        %dma_start3A_44 = tpu.memref_slice %arg5[%arg0, %dma_start3A_42, %dma_start3A_43] : memref<2x10000x128xf32, #tpu.memory_space<hbm>> -> memref<1x16x128xf32, #tpu.memory_space<hbm>>
        %dma_start3A_45 = tpu.memref_squeeze %dma_start3A_44 : memref<1x16x128xf32, #tpu.memory_space<hbm>> -> memref<16x128xf32, #tpu.memory_space<hbm>>
        %dma_start3A_46 = arith.constant 9984 : i32
        %dma_start3A_47 = arith.constant 0 : i32
        %dma_start3A_48 = tpu.memref_slice %arg6[%dma_start3A_46, %dma_start3A_47] : memref<10000x128xf32, #tpu.memory_space<vmem_shared>> -> memref<16x128xf32, #tpu.memory_space<vmem_shared>>
        tpu.enqueue_dma source(%dma_start3A_48 : memref<16x128xf32, #tpu.memory_space<vmem_shared>>) target(%dma_start3A_45 : memref<16x128xf32, #tpu.memory_space<hbm>>) target_semaphore(%run_scoped3A : memref<!tpu.dma_semaphore, #tpu.memory_space<semaphore_mem>>)
        %dma_wait3A_49 = arith.constant 9984 : i32
        %dma_wait3A_50 = arith.constant 0 : i32
        %dma_wait3A_51 = tpu.memref_slice %arg5[%arg0, %dma_wait3A_49, %dma_wait3A_50] : memref<2x10000x128xf32, #tpu.memory_space<hbm>> -> memref<1x16x128xf32, #tpu.memory_space<hbm>>
        %dma_wait3A_52 = tpu.memref_squeeze %dma_wait3A_51 : memref<1x16x128xf32, #tpu.memory_space<hbm>> -> memref<16x128xf32, #tpu.memory_space<hbm>>
        %dma_wait3A_53 = arith.constant 9984 : i32
        %dma_wait3A_54 = arith.constant 0 : i32
        %dma_wait3A_55 = tpu.memref_slice %arg6[%dma_wait3A_53, %dma_wait3A_54] : memref<10000x128xf32, #tpu.memory_space<vmem_shared>> -> memref<16x128xf32, #tpu.memory_space<vmem_shared>>
        tpu.wait_dma2 semaphore(%run_scoped3A : memref<!tpu.dma_semaphore, #tpu.memory_space<semaphore_mem>>) src(%dma_wait3A_55 : memref<16x128xf32, #tpu.memory_space<vmem_shared>>) dst(%dma_wait3A_52 : memref<16x128xf32, #tpu.memory_space<hbm>>)
        tpu.yield
      }) : () -> ()
    } else {
    }
    return
  }
}

module attributes {stable_mosaic.version = 14 : i64} {
  func.func @_embed_body(%arg0: i32, %arg1: memref<1x2000x1xi32, #tpu.memory_space<vmem>>, %arg2: memref<128x128xf32, #tpu.memory_space<vmem>>, %arg3: memref<2000x128xf32, #tpu.memory_space<vmem>>) attributes {dimension_semantics = [#tpu.dimension_semantics<arbitrary>], iteration_bounds = array<i64: 5>, scalar_prefetch = 0 : i64, scratch_operands = 0 : i64, tpu.core_type = #tpu.core_type<tc>, window_params = [{transform_indices = @transform_0, window_bounds = array<i64: 1, 2000, 1>}, {pipeline_mode = #tpu.pipeline_mode<synchronous>, transform_indices = @transform_1, window_bounds = array<i64: 128, 128>}, {transform_indices = @transform_2, window_bounds = array<i64: 2000, 128>}]} {
    %get3A = arith.constant 0 : index
    %get3A_0 = arith.constant 0 : index
    %get3A_1 = arith.constant 0 : index
    %get3A_2 = vector.load %arg1[%get3A, %get3A_0, %get3A_1] : memref<1x2000x1xi32, #tpu.memory_space<vmem>>, vector<1x2000x1xi32>
    %get3A_3 = vector.shape_cast %get3A_2 : vector<1x2000x1xi32> to vector<2000x1xi32>
    %iota3A = tpu.iota {dimensions = array<i32: 1>} : vector<2000x128xi32>
    %eq3A = vector.broadcast %get3A_3 : vector<2000x1xi32> to vector<2000x128xi32>
    %eq3A_4 = arith.cmpi eq, %eq3A, %iota3A : vector<2000x128xi32>
    %convert_element_type3A = arith.extui %eq3A_4 : vector<2000x128xi1> to vector<2000x128xi32>
    %convert_element_type3A_5 = arith.sitofp %convert_element_type3A : vector<2000x128xi32> to vector<2000x128xf32>
    %get3A_6 = arith.constant 0 : index
    %get3A_7 = arith.constant 0 : index
    %get3A_8 = vector.load %arg2[%get3A_6, %get3A_7] : memref<128x128xf32, #tpu.memory_space<vmem>>, vector<128x128xf32>
    %dot_general3A = arith.constant dense<0.000000e+00> : vector<2000x128xf32>
    %dot_general3A_9 = tpu.matmul %convert_element_type3A_5, %get3A_8, %dot_general3A {dimension_numbers = #tpu.dot_dimension_numbers<[1], [0], [0], [1], [0, 0, 1, 1], [], []>, transpose_lhs_hint = false} : vector<2000x128xf32>, vector<128x128xf32>, vector<2000x128xf32> -> vector<2000x128xf32>
    %swap3A = arith.constant 0 : index
    %swap3A_10 = arith.constant 0 : index
    %swap3A_11 = vector.load %arg3[%swap3A, %swap3A_10] : memref<2000x128xf32, #tpu.memory_space<vmem>>, vector<2000x128xf32>
    tpu.vector_store %arg3[%swap3A, %swap3A_10], %dot_general3A_9 {strides = array<i32>} : memref<2000x128xf32, #tpu.memory_space<vmem>>, vector<2000x128xf32>,
    return
  }
  func.func @transform_0(%arg0: i32) -> (i32, i32, i32) {
    %c0_i32 = arith.constant 0 : i32
    %c0_i32_0 = arith.constant 0 : i32
    %c0_i32_1 = arith.constant 0 : i32
    return %arg0, %c0_i32, %c0_i32_0 : i32, i32, i32
  }
  func.func @transform_1(%arg0: i32) -> (i32, i32) {
    %c0_i32 = arith.constant 0 : i32
    %c0_i32_0 = arith.constant 0 : i32
    %c0_i32_1 = arith.constant 0 : i32
    return %c0_i32, %c0_i32_0 : i32, i32
  }
  func.func @transform_2(%arg0: i32) -> (i32, i32) {
    %c0_i32 = arith.constant 0 : i32
    %c0_i32_0 = arith.constant 0 : i32
    return %arg0, %c0_i32 : i32, i32
  }
}

module attributes {stable_mosaic.version = 14 : i64} {
  func.func @_edge_body(%arg0: i32, %arg1: memref<2000x128xf32, #tpu.memory_space<vmem>>, %arg2: memref<2000x128xf32, #tpu.memory_space<vmem>>, %arg3: memref<2000x128xf32, #tpu.memory_space<vmem>>, %arg4: memref<2000x128xf32, #tpu.memory_space<vmem>>, %arg5: memref<128x128xf32, #tpu.memory_space<vmem>>, %arg6: memref<128x128xf32, #tpu.memory_space<vmem>>, %arg7: memref<1x128xf32, #tpu.memory_space<vmem>>, %arg8: memref<1x128xf32, #tpu.memory_space<vmem>>, %arg9: memref<1x128xf32, #tpu.memory_space<vmem>>, %arg10: memref<1x128xf32, #tpu.memory_space<vmem>>, %arg11: memref<128x128xf32, #tpu.memory_space<vmem>>, %arg12: memref<1x128xf32, #tpu.memory_space<vmem>>, %arg13: memref<1x128xf32, #tpu.memory_space<vmem>>, %arg14: memref<1x128xf32, #tpu.memory_space<vmem>>, %arg15: memref<128x128xf32, #tpu.memory_space<vmem>>, %arg16: memref<1x128xf32, #tpu.memory_space<vmem>>, %arg17: memref<1x128xf32, #tpu.memory_space<vmem>>, %arg18: memref<1x128xf32, #tpu.memory_space<vmem>>, %arg19: memref<1x128xf32, #tpu.memory_space<vmem>>, %arg20: memref<1x1xf32, #tpu.memory_space<vmem>>, %arg21: memref<2000x128xf32, #tpu.memory_space<vmem>>, %arg22: memref<2000x128xf32, #tpu.memory_space<vmem>>) attributes {dimension_semantics = [#tpu.dimension_semantics<arbitrary>], iteration_bounds = array<i64: 160>, scalar_prefetch = 0 : i64, scratch_operands = 0 : i64, tpu.core_type = #tpu.core_type<tc>, window_params = [{transform_indices = @transform_0, window_bounds = array<i64: 2000, 128>}, {transform_indices = @transform_1, window_bounds = array<i64: 2000, 128>}, {transform_indices = @transform_2, window_bounds = array<i64: 2000, 128>}, {transform_indices = @transform_3, window_bounds = array<i64: 2000, 128>}, {pipeline_mode = #tpu.pipeline_mode<synchronous>, transform_indices = @transform_4, window_bounds = array<i64: 128, 128>}, {pipeline_mode = #tpu.pipeline_mode<synchronous>, transform_indices = @transform_5, window_bounds = array<i64: 128, 128>}, {pipeline_mode = #tpu.pipeline_mode<synchronous>, transform_indices = @transform_6, window_bounds = array<i64: 1, 128>}, {pipeline_mode = #tpu.pipeline_mode<synchronous>, transform_indices = @transform_7, window_bounds = array<i64: 1, 128>}, {pipeline_mode = #tpu.pipeline_mode<synchronous>, transform_indices = @transform_8, window_bounds = array<i64: 1, 128>}, {pipeline_mode = #tpu.pipeline_mode<synchronous>, transform_indices = @transform_9, window_bounds = array<i64: 1, 128>}, {pipeline_mode = #tpu.pipeline_mode<synchronous>, transform_indices = @transform_10, window_bounds = array<i64: 128, 128>}, {pipeline_mode = #tpu.pipeline_mode<synchronous>, transform_indices = @transform_11, window_bounds = array<i64: 1, 128>}, {pipeline_mode = #tpu.pipeline_mode<synchronous>, transform_indices = @transform_12, window_bounds = array<i64: 1, 128>}, {pipeline_mode = #tpu.pipeline_mode<synchronous>, transform_indices = @transform_13, window_bounds = array<i64: 1, 128>}, {pipeline_mode = #tpu.pipeline_mode<synchronous>, transform_indices = @transform_14, window_bounds = array<i64: 128, 128>}, {pipeline_mode = #tpu.pipeline_mode<synchronous>, transform_indices = @transform_15, window_bounds = array<i64: 1, 128>}, {pipeline_mode = #tpu.pipeline_mode<synchronous>, transform_indices = @transform_16, window_bounds = array<i64: 1, 128>}, {pipeline_mode = #tpu.pipeline_mode<synchronous>, transform_indices = @transform_17, window_bounds = array<i64: 1, 128>}, {pipeline_mode = #tpu.pipeline_mode<synchronous>, transform_indices = @transform_18, window_bounds = array<i64: 1, 128>}, {pipeline_mode = #tpu.pipeline_mode<synchronous>, transform_indices = @transform_19, window_bounds = array<i64: 1, 1>}, {transform_indices = @transform_20, window_bounds = array<i64: 2000, 128>}, {transform_indices = @transform_21, window_bounds = array<i64: 2000, 128>}]} {
    %get3A = arith.constant 0 : index
    %get3A_0 = arith.constant 0 : index
    %get3A_1 = vector.load %arg3[%get3A, %get3A_0] : memref<2000x128xf32, #tpu.memory_space<vmem>>, vector<2000x128xf32>
    %get3A_2 = arith.constant 0 : index
    %get3A_3 = arith.constant 0 : index
    %get3A_4 = vector.load %arg4[%get3A_2, %get3A_3] : memref<2000x128xf32, #tpu.memory_space<vmem>>, vector<2000x128xf32>
    %sub3A = arith.subf %get3A_1, %get3A_4 : vector<2000x128xf32>
    %mul3A = arith.mulf %sub3A, %sub3A : vector<2000x128xf32>
    %reduce_sum3A = arith.constant dense<0.000000e+00> : vector<2000xf32>
    %reduce_sum3A_5 = vector.multi_reduction <add>, %mul3A, %reduce_sum3A [1] : vector<2000x128xf32> to vector<2000xf32>
    %broadcast_in_dim3A = vector.shape_cast %reduce_sum3A_5 : vector<2000xf32> to vector<2000x1xf32>
    %sqrt3A = math.sqrt %broadcast_in_dim3A : vector<2000x1xf32>
    %get3A_6 = arith.constant 0 : index
    %get3A_7 = arith.constant 0 : index
    %get3A_8 = vector.load %arg1[%get3A_6, %get3A_7] : memref<2000x128xf32, #tpu.memory_space<vmem>>, vector<2000x128xf32>
    %get3A_9 = arith.constant 0 : index
    %get3A_10 = arith.constant 0 : index
    %get3A_11 = vector.load %arg5[%get3A_9, %get3A_10] : memref<128x128xf32, #tpu.memory_space<vmem>>, vector<128x128xf32>
    %dot_general3A = arith.constant dense<0.000000e+00> : vector<2000x128xf32>
    %dot_general3A_12 = tpu.matmul %get3A_8, %get3A_11, %dot_general3A {dimension_numbers = #tpu.dot_dimension_numbers<[1], [0], [0], [1], [0, 0, 1, 1], [], []>, transpose_lhs_hint = false} : vector<2000x128xf32>, vector<128x128xf32>, vector<2000x128xf32> -> vector<2000x128xf32>
    %get3A_13 = arith.constant 0 : index
    %get3A_14 = arith.constant 0 : index
    %get3A_15 = vector.load %arg2[%get3A_13, %get3A_14] : memref<2000x128xf32, #tpu.memory_space<vmem>>, vector<2000x128xf32>
    %get3A_16 = arith.constant 0 : index
    %get3A_17 = arith.constant 0 : index
    %get3A_18 = vector.load %arg6[%get3A_16, %get3A_17] : memref<128x128xf32, #tpu.memory_space<vmem>>, vector<128x128xf32>
    %dot_general3A_19 = arith.constant dense<0.000000e+00> : vector<2000x128xf32>
    %dot_general3A_20 = tpu.matmul %get3A_15, %get3A_18, %dot_general3A_19 {dimension_numbers = #tpu.dot_dimension_numbers<[1], [0], [0], [1], [0, 0, 1, 1], [], []>, transpose_lhs_hint = false} : vector<2000x128xf32>, vector<128x128xf32>, vector<2000x128xf32> -> vector<2000x128xf32>
    %add3A = arith.addf %dot_general3A_12, %dot_general3A_20 : vector<2000x128xf32>
    %get3A_21 = arith.constant 0 : index
    %get3A_22 = arith.constant 0 : index
    %get3A_23 = vector.load %arg7[%get3A_21, %get3A_22] : memref<1x128xf32, #tpu.memory_space<vmem>>, vector<1x128xf32>
    %mul3A_24 = vector.broadcast %sqrt3A : vector<2000x1xf32> to vector<2000x128xf32>
    %mul3A_25 = vector.broadcast %get3A_23 : vector<1x128xf32> to vector<2000x128xf32>
    %mul3A_26 = arith.mulf %mul3A_24, %mul3A_25 : vector<2000x128xf32>
    %add3A_27 = arith.addf %add3A, %mul3A_26 : vector<2000x128xf32>
    %get3A_28 = arith.constant 0 : index
    %get3A_29 = arith.constant 0 : index
    %get3A_30 = vector.load %arg8[%get3A_28, %get3A_29] : memref<1x128xf32, #tpu.memory_space<vmem>>, vector<1x128xf32>
    %add3A_31 = vector.broadcast %get3A_30 : vector<1x128xf32> to vector<2000x128xf32>
    %add3A_32 = arith.addf %add3A_27, %add3A_31 : vector<2000x128xf32>
    %get3A_33 = arith.constant 0 : index
    %get3A_34 = arith.constant 0 : index
    %get3A_35 = vector.load %arg9[%get3A_33, %get3A_34] : memref<1x128xf32, #tpu.memory_space<vmem>>, vector<1x128xf32>
    %get3A_36 = arith.constant 0 : index
    %get3A_37 = arith.constant 0 : index
    %get3A_38 = vector.load %arg10[%get3A_36, %get3A_37] : memref<1x128xf32, #tpu.memory_space<vmem>>, vector<1x128xf32>
    %reduce_sum3A_39 = arith.constant dense<0.000000e+00> : vector<2000xf32>
    %reduce_sum3A_40 = vector.multi_reduction <add>, %add3A_32, %reduce_sum3A_39 [1] : vector<2000x128xf32> to vector<2000xf32>
    %broadcast_in_dim3A_41 = vector.shape_cast %reduce_sum3A_40 : vector<2000xf32> to vector<2000x1xf32>
    %div3A = arith.constant 1.280000e+02 : f32
    %div3A_42 = vector.broadcast %div3A : f32 to vector<2000x1xf32>
    %div3A_43 = arith.divf %broadcast_in_dim3A_41, %div3A_42 : vector<2000x1xf32>
    %jit3A = arith.constant 0 : i32
    %reduce_sum3A_44 = arith.constant dense<0.000000e+00> : vector<2000xf32>
    %reduce_sum3A_45 = vector.multi_reduction <add>, %add3A_32, %reduce_sum3A_44 [1] : vector<2000x128xf32> to vector<2000xf32>
    %broadcast_in_dim3A_46 = vector.shape_cast %reduce_sum3A_45 : vector<2000xf32> to vector<2000x1xf32>
    %div3A_47 = arith.constant 1.280000e+02 : f32
    %div3A_48 = vector.broadcast %div3A_47 : f32 to vector<2000x1xf32>
    %div3A_49 = arith.divf %broadcast_in_dim3A_46, %div3A_48 : vector<2000x1xf32>
    %sub3A_50 = vector.broadcast %div3A_49 : vector<2000x1xf32> to vector<2000x128xf32>
    %sub3A_51 = arith.subf %add3A_32, %sub3A_50 : vector<2000x128xf32>
    %square3A = arith.mulf %sub3A_51, %sub3A_51 : vector<2000x128xf32>
    %convert_element_type3A = arith.sitofp %jit3A : i32 to f32
    %sub3A_52 = arith.constant 1.280000e+02 : f32
    %sub3A_53 = arith.subf %sub3A_52, %convert_element_type3A : f32
    %reduce_sum3A_54 = arith.constant dense<0.000000e+00> : vector<2000xf32>
    %reduce_sum3A_55 = vector.multi_reduction <add>, %square3A, %reduce_sum3A_54 [1] : vector<2000x128xf32> to vector<2000xf32>
    %broadcast_in_dim3A_56 = vector.shape_cast %reduce_sum3A_55 : vector<2000xf32> to vector<2000x1xf32>
    %div3A_57 = vector.broadcast %sub3A_53 : f32 to vector<2000x1xf32>
    %div3A_58 = arith.divf %broadcast_in_dim3A_56, %div3A_57 : vector<2000x1xf32>
    %gt3A = arith.constant 0.000000e+00 : f32
    %gt3A_59 = arith.cmpf ogt, %sub3A_53, %gt3A : f32
    %jit3A_60 = arith.constant 0x7FC00000 : f32
    %broadcast_in_dim3A_61 = vector.broadcast %jit3A_60 : f32 to vector<2000x1xf32>
    %select_n3A = arith.select %gt3A_59, %div3A_58, %broadcast_in_dim3A_61 : vector<2000x1xf32>
    %sub3A_62 = vector.broadcast %div3A_43 : vector<2000x1xf32> to vector<2000x128xf32>
    %sub3A_63 = arith.subf %add3A_32, %sub3A_62 : vector<2000x128xf32>
    %add3A_64 = arith.constant 9.99999974E-6 : f32
    %add3A_65 = vector.broadcast %add3A_64 : f32 to vector<2000x1xf32>
    %add3A_66 = arith.addf %select_n3A, %add3A_65 : vector<2000x1xf32>
    %sqrt3A_67 = math.sqrt %add3A_66 : vector<2000x1xf32>
    %div3A_68 = vector.broadcast %sqrt3A_67 : vector<2000x1xf32> to vector<2000x128xf32>
    %div3A_69 = arith.divf %sub3A_63, %div3A_68 : vector<2000x128xf32>
    %mul3A_70 = vector.broadcast %get3A_35 : vector<1x128xf32> to vector<2000x128xf32>
    %mul3A_71 = arith.mulf %div3A_69, %mul3A_70 : vector<2000x128xf32>
    %add3A_72 = vector.broadcast %get3A_38 : vector<1x128xf32> to vector<2000x128xf32>
    %add3A_73 = arith.addf %mul3A_71, %add3A_72 : vector<2000x128xf32>
    %max3A = arith.constant 0.000000e+00 : f32
    %max3A_74 = vector.broadcast %max3A : f32 to vector<2000x128xf32>
    %max3A_75 = arith.maximumf %add3A_73, %max3A_74 : vector<2000x128xf32>
    %get3A_76 = arith.constant 0 : index
    %get3A_77 = arith.constant 0 : index
    %get3A_78 = vector.load %arg11[%get3A_76, %get3A_77] : memref<128x128xf32, #tpu.memory_space<vmem>>, vector<128x128xf32>
    %dot_general3A_79 = arith.constant dense<0.000000e+00> : vector<2000x128xf32>
    %dot_general3A_80 = tpu.matmul %max3A_75, %get3A_78, %dot_general3A_79 {dimension_numbers = #tpu.dot_dimension_numbers<[1], [0], [0], [1], [0, 0, 1, 1], [], []>, transpose_lhs_hint = false} : vector<2000x128xf32>, vector<128x128xf32>, vector<2000x128xf32> -> vector<2000x128xf32>
    %get3A_81 = arith.constant 0 : index
    %get3A_82 = arith.constant 0 : index
    %get3A_83 = vector.load %arg12[%get3A_81, %get3A_82] : memref<1x128xf32, #tpu.memory_space<vmem>>, vector<1x128xf32>
    %add3A_84 = vector.broadcast %get3A_83 : vector<1x128xf32> to vector<2000x128xf32>
    %add3A_85 = arith.addf %dot_general3A_80, %add3A_84 : vector<2000x128xf32>
    %get3A_86 = arith.constant 0 : index
    %get3A_87 = arith.constant 0 : index
    %get3A_88 = vector.load %arg13[%get3A_86, %get3A_87] : memref<1x128xf32, #tpu.memory_space<vmem>>, vector<1x128xf32>
    %get3A_89 = arith.constant 0 : index
    %get3A_90 = arith.constant 0 : index
    %get3A_91 = vector.load %arg14[%get3A_89, %get3A_90] : memref<1x128xf32, #tpu.memory_space<vmem>>, vector<1x128xf32>
    %reduce_sum3A_92 = arith.constant dense<0.000000e+00> : vector<2000xf32>
    %reduce_sum3A_93 = vector.multi_reduction <add>, %add3A_85, %reduce_sum3A_92 [1] : vector<2000x128xf32> to vector<2000xf32>
    %broadcast_in_dim3A_94 = vector.shape_cast %reduce_sum3A_93 : vector<2000xf32> to vector<2000x1xf32>
    %div3A_95 = arith.constant 1.280000e+02 : f32
    %div3A_96 = vector.broadcast %div3A_95 : f32 to vector<2000x1xf32>
    %div3A_97 = arith.divf %broadcast_in_dim3A_94, %div3A_96 : vector<2000x1xf32>
    %jit3A_98 = arith.constant 0 : i32
    %reduce_sum3A_99 = arith.constant dense<0.000000e+00> : vector<2000xf32>
    %reduce_sum3A_100 = vector.multi_reduction <add>, %add3A_85, %reduce_sum3A_99 [1] : vector<2000x128xf32> to vector<2000xf32>
    %broadcast_in_dim3A_101 = vector.shape_cast %reduce_sum3A_100 : vector<2000xf32> to vector<2000x1xf32>
    %div3A_102 = arith.constant 1.280000e+02 : f32
    %div3A_103 = vector.broadcast %div3A_102 : f32 to vector<2000x1xf32>
    %div3A_104 = arith.divf %broadcast_in_dim3A_101, %div3A_103 : vector<2000x1xf32>
    %sub3A_105 = vector.broadcast %div3A_104 : vector<2000x1xf32> to vector<2000x128xf32>
    %sub3A_106 = arith.subf %add3A_85, %sub3A_105 : vector<2000x128xf32>
    %square3A_107 = arith.mulf %sub3A_106, %sub3A_106 : vector<2000x128xf32>
    %convert_element_type3A_108 = arith.sitofp %jit3A_98 : i32 to f32
    %sub3A_109 = arith.constant 1.280000e+02 : f32
    %sub3A_110 = arith.subf %sub3A_109, %convert_element_type3A_108 : f32
    %reduce_sum3A_111 = arith.constant dense<0.000000e+00> : vector<2000xf32>
    %reduce_sum3A_112 = vector.multi_reduction <add>, %square3A_107, %reduce_sum3A_111 [1] : vector<2000x128xf32> to vector<2000xf32>
    %broadcast_in_dim3A_113 = vector.shape_cast %reduce_sum3A_112 : vector<2000xf32> to vector<2000x1xf32>
    %div3A_114 = vector.broadcast %sub3A_110 : f32 to vector<2000x1xf32>
    %div3A_115 = arith.divf %broadcast_in_dim3A_113, %div3A_114 : vector<2000x1xf32>
    %gt3A_116 = arith.constant 0.000000e+00 : f32
    %gt3A_117 = arith.cmpf ogt, %sub3A_110, %gt3A_116 : f32
    %jit3A_118 = arith.constant 0x7FC00000 : f32
    %broadcast_in_dim3A_119 = vector.broadcast %jit3A_118 : f32 to vector<2000x1xf32>
    %select_n3A_120 = arith.select %gt3A_117, %div3A_115, %broadcast_in_dim3A_119 : vector<2000x1xf32>
    %sub3A_121 = vector.broadcast %div3A_97 : vector<2000x1xf32> to vector<2000x128xf32>
    %sub3A_122 = arith.subf %add3A_85, %sub3A_121 : vector<2000x128xf32>
    %add3A_123 = arith.constant 9.99999974E-6 : f32
    %add3A_124 = vector.broadcast %add3A_123 : f32 to vector<2000x1xf32>
    %add3A_125 = arith.addf %select_n3A_120, %add3A_124 : vector<2000x1xf32>
    %sqrt3A_126 = math.sqrt %add3A_125 : vector<2000x1xf32>
    %div3A_127 = vector.broadcast %sqrt3A_126 : vector<2000x1xf32> to vector<2000x128xf32>
    %div3A_128 = arith.divf %sub3A_122, %div3A_127 : vector<2000x128xf32>
    %mul3A_129 = vector.broadcast %get3A_88 : vector<1x128xf32> to vector<2000x128xf32>
    %mul3A_130 = arith.mulf %div3A_128, %mul3A_129 : vector<2000x128xf32>
    %add3A_131 = vector.broadcast %get3A_91 : vector<1x128xf32> to vector<2000x128xf32>
    %add3A_132 = arith.addf %mul3A_130, %add3A_131 : vector<2000x128xf32>
    %max3A_133 = arith.constant 0.000000e+00 : f32
    %max3A_134 = vector.broadcast %max3A_133 : f32 to vector<2000x128xf32>
    %max3A_135 = arith.maximumf %add3A_132, %max3A_134 : vector<2000x128xf32>
    %swap3A = arith.constant 0 : index
    %swap3A_136 = arith.constant 0 : index
    %swap3A_137 = vector.load %arg21[%swap3A, %swap3A_136] : memref<2000x128xf32, #tpu.memory_space<vmem>>, vector<2000x128xf32>
    tpu.vector_store %arg21[%swap3A, %swap3A_136], %max3A_135 {strides = array<i32>} : memref<2000x128xf32, #tpu.memory_space<vmem>>, vector<2000x128xf32>,
    %get3A_138 = arith.constant 0 : index
    %get3A_139 = arith.constant 0 : index
    %get3A_140 = vector.load %arg15[%get3A_138, %get3A_139] : memref<128x128xf32, #tpu.memory_space<vmem>>, vector<128x128xf32>
    %dot_general3A_141 = arith.constant dense<0.000000e+00> : vector<2000x128xf32>
    %dot_general3A_142 = tpu.matmul %max3A_135, %get3A_140, %dot_general3A_141 {dimension_numbers = #tpu.dot_dimension_numbers<[1], [0], [0], [1], [0, 0, 1, 1], [], []>, transpose_lhs_hint = false} : vector<2000x128xf32>, vector<128x128xf32>, vector<2000x128xf32> -> vector<2000x128xf32>
    %get3A_143 = arith.constant 0 : index
    %get3A_144 = arith.constant 0 : index
    %get3A_145 = vector.load %arg16[%get3A_143, %get3A_144] : memref<1x128xf32, #tpu.memory_space<vmem>>, vector<1x128xf32>
    %add3A_146 = vector.broadcast %get3A_145 : vector<1x128xf32> to vector<2000x128xf32>
    %add3A_147 = arith.addf %dot_general3A_142, %add3A_146 : vector<2000x128xf32>
    %get3A_148 = arith.constant 0 : index
    %get3A_149 = arith.constant 0 : index
    %get3A_150 = vector.load %arg17[%get3A_148, %get3A_149] : memref<1x128xf32, #tpu.memory_space<vmem>>, vector<1x128xf32>
    %get3A_151 = arith.constant 0 : index
    %get3A_152 = arith.constant 0 : index
    %get3A_153 = vector.load %arg18[%get3A_151, %get3A_152] : memref<1x128xf32, #tpu.memory_space<vmem>>, vector<1x128xf32>
    %reduce_sum3A_154 = arith.constant dense<0.000000e+00> : vector<2000xf32>
    %reduce_sum3A_155 = vector.multi_reduction <add>, %add3A_147, %reduce_sum3A_154 [1] : vector<2000x128xf32> to vector<2000xf32>
    %broadcast_in_dim3A_156 = vector.shape_cast %reduce_sum3A_155 : vector<2000xf32> to vector<2000x1xf32>
    %div3A_157 = arith.constant 1.280000e+02 : f32
    %div3A_158 = vector.broadcast %div3A_157 : f32 to vector<2000x1xf32>
    %div3A_159 = arith.divf %broadcast_in_dim3A_156, %div3A_158 : vector<2000x1xf32>
    %jit3A_160 = arith.constant 0 : i32
    %reduce_sum3A_161 = arith.constant dense<0.000000e+00> : vector<2000xf32>
    %reduce_sum3A_162 = vector.multi_reduction <add>, %add3A_147, %reduce_sum3A_161 [1] : vector<2000x128xf32> to vector<2000xf32>
    %broadcast_in_dim3A_163 = vector.shape_cast %reduce_sum3A_162 : vector<2000xf32> to vector<2000x1xf32>
    %div3A_164 = arith.constant 1.280000e+02 : f32
    %div3A_165 = vector.broadcast %div3A_164 : f32 to vector<2000x1xf32>
    %div3A_166 = arith.divf %broadcast_in_dim3A_163, %div3A_165 : vector<2000x1xf32>
    %sub3A_167 = vector.broadcast %div3A_166 : vector<2000x1xf32> to vector<2000x128xf32>
    %sub3A_168 = arith.subf %add3A_147, %sub3A_167 : vector<2000x128xf32>
    %square3A_169 = arith.mulf %sub3A_168, %sub3A_168 : vector<2000x128xf32>
    %convert_element_type3A_170 = arith.sitofp %jit3A_160 : i32 to f32
    %sub3A_171 = arith.constant 1.280000e+02 : f32
    %sub3A_172 = arith.subf %sub3A_171, %convert_element_type3A_170 : f32
    %reduce_sum3A_173 = arith.constant dense<0.000000e+00> : vector<2000xf32>
    %reduce_sum3A_174 = vector.multi_reduction <add>, %square3A_169, %reduce_sum3A_173 [1] : vector<2000x128xf32> to vector<2000xf32>
    %broadcast_in_dim3A_175 = vector.shape_cast %reduce_sum3A_174 : vector<2000xf32> to vector<2000x1xf32>
    %div3A_176 = vector.broadcast %sub3A_172 : f32 to vector<2000x1xf32>
    %div3A_177 = arith.divf %broadcast_in_dim3A_175, %div3A_176 : vector<2000x1xf32>
    %gt3A_178 = arith.constant 0.000000e+00 : f32
    %gt3A_179 = arith.cmpf ogt, %sub3A_172, %gt3A_178 : f32
    %jit3A_180 = arith.constant 0x7FC00000 : f32
    %broadcast_in_dim3A_181 = vector.broadcast %jit3A_180 : f32 to vector<2000x1xf32>
    %select_n3A_182 = arith.select %gt3A_179, %div3A_177, %broadcast_in_dim3A_181 : vector<2000x1xf32>
    %sub3A_183 = vector.broadcast %div3A_159 : vector<2000x1xf32> to vector<2000x128xf32>
    %sub3A_184 = arith.subf %add3A_147, %sub3A_183 : vector<2000x128xf32>
    %add3A_185 = arith.constant 9.99999974E-6 : f32
    %add3A_186 = vector.broadcast %add3A_185 : f32 to vector<2000x1xf32>
    %add3A_187 = arith.addf %select_n3A_182, %add3A_186 : vector<2000x1xf32>
    %sqrt3A_188 = math.sqrt %add3A_187 : vector<2000x1xf32>
    %div3A_189 = vector.broadcast %sqrt3A_188 : vector<2000x1xf32> to vector<2000x128xf32>
    %div3A_190 = arith.divf %sub3A_184, %div3A_189 : vector<2000x128xf32>
    %mul3A_191 = vector.broadcast %get3A_150 : vector<1x128xf32> to vector<2000x128xf32>
    %mul3A_192 = arith.mulf %div3A_190, %mul3A_191 : vector<2000x128xf32>
    %add3A_193 = vector.broadcast %get3A_153 : vector<1x128xf32> to vector<2000x128xf32>
    %add3A_194 = arith.addf %mul3A_192, %add3A_193 : vector<2000x128xf32>
    %max3A_195 = arith.constant 0.000000e+00 : f32
    %max3A_196 = vector.broadcast %max3A_195 : f32 to vector<2000x128xf32>
    %max3A_197 = arith.maximumf %add3A_194, %max3A_196 : vector<2000x128xf32>
    %get3A_198 = arith.constant 0 : index
    %get3A_199 = arith.constant 0 : index
    %get3A_200 = vector.load %arg19[%get3A_198, %get3A_199] : memref<1x128xf32, #tpu.memory_space<vmem>>, vector<1x128xf32>
    %mul3A_201 = vector.broadcast %get3A_200 : vector<1x128xf32> to vector<2000x128xf32>
    %mul3A_202 = arith.mulf %max3A_197, %mul3A_201 : vector<2000x128xf32>
    %reduce_sum3A_203 = arith.constant dense<0.000000e+00> : vector<2000xf32>
    %reduce_sum3A_204 = vector.multi_reduction <add>, %mul3A_202, %reduce_sum3A_203 [1] : vector<2000x128xf32> to vector<2000xf32>
    %broadcast_in_dim3A_205 = vector.shape_cast %reduce_sum3A_204 : vector<2000xf32> to vector<2000x1xf32>
    %get3A_206 = arith.constant 0 : index
    %get3A_207 = arith.constant 0 : index
    %get3A_208 = vector.load %arg20[%get3A_206, %get3A_207] : memref<1x1xf32, #tpu.memory_space<vmem>>, vector<1x1xf32>
    %add3A_209 = vector.broadcast %get3A_208 : vector<1x1xf32> to vector<2000x1xf32>
    %add3A_210 = arith.addf %broadcast_in_dim3A_205, %add3A_209 : vector<2000x1xf32>
    %iota3A = tpu.iota {dimensions = array<i32: 1>} : vector<2000x128xi32>
    %lt3A = arith.constant 3 : i32
    %lt3A_211 = vector.broadcast %lt3A : i32 to vector<2000x128xi32>
    %lt3A_212 = arith.cmpi slt, %iota3A, %lt3A_211 : vector<2000x128xi32>
    %mul3A_213 = vector.broadcast %add3A_210 : vector<2000x1xf32> to vector<2000x128xf32>
    %mul3A_214 = arith.mulf %sub3A, %mul3A_213 : vector<2000x128xf32>
    %jit3A_215 = arith.constant 0.000000e+00 : f32
    %broadcast_in_dim3A_216 = vector.broadcast %jit3A_215 : f32 to vector<2000x128xf32>
    %select_n3A_217 = arith.select %lt3A_212, %mul3A_214, %broadcast_in_dim3A_216 : vector<2000x128xi1>, vector<2000x128xf32>
    %eq3A = arith.constant 3 : i32
    %eq3A_218 = vector.broadcast %eq3A : i32 to vector<2000x128xi32>
    %eq3A_219 = arith.cmpi eq, %iota3A, %eq3A_218 : vector<2000x128xi32>
    %convert_element_type3A_220 = arith.extui %eq3A_219 : vector<2000x128xi1> to vector<2000x128xi32>
    %convert_element_type3A_221 = arith.sitofp %convert_element_type3A_220 : vector<2000x128xi32> to vector<2000x128xf32>
    %add3A_222 = arith.addf %select_n3A_217, %convert_element_type3A_221 : vector<2000x128xf32>
    %swap3A_223 = arith.constant 0 : index
    %swap3A_224 = arith.constant 0 : index
    %swap3A_225 = vector.load %arg22[%swap3A_223, %swap3A_224] : memref<2000x128xf32, #tpu.memory_space<vmem>>, vector<2000x128xf32>
    tpu.vector_store %arg22[%swap3A_223, %swap3A_224], %add3A_222 {strides = array<i32>} : memref<2000x128xf32, #tpu.memory_space<vmem>>, vector<2000x128xf32>,
    return
  }
  func.func @transform_0(%arg0: i32) -> (i32, i32) {
    %c0_i32 = arith.constant 0 : i32
    %c0_i32_0 = arith.constant 0 : i32
    return %arg0, %c0_i32 : i32, i32
  }
  func.func @transform_1(%arg0: i32) -> (i32, i32) {
    %c0_i32 = arith.constant 0 : i32
    %c0_i32_0 = arith.constant 0 : i32
    return %arg0, %c0_i32 : i32, i32
  }
  func.func @transform_2(%arg0: i32) -> (i32, i32) {
    %c0_i32 = arith.constant 0 : i32
    %c0_i32_0 = arith.constant 0 : i32
    return %arg0, %c0_i32 : i32, i32
  }
  func.func @transform_3(%arg0: i32) -> (i32, i32) {
    %c0_i32 = arith.constant 0 : i32
    %c0_i32_0 = arith.constant 0 : i32
    return %arg0, %c0_i32 : i32, i32
  }
  func.func @transform_4(%arg0: i32) -> (i32, i32) {
    %c0_i32 = arith.constant 0 : i32
    %c0_i32_0 = arith.constant 0 : i32
    %c0_i32_1 = arith.constant 0 : i32
    return %c0_i32, %c0_i32_0 : i32, i32
  }
  func.func @transform_5(%arg0: i32) -> (i32, i32) {
    %c0_i32 = arith.constant 0 : i32
    %c0_i32_0 = arith.constant 0 : i32
    %c0_i32_1 = arith.constant 0 : i32
    return %c0_i32, %c0_i32_0 : i32, i32
  }
  func.func @transform_6(%arg0: i32) -> (i32, i32) {
    %c0_i32 = arith.constant 0 : i32
    %c0_i32_0 = arith.constant 0 : i32
    %c0_i32_1 = arith.constant 0 : i32
    return %c0_i32, %c0_i32_0 : i32, i32
  }
  func.func @transform_7(%arg0: i32) -> (i32, i32) {
    %c0_i32 = arith.constant 0 : i32
    %c0_i32_0 = arith.constant 0 : i32
    %c0_i32_1 = arith.constant 0 : i32
    return %c0_i32, %c0_i32_0 : i32, i32
  }
  func.func @transform_8(%arg0: i32) -> (i32, i32) {
    %c0_i32 = arith.constant 0 : i32
    %c0_i32_0 = arith.constant 0 : i32
    %c0_i32_1 = arith.constant 0 : i32
    return %c0_i32, %c0_i32_0 : i32, i32
  }
  func.func @transform_9(%arg0: i32) -> (i32, i32) {
    %c0_i32 = arith.constant 0 : i32
    %c0_i32_0 = arith.constant 0 : i32
    %c0_i32_1 = arith.constant 0 : i32
    return %c0_i32, %c0_i32_0 : i32, i32
  }
  func.func @transform_10(%arg0: i32) -> (i32, i32) {
    %c0_i32 = arith.constant 0 : i32
    %c0_i32_0 = arith.constant 0 : i32
    %c0_i32_1 = arith.constant 0 : i32
    return %c0_i32, %c0_i32_0 : i32, i32
  }
  func.func @transform_11(%arg0: i32) -> (i32, i32) {
    %c0_i32 = arith.constant 0 : i32
    %c0_i32_0 = arith.constant 0 : i32
    %c0_i32_1 = arith.constant 0 : i32
    return %c0_i32, %c0_i32_0 : i32, i32
  }
  func.func @transform_12(%arg0: i32) -> (i32, i32) {
    %c0_i32 = arith.constant 0 : i32
    %c0_i32_0 = arith.constant 0 : i32
    %c0_i32_1 = arith.constant 0 : i32
    return %c0_i32, %c0_i32_0 : i32, i32
  }
  func.func @transform_13(%arg0: i32) -> (i32, i32) {
    %c0_i32 = arith.constant 0 : i32
    %c0_i32_0 = arith.constant 0 : i32
    %c0_i32_1 = arith.constant 0 : i32
    return %c0_i32, %c0_i32_0 : i32, i32
  }
  func.func @transform_14(%arg0: i32) -> (i32, i32) {
    %c0_i32 = arith.constant 0 : i32
    %c0_i32_0 = arith.constant 0 : i32
    %c0_i32_1 = arith.constant 0 : i32
    return %c0_i32, %c0_i32_0 : i32, i32
  }
  func.func @transform_15(%arg0: i32) -> (i32, i32) {
    %c0_i32 = arith.constant 0 : i32
    %c0_i32_0 = arith.constant 0 : i32
    %c0_i32_1 = arith.constant 0 : i32
    return %c0_i32, %c0_i32_0 : i32, i32
  }
  func.func @transform_16(%arg0: i32) -> (i32, i32) {
    %c0_i32 = arith.constant 0 : i32
    %c0_i32_0 = arith.constant 0 : i32
    %c0_i32_1 = arith.constant 0 : i32
    return %c0_i32, %c0_i32_0 : i32, i32
  }
  func.func @transform_17(%arg0: i32) -> (i32, i32) {
    %c0_i32 = arith.constant 0 : i32
    %c0_i32_0 = arith.constant 0 : i32
    %c0_i32_1 = arith.constant 0 : i32
    return %c0_i32, %c0_i32_0 : i32, i32
  }
  func.func @transform_18(%arg0: i32) -> (i32, i32) {
    %c0_i32 = arith.constant 0 : i32
    %c0_i32_0 = arith.constant 0 : i32
    %c0_i32_1 = arith.constant 0 : i32
    return %c0_i32, %c0_i32_0 : i32, i32
  }
  func.func @transform_19(%arg0: i32) -> (i32, i32) {
    %c0_i32 = arith.constant 0 : i32
    %c0_i32_0 = arith.constant 0 : i32
    %c0_i32_1 = arith.constant 0 : i32
    return %c0_i32, %c0_i32_0 : i32, i32
  }
  func.func @transform_20(%arg0: i32) -> (i32, i32) {
    %c0_i32 = arith.constant 0 : i32
    %c0_i32_0 = arith.constant 0 : i32
    return %arg0, %c0_i32 : i32, i32
  }
  func.func @transform_21(%arg0: i32) -> (i32, i32) {
    %c0_i32 = arith.constant 0 : i32
    %c0_i32_0 = arith.constant 0 : i32
    return %arg0, %c0_i32 : i32, i32
  }
}

module attributes {stable_mosaic.version = 14 : i64} {
  func.func @_node_body(%arg0: i32, %arg1: memref<2000x128xf32, #tpu.memory_space<vmem>>, %arg2: memref<2x2000x128xf32, #tpu.memory_space<vmem>>, %arg3: memref<128x128xf32, #tpu.memory_space<vmem>>, %arg4: memref<128x128xf32, #tpu.memory_space<vmem>>, %arg5: memref<1x128xf32, #tpu.memory_space<vmem>>, %arg6: memref<1x128xf32, #tpu.memory_space<vmem>>, %arg7: memref<1x128xf32, #tpu.memory_space<vmem>>, %arg8: memref<128x128xf32, #tpu.memory_space<vmem>>, %arg9: memref<1x128xf32, #tpu.memory_space<vmem>>, %arg10: memref<1x128xf32, #tpu.memory_space<vmem>>, %arg11: memref<1x128xf32, #tpu.memory_space<vmem>>, %arg12: memref<2x2000x128xf32, #tpu.memory_space<vmem>>, %arg13: memref<2000x128xf32, #tpu.memory_space<vmem>>, %arg14: memref<2000x128xf32, #tpu.memory_space<vmem>>, %arg15: memref<2000x128xf32, #tpu.memory_space<vmem>>) attributes {dimension_semantics = [#tpu.dimension_semantics<arbitrary>], iteration_bounds = array<i64: 5>, scalar_prefetch = 0 : i64, scratch_operands = 0 : i64, tpu.core_type = #tpu.core_type<tc>, window_params = [{transform_indices = @transform_0, window_bounds = array<i64: 2000, 128>}, {transform_indices = @transform_1, window_bounds = array<i64: 2, 2000, 128>}, {pipeline_mode = #tpu.pipeline_mode<synchronous>, transform_indices = @transform_2, window_bounds = array<i64: 128, 128>}, {pipeline_mode = #tpu.pipeline_mode<synchronous>, transform_indices = @transform_3, window_bounds = array<i64: 128, 128>}, {pipeline_mode = #tpu.pipeline_mode<synchronous>, transform_indices = @transform_4, window_bounds = array<i64: 1, 128>}, {pipeline_mode = #tpu.pipeline_mode<synchronous>, transform_indices = @transform_5, window_bounds = array<i64: 1, 128>}, {pipeline_mode = #tpu.pipeline_mode<synchronous>, transform_indices = @transform_6, window_bounds = array<i64: 1, 128>}, {pipeline_mode = #tpu.pipeline_mode<synchronous>, transform_indices = @transform_7, window_bounds = array<i64: 128, 128>}, {pipeline_mode = #tpu.pipeline_mode<synchronous>, transform_indices = @transform_8, window_bounds = array<i64: 1, 128>}, {pipeline_mode = #tpu.pipeline_mode<synchronous>, transform_indices = @transform_9, window_bounds = array<i64: 1, 128>}, {pipeline_mode = #tpu.pipeline_mode<synchronous>, transform_indices = @transform_10, window_bounds = array<i64: 1, 128>}, {transform_indices = @transform_11, window_bounds = array<i64: 2, 2000, 128>}, {transform_indices = @transform_12, window_bounds = array<i64: 2000, 128>}, {transform_indices = @transform_13, window_bounds = array<i64: 2000, 128>}, {transform_indices = @transform_14, window_bounds = array<i64: 2000, 128>}]} {
    %get3A = arith.constant 0 : index
    %get3A_0 = arith.constant 0 : index
    %get3A_1 = vector.load %arg1[%get3A, %get3A_0] : memref<2000x128xf32, #tpu.memory_space<vmem>>, vector<2000x128xf32>
    %get3A_2 = arith.constant 0 : index
    %get3A_3 = arith.constant 0 : index
    %get3A_4 = arith.constant 0 : index
    %get3A_5 = vector.load %arg2[%get3A_2, %get3A_3, %get3A_4] : memref<2x2000x128xf32, #tpu.memory_space<vmem>>, vector<1x2000x128xf32>
    %get3A_6 = vector.shape_cast %get3A_5 : vector<1x2000x128xf32> to vector<2000x128xf32>
    %get3A_7 = arith.constant 1 : index
    %get3A_8 = arith.constant 0 : index
    %get3A_9 = arith.constant 0 : index
    %get3A_10 = vector.load %arg2[%get3A_7, %get3A_8, %get3A_9] : memref<2x2000x128xf32, #tpu.memory_space<vmem>>, vector<1x2000x128xf32>
    %get3A_11 = vector.shape_cast %get3A_10 : vector<1x2000x128xf32> to vector<2000x128xf32>
    %add3A = arith.addf %get3A_6, %get3A_11 : vector<2000x128xf32>
    %get3A_12 = arith.constant 0 : index
    %get3A_13 = arith.constant 0 : index
    %get3A_14 = vector.load %arg3[%get3A_12, %get3A_13] : memref<128x128xf32, #tpu.memory_space<vmem>>, vector<128x128xf32>
    %dot_general3A = arith.constant dense<0.000000e+00> : vector<2000x128xf32>
    %dot_general3A_15 = tpu.matmul %get3A_1, %get3A_14, %dot_general3A {dimension_numbers = #tpu.dot_dimension_numbers<[1], [0], [0], [1], [0, 0, 1, 1], [], []>, transpose_lhs_hint = false} : vector<2000x128xf32>, vector<128x128xf32>, vector<2000x128xf32> -> vector<2000x128xf32>
    %get3A_16 = arith.constant 0 : index
    %get3A_17 = arith.constant 0 : index
    %get3A_18 = vector.load %arg4[%get3A_16, %get3A_17] : memref<128x128xf32, #tpu.memory_space<vmem>>, vector<128x128xf32>
    %dot_general3A_19 = arith.constant dense<0.000000e+00> : vector<2000x128xf32>
    %dot_general3A_20 = tpu.matmul %add3A, %get3A_18, %dot_general3A_19 {dimension_numbers = #tpu.dot_dimension_numbers<[1], [0], [0], [1], [0, 0, 1, 1], [], []>, transpose_lhs_hint = false} : vector<2000x128xf32>, vector<128x128xf32>, vector<2000x128xf32> -> vector<2000x128xf32>
    %add3A_21 = arith.addf %dot_general3A_15, %dot_general3A_20 : vector<2000x128xf32>
    %get3A_22 = arith.constant 0 : index
    %get3A_23 = arith.constant 0 : index
    %get3A_24 = vector.load %arg5[%get3A_22, %get3A_23] : memref<1x128xf32, #tpu.memory_space<vmem>>, vector<1x128xf32>
    %add3A_25 = vector.broadcast %get3A_24 : vector<1x128xf32> to vector<2000x128xf32>
    %add3A_26 = arith.addf %add3A_21, %add3A_25 : vector<2000x128xf32>
    %get3A_27 = arith.constant 0 : index
    %get3A_28 = arith.constant 0 : index
    %get3A_29 = vector.load %arg6[%get3A_27, %get3A_28] : memref<1x128xf32, #tpu.memory_space<vmem>>, vector<1x128xf32>
    %get3A_30 = arith.constant 0 : index
    %get3A_31 = arith.constant 0 : index
    %get3A_32 = vector.load %arg7[%get3A_30, %get3A_31] : memref<1x128xf32, #tpu.memory_space<vmem>>, vector<1x128xf32>
    %reduce_sum3A = arith.constant dense<0.000000e+00> : vector<2000xf32>
    %reduce_sum3A_33 = vector.multi_reduction <add>, %add3A_26, %reduce_sum3A [1] : vector<2000x128xf32> to vector<2000xf32>
    %broadcast_in_dim3A = vector.shape_cast %reduce_sum3A_33 : vector<2000xf32> to vector<2000x1xf32>
    %div3A = arith.constant 1.280000e+02 : f32
    %div3A_34 = vector.broadcast %div3A : f32 to vector<2000x1xf32>
    %div3A_35 = arith.divf %broadcast_in_dim3A, %div3A_34 : vector<2000x1xf32>
    %jit3A = arith.constant 0 : i32
    %reduce_sum3A_36 = arith.constant dense<0.000000e+00> : vector<2000xf32>
    %reduce_sum3A_37 = vector.multi_reduction <add>, %add3A_26, %reduce_sum3A_36 [1] : vector<2000x128xf32> to vector<2000xf32>
    %broadcast_in_dim3A_38 = vector.shape_cast %reduce_sum3A_37 : vector<2000xf32> to vector<2000x1xf32>
    %div3A_39 = arith.constant 1.280000e+02 : f32
    %div3A_40 = vector.broadcast %div3A_39 : f32 to vector<2000x1xf32>
    %div3A_41 = arith.divf %broadcast_in_dim3A_38, %div3A_40 : vector<2000x1xf32>
    %sub3A = vector.broadcast %div3A_41 : vector<2000x1xf32> to vector<2000x128xf32>
    %sub3A_42 = arith.subf %add3A_26, %sub3A : vector<2000x128xf32>
    %square3A = arith.mulf %sub3A_42, %sub3A_42 : vector<2000x128xf32>
    %convert_element_type3A = arith.sitofp %jit3A : i32 to f32
    %sub3A_43 = arith.constant 1.280000e+02 : f32
    %sub3A_44 = arith.subf %sub3A_43, %convert_element_type3A : f32
    %reduce_sum3A_45 = arith.constant dense<0.000000e+00> : vector<2000xf32>
    %reduce_sum3A_46 = vector.multi_reduction <add>, %square3A, %reduce_sum3A_45 [1] : vector<2000x128xf32> to vector<2000xf32>
    %broadcast_in_dim3A_47 = vector.shape_cast %reduce_sum3A_46 : vector<2000xf32> to vector<2000x1xf32>
    %div3A_48 = vector.broadcast %sub3A_44 : f32 to vector<2000x1xf32>
    %div3A_49 = arith.divf %broadcast_in_dim3A_47, %div3A_48 : vector<2000x1xf32>
    %gt3A = arith.constant 0.000000e+00 : f32
    %gt3A_50 = arith.cmpf ogt, %sub3A_44, %gt3A : f32
    %jit3A_51 = arith.constant 0x7FC00000 : f32
    %broadcast_in_dim3A_52 = vector.broadcast %jit3A_51 : f32 to vector<2000x1xf32>
    %select_n3A = arith.select %gt3A_50, %div3A_49, %broadcast_in_dim3A_52 : vector<2000x1xf32>
    %sub3A_53 = vector.broadcast %div3A_35 : vector<2000x1xf32> to vector<2000x128xf32>
    %sub3A_54 = arith.subf %add3A_26, %sub3A_53 : vector<2000x128xf32>
    %add3A_55 = arith.constant 9.99999974E-6 : f32
    %add3A_56 = vector.broadcast %add3A_55 : f32 to vector<2000x1xf32>
    %add3A_57 = arith.addf %select_n3A, %add3A_56 : vector<2000x1xf32>
    %sqrt3A = math.sqrt %add3A_57 : vector<2000x1xf32>
    %div3A_58 = vector.broadcast %sqrt3A : vector<2000x1xf32> to vector<2000x128xf32>
    %div3A_59 = arith.divf %sub3A_54, %div3A_58 : vector<2000x128xf32>
    %mul3A = vector.broadcast %get3A_29 : vector<1x128xf32> to vector<2000x128xf32>
    %mul3A_60 = arith.mulf %div3A_59, %mul3A : vector<2000x128xf32>
    %add3A_61 = vector.broadcast %get3A_32 : vector<1x128xf32> to vector<2000x128xf32>
    %add3A_62 = arith.addf %mul3A_60, %add3A_61 : vector<2000x128xf32>
    %max3A = arith.constant 0.000000e+00 : f32
    %max3A_63 = vector.broadcast %max3A : f32 to vector<2000x128xf32>
    %max3A_64 = arith.maximumf %add3A_62, %max3A_63 : vector<2000x128xf32>
    %get3A_65 = arith.constant 0 : index
    %get3A_66 = arith.constant 0 : index
    %get3A_67 = vector.load %arg8[%get3A_65, %get3A_66] : memref<128x128xf32, #tpu.memory_space<vmem>>, vector<128x128xf32>
    %dot_general3A_68 = arith.constant dense<0.000000e+00> : vector<2000x128xf32>
    %dot_general3A_69 = tpu.matmul %max3A_64, %get3A_67, %dot_general3A_68 {dimension_numbers = #tpu.dot_dimension_numbers<[1], [0], [0], [1], [0, 0, 1, 1], [], []>, transpose_lhs_hint = false} : vector<2000x128xf32>, vector<128x128xf32>, vector<2000x128xf32> -> vector<2000x128xf32>
    %get3A_70 = arith.constant 0 : index
    %get3A_71 = arith.constant 0 : index
    %get3A_72 = vector.load %arg9[%get3A_70, %get3A_71] : memref<1x128xf32, #tpu.memory_space<vmem>>, vector<1x128xf32>
    %add3A_73 = vector.broadcast %get3A_72 : vector<1x128xf32> to vector<2000x128xf32>
    %add3A_74 = arith.addf %dot_general3A_69, %add3A_73 : vector<2000x128xf32>
    %get3A_75 = arith.constant 0 : index
    %get3A_76 = arith.constant 0 : index
    %get3A_77 = vector.load %arg10[%get3A_75, %get3A_76] : memref<1x128xf32, #tpu.memory_space<vmem>>, vector<1x128xf32>
    %get3A_78 = arith.constant 0 : index
    %get3A_79 = arith.constant 0 : index
    %get3A_80 = vector.load %arg11[%get3A_78, %get3A_79] : memref<1x128xf32, #tpu.memory_space<vmem>>, vector<1x128xf32>
    %reduce_sum3A_81 = arith.constant dense<0.000000e+00> : vector<2000xf32>
    %reduce_sum3A_82 = vector.multi_reduction <add>, %add3A_74, %reduce_sum3A_81 [1] : vector<2000x128xf32> to vector<2000xf32>
    %broadcast_in_dim3A_83 = vector.shape_cast %reduce_sum3A_82 : vector<2000xf32> to vector<2000x1xf32>
    %div3A_84 = arith.constant 1.280000e+02 : f32
    %div3A_85 = vector.broadcast %div3A_84 : f32 to vector<2000x1xf32>
    %div3A_86 = arith.divf %broadcast_in_dim3A_83, %div3A_85 : vector<2000x1xf32>
    %jit3A_87 = arith.constant 0 : i32
    %reduce_sum3A_88 = arith.constant dense<0.000000e+00> : vector<2000xf32>
    %reduce_sum3A_89 = vector.multi_reduction <add>, %add3A_74, %reduce_sum3A_88 [1] : vector<2000x128xf32> to vector<2000xf32>
    %broadcast_in_dim3A_90 = vector.shape_cast %reduce_sum3A_89 : vector<2000xf32> to vector<2000x1xf32>
    %div3A_91 = arith.constant 1.280000e+02 : f32
    %div3A_92 = vector.broadcast %div3A_91 : f32 to vector<2000x1xf32>
    %div3A_93 = arith.divf %broadcast_in_dim3A_90, %div3A_92 : vector<2000x1xf32>
    %sub3A_94 = vector.broadcast %div3A_93 : vector<2000x1xf32> to vector<2000x128xf32>
    %sub3A_95 = arith.subf %add3A_74, %sub3A_94 : vector<2000x128xf32>
    %square3A_96 = arith.mulf %sub3A_95, %sub3A_95 : vector<2000x128xf32>
    %convert_element_type3A_97 = arith.sitofp %jit3A_87 : i32 to f32
    %sub3A_98 = arith.constant 1.280000e+02 : f32
    %sub3A_99 = arith.subf %sub3A_98, %convert_element_type3A_97 : f32
    %reduce_sum3A_100 = arith.constant dense<0.000000e+00> : vector<2000xf32>
    %reduce_sum3A_101 = vector.multi_reduction <add>, %square3A_96, %reduce_sum3A_100 [1] : vector<2000x128xf32> to vector<2000xf32>
    %broadcast_in_dim3A_102 = vector.shape_cast %reduce_sum3A_101 : vector<2000xf32> to vector<2000x1xf32>
    %div3A_103 = vector.broadcast %sub3A_99 : f32 to vector<2000x1xf32>
    %div3A_104 = arith.divf %broadcast_in_dim3A_102, %div3A_103 : vector<2000x1xf32>
    %gt3A_105 = arith.constant 0.000000e+00 : f32
    %gt3A_106 = arith.cmpf ogt, %sub3A_99, %gt3A_105 : f32
    %jit3A_107 = arith.constant 0x7FC00000 : f32
    %broadcast_in_dim3A_108 = vector.broadcast %jit3A_107 : f32 to vector<2000x1xf32>
    %select_n3A_109 = arith.select %gt3A_106, %div3A_104, %broadcast_in_dim3A_108 : vector<2000x1xf32>
    %sub3A_110 = vector.broadcast %div3A_86 : vector<2000x1xf32> to vector<2000x128xf32>
    %sub3A_111 = arith.subf %add3A_74, %sub3A_110 : vector<2000x128xf32>
    %add3A_112 = arith.constant 9.99999974E-6 : f32
    %add3A_113 = vector.broadcast %add3A_112 : f32 to vector<2000x1xf32>
    %add3A_114 = arith.addf %select_n3A_109, %add3A_113 : vector<2000x1xf32>
    %sqrt3A_115 = math.sqrt %add3A_114 : vector<2000x1xf32>
    %div3A_116 = vector.broadcast %sqrt3A_115 : vector<2000x1xf32> to vector<2000x128xf32>
    %div3A_117 = arith.divf %sub3A_111, %div3A_116 : vector<2000x128xf32>
    %mul3A_118 = vector.broadcast %get3A_77 : vector<1x128xf32> to vector<2000x128xf32>
    %mul3A_119 = arith.mulf %div3A_117, %mul3A_118 : vector<2000x128xf32>
    %add3A_120 = vector.broadcast %get3A_80 : vector<1x128xf32> to vector<2000x128xf32>
    %add3A_121 = arith.addf %mul3A_119, %add3A_120 : vector<2000x128xf32>
    %max3A_122 = arith.constant 0.000000e+00 : f32
    %max3A_123 = vector.broadcast %max3A_122 : f32 to vector<2000x128xf32>
    %max3A_124 = arith.maximumf %add3A_121, %max3A_123 : vector<2000x128xf32>
    %add3A_125 = arith.addf %get3A_1, %max3A_124 : vector<2000x128xf32>
    %swap3A = arith.constant 0 : index
    %swap3A_126 = arith.constant 0 : index
    %swap3A_127 = vector.load %arg14[%swap3A, %swap3A_126] : memref<2000x128xf32, #tpu.memory_space<vmem>>, vector<2000x128xf32>
    tpu.vector_store %arg14[%swap3A, %swap3A_126], %add3A_125 {strides = array<i32>} : memref<2000x128xf32, #tpu.memory_space<vmem>>, vector<2000x128xf32>,
    %get3A_128 = arith.constant 0 : index
    %get3A_129 = arith.constant 0 : index
    %get3A_130 = arith.constant 0 : index
    %get3A_131 = vector.load %arg12[%get3A_128, %get3A_129, %get3A_130] : memref<2x2000x128xf32, #tpu.memory_space<vmem>>, vector<1x2000x128xf32>
    %get3A_132 = vector.shape_cast %get3A_131 : vector<1x2000x128xf32> to vector<2000x128xf32>
    %get3A_133 = arith.constant 1 : index
    %get3A_134 = arith.constant 0 : index
    %get3A_135 = arith.constant 0 : index
    %get3A_136 = vector.load %arg12[%get3A_133, %get3A_134, %get3A_135] : memref<2x2000x128xf32, #tpu.memory_space<vmem>>, vector<1x2000x128xf32>
    %get3A_137 = vector.shape_cast %get3A_136 : vector<1x2000x128xf32> to vector<2000x128xf32>
    %add3A_138 = arith.addf %get3A_132, %get3A_137 : vector<2000x128xf32>
    %iota3A = tpu.iota {dimensions = array<i32: 1>} : vector<2000x128xi32>
    %eq3A = arith.constant 3 : i32
    %eq3A_139 = vector.broadcast %eq3A : i32 to vector<2000x128xi32>
    %eq3A_140 = arith.cmpi eq, %iota3A, %eq3A_139 : vector<2000x128xi32>
    %jit3A_141 = arith.constant 0.000000e+00 : f32
    %broadcast_in_dim3A_142 = vector.broadcast %jit3A_141 : f32 to vector<2000x128xf32>
    %select_n3A_143 = arith.select %eq3A_140, %add3A_138, %broadcast_in_dim3A_142 : vector<2000x128xi1>, vector<2000x128xf32>
    %reduce_sum3A_144 = arith.constant dense<0.000000e+00> : vector<2000xf32>
    %reduce_sum3A_145 = vector.multi_reduction <add>, %select_n3A_143, %reduce_sum3A_144 [1] : vector<2000x128xf32> to vector<2000xf32>
    %broadcast_in_dim3A_146 = vector.shape_cast %reduce_sum3A_145 : vector<2000xf32> to vector<2000x1xf32>
    %get3A_147 = arith.constant 0 : index
    %get3A_148 = arith.constant 0 : index
    %get3A_149 = vector.load %arg13[%get3A_147, %get3A_148] : memref<2000x128xf32, #tpu.memory_space<vmem>>, vector<2000x128xf32>
    %lt3A = arith.constant 3 : i32
    %lt3A_150 = vector.broadcast %lt3A : i32 to vector<2000x128xi32>
    %lt3A_151 = arith.cmpi slt, %iota3A, %lt3A_150 : vector<2000x128xi32>
    %jit3A_152 = arith.constant 0.000000e+00 : f32
    %broadcast_in_dim3A_153 = vector.broadcast %jit3A_152 : f32 to vector<2000x128xf32>
    %select_n3A_154 = arith.select %lt3A_151, %add3A_138, %broadcast_in_dim3A_153 : vector<2000x128xi1>, vector<2000x128xf32>
    %max3A_155 = arith.constant 1.000000e+00 : f32
    %max3A_156 = vector.broadcast %max3A_155 : f32 to vector<2000x1xf32>
    %max3A_157 = arith.maximumf %broadcast_in_dim3A_146, %max3A_156 : vector<2000x1xf32>
    %div3A_158 = vector.broadcast %max3A_157 : vector<2000x1xf32> to vector<2000x128xf32>
    %div3A_159 = arith.divf %select_n3A_154, %div3A_158 : vector<2000x128xf32>
    %add3A_160 = arith.addf %get3A_149, %div3A_159 : vector<2000x128xf32>
    %swap3A_161 = arith.constant 0 : index
    %swap3A_162 = arith.constant 0 : index
    %swap3A_163 = vector.load %arg15[%swap3A_161, %swap3A_162] : memref<2000x128xf32, #tpu.memory_space<vmem>>, vector<2000x128xf32>
    tpu.vector_store %arg15[%swap3A_161, %swap3A_162], %add3A_160 {strides = array<i32>} : memref<2000x128xf32, #tpu.memory_space<vmem>>, vector<2000x128xf32>,
    return
  }
  func.func @transform_0(%arg0: i32) -> (i32, i32) {
    %c0_i32 = arith.constant 0 : i32
    %c0_i32_0 = arith.constant 0 : i32
    return %arg0, %c0_i32 : i32, i32
  }
  func.func @transform_1(%arg0: i32) -> (i32, i32, i32) {
    %c0_i32 = arith.constant 0 : i32
    %c0_i32_0 = arith.constant 0 : i32
    %c0_i32_1 = arith.constant 0 : i32
    return %c0_i32, %arg0, %c0_i32_0 : i32, i32, i32
  }
  func.func @transform_2(%arg0: i32) -> (i32, i32) {
    %c0_i32 = arith.constant 0 : i32
    %c0_i32_0 = arith.constant 0 : i32
    %c0_i32_1 = arith.constant 0 : i32
    return %c0_i32, %c0_i32_0 : i32, i32
  }
  func.func @transform_3(%arg0: i32) -> (i32, i32) {
    %c0_i32 = arith.constant 0 : i32
    %c0_i32_0 = arith.constant 0 : i32
    %c0_i32_1 = arith.constant 0 : i32
    return %c0_i32, %c0_i32_0 : i32, i32
  }
  func.func @transform_4(%arg0: i32) -> (i32, i32) {
    %c0_i32 = arith.constant 0 : i32
    %c0_i32_0 = arith.constant 0 : i32
    %c0_i32_1 = arith.constant 0 : i32
    return %c0_i32, %c0_i32_0 : i32, i32
  }
  func.func @transform_5(%arg0: i32) -> (i32, i32) {
    %c0_i32 = arith.constant 0 : i32
    %c0_i32_0 = arith.constant 0 : i32
    %c0_i32_1 = arith.constant 0 : i32
    return %c0_i32, %c0_i32_0 : i32, i32
  }
  func.func @transform_6(%arg0: i32) -> (i32, i32) {
    %c0_i32 = arith.constant 0 : i32
    %c0_i32_0 = arith.constant 0 : i32
    %c0_i32_1 = arith.constant 0 : i32
    return %c0_i32, %c0_i32_0 : i32, i32
  }
  func.func @transform_7(%arg0: i32) -> (i32, i32) {
    %c0_i32 = arith.constant 0 : i32
    %c0_i32_0 = arith.constant 0 : i32
    %c0_i32_1 = arith.constant 0 : i32
    return %c0_i32, %c0_i32_0 : i32, i32
  }
  func.func @transform_8(%arg0: i32) -> (i32, i32) {
    %c0_i32 = arith.constant 0 : i32
    %c0_i32_0 = arith.constant 0 : i32
    %c0_i32_1 = arith.constant 0 : i32
    return %c0_i32, %c0_i32_0 : i32, i32
  }
  func.func @transform_9(%arg0: i32) -> (i32, i32) {
    %c0_i32 = arith.constant 0 : i32
    %c0_i32_0 = arith.constant 0 : i32
    %c0_i32_1 = arith.constant 0 : i32
    return %c0_i32, %c0_i32_0 : i32, i32
  }
  func.func @transform_10(%arg0: i32) -> (i32, i32) {
    %c0_i32 = arith.constant 0 : i32
    %c0_i32_0 = arith.constant 0 : i32
    %c0_i32_1 = arith.constant 0 : i32
    return %c0_i32, %c0_i32_0 : i32, i32
  }
  func.func @transform_11(%arg0: i32) -> (i32, i32, i32) {
    %c0_i32 = arith.constant 0 : i32
    %c0_i32_0 = arith.constant 0 : i32
    %c0_i32_1 = arith.constant 0 : i32
    return %c0_i32, %arg0, %c0_i32_0 : i32, i32, i32
  }
  func.func @transform_12(%arg0: i32) -> (i32, i32) {
    %c0_i32 = arith.constant 0 : i32
    %c0_i32_0 = arith.constant 0 : i32
    return %arg0, %c0_i32 : i32, i32
  }
  func.func @transform_13(%arg0: i32) -> (i32, i32) {
    %c0_i32 = arith.constant 0 : i32
    %c0_i32_0 = arith.constant 0 : i32
    return %arg0, %c0_i32 : i32, i32
  }
  func.func @transform_14(%arg0: i32) -> (i32, i32) {
    %c0_i32 = arith.constant 0 : i32
    %c0_i32_0 = arith.constant 0 : i32
    return %arg0, %c0_i32 : i32, i32
  }
}

module attributes {stable_mosaic.version = 14 : i64} {
  func.func @_edge_body(%arg0: i32, %arg1: memref<2000x128xf32, #tpu.memory_space<vmem>>, %arg2: memref<2000x128xf32, #tpu.memory_space<vmem>>, %arg3: memref<2000x128xf32, #tpu.memory_space<vmem>>, %arg4: memref<2000x128xf32, #tpu.memory_space<vmem>>, %arg5: memref<128x128xf32, #tpu.memory_space<vmem>>, %arg6: memref<128x128xf32, #tpu.memory_space<vmem>>, %arg7: memref<1x128xf32, #tpu.memory_space<vmem>>, %arg8: memref<1x128xf32, #tpu.memory_space<vmem>>, %arg9: memref<1x128xf32, #tpu.memory_space<vmem>>, %arg10: memref<1x128xf32, #tpu.memory_space<vmem>>, %arg11: memref<128x128xf32, #tpu.memory_space<vmem>>, %arg12: memref<1x128xf32, #tpu.memory_space<vmem>>, %arg13: memref<1x128xf32, #tpu.memory_space<vmem>>, %arg14: memref<1x128xf32, #tpu.memory_space<vmem>>, %arg15: memref<2000x128xf32, #tpu.memory_space<vmem>>) attributes {dimension_semantics = [#tpu.dimension_semantics<arbitrary>], iteration_bounds = array<i64: 160>, scalar_prefetch = 0 : i64, scratch_operands = 0 : i64, tpu.core_type = #tpu.core_type<tc>, window_params = [{transform_indices = @transform_0, window_bounds = array<i64: 2000, 128>}, {transform_indices = @transform_1, window_bounds = array<i64: 2000, 128>}, {transform_indices = @transform_2, window_bounds = array<i64: 2000, 128>}, {transform_indices = @transform_3, window_bounds = array<i64: 2000, 128>}, {pipeline_mode = #tpu.pipeline_mode<synchronous>, transform_indices = @transform_4, window_bounds = array<i64: 128, 128>}, {pipeline_mode = #tpu.pipeline_mode<synchronous>, transform_indices = @transform_5, window_bounds = array<i64: 128, 128>}, {pipeline_mode = #tpu.pipeline_mode<synchronous>, transform_indices = @transform_6, window_bounds = array<i64: 1, 128>}, {pipeline_mode = #tpu.pipeline_mode<synchronous>, transform_indices = @transform_7, window_bounds = array<i64: 1, 128>}, {pipeline_mode = #tpu.pipeline_mode<synchronous>, transform_indices = @transform_8, window_bounds = array<i64: 1, 128>}, {pipeline_mode = #tpu.pipeline_mode<synchronous>, transform_indices = @transform_9, window_bounds = array<i64: 1, 128>}, {pipeline_mode = #tpu.pipeline_mode<synchronous>, transform_indices = @transform_10, window_bounds = array<i64: 128, 128>}, {pipeline_mode = #tpu.pipeline_mode<synchronous>, transform_indices = @transform_11, window_bounds = array<i64: 1, 128>}, {pipeline_mode = #tpu.pipeline_mode<synchronous>, transform_indices = @transform_12, window_bounds = array<i64: 1, 128>}, {pipeline_mode = #tpu.pipeline_mode<synchronous>, transform_indices = @transform_13, window_bounds = array<i64: 1, 128>}, {transform_indices = @transform_14, window_bounds = array<i64: 2000, 128>}]} {
    %get3A = arith.constant 0 : index
    %get3A_0 = arith.constant 0 : index
    %get3A_1 = vector.load %arg3[%get3A, %get3A_0] : memref<2000x128xf32, #tpu.memory_space<vmem>>, vector<2000x128xf32>
    %get3A_2 = arith.constant 0 : index
    %get3A_3 = arith.constant 0 : index
    %get3A_4 = vector.load %arg4[%get3A_2, %get3A_3] : memref<2000x128xf32, #tpu.memory_space<vmem>>, vector<2000x128xf32>
    %sub3A = arith.subf %get3A_1, %get3A_4 : vector<2000x128xf32>
    %mul3A = arith.mulf %sub3A, %sub3A : vector<2000x128xf32>
    %reduce_sum3A = arith.constant dense<0.000000e+00> : vector<2000xf32>
    %reduce_sum3A_5 = vector.multi_reduction <add>, %mul3A, %reduce_sum3A [1] : vector<2000x128xf32> to vector<2000xf32>
    %broadcast_in_dim3A = vector.shape_cast %reduce_sum3A_5 : vector<2000xf32> to vector<2000x1xf32>
    %sqrt3A = math.sqrt %broadcast_in_dim3A : vector<2000x1xf32>
    %get3A_6 = arith.constant 0 : index
    %get3A_7 = arith.constant 0 : index
    %get3A_8 = vector.load %arg1[%get3A_6, %get3A_7] : memref<2000x128xf32, #tpu.memory_space<vmem>>, vector<2000x128xf32>
    %get3A_9 = arith.constant 0 : index
    %get3A_10 = arith.constant 0 : index
    %get3A_11 = vector.load %arg5[%get3A_9, %get3A_10] : memref<128x128xf32, #tpu.memory_space<vmem>>, vector<128x128xf32>
    %dot_general3A = arith.constant dense<0.000000e+00> : vector<2000x128xf32>
    %dot_general3A_12 = tpu.matmul %get3A_8, %get3A_11, %dot_general3A {dimension_numbers = #tpu.dot_dimension_numbers<[1], [0], [0], [1], [0, 0, 1, 1], [], []>, transpose_lhs_hint = false} : vector<2000x128xf32>, vector<128x128xf32>, vector<2000x128xf32> -> vector<2000x128xf32>
    %get3A_13 = arith.constant 0 : index
    %get3A_14 = arith.constant 0 : index
    %get3A_15 = vector.load %arg2[%get3A_13, %get3A_14] : memref<2000x128xf32, #tpu.memory_space<vmem>>, vector<2000x128xf32>
    %get3A_16 = arith.constant 0 : index
    %get3A_17 = arith.constant 0 : index
    %get3A_18 = vector.load %arg6[%get3A_16, %get3A_17] : memref<128x128xf32, #tpu.memory_space<vmem>>, vector<128x128xf32>
    %dot_general3A_19 = arith.constant dense<0.000000e+00> : vector<2000x128xf32>
    %dot_general3A_20 = tpu.matmul %get3A_15, %get3A_18, %dot_general3A_19 {dimension_numbers = #tpu.dot_dimension_numbers<[1], [0], [0], [1], [0, 0, 1, 1], [], []>, transpose_lhs_hint = false} : vector<2000x128xf32>, vector<128x128xf32>, vector<2000x128xf32> -> vector<2000x128xf32>
    %add3A = arith.addf %dot_general3A_12, %dot_general3A_20 : vector<2000x128xf32>
    %get3A_21 = arith.constant 0 : index
    %get3A_22 = arith.constant 0 : index
    %get3A_23 = vector.load %arg7[%get3A_21, %get3A_22] : memref<1x128xf32, #tpu.memory_space<vmem>>, vector<1x128xf32>
    %mul3A_24 = vector.broadcast %sqrt3A : vector<2000x1xf32> to vector<2000x128xf32>
    %mul3A_25 = vector.broadcast %get3A_23 : vector<1x128xf32> to vector<2000x128xf32>
    %mul3A_26 = arith.mulf %mul3A_24, %mul3A_25 : vector<2000x128xf32>
    %add3A_27 = arith.addf %add3A, %mul3A_26 : vector<2000x128xf32>
    %get3A_28 = arith.constant 0 : index
    %get3A_29 = arith.constant 0 : index
    %get3A_30 = vector.load %arg8[%get3A_28, %get3A_29] : memref<1x128xf32, #tpu.memory_space<vmem>>, vector<1x128xf32>
    %add3A_31 = vector.broadcast %get3A_30 : vector<1x128xf32> to vector<2000x128xf32>
    %add3A_32 = arith.addf %add3A_27, %add3A_31 : vector<2000x128xf32>
    %get3A_33 = arith.constant 0 : index
    %get3A_34 = arith.constant 0 : index
    %get3A_35 = vector.load %arg9[%get3A_33, %get3A_34] : memref<1x128xf32, #tpu.memory_space<vmem>>, vector<1x128xf32>
    %get3A_36 = arith.constant 0 : index
    %get3A_37 = arith.constant 0 : index
    %get3A_38 = vector.load %arg10[%get3A_36, %get3A_37] : memref<1x128xf32, #tpu.memory_space<vmem>>, vector<1x128xf32>
    %reduce_sum3A_39 = arith.constant dense<0.000000e+00> : vector<2000xf32>
    %reduce_sum3A_40 = vector.multi_reduction <add>, %add3A_32, %reduce_sum3A_39 [1] : vector<2000x128xf32> to vector<2000xf32>
    %broadcast_in_dim3A_41 = vector.shape_cast %reduce_sum3A_40 : vector<2000xf32> to vector<2000x1xf32>
    %div3A = arith.constant 1.280000e+02 : f32
    %div3A_42 = vector.broadcast %div3A : f32 to vector<2000x1xf32>
    %div3A_43 = arith.divf %broadcast_in_dim3A_41, %div3A_42 : vector<2000x1xf32>
    %jit3A = arith.constant 0 : i32
    %reduce_sum3A_44 = arith.constant dense<0.000000e+00> : vector<2000xf32>
    %reduce_sum3A_45 = vector.multi_reduction <add>, %add3A_32, %reduce_sum3A_44 [1] : vector<2000x128xf32> to vector<2000xf32>
    %broadcast_in_dim3A_46 = vector.shape_cast %reduce_sum3A_45 : vector<2000xf32> to vector<2000x1xf32>
    %div3A_47 = arith.constant 1.280000e+02 : f32
    %div3A_48 = vector.broadcast %div3A_47 : f32 to vector<2000x1xf32>
    %div3A_49 = arith.divf %broadcast_in_dim3A_46, %div3A_48 : vector<2000x1xf32>
    %sub3A_50 = vector.broadcast %div3A_49 : vector<2000x1xf32> to vector<2000x128xf32>
    %sub3A_51 = arith.subf %add3A_32, %sub3A_50 : vector<2000x128xf32>
    %square3A = arith.mulf %sub3A_51, %sub3A_51 : vector<2000x128xf32>
    %convert_element_type3A = arith.sitofp %jit3A : i32 to f32
    %sub3A_52 = arith.constant 1.280000e+02 : f32
    %sub3A_53 = arith.subf %sub3A_52, %convert_element_type3A : f32
    %reduce_sum3A_54 = arith.constant dense<0.000000e+00> : vector<2000xf32>
    %reduce_sum3A_55 = vector.multi_reduction <add>, %square3A, %reduce_sum3A_54 [1] : vector<2000x128xf32> to vector<2000xf32>
    %broadcast_in_dim3A_56 = vector.shape_cast %reduce_sum3A_55 : vector<2000xf32> to vector<2000x1xf32>
    %div3A_57 = vector.broadcast %sub3A_53 : f32 to vector<2000x1xf32>
    %div3A_58 = arith.divf %broadcast_in_dim3A_56, %div3A_57 : vector<2000x1xf32>
    %gt3A = arith.constant 0.000000e+00 : f32
    %gt3A_59 = arith.cmpf ogt, %sub3A_53, %gt3A : f32
    %jit3A_60 = arith.constant 0x7FC00000 : f32
    %broadcast_in_dim3A_61 = vector.broadcast %jit3A_60 : f32 to vector<2000x1xf32>
    %select_n3A = arith.select %gt3A_59, %div3A_58, %broadcast_in_dim3A_61 : vector<2000x1xf32>
    %sub3A_62 = vector.broadcast %div3A_43 : vector<2000x1xf32> to vector<2000x128xf32>
    %sub3A_63 = arith.subf %add3A_32, %sub3A_62 : vector<2000x128xf32>
    %add3A_64 = arith.constant 9.99999974E-6 : f32
    %add3A_65 = vector.broadcast %add3A_64 : f32 to vector<2000x1xf32>
    %add3A_66 = arith.addf %select_n3A, %add3A_65 : vector<2000x1xf32>
    %sqrt3A_67 = math.sqrt %add3A_66 : vector<2000x1xf32>
    %div3A_68 = vector.broadcast %sqrt3A_67 : vector<2000x1xf32> to vector<2000x128xf32>
    %div3A_69 = arith.divf %sub3A_63, %div3A_68 : vector<2000x128xf32>
    %mul3A_70 = vector.broadcast %get3A_35 : vector<1x128xf32> to vector<2000x128xf32>
    %mul3A_71 = arith.mulf %div3A_69, %mul3A_70 : vector<2000x128xf32>
    %add3A_72 = vector.broadcast %get3A_38 : vector<1x128xf32> to vector<2000x128xf32>
    %add3A_73 = arith.addf %mul3A_71, %add3A_72 : vector<2000x128xf32>
    %max3A = arith.constant 0.000000e+00 : f32
    %max3A_74 = vector.broadcast %max3A : f32 to vector<2000x128xf32>
    %max3A_75 = arith.maximumf %add3A_73, %max3A_74 : vector<2000x128xf32>
    %get3A_76 = arith.constant 0 : index
    %get3A_77 = arith.constant 0 : index
    %get3A_78 = vector.load %arg11[%get3A_76, %get3A_77] : memref<128x128xf32, #tpu.memory_space<vmem>>, vector<128x128xf32>
    %dot_general3A_79 = arith.constant dense<0.000000e+00> : vector<2000x128xf32>
    %dot_general3A_80 = tpu.matmul %max3A_75, %get3A_78, %dot_general3A_79 {dimension_numbers = #tpu.dot_dimension_numbers<[1], [0], [0], [1], [0, 0, 1, 1], [], []>, transpose_lhs_hint = false} : vector<2000x128xf32>, vector<128x128xf32>, vector<2000x128xf32> -> vector<2000x128xf32>
    %get3A_81 = arith.constant 0 : index
    %get3A_82 = arith.constant 0 : index
    %get3A_83 = vector.load %arg12[%get3A_81, %get3A_82] : memref<1x128xf32, #tpu.memory_space<vmem>>, vector<1x128xf32>
    %add3A_84 = vector.broadcast %get3A_83 : vector<1x128xf32> to vector<2000x128xf32>
    %add3A_85 = arith.addf %dot_general3A_80, %add3A_84 : vector<2000x128xf32>
    %get3A_86 = arith.constant 0 : index
    %get3A_87 = arith.constant 0 : index
    %get3A_88 = vector.load %arg13[%get3A_86, %get3A_87] : memref<1x128xf32, #tpu.memory_space<vmem>>, vector<1x128xf32>
    %get3A_89 = arith.constant 0 : index
    %get3A_90 = arith.constant 0 : index
    %get3A_91 = vector.load %arg14[%get3A_89, %get3A_90] : memref<1x128xf32, #tpu.memory_space<vmem>>, vector<1x128xf32>
    %reduce_sum3A_92 = arith.constant dense<0.000000e+00> : vector<2000xf32>
    %reduce_sum3A_93 = vector.multi_reduction <add>, %add3A_85, %reduce_sum3A_92 [1] : vector<2000x128xf32> to vector<2000xf32>
    %broadcast_in_dim3A_94 = vector.shape_cast %reduce_sum3A_93 : vector<2000xf32> to vector<2000x1xf32>
    %div3A_95 = arith.constant 1.280000e+02 : f32
    %div3A_96 = vector.broadcast %div3A_95 : f32 to vector<2000x1xf32>
    %div3A_97 = arith.divf %broadcast_in_dim3A_94, %div3A_96 : vector<2000x1xf32>
    %jit3A_98 = arith.constant 0 : i32
    %reduce_sum3A_99 = arith.constant dense<0.000000e+00> : vector<2000xf32>
    %reduce_sum3A_100 = vector.multi_reduction <add>, %add3A_85, %reduce_sum3A_99 [1] : vector<2000x128xf32> to vector<2000xf32>
    %broadcast_in_dim3A_101 = vector.shape_cast %reduce_sum3A_100 : vector<2000xf32> to vector<2000x1xf32>
    %div3A_102 = arith.constant 1.280000e+02 : f32
    %div3A_103 = vector.broadcast %div3A_102 : f32 to vector<2000x1xf32>
    %div3A_104 = arith.divf %broadcast_in_dim3A_101, %div3A_103 : vector<2000x1xf32>
    %sub3A_105 = vector.broadcast %div3A_104 : vector<2000x1xf32> to vector<2000x128xf32>
    %sub3A_106 = arith.subf %add3A_85, %sub3A_105 : vector<2000x128xf32>
    %square3A_107 = arith.mulf %sub3A_106, %sub3A_106 : vector<2000x128xf32>
    %convert_element_type3A_108 = arith.sitofp %jit3A_98 : i32 to f32
    %sub3A_109 = arith.constant 1.280000e+02 : f32
    %sub3A_110 = arith.subf %sub3A_109, %convert_element_type3A_108 : f32
    %reduce_sum3A_111 = arith.constant dense<0.000000e+00> : vector<2000xf32>
    %reduce_sum3A_112 = vector.multi_reduction <add>, %square3A_107, %reduce_sum3A_111 [1] : vector<2000x128xf32> to vector<2000xf32>
    %broadcast_in_dim3A_113 = vector.shape_cast %reduce_sum3A_112 : vector<2000xf32> to vector<2000x1xf32>
    %div3A_114 = vector.broadcast %sub3A_110 : f32 to vector<2000x1xf32>
    %div3A_115 = arith.divf %broadcast_in_dim3A_113, %div3A_114 : vector<2000x1xf32>
    %gt3A_116 = arith.constant 0.000000e+00 : f32
    %gt3A_117 = arith.cmpf ogt, %sub3A_110, %gt3A_116 : f32
    %jit3A_118 = arith.constant 0x7FC00000 : f32
    %broadcast_in_dim3A_119 = vector.broadcast %jit3A_118 : f32 to vector<2000x1xf32>
    %select_n3A_120 = arith.select %gt3A_117, %div3A_115, %broadcast_in_dim3A_119 : vector<2000x1xf32>
    %sub3A_121 = vector.broadcast %div3A_97 : vector<2000x1xf32> to vector<2000x128xf32>
    %sub3A_122 = arith.subf %add3A_85, %sub3A_121 : vector<2000x128xf32>
    %add3A_123 = arith.constant 9.99999974E-6 : f32
    %add3A_124 = vector.broadcast %add3A_123 : f32 to vector<2000x1xf32>
    %add3A_125 = arith.addf %select_n3A_120, %add3A_124 : vector<2000x1xf32>
    %sqrt3A_126 = math.sqrt %add3A_125 : vector<2000x1xf32>
    %div3A_127 = vector.broadcast %sqrt3A_126 : vector<2000x1xf32> to vector<2000x128xf32>
    %div3A_128 = arith.divf %sub3A_122, %div3A_127 : vector<2000x128xf32>
    %mul3A_129 = vector.broadcast %get3A_88 : vector<1x128xf32> to vector<2000x128xf32>
    %mul3A_130 = arith.mulf %div3A_128, %mul3A_129 : vector<2000x128xf32>
    %add3A_131 = vector.broadcast %get3A_91 : vector<1x128xf32> to vector<2000x128xf32>
    %add3A_132 = arith.addf %mul3A_130, %add3A_131 : vector<2000x128xf32>
    %max3A_133 = arith.constant 0.000000e+00 : f32
    %max3A_134 = vector.broadcast %max3A_133 : f32 to vector<2000x128xf32>
    %max3A_135 = arith.maximumf %add3A_132, %max3A_134 : vector<2000x128xf32>
    %swap3A = arith.constant 0 : index
    %swap3A_136 = arith.constant 0 : index
    %swap3A_137 = vector.load %arg15[%swap3A, %swap3A_136] : memref<2000x128xf32, #tpu.memory_space<vmem>>, vector<2000x128xf32>
    tpu.vector_store %arg15[%swap3A, %swap3A_136], %max3A_135 {strides = array<i32>} : memref<2000x128xf32, #tpu.memory_space<vmem>>, vector<2000x128xf32>,
    return
  }
  func.func @transform_0(%arg0: i32) -> (i32, i32) {
    %c0_i32 = arith.constant 0 : i32
    %c0_i32_0 = arith.constant 0 : i32
    return %arg0, %c0_i32 : i32, i32
  }
  func.func @transform_1(%arg0: i32) -> (i32, i32) {
    %c0_i32 = arith.constant 0 : i32
    %c0_i32_0 = arith.constant 0 : i32
    return %arg0, %c0_i32 : i32, i32
  }
  func.func @transform_2(%arg0: i32) -> (i32, i32) {
    %c0_i32 = arith.constant 0 : i32
    %c0_i32_0 = arith.constant 0 : i32
    return %arg0, %c0_i32 : i32, i32
  }
  func.func @transform_3(%arg0: i32) -> (i32, i32) {
    %c0_i32 = arith.constant 0 : i32
    %c0_i32_0 = arith.constant 0 : i32
    return %arg0, %c0_i32 : i32, i32
  }
  func.func @transform_4(%arg0: i32) -> (i32, i32) {
    %c0_i32 = arith.constant 0 : i32
    %c0_i32_0 = arith.constant 0 : i32
    %c0_i32_1 = arith.constant 0 : i32
    return %c0_i32, %c0_i32_0 : i32, i32
  }
  func.func @transform_5(%arg0: i32) -> (i32, i32) {
    %c0_i32 = arith.constant 0 : i32
    %c0_i32_0 = arith.constant 0 : i32
    %c0_i32_1 = arith.constant 0 : i32
    return %c0_i32, %c0_i32_0 : i32, i32
  }
  func.func @transform_6(%arg0: i32) -> (i32, i32) {
    %c0_i32 = arith.constant 0 : i32
    %c0_i32_0 = arith.constant 0 : i32
    %c0_i32_1 = arith.constant 0 : i32
    return %c0_i32, %c0_i32_0 : i32, i32
  }
  func.func @transform_7(%arg0: i32) -> (i32, i32) {
    %c0_i32 = arith.constant 0 : i32
    %c0_i32_0 = arith.constant 0 : i32
    %c0_i32_1 = arith.constant 0 : i32
    return %c0_i32, %c0_i32_0 : i32, i32
  }
  func.func @transform_8(%arg0: i32) -> (i32, i32) {
    %c0_i32 = arith.constant 0 : i32
    %c0_i32_0 = arith.constant 0 : i32
    %c0_i32_1 = arith.constant 0 : i32
    return %c0_i32, %c0_i32_0 : i32, i32
  }
  func.func @transform_9(%arg0: i32) -> (i32, i32) {
    %c0_i32 = arith.constant 0 : i32
    %c0_i32_0 = arith.constant 0 : i32
    %c0_i32_1 = arith.constant 0 : i32
    return %c0_i32, %c0_i32_0 : i32, i32
  }
  func.func @transform_10(%arg0: i32) -> (i32, i32) {
    %c0_i32 = arith.constant 0 : i32
    %c0_i32_0 = arith.constant 0 : i32
    %c0_i32_1 = arith.constant 0 : i32
    return %c0_i32, %c0_i32_0 : i32, i32
  }
  func.func @transform_11(%arg0: i32) -> (i32, i32) {
    %c0_i32 = arith.constant 0 : i32
    %c0_i32_0 = arith.constant 0 : i32
    %c0_i32_1 = arith.constant 0 : i32
    return %c0_i32, %c0_i32_0 : i32, i32
  }
  func.func @transform_12(%arg0: i32) -> (i32, i32) {
    %c0_i32 = arith.constant 0 : i32
    %c0_i32_0 = arith.constant 0 : i32
    %c0_i32_1 = arith.constant 0 : i32
    return %c0_i32, %c0_i32_0 : i32, i32
  }
  func.func @transform_13(%arg0: i32) -> (i32, i32) {
    %c0_i32 = arith.constant 0 : i32
    %c0_i32_0 = arith.constant 0 : i32
    %c0_i32_1 = arith.constant 0 : i32
    return %c0_i32, %c0_i32_0 : i32, i32
  }
  func.func @transform_14(%arg0: i32) -> (i32, i32) {
    %c0_i32 = arith.constant 0 : i32
    %c0_i32_0 = arith.constant 0 : i32
    return %arg0, %c0_i32 : i32, i32
  }
}

module attributes {stable_mosaic.version = 14 : i64} {
  func.func @_node_body(%arg0: i32, %arg1: memref<2000x128xf32, #tpu.memory_space<vmem>>, %arg2: memref<2x2000x128xf32, #tpu.memory_space<vmem>>, %arg3: memref<128x128xf32, #tpu.memory_space<vmem>>, %arg4: memref<128x128xf32, #tpu.memory_space<vmem>>, %arg5: memref<1x128xf32, #tpu.memory_space<vmem>>, %arg6: memref<1x128xf32, #tpu.memory_space<vmem>>, %arg7: memref<1x128xf32, #tpu.memory_space<vmem>>, %arg8: memref<128x128xf32, #tpu.memory_space<vmem>>, %arg9: memref<1x128xf32, #tpu.memory_space<vmem>>, %arg10: memref<1x128xf32, #tpu.memory_space<vmem>>, %arg11: memref<1x128xf32, #tpu.memory_space<vmem>>, %arg12: memref<2000x128xf32, #tpu.memory_space<vmem>>) attributes {dimension_semantics = [#tpu.dimension_semantics<arbitrary>], iteration_bounds = array<i64: 5>, scalar_prefetch = 0 : i64, scratch_operands = 0 : i64, tpu.core_type = #tpu.core_type<tc>, window_params = [{transform_indices = @transform_0, window_bounds = array<i64: 2000, 128>}, {transform_indices = @transform_1, window_bounds = array<i64: 2, 2000, 128>}, {pipeline_mode = #tpu.pipeline_mode<synchronous>, transform_indices = @transform_2, window_bounds = array<i64: 128, 128>}, {pipeline_mode = #tpu.pipeline_mode<synchronous>, transform_indices = @transform_3, window_bounds = array<i64: 128, 128>}, {pipeline_mode = #tpu.pipeline_mode<synchronous>, transform_indices = @transform_4, window_bounds = array<i64: 1, 128>}, {pipeline_mode = #tpu.pipeline_mode<synchronous>, transform_indices = @transform_5, window_bounds = array<i64: 1, 128>}, {pipeline_mode = #tpu.pipeline_mode<synchronous>, transform_indices = @transform_6, window_bounds = array<i64: 1, 128>}, {pipeline_mode = #tpu.pipeline_mode<synchronous>, transform_indices = @transform_7, window_bounds = array<i64: 128, 128>}, {pipeline_mode = #tpu.pipeline_mode<synchronous>, transform_indices = @transform_8, window_bounds = array<i64: 1, 128>}, {pipeline_mode = #tpu.pipeline_mode<synchronous>, transform_indices = @transform_9, window_bounds = array<i64: 1, 128>}, {pipeline_mode = #tpu.pipeline_mode<synchronous>, transform_indices = @transform_10, window_bounds = array<i64: 1, 128>}, {transform_indices = @transform_11, window_bounds = array<i64: 2000, 128>}]} {
    %get3A = arith.constant 0 : index
    %get3A_0 = arith.constant 0 : index
    %get3A_1 = vector.load %arg1[%get3A, %get3A_0] : memref<2000x128xf32, #tpu.memory_space<vmem>>, vector<2000x128xf32>
    %get3A_2 = arith.constant 0 : index
    %get3A_3 = arith.constant 0 : index
    %get3A_4 = arith.constant 0 : index
    %get3A_5 = vector.load %arg2[%get3A_2, %get3A_3, %get3A_4] : memref<2x2000x128xf32, #tpu.memory_space<vmem>>, vector<1x2000x128xf32>
    %get3A_6 = vector.shape_cast %get3A_5 : vector<1x2000x128xf32> to vector<2000x128xf32>
    %get3A_7 = arith.constant 1 : index
    %get3A_8 = arith.constant 0 : index
    %get3A_9 = arith.constant 0 : index
    %get3A_10 = vector.load %arg2[%get3A_7, %get3A_8, %get3A_9] : memref<2x2000x128xf32, #tpu.memory_space<vmem>>, vector<1x2000x128xf32>
    %get3A_11 = vector.shape_cast %get3A_10 : vector<1x2000x128xf32> to vector<2000x128xf32>
    %add3A = arith.addf %get3A_6, %get3A_11 : vector<2000x128xf32>
    %get3A_12 = arith.constant 0 : index
    %get3A_13 = arith.constant 0 : index
    %get3A_14 = vector.load %arg3[%get3A_12, %get3A_13] : memref<128x128xf32, #tpu.memory_space<vmem>>, vector<128x128xf32>
    %dot_general3A = arith.constant dense<0.000000e+00> : vector<2000x128xf32>
    %dot_general3A_15 = tpu.matmul %get3A_1, %get3A_14, %dot_general3A {dimension_numbers = #tpu.dot_dimension_numbers<[1], [0], [0], [1], [0, 0, 1, 1], [], []>, transpose_lhs_hint = false} : vector<2000x128xf32>, vector<128x128xf32>, vector<2000x128xf32> -> vector<2000x128xf32>
    %get3A_16 = arith.constant 0 : index
    %get3A_17 = arith.constant 0 : index
    %get3A_18 = vector.load %arg4[%get3A_16, %get3A_17] : memref<128x128xf32, #tpu.memory_space<vmem>>, vector<128x128xf32>
    %dot_general3A_19 = arith.constant dense<0.000000e+00> : vector<2000x128xf32>
    %dot_general3A_20 = tpu.matmul %add3A, %get3A_18, %dot_general3A_19 {dimension_numbers = #tpu.dot_dimension_numbers<[1], [0], [0], [1], [0, 0, 1, 1], [], []>, transpose_lhs_hint = false} : vector<2000x128xf32>, vector<128x128xf32>, vector<2000x128xf32> -> vector<2000x128xf32>
    %add3A_21 = arith.addf %dot_general3A_15, %dot_general3A_20 : vector<2000x128xf32>
    %get3A_22 = arith.constant 0 : index
    %get3A_23 = arith.constant 0 : index
    %get3A_24 = vector.load %arg5[%get3A_22, %get3A_23] : memref<1x128xf32, #tpu.memory_space<vmem>>, vector<1x128xf32>
    %add3A_25 = vector.broadcast %get3A_24 : vector<1x128xf32> to vector<2000x128xf32>
    %add3A_26 = arith.addf %add3A_21, %add3A_25 : vector<2000x128xf32>
    %get3A_27 = arith.constant 0 : index
    %get3A_28 = arith.constant 0 : index
    %get3A_29 = vector.load %arg6[%get3A_27, %get3A_28] : memref<1x128xf32, #tpu.memory_space<vmem>>, vector<1x128xf32>
    %get3A_30 = arith.constant 0 : index
    %get3A_31 = arith.constant 0 : index
    %get3A_32 = vector.load %arg7[%get3A_30, %get3A_31] : memref<1x128xf32, #tpu.memory_space<vmem>>, vector<1x128xf32>
    %reduce_sum3A = arith.constant dense<0.000000e+00> : vector<2000xf32>
    %reduce_sum3A_33 = vector.multi_reduction <add>, %add3A_26, %reduce_sum3A [1] : vector<2000x128xf32> to vector<2000xf32>
    %broadcast_in_dim3A = vector.shape_cast %reduce_sum3A_33 : vector<2000xf32> to vector<2000x1xf32>
    %div3A = arith.constant 1.280000e+02 : f32
    %div3A_34 = vector.broadcast %div3A : f32 to vector<2000x1xf32>
    %div3A_35 = arith.divf %broadcast_in_dim3A, %div3A_34 : vector<2000x1xf32>
    %jit3A = arith.constant 0 : i32
    %reduce_sum3A_36 = arith.constant dense<0.000000e+00> : vector<2000xf32>
    %reduce_sum3A_37 = vector.multi_reduction <add>, %add3A_26, %reduce_sum3A_36 [1] : vector<2000x128xf32> to vector<2000xf32>
    %broadcast_in_dim3A_38 = vector.shape_cast %reduce_sum3A_37 : vector<2000xf32> to vector<2000x1xf32>
    %div3A_39 = arith.constant 1.280000e+02 : f32
    %div3A_40 = vector.broadcast %div3A_39 : f32 to vector<2000x1xf32>
    %div3A_41 = arith.divf %broadcast_in_dim3A_38, %div3A_40 : vector<2000x1xf32>
    %sub3A = vector.broadcast %div3A_41 : vector<2000x1xf32> to vector<2000x128xf32>
    %sub3A_42 = arith.subf %add3A_26, %sub3A : vector<2000x128xf32>
    %square3A = arith.mulf %sub3A_42, %sub3A_42 : vector<2000x128xf32>
    %convert_element_type3A = arith.sitofp %jit3A : i32 to f32
    %sub3A_43 = arith.constant 1.280000e+02 : f32
    %sub3A_44 = arith.subf %sub3A_43, %convert_element_type3A : f32
    %reduce_sum3A_45 = arith.constant dense<0.000000e+00> : vector<2000xf32>
    %reduce_sum3A_46 = vector.multi_reduction <add>, %square3A, %reduce_sum3A_45 [1] : vector<2000x128xf32> to vector<2000xf32>
    %broadcast_in_dim3A_47 = vector.shape_cast %reduce_sum3A_46 : vector<2000xf32> to vector<2000x1xf32>
    %div3A_48 = vector.broadcast %sub3A_44 : f32 to vector<2000x1xf32>
    %div3A_49 = arith.divf %broadcast_in_dim3A_47, %div3A_48 : vector<2000x1xf32>
    %gt3A = arith.constant 0.000000e+00 : f32
    %gt3A_50 = arith.cmpf ogt, %sub3A_44, %gt3A : f32
    %jit3A_51 = arith.constant 0x7FC00000 : f32
    %broadcast_in_dim3A_52 = vector.broadcast %jit3A_51 : f32 to vector<2000x1xf32>
    %select_n3A = arith.select %gt3A_50, %div3A_49, %broadcast_in_dim3A_52 : vector<2000x1xf32>
    %sub3A_53 = vector.broadcast %div3A_35 : vector<2000x1xf32> to vector<2000x128xf32>
    %sub3A_54 = arith.subf %add3A_26, %sub3A_53 : vector<2000x128xf32>
    %add3A_55 = arith.constant 9.99999974E-6 : f32
    %add3A_56 = vector.broadcast %add3A_55 : f32 to vector<2000x1xf32>
    %add3A_57 = arith.addf %select_n3A, %add3A_56 : vector<2000x1xf32>
    %sqrt3A = math.sqrt %add3A_57 : vector<2000x1xf32>
    %div3A_58 = vector.broadcast %sqrt3A : vector<2000x1xf32> to vector<2000x128xf32>
    %div3A_59 = arith.divf %sub3A_54, %div3A_58 : vector<2000x128xf32>
    %mul3A = vector.broadcast %get3A_29 : vector<1x128xf32> to vector<2000x128xf32>
    %mul3A_60 = arith.mulf %div3A_59, %mul3A : vector<2000x128xf32>
    %add3A_61 = vector.broadcast %get3A_32 : vector<1x128xf32> to vector<2000x128xf32>
    %add3A_62 = arith.addf %mul3A_60, %add3A_61 : vector<2000x128xf32>
    %max3A = arith.constant 0.000000e+00 : f32
    %max3A_63 = vector.broadcast %max3A : f32 to vector<2000x128xf32>
    %max3A_64 = arith.maximumf %add3A_62, %max3A_63 : vector<2000x128xf32>
    %get3A_65 = arith.constant 0 : index
    %get3A_66 = arith.constant 0 : index
    %get3A_67 = vector.load %arg8[%get3A_65, %get3A_66] : memref<128x128xf32, #tpu.memory_space<vmem>>, vector<128x128xf32>
    %dot_general3A_68 = arith.constant dense<0.000000e+00> : vector<2000x128xf32>
    %dot_general3A_69 = tpu.matmul %max3A_64, %get3A_67, %dot_general3A_68 {dimension_numbers = #tpu.dot_dimension_numbers<[1], [0], [0], [1], [0, 0, 1, 1], [], []>, transpose_lhs_hint = false} : vector<2000x128xf32>, vector<128x128xf32>, vector<2000x128xf32> -> vector<2000x128xf32>
    %get3A_70 = arith.constant 0 : index
    %get3A_71 = arith.constant 0 : index
    %get3A_72 = vector.load %arg9[%get3A_70, %get3A_71] : memref<1x128xf32, #tpu.memory_space<vmem>>, vector<1x128xf32>
    %add3A_73 = vector.broadcast %get3A_72 : vector<1x128xf32> to vector<2000x128xf32>
    %add3A_74 = arith.addf %dot_general3A_69, %add3A_73 : vector<2000x128xf32>
    %get3A_75 = arith.constant 0 : index
    %get3A_76 = arith.constant 0 : index
    %get3A_77 = vector.load %arg10[%get3A_75, %get3A_76] : memref<1x128xf32, #tpu.memory_space<vmem>>, vector<1x128xf32>
    %get3A_78 = arith.constant 0 : index
    %get3A_79 = arith.constant 0 : index
    %get3A_80 = vector.load %arg11[%get3A_78, %get3A_79] : memref<1x128xf32, #tpu.memory_space<vmem>>, vector<1x128xf32>
    %reduce_sum3A_81 = arith.constant dense<0.000000e+00> : vector<2000xf32>
    %reduce_sum3A_82 = vector.multi_reduction <add>, %add3A_74, %reduce_sum3A_81 [1] : vector<2000x128xf32> to vector<2000xf32>
    %broadcast_in_dim3A_83 = vector.shape_cast %reduce_sum3A_82 : vector<2000xf32> to vector<2000x1xf32>
    %div3A_84 = arith.constant 1.280000e+02 : f32
    %div3A_85 = vector.broadcast %div3A_84 : f32 to vector<2000x1xf32>
    %div3A_86 = arith.divf %broadcast_in_dim3A_83, %div3A_85 : vector<2000x1xf32>
    %jit3A_87 = arith.constant 0 : i32
    %reduce_sum3A_88 = arith.constant dense<0.000000e+00> : vector<2000xf32>
    %reduce_sum3A_89 = vector.multi_reduction <add>, %add3A_74, %reduce_sum3A_88 [1] : vector<2000x128xf32> to vector<2000xf32>
    %broadcast_in_dim3A_90 = vector.shape_cast %reduce_sum3A_89 : vector<2000xf32> to vector<2000x1xf32>
    %div3A_91 = arith.constant 1.280000e+02 : f32
    %div3A_92 = vector.broadcast %div3A_91 : f32 to vector<2000x1xf32>
    %div3A_93 = arith.divf %broadcast_in_dim3A_90, %div3A_92 : vector<2000x1xf32>
    %sub3A_94 = vector.broadcast %div3A_93 : vector<2000x1xf32> to vector<2000x128xf32>
    %sub3A_95 = arith.subf %add3A_74, %sub3A_94 : vector<2000x128xf32>
    %square3A_96 = arith.mulf %sub3A_95, %sub3A_95 : vector<2000x128xf32>
    %convert_element_type3A_97 = arith.sitofp %jit3A_87 : i32 to f32
    %sub3A_98 = arith.constant 1.280000e+02 : f32
    %sub3A_99 = arith.subf %sub3A_98, %convert_element_type3A_97 : f32
    %reduce_sum3A_100 = arith.constant dense<0.000000e+00> : vector<2000xf32>
    %reduce_sum3A_101 = vector.multi_reduction <add>, %square3A_96, %reduce_sum3A_100 [1] : vector<2000x128xf32> to vector<2000xf32>
    %broadcast_in_dim3A_102 = vector.shape_cast %reduce_sum3A_101 : vector<2000xf32> to vector<2000x1xf32>
    %div3A_103 = vector.broadcast %sub3A_99 : f32 to vector<2000x1xf32>
    %div3A_104 = arith.divf %broadcast_in_dim3A_102, %div3A_103 : vector<2000x1xf32>
    %gt3A_105 = arith.constant 0.000000e+00 : f32
    %gt3A_106 = arith.cmpf ogt, %sub3A_99, %gt3A_105 : f32
    %jit3A_107 = arith.constant 0x7FC00000 : f32
    %broadcast_in_dim3A_108 = vector.broadcast %jit3A_107 : f32 to vector<2000x1xf32>
    %select_n3A_109 = arith.select %gt3A_106, %div3A_104, %broadcast_in_dim3A_108 : vector<2000x1xf32>
    %sub3A_110 = vector.broadcast %div3A_86 : vector<2000x1xf32> to vector<2000x128xf32>
    %sub3A_111 = arith.subf %add3A_74, %sub3A_110 : vector<2000x128xf32>
    %add3A_112 = arith.constant 9.99999974E-6 : f32
    %add3A_113 = vector.broadcast %add3A_112 : f32 to vector<2000x1xf32>
    %add3A_114 = arith.addf %select_n3A_109, %add3A_113 : vector<2000x1xf32>
    %sqrt3A_115 = math.sqrt %add3A_114 : vector<2000x1xf32>
    %div3A_116 = vector.broadcast %sqrt3A_115 : vector<2000x1xf32> to vector<2000x128xf32>
    %div3A_117 = arith.divf %sub3A_111, %div3A_116 : vector<2000x128xf32>
    %mul3A_118 = vector.broadcast %get3A_77 : vector<1x128xf32> to vector<2000x128xf32>
    %mul3A_119 = arith.mulf %div3A_117, %mul3A_118 : vector<2000x128xf32>
    %add3A_120 = vector.broadcast %get3A_80 : vector<1x128xf32> to vector<2000x128xf32>
    %add3A_121 = arith.addf %mul3A_119, %add3A_120 : vector<2000x128xf32>
    %max3A_122 = arith.constant 0.000000e+00 : f32
    %max3A_123 = vector.broadcast %max3A_122 : f32 to vector<2000x128xf32>
    %max3A_124 = arith.maximumf %add3A_121, %max3A_123 : vector<2000x128xf32>
    %add3A_125 = arith.addf %get3A_1, %max3A_124 : vector<2000x128xf32>
    %swap3A = arith.constant 0 : index
    %swap3A_126 = arith.constant 0 : index
    %swap3A_127 = vector.load %arg12[%swap3A, %swap3A_126] : memref<2000x128xf32, #tpu.memory_space<vmem>>, vector<2000x128xf32>
    tpu.vector_store %arg12[%swap3A, %swap3A_126], %add3A_125 {strides = array<i32>} : memref<2000x128xf32, #tpu.memory_space<vmem>>, vector<2000x128xf32>,
    return
  }
  func.func @transform_0(%arg0: i32) -> (i32, i32) {
    %c0_i32 = arith.constant 0 : i32
    %c0_i32_0 = arith.constant 0 : i32
    return %arg0, %c0_i32 : i32, i32
  }
  func.func @transform_1(%arg0: i32) -> (i32, i32, i32) {
    %c0_i32 = arith.constant 0 : i32
    %c0_i32_0 = arith.constant 0 : i32
    %c0_i32_1 = arith.constant 0 : i32
    return %c0_i32, %arg0, %c0_i32_0 : i32, i32, i32
  }
  func.func @transform_2(%arg0: i32) -> (i32, i32) {
    %c0_i32 = arith.constant 0 : i32
    %c0_i32_0 = arith.constant 0 : i32
    %c0_i32_1 = arith.constant 0 : i32
    return %c0_i32, %c0_i32_0 : i32, i32
  }
  func.func @transform_3(%arg0: i32) -> (i32, i32) {
    %c0_i32 = arith.constant 0 : i32
    %c0_i32_0 = arith.constant 0 : i32
    %c0_i32_1 = arith.constant 0 : i32
    return %c0_i32, %c0_i32_0 : i32, i32
  }
  func.func @transform_4(%arg0: i32) -> (i32, i32) {
    %c0_i32 = arith.constant 0 : i32
    %c0_i32_0 = arith.constant 0 : i32
    %c0_i32_1 = arith.constant 0 : i32
    return %c0_i32, %c0_i32_0 : i32, i32
  }
  func.func @transform_5(%arg0: i32) -> (i32, i32) {
    %c0_i32 = arith.constant 0 : i32
    %c0_i32_0 = arith.constant 0 : i32
    %c0_i32_1 = arith.constant 0 : i32
    return %c0_i32, %c0_i32_0 : i32, i32
  }
  func.func @transform_6(%arg0: i32) -> (i32, i32) {
    %c0_i32 = arith.constant 0 : i32
    %c0_i32_0 = arith.constant 0 : i32
    %c0_i32_1 = arith.constant 0 : i32
    return %c0_i32, %c0_i32_0 : i32, i32
  }
  func.func @transform_7(%arg0: i32) -> (i32, i32) {
    %c0_i32 = arith.constant 0 : i32
    %c0_i32_0 = arith.constant 0 : i32
    %c0_i32_1 = arith.constant 0 : i32
    return %c0_i32, %c0_i32_0 : i32, i32
  }
  func.func @transform_8(%arg0: i32) -> (i32, i32) {
    %c0_i32 = arith.constant 0 : i32
    %c0_i32_0 = arith.constant 0 : i32
    %c0_i32_1 = arith.constant 0 : i32
    return %c0_i32, %c0_i32_0 : i32, i32
  }
  func.func @transform_9(%arg0: i32) -> (i32, i32) {
    %c0_i32 = arith.constant 0 : i32
    %c0_i32_0 = arith.constant 0 : i32
    %c0_i32_1 = arith.constant 0 : i32
    return %c0_i32, %c0_i32_0 : i32, i32
  }
  func.func @transform_10(%arg0: i32) -> (i32, i32) {
    %c0_i32 = arith.constant 0 : i32
    %c0_i32_0 = arith.constant 0 : i32
    %c0_i32_1 = arith.constant 0 : i32
    return %c0_i32, %c0_i32_0 : i32, i32
  }
  func.func @transform_11(%arg0: i32) -> (i32, i32) {
    %c0_i32 = arith.constant 0 : i32
    %c0_i32_0 = arith.constant 0 : i32
    return %arg0, %c0_i32 : i32, i32
  }
}

module attributes {stable_mosaic.version = 14 : i64} {
  func.func @_pool_body(%arg0: i32, %arg1: memref<10000x128xf32, #tpu.memory_space<vmem>>, %arg2: memref<1x10000xi32, #tpu.memory_space<vmem>>, %arg3: memref<128x128xf32, #tpu.memory_space<vmem>>, %arg4: memref<1x128xf32, #tpu.memory_space<vmem>>, %arg5: memref<1x128xf32, #tpu.memory_space<vmem>>, %arg6: memref<1x1xf32, #tpu.memory_space<vmem>>, %arg7: memref<16x1xf32, #tpu.memory_space<vmem>>) attributes {dimension_semantics = [#tpu.dimension_semantics<arbitrary>], iteration_bounds = array<i64: 1>, scalar_prefetch = 0 : i64, scratch_operands = 0 : i64, tpu.core_type = #tpu.core_type<tc>, window_params = [{pipeline_mode = #tpu.pipeline_mode<synchronous>, transform_indices = @transform_0, window_bounds = array<i64: 10000, 128>}, {pipeline_mode = #tpu.pipeline_mode<synchronous>, transform_indices = @transform_1, window_bounds = array<i64: 1, 10000>}, {pipeline_mode = #tpu.pipeline_mode<synchronous>, transform_indices = @transform_2, window_bounds = array<i64: 128, 128>}, {pipeline_mode = #tpu.pipeline_mode<synchronous>, transform_indices = @transform_3, window_bounds = array<i64: 1, 128>}, {pipeline_mode = #tpu.pipeline_mode<synchronous>, transform_indices = @transform_4, window_bounds = array<i64: 1, 128>}, {pipeline_mode = #tpu.pipeline_mode<synchronous>, transform_indices = @transform_5, window_bounds = array<i64: 1, 1>}, {pipeline_mode = #tpu.pipeline_mode<synchronous>, transform_indices = @transform_6, window_bounds = array<i64: 16, 1>}]} {
    %get3A = arith.constant 0 : index
    %get3A_0 = arith.constant 0 : index
    %get3A_1 = vector.load %arg2[%get3A, %get3A_0] : memref<1x10000xi32, #tpu.memory_space<vmem>>, vector<1x10000xi32>
    %iota3A = tpu.iota {dimensions = array<i32: 0>} : vector<16x10000xi32>
    %eq3A = vector.broadcast %get3A_1 : vector<1x10000xi32> to vector<16x10000xi32>
    %eq3A_2 = arith.cmpi eq, %iota3A, %eq3A : vector<16x10000xi32>
    %convert_element_type3A = arith.extui %eq3A_2 : vector<16x10000xi1> to vector<16x10000xi32>
    %convert_element_type3A_3 = arith.sitofp %convert_element_type3A : vector<16x10000xi32> to vector<16x10000xf32>
    %get3A_4 = arith.constant 0 : index
    %get3A_5 = arith.constant 0 : index
    %get3A_6 = vector.load %arg1[%get3A_4, %get3A_5] : memref<10000x128xf32, #tpu.memory_space<vmem>>, vector<10000x128xf32>
    %dot_general3A = arith.constant dense<0.000000e+00> : vector<16x128xf32>
    %dot_general3A_7 = tpu.matmul %convert_element_type3A_3, %get3A_6, %dot_general3A {dimension_numbers = #tpu.dot_dimension_numbers<[1], [0], [0], [1], [0, 0, 1, 1], [], []>, transpose_lhs_hint = false} : vector<16x10000xf32>, vector<10000x128xf32>, vector<16x128xf32> -> vector<16x128xf32>
    %get3A_8 = arith.constant 0 : index
    %get3A_9 = arith.constant 0 : index
    %get3A_10 = vector.load %arg3[%get3A_8, %get3A_9] : memref<128x128xf32, #tpu.memory_space<vmem>>, vector<128x128xf32>
    %dot_general3A_11 = arith.constant dense<0.000000e+00> : vector<16x128xf32>
    %dot_general3A_12 = tpu.matmul %dot_general3A_7, %get3A_10, %dot_general3A_11 {dimension_numbers = #tpu.dot_dimension_numbers<[1], [0], [0], [1], [0, 0, 1, 1], [], []>, transpose_lhs_hint = false} : vector<16x128xf32>, vector<128x128xf32>, vector<16x128xf32> -> vector<16x128xf32>
    %get3A_13 = arith.constant 0 : index
    %get3A_14 = arith.constant 0 : index
    %get3A_15 = vector.load %arg4[%get3A_13, %get3A_14] : memref<1x128xf32, #tpu.memory_space<vmem>>, vector<1x128xf32>
    %add3A = vector.broadcast %get3A_15 : vector<1x128xf32> to vector<16x128xf32>
    %add3A_16 = arith.addf %dot_general3A_12, %add3A : vector<16x128xf32>
    %max3A = arith.constant 0.000000e+00 : f32
    %max3A_17 = vector.broadcast %max3A : f32 to vector<16x128xf32>
    %max3A_18 = arith.maximumf %add3A_16, %max3A_17 : vector<16x128xf32>
    %get3A_19 = arith.constant 0 : index
    %get3A_20 = arith.constant 0 : index
    %get3A_21 = vector.load %arg5[%get3A_19, %get3A_20] : memref<1x128xf32, #tpu.memory_space<vmem>>, vector<1x128xf32>
    %mul3A = vector.broadcast %get3A_21 : vector<1x128xf32> to vector<16x128xf32>
    %mul3A_22 = arith.mulf %max3A_18, %mul3A : vector<16x128xf32>
    %reduce_sum3A = arith.constant dense<0.000000e+00> : vector<16xf32>
    %reduce_sum3A_23 = vector.multi_reduction <add>, %mul3A_22, %reduce_sum3A [1] : vector<16x128xf32> to vector<16xf32>
    %broadcast_in_dim3A = vector.shape_cast %reduce_sum3A_23 : vector<16xf32> to vector<16x1xf32>
    %get3A_24 = arith.constant 0 : index
    %get3A_25 = arith.constant 0 : index
    %get3A_26 = vector.load %arg6[%get3A_24, %get3A_25] : memref<1x1xf32, #tpu.memory_space<vmem>>, vector<1x1xf32>
    %add3A_27 = vector.broadcast %get3A_26 : vector<1x1xf32> to vector<16x1xf32>
    %add3A_28 = arith.addf %broadcast_in_dim3A, %add3A_27 : vector<16x1xf32>
    %swap3A = arith.constant 0 : index
    %swap3A_29 = arith.constant 0 : index
    %swap3A_30 = vector.load %arg7[%swap3A, %swap3A_29] : memref<16x1xf32, #tpu.memory_space<vmem>>, vector<16x1xf32>
    tpu.vector_store %arg7[%swap3A, %swap3A_29], %add3A_28 {strides = array<i32>} : memref<16x1xf32, #tpu.memory_space<vmem>>, vector<16x1xf32>,
    return
  }
  func.func @transform_0(%arg0: i32) -> (i32, i32) {
    %c0_i32 = arith.constant 0 : i32
    %c0_i32_0 = arith.constant 0 : i32
    %c0_i32_1 = arith.constant 0 : i32
    return %c0_i32, %c0_i32_0 : i32, i32
  }
  func.func @transform_1(%arg0: i32) -> (i32, i32) {
    %c0_i32 = arith.constant 0 : i32
    %c0_i32_0 = arith.constant 0 : i32
    %c0_i32_1 = arith.constant 0 : i32
    return %c0_i32, %c0_i32_0 : i32, i32
  }
  func.func @transform_2(%arg0: i32) -> (i32, i32) {
    %c0_i32 = arith.constant 0 : i32
    %c0_i32_0 = arith.constant 0 : i32
    %c0_i32_1 = arith.constant 0 : i32
    return %c0_i32, %c0_i32_0 : i32, i32
  }
  func.func @transform_3(%arg0: i32) -> (i32, i32) {
    %c0_i32 = arith.constant 0 : i32
    %c0_i32_0 = arith.constant 0 : i32
    %c0_i32_1 = arith.constant 0 : i32
    return %c0_i32, %c0_i32_0 : i32, i32
  }
  func.func @transform_4(%arg0: i32) -> (i32, i32) {
    %c0_i32 = arith.constant 0 : i32
    %c0_i32_0 = arith.constant 0 : i32
    %c0_i32_1 = arith.constant 0 : i32
    return %c0_i32, %c0_i32_0 : i32, i32
  }
  func.func @transform_5(%arg0: i32) -> (i32, i32) {
    %c0_i32 = arith.constant 0 : i32
    %c0_i32_0 = arith.constant 0 : i32
    %c0_i32_1 = arith.constant 0 : i32
    return %c0_i32, %c0_i32_0 : i32, i32
  }
  func.func @transform_6(%arg0: i32) -> (i32, i32) {
    %c0_i32 = arith.constant 0 : i32
    %c0_i32_0 = arith.constant 0 : i32
    %c0_i32_1 = arith.constant 0 : i32
    return %c0_i32, %c0_i32_0 : i32, i32
  }
}

</mosaic_0001>

<sc_bundles>
// kernel: kernel.12.cloned.1.call-start
scs
__scs_entry_jumppad:
0x0: {  	(pc) =	sbr.rel $0x88, $3  }
0x1: {  	(tag) =	ssettag $0x0;
	lr =	simm.s32 $0x1  }
0x2: {  	[smem:$0x3F82] =	sst lr;
	_ =	strace $0xD0000000  }
0x3: {  	_ = 	snop  }
0x4: {  	_ = 	snop  }
0x5: {  	_ = 	snop  }
0x6: {  	_ = 	snop  }
0x7: {  	_ = 	snop  }
__scs_overlays_trampoline_lowered:
0x8: {  	[smem:$0x3F91] =	sst s0  }
0x9: {  	[smem:$0x3F92] =	sst s1  }
0xa: {  	[smem:$0x3F93] =	sst s2  }
0xb: {  	[smem:$0x3F94] =	sst s3  }
0xc: {  	[smem:$0x3F95] =	sst s4  }
0xd: {  	[smem:$0x3F96] =	sst s5  }
0xe: {  	[smem:$0x3F97] =	sst s6  }
0xf: {  	[smem:$0x3F98] =	sst s7  }
0x10: {  	[smem:$0x3F99] =	sst s8  }
0x11: {  	[smem:$0x3F9A] =	sst s9;
	s0 =	simm.s32 @!p0 $0x0  }
0x12: {  	s1 =	sld [smem:$0x3F80];
	s0 =	simm.s32 @p0 $0x1  }
0x13: {  	[smem:$0x3F9B] =	sst s0;
	s0 =	simm.s32 @!p1 $0x0  }
0x14: {  	s2 =	sld [smem:$0x3F7F];
	s0 =	simm.s32 @p1 $0x1  }
0x15: {  	[smem:$0x3F9C] =	sst s0;
	s0 =	simm.s32 @!p2 $0x0  }
0x16: {  	s3 =	sld [smem:$0x3FDB];
	s0 =	simm.s32 @p2 $0x1  }
0x17: {  	s4 =	simm.s32 $0x1BF5;
	[smem:$0x3F9E] =	sst s0  }
0x18: {  	s0 =	sld [smem:$0x3F81];
	_ =	swait.ge [sflag:s4], $0x0  }
0x19: {  	s7 =	sld [smem:$0x3F82]  }
0x1a: {  	s8 =	sadd.s32 $0xFFFFE003, lr  }
0x1b: {  	s9 =	sadd.s32 $0xFFFFFEF7, lr;
	s5 =	simm.s32 $0xFFFFFFFF;
	p2 =	slt.u32 s8, $0xFFFFF086  }
0x1c: {  	p1 =	slt.u32 s9, $0xF7A;
	s5 =	simm.s32 @!p2 $0x0  }
0x1d: {  	s5 =	simm.s32 @p1 $0x1;
	p0 =	seq.s32 s7, s2  }
0x1e: {  	s7 =	smul.u32 @!p0 $0xF7A, s2;
	p2 =	seq.s32 @!p0 s5, $0x0  }
0x1f: {  	s9 =	smul.u32 $0xF7A, s1;
	s8 =	simm.s32 @!p0 $0x1BF5;
	p2 =	por !p2, p0  }
0x20: {  	[sflag:s8] =	ssyncset.s32 @!p0 $0xFFFFF086;
	s6 =	sadd.s32 @!p0 s3, s7;
	s7 =	simm.s32 @!p0 $0x108  }
0x21: {  	s3 =	sadd.s32 s3, s9;
	s6 =	sadd.s32 @!p0 $0x88, s6;
	s7 =	simm.s32 @p2 $0x1082  }
0x22: {  	[simem:s7], [sflag:s8] =	dma.local @!p0 [hbm:s6], $0xF7A  }
0x23: {  	s9 =	sor.u32 $0xD0000000, s2;
	s6 =	simm.s32 $0x108;
	_ =	swait.ge @!p0 [sflag:s8], $0x0  }
0x24: {  	s3 =	sadd.s32 $0x88, s3;
	s6 =	simm.s32 @!p1 $0x1082;
	[sflag:s4] =	ssyncset.s32 $0xFFFFF086  }
0x25: {  	[simem:s6], [sflag:s4] =	dma.local [hbm:s3], $0xF7A  }
0x26: {  	[smem:$0x3F82] =	sst s1;
	(tag) =	ssettag s2;
	_ =	strace s9  }
0x27: {  	s1 =	sld [smem:$0x3F92]  }
0x28: {  	s2 =	sld [smem:$0x3F93]  }
0x29: {  	s4 =	sld [smem:$0x3F95]  }
0x2a: {  	p0 =	seq.s32 s5, $0x0;
	s5 =	sld [smem:$0x3F96]  }
0x2b: {  	s6 =	sld [smem:$0x3F97]  }
0x2c: {  	s7 =	sld [smem:$0x3F98]  }
0x2d: {  	s3 =	simm.s32 $0x108;
	s8 =	sld [smem:$0x3F99]  }
0x2e: {  	s3 =	simm.s32 @!p0 $0x1082;
	s9 =	sld [smem:$0x3F9A]  }
0x2f: {  	lr =	sadd.s32 s0, s3;
	s0 =	sld [smem:$0x3F91]  }
0x30: {  	s3 =	sld [smem:$0x3F94]  }
0x31: {  	[smem:$0x3F9D] =	sst s10  }
0x32: {  	s10 =	sld [smem:$0x3F9B];
	_ =	sdelay $0x3  }
0x33: {  	p0 =	seq.s32 s10, $0x1;
	s10 =	sld [smem:$0x3F9D];
	_ =	sdelay $0x3  }
0x34: {  	[smem:$0x3F9D] =	sst s10  }
0x35: {  	s10 =	sld [smem:$0x3F9C];
	_ =	sdelay $0x3  }
0x36: {  	p1 =	seq.s32 s10, $0x1;
	s10 =	sld [smem:$0x3F9D];
	_ =	sdelay $0x3  }
0x37: {  	[smem:$0x3F9D] =	sst s10  }
0x38: {  	s10 =	sld [smem:$0x3F9E]  }
0x39: {  	_ = 	snop;
	(pc) =	sbr.ind lr, $3  }
0x3a: {  	_ = 	snop  }
0x3b: {  	_ = 	snop  }
0x3c: {  	p2 =	seq.s32 s10, $0x1;
	s10 =	sld [smem:$0x3F9D]  }
0x3d: {  	_ =	shalt  }
0x3e: {  	_ =	shalt  }
0x3f: {  	_ =	shalt  }
0x40: {  	_ =	shalt  }
0x41: {  	_ =	shalt  }
0x42: {  	_ =	shalt  }
0x43: {  	_ =	shalt  }
0x44: {  	_ =	shalt  }
0x45: {  	_ =	shalt  }
0x46: {  	_ =	shalt  }
0x47: {  	_ =	shalt  }
0x48: {  	_ =	shalt  }
0x49: {  	_ =	shalt  }
0x4a: {  	_ =	shalt  }
0x4b: {  	_ =	shalt  }
0x4c: {  	_ =	shalt  }
0x4d: {  	_ =	shalt  }
0x4e: {  	_ =	shalt  }
0x4f: {  	_ =	shalt  }
0x50: {  	_ =	shalt  }
0x51: {  	_ =	shalt  }
0x52: {  	_ =	shalt  }
0x53: {  	_ =	shalt  }
0x54: {  	_ =	shalt  }
0x55: {  	_ =	shalt  }
0x56: {  	_ =	shalt  }
0x57: {  	_ =	shalt  }
0x58: {  	_ =	shalt  }
0x59: {  	_ =	shalt  }
0x5a: {  	_ =	shalt  }
0x5b: {  	_ =	shalt  }
0x5c: {  	_ =	shalt  }
0x5d: {  	_ =	shalt  }
0x5e: {  	_ =	shalt  }
0x5f: {  	_ =	shalt  }
0x60: {  	_ =	shalt  }
0x61: {  	_ =	shalt  }
0x62: {  	_ =	shalt  }
0x63: {  	_ =	shalt  }
0x64: {  	_ =	shalt  }
0x65: {  	_ =	shalt  }
0x66: {  	_ =	shalt  }
0x67: {  	_ =	shalt  }
0x68: {  	_ =	shalt  }
0x69: {  	_ =	shalt  }
0x6a: {  	_ =	shalt  }
0x6b: {  	_ =	shalt  }
0x6c: {  	_ =	shalt  }
0x6d: {  	_ =	shalt  }
0x6e: {  	_ =	shalt  }
0x6f: {  	_ =	shalt  }
0x70: {  	_ =	shalt  }
0x71: {  	_ =	shalt  }
0x72: {  	_ =	shalt  }
0x73: {  	_ =	shalt  }
0x74: {  	_ =	shalt  }
0x75: {  	_ =	shalt  }
0x76: {  	_ =	shalt  }
0x77: {  	_ =	shalt  }
0x78: {  	_ =	shalt  }
0x79: {  	_ =	shalt  }
0x7a: {  	_ =	shalt  }
0x7b: {  	_ =	shalt  }
0x7c: {  	_ =	shalt  }
0x7d: {  	_ =	shalt  }
0x7e: {  	_ =	shalt  }
0x7f: {  	_ =	shalt  }
0x80: {  	_ =	shalt  }
0x81: {  	_ =	shalt  }
0x82: {  	_ =	shalt  }
0x83: {  	_ =	shalt  }
0x84: {  	_ =	shalt  }
0x85: {  	_ =	shalt  }
0x86: {  	_ =	shalt  }
0x87: {  	_ =	shalt  }
.Lfunc_end0:
.L_simem_size_0:
called_computation_lowered:
.L_overlay_start_0:
0x88: {  	s2 =	sld [smem:$0x3FD9]  }
0x89: {  	s3 =	sld [smem:$0x3FFE];
	_ =	sdelay $0x1  }
0x8a: {  	s1 =	srdreg.scid  }
0x8b: {  	s0 =	sand.u32 $0x1, s1  }
0x8c: {  	s16 =	sshll.u32 s0, $0xA;
	s2 =	sadd.s32 s3, s2  }
0x8d: {  	s2 =	sadd.s32 s2, s16  }
0x8e: {  	[smem:$0x3FA9] =	sst s2  }
0x8f: {  	_ = 	snop  }
0x90: {  	(tm) =	ssettm $0x1  }
0x91: {  	s17 =	sld [smem:$0x3FFB];
	_ =	sdelay $0x3  }
0x92: {  	_ =	strace s17  }
0x93: {  	s2 =	sld [smem:$0x3FFC];
	_ =	sdelay $0x3  }
0x94: {  	_ =	strace s2  }
0x95: {  	s2 =	sld [smem:$0x3FFD];
	_ =	sdelay $0x3  }
0x96: {  	_ =	strace s2  }
0x97: {  	_ =	strace $0x8FFFFFFF  }
0x98: {  	s18 =	sld [smem:$0x3FDB];
	_ =	sdelay $0x1  }
0x99: {  	s19 =	simm.s32 $_scs_section_size  }
0x9a: {  	s4 =	simm.s32 $_size__tile_overlayer_lowered;
	s5 =	simm.s32 $_tile_overlayer_lowered  }
0x9b: {  	s22 =	simm.s32 $0x1BFF;
	s21 =	sshll.u32 s5, $0x1;
	s2 =	sadd.s32 s19, s18  }
0x9c: {  	s6 =	simm.s32 $0x0;
	s20 =	sshll.u32 s4, $0x1;
	s4 =	sadd.s32 s21, s2  }
0x9d: {  	[timem:s6], [sflag:s22] =	dma.local [hbm:s4], s20  }
0x9e: {  	_ =	swait.ge [sflag:s22], s20  }
0x9f: {  	s3 =	ssub.s32 $0x0, s20;
	[sflag:s22] =	ssyncset.done $0x0  }
0xa0: {  	[sflag:s22] =	ssyncadd.s32 s3;
	_ =	sdelay $0x1  }
0xa1: {  	s23 =	simm.s32 $0x1B8B  }
0xa2: {  	_ =	swait.ge [sflag:s23], $0x1  }
0xa3: {  	[sflag:s23] =	ssyncset.done $0x0  }
0xa4: {  	s25 =	simm.s32 $0x1B8E;
	s24 =	sld [smem:$0x3FFE];
	[sflag:s23] =	ssyncadd.s32 $0xFFFFFFFF  }
0xa5: {  	s26 =	simm.s32 $execute0_lowered;
	[smem:$0x3FD2] =	sst s25  }
0xa6: {  	s4 =	sshll.u32 s26, $0x1;
	_ =	strace $0x80000046;
	[dreg:$0x1] =	wrdreg $0xFFFFFFFF  }
0xa7: {  	s28 =	simm.s32 $_size_execute0_lowered;
	s2 =	sadd.s32 s2, s4;
	[dreg:$0x0] =	wrdreg $0x0  }
0xa8: {  	s4 =	sshll.u32 s28, $0x1;
	[dreg:$0x2] =	wrdreg s2  }
0xa9: {  	[dreg:$0x3] =	wrdreg s4  }
0xaa: {  	[dreg:$0x4] =	wrdreg $0xC0  }
0xab: {  	_ =	task [dreg:s6], $0x5FFFF  }
0xac: {  	[dreg:$0x1] =	wrdreg $0xFFFFFFFF  }
0xad: {  	[dreg:$0x0] =	wrdreg $0x60  }
0xae: {  	[dreg:$0x2] =	wrdreg s24  }
0xaf: {  	[dreg:$0x3] =	wrdreg $0x9  }
0xb0: {  	_ =	task.clear_ibuf [dreg:s6], $0x4FFFF;
	_ =	strace $0x90000046  }
0xb1: {  	s29 =	simm.s32 $0x9;
	_ =	strace $0x80000048  }
0xb2: {  	_ =	swait.ge [sflag:s29], $0x1  }
0xb3: {  	[sflag:s29] =	ssyncadd.s32 $0xFFFFFFFF  }
0xb4: {  	_ =	strace $0x90000048  }
0xb5: {  	_ =	sfence  }
0xb6: {  	s30 =	sld [smem:$0x0];
	_ =	sdelay $0x2  }
0xb7: {  	s31 =	sshll.u32 s1, $0xD;
	s1 =	sshrl.u32 s1, $0x2  }
0xb8: {  	s3 =	sand.u32 $0x4000, s31;
	s1 =	sadd.s32 s1, s30  }
0xb9: {  	s0 =	sor.u32 s3, s0;
	s1 =	sshll.u32 s1, $0x11  }
0xba: {  	s0 =	sor.u32 s1, s0  }
0xbb: {  	s0 =	sadd.s32 $0x8F2B, s0  }
0xbc: {  	[sflag:s0] =	ssyncadd.remote.s32 $0x1  }
0xbd: {  	_ =	sfence.sel $0xFFFF  }
0xbe: {  	[dreg:$0x0] =	wrdreg $0xFFFFFFFF;
	(pc) =	sbr.abs _section_cstart, $3  }
0xbf: {  	[dreg:$0x1] =	wrdreg $0xFFFFFFFF  }
0xc0: {  	_ =	task.clear_ibuf [dreg:s6], $0x2FFFF;
	_ =	strace $0x9FFFFFFF  }
0xc1: {  	(tm) =	ssettm $0x7FFFFFFF  }
tec
execute0_lowered:
.L_overlay_start_1:
0x0: {  	(tag) =	ssettag $0x1  }
0x1: {  	s0 =	srdreg.scid  }
0x2: {  	s10 =	stileid.u32;
	s1 =	rddreg [dreg:$0x0]  }
0x3: {  	s2 =	simm.s32 $0x0;
	s16 =	simm.s32 $0x1;
	s17 =	simm.s32 $0x50  }
0x4: {  	s18 =	simm.s32 $0x4000;
	s19 =	simm.s32 $0x8000;
	s28 =	simm.s32 $0x17000  }
0x5: {  	s29 =	simm.s32 $0x19800;
	s30 =	simm.s32 $0x2;
	s31 =	simm.s32 $0x3  }
0x6: {  	s0 =	sand.u32 $0x1, s0;
	s3 =	smul.u32 $0x4E20, s10;
	[smem:$0x7FF] =	sst s2  }
0x7: {  	s5 =	sshll.u32 s10, $0x1;
	s13 =	sadd.s32 $0x54D800, s1;
	s15 =	smul.u32 $0x4E200, s10  }
0x8: {  	s7 =	sadd.s32 $0x6B800, s1;
	s14 =	sadd.s32 $0xA2F800, s1;
	s4 =	smul.u32 $0x2710, s0  }
0x9: {  	s5 =	sor.u32 s0, s5;
	s8 =	ssub.s32 $0x2, s0;
	s0 =	smul.u32 $0x27100, s0  }
0xa: {  	_ =	strace $0x80000047;
	s5 =	smul.u32 $0x27100, s5;
	s9 =	sshrl.u32 s8, $0x1  }
0xb: {  	s24 =	sadd.s32 s15, s7;
	s25 =	sadd.s32 s15, s13;
	s26 =	sadd.s32 s15, s14  }
0xc: {  	s4 =	sadd.s32 s4, s3;
	s3 =	sadd.s32 $0x44600, s1;
	s9 =	ssub.s32 s8, s9  }
0xd: {  	s12 =	sadd.s32 s0, s24;
	s24 =	simm.s32 $0x12000;
	s6 =	sshrl.u32 s4, $0x3  }
0xe: {  	s4 =	sadd.s32 $0x1D400, s1;
	s5 =	sadd.s32 $0x26C00, s5;
	s23 =	smax.u32 s9, $0x1  }
0xf: {  	s6 =	sadd.s32 s6, s1;
	s1 =	sadd.s32 $0xF11800, s1;
	s20 =	sadd.s32 s7, s5  }
0x10: {  	s21 =	sadd.s32 s13, s5;
	s22 =	sadd.s32 s14, s5;
	[dreg:$0x6] =	wrdreg s23  }
0x11: {  	s13 =	sadd.s32 s0, s25;
	s14 =	sadd.s32 s0, s26;
	[dreg:$0x2] =	wrdreg s20  }
.Ltmp0:
0x12: {  	s26 =	simm.s32 $0x14800;
	[dreg:$0x3] =	wrdreg s21;
	(pc) =	sbr.rel .LBB2_1-.Ltmp0, $4  }
0x13: {  	[dreg:$0x4] =	wrdreg s22;
	s5 =	sadd.s32 s1, s5;
	s10 =	sadd.s32 $0x13600, s6  }
0x14: {  	s11 =	sadd.s32 $0x9800, s6;
	s1 =	sadd.s32 s15, s1;
	s20 =	simm.s32 $0xA800  }
0x15: {  	s21 =	simm.s32 $0xD000;
	s22 =	simm.s32 $0xF800;
	[dreg:$0x5] =	wrdreg s5  }
0x16: {  	s15 =	sadd.s32 s0, s1;
	s1 =	simm.s32 $0x4;
	s0 =	simm.s32 $0x0  }
.LBB2_8:
0x17: {  	_ =	swait.ge [sflag:s1], $0x2800  }
0x18: {  	[sflag:s1] =	ssyncset.done $0x0  }
0x19: {  	[sflag:s1] =	ssyncadd.s32 $0xFFFFD800  }
0x1a: {  	_ =	swait.ge [sflag:s1], $0x2800  }
0x1b: {  	[sflag:s1] =	ssyncset.done $0x0  }
0x1c: {  	[sflag:s1] =	ssyncadd.s32 $0xFFFFD800  }
0x1d: {  	_ =	swait.ge [sflag:s1], $0x2800  }
0x1e: {  	[sflag:s1] =	ssyncset.done $0x0  }
0x1f: {  	[sflag:s1] =	ssyncadd.s32 $0xFFFFD800  }
0x20: {  	_ =	swait.ge [sflag:s1], $0x2800  }
0x21: {  	[sflag:s1] =	ssyncset.done $0x0  }
0x22: {  	[sflag:s1] =	ssyncadd.s32 $0xFFFFD800  }
0x23: {  	_ =	swait.ge [sflag:s16], $0x2800  }
0x24: {  	[sflag:s16] =	ssyncset.done $0x0  }
0x25: {  	[sflag:s16] =	ssyncadd.s32 $0xFFFFD800  }
0x26: {  	_ =	swait.ge [sflag:s16], $0x2800  }
0x27: {  	[sflag:s16] =	ssyncset.done $0x0  }
0x28: {  	[sflag:s16] =	ssyncadd.s32 $0xFFFFD800  }
0x29: {  	_ =	swait.ge [sflag:s16], $0x2800  }
0x2a: {  	[sflag:s16] =	ssyncset.done $0x0  }
0x2b: {  	[sflag:s16] =	ssyncadd.s32 $0xFFFFD800  }
0x2c: {  	_ =	swait.ge [sflag:s16], $0x2800  }
0x2d: {  	[sflag:s16] =	ssyncset.done $0x0  }
0x2e: {  	s5 =	rddreg [dreg:$0x2];
	[sflag:s16] =	ssyncadd.s32 $0xFFFFD800  }
0x2f: {  	[hbm4b:s5+s2] =	stream.linear.scatter [tilespmem:s19], [sflag:$0x3], $0x2800, $0x38;
	[tilespmem:$0x1C000] =	vst v63  }
0x30: {  	s8 =	rddreg [dreg:$0x3]  }
0x31: {  	[hbm4b:s8+s2] =	stream.linear.scatter [tilespmem:s20], [sflag:$0x3], $0x2800, $0x38;
	[tilespmem:$0x1C000] =	vst v63  }
0x32: {  	s9 =	rddreg [dreg:$0x4]  }
0x33: {  	[hbm4b:s9+s2] =	stream.linear.scatter [tilespmem:s21], [sflag:$0x3], $0x2800, $0x38;
	[tilespmem:$0x1C000] =	vst v63  }
0x34: {  	s23 =	rddreg [dreg:$0x5]  }
0x35: {  	[hbm4b:s23+s2] =	stream.linear.scatter [tilespmem:s22], [sflag:$0x3], $0x2800, $0x38;
	[tilespmem:$0x1C000] =	vst v63  }
0x36: {  	_ =	swait.ge [sflag:s31], $0x2800  }
0x37: {  	[sflag:s31] =	ssyncset.done $0x0  }
0x38: {  	[sflag:s31] =	ssyncadd.s32 $0xFFFFD800  }
0x39: {  	_ =	swait.ge [sflag:s31], $0x2800  }
0x3a: {  	[sflag:s31] =	ssyncset.done $0x0  }
0x3b: {  	[sflag:s31] =	ssyncadd.s32 $0xFFFFD800  }
0x3c: {  	_ =	swait.ge [sflag:s31], $0x2800  }
0x3d: {  	[sflag:s31] =	ssyncset.done $0x0  }
0x3e: {  	[sflag:s31] =	ssyncadd.s32 $0xFFFFD800  }
0x3f: {  	_ =	swait.ge [sflag:s31], $0x2800  }
0x40: {  	s0 =	sadd.s32 $0x1, s0;
	s25 =	rddreg [dreg:$0x6]  }
0x41: {  	p0 =	sne.s32 s0, s25  }
.Ltmp1:
0x42: {  	_ = 	snop;
	(pc) =	sbr.rel @!p0 .LBB2_9-.Ltmp1, $3  }
0x43: {  	_ =	sdelay $0x1  }
0x44: {  	[sflag:s31] =	ssyncset.done $0x0  }
0x45: {  	[sflag:s31] =	ssyncadd.s32 $0xFFFFD800  }
.LBB2_1:
0x46: {  	s5 =	sadd.s32 $0x0, s11;
	s25 =	sadd.s32 $0x0, s10  }
0x47: {  	[tilespmem:s2], [sflag:$0x1] =	stream.linear.gather [hbm4b:s5+s2], $0x50, $0x38;
	[tilespmem:$0x1C000] =	vst v63  }
0x48: {  	s6 =	simm.s32 $0x80;
	s7 =	simm.s32 $0x4000;
	s5 =	simm.s32 $0xA  }
0x49: {  	[tilespmem:s18], [sflag:$0x1] =	stream.linear.gather [hbm4b:s25+s2], $0x50, $0x38;
	[tilespmem:$0x1C000] =	vst v63  }
.LBB2_2:
0x4a: {  	s8 =	sadd.s32 s5, s11  }
0x4b: {  	p0 =	sne.s32 s5, $0x4D8;
	s9 =	smov.u32 s5;
	s5 =	sadd.s32 $0xA, s5  }
0x4c: {  	[tilespmem:s6], [sflag:$0x1] =	stream.linear.gather [hbm4b:s8+s2], $0x50, $0x38;
	[tilespmem:$0x1C000] =	vst v63  }
.Ltmp2:
0x4d: {  	_ = 	snop;
	(pc) =	sbr.rel @p0 .LBB2_2-.Ltmp2, $4  }
0x4e: {  	s7 =	sadd.s32 $0x80, s7;
	s8 =	sadd.s32 s9, s10  }
0x4f: {  	[tilespmem:s7], [sflag:$0x1] =	stream.linear.gather [hbm4b:s8+s2], $0x50, $0x38;
	[tilespmem:$0x1C000] =	vst v63  }
0x50: {  	_ = 	snop  }
0x51: {  	s6 =	sadd.s32 $0x80, s6  }
0x52: {  	_ =	swait.ge [sflag:s16], $0x50  }
0x53: {  	[sflag:s16] =	ssyncset.done $0x0  }
0x54: {  	[sflag:s16] =	ssyncadd.s32 $0xFFFFFFB0  }
0x55: {  	_ =	swait.ge [sflag:s16], $0x50  }
0x56: {  	s5 =	simm.s32 $0x7C;
	[sflag:s16] =	ssyncset.done $0x0  }
.LBB2_4:
0x57: {  	p0 =	sne.s32 s5, $0x1;
	s5 =	sadd.s32 $0xFFFFFFFF, s5;
	[sflag:s16] =	ssyncadd.s32 $0xFFFFFFB0  }
.Ltmp3:
0x58: {  	_ =	swait.ge [sflag:s16], $0x50;
	(pc) =	sbr.rel @p0 .LBB2_4-.Ltmp3, $4  }
0x59: {  	[sflag:s16] =	ssyncset.done $0x0  }
0x5a: {  	[sflag:s16] =	ssyncadd.s32 $0xFFFFFFB0  }
0x5b: {  	_ =	swait.ge [sflag:s16], $0x50  }
0x5c: {  	[sflag:s16] =	ssyncset.done $0x0  }
0x5d: {  	[sflag:s16] =	ssyncadd.s32 $0xFFFFFFB0  }
0x5e: {  	[tilespmem:s19], [sflag:$0x1] =	stream.indirect.gather [hbm4b:s3+s17], $0x80, s18, s17, $0xb8;
	[tilespmem:$0x1C000] =	vst v63  }
0x5f: {  	s5 =	simm.s32 $0x0  }
0x60: {  	[tilespmem:s20], [sflag:$0x1] =	stream.indirect.gather [hbm4b:s3+s17], $0x80, s5, s17, $0xb8;
	[tilespmem:$0x1C000] =	vst v63  }
0x61: {  	_ = 	snop  }
0x62: {  	[tilespmem:s21], [sflag:$0x1] =	stream.indirect.gather [hbm4b:s4+s17], $0x80, s18, s17, $0xb8;
	[tilespmem:$0x1C000] =	vst v63  }
0x63: {  	_ = 	snop  }
0x64: {  	[tilespmem:s22], [sflag:$0x1] =	stream.indirect.gather [hbm4b:s4+s17], $0x80, s5, s17, $0xb8;
	[tilespmem:$0x1C000] =	vst v63  }
0x65: {  	s6 =	simm.s32 $0x4080  }
0x66: {  	[tilespmem:s24], [sflag:$0x2] =	stream.indirect.gather [hbm4b:s3+s17], $0x80, s6, s17, $0xb8;
	[tilespmem:$0x1C000] =	vst v63  }
0x67: {  	s7 =	simm.s32 $0x80  }
0x68: {  	[tilespmem:s26], [sflag:$0x2] =	stream.indirect.gather [hbm4b:s3+s17], $0x80, s7, s17, $0xb8;
	[tilespmem:$0x1C000] =	vst v63  }
0x69: {  	_ = 	snop  }
0x6a: {  	[tilespmem:s28], [sflag:$0x2] =	stream.indirect.gather [hbm4b:s4+s17], $0x80, s6, s17, $0xb8;
	[tilespmem:$0x1C000] =	vst v63  }
0x6b: {  	_ = 	snop  }
0x6c: {  	[tilespmem:s29], [sflag:$0x2] =	stream.indirect.gather [hbm4b:s4+s17], $0x80, s7, s17, $0xb8;
	[tilespmem:$0x1C000] =	vst v63  }
0x6d: {  	s6 =	simm.s32 $0x100;
	s7 =	simm.s32 $0x4100  }
.LBB2_6:
0x6e: {  	_ =	swait.ge [sflag:s16], $0x2800  }
0x6f: {  	[sflag:s16] =	ssyncset.done $0x0  }
0x70: {  	[sflag:s16] =	ssyncadd.s32 $0xFFFFD800  }
0x71: {  	_ =	swait.ge [sflag:s16], $0x2800  }
0x72: {  	[sflag:s16] =	ssyncset.done $0x0  }
0x73: {  	[sflag:s16] =	ssyncadd.s32 $0xFFFFD800  }
0x74: {  	_ =	swait.ge [sflag:s16], $0x2800  }
0x75: {  	[sflag:s16] =	ssyncset.done $0x0  }
0x76: {  	[sflag:s16] =	ssyncadd.s32 $0xFFFFD800  }
0x77: {  	_ =	swait.ge [sflag:s16], $0x2800  }
0x78: {  	[sflag:s16] =	ssyncset.done $0x0  }
0x79: {  	s8 =	sadd.s32 s5, s12;
	[sflag:s16] =	ssyncadd.s32 $0xFFFFD800  }
0x7a: {  	[hbm4b:s8+s2] =	stream.linear.scatter [tilespmem:s19], [sflag:$0x3], $0x2800, $0x38;
	[tilespmem:$0x1C000] =	vst v63  }
0x7b: {  	s9 =	sadd.s32 s5, s13  }
0x7c: {  	[hbm4b:s9+s2] =	stream.linear.scatter [tilespmem:s20], [sflag:$0x3], $0x2800, $0x38;
	[tilespmem:$0x1C000] =	vst v63  }
0x7d: {  	s23 =	sadd.s32 s5, s14  }
0x7e: {  	[hbm4b:s23+s2] =	stream.linear.scatter [tilespmem:s21], [sflag:$0x3], $0x2800, $0x38;
	[tilespmem:$0x1C000] =	vst v63  }
0x7f: {  	s25 =	sadd.s32 s5, s15  }
0x80: {  	[hbm4b:s25+s2] =	stream.linear.scatter [tilespmem:s22], [sflag:$0x3], $0x2800, $0x38;
	[tilespmem:$0x1C000] =	vst v63  }
0x81: {  	_ =	swait.ge [sflag:s30], $0x2800  }
0x82: {  	[sflag:s30] =	ssyncset.done $0x0  }
0x83: {  	[sflag:s30] =	ssyncadd.s32 $0xFFFFD800  }
0x84: {  	_ =	swait.ge [sflag:s30], $0x2800  }
0x85: {  	[sflag:s30] =	ssyncset.done $0x0  }
0x86: {  	[sflag:s30] =	ssyncadd.s32 $0xFFFFD800  }
0x87: {  	_ =	swait.ge [sflag:s30], $0x2800  }
0x88: {  	[sflag:s30] =	ssyncset.done $0x0  }
0x89: {  	[sflag:s30] =	ssyncadd.s32 $0xFFFFD800  }
0x8a: {  	_ =	swait.ge [sflag:s30], $0x2800  }
0x8b: {  	[sflag:s30] =	ssyncset.done $0x0  }
0x8c: {  	s8 =	sadd.s32 $0x500, s8;
	[sflag:s30] =	ssyncadd.s32 $0xFFFFD800  }
0x8d: {  	[hbm4b:s8+s2] =	stream.linear.scatter [tilespmem:s24], [sflag:$0x4], $0x2800, $0x38;
	[tilespmem:$0x1C000] =	vst v63  }
0x8e: {  	s9 =	sadd.s32 $0x500, s9  }
0x8f: {  	[hbm4b:s9+s2] =	stream.linear.scatter [tilespmem:s26], [sflag:$0x4], $0x2800, $0x38;
	[tilespmem:$0x1C000] =	vst v63  }
0x90: {  	s23 =	sadd.s32 $0x500, s23  }
0x91: {  	[hbm4b:s23+s2] =	stream.linear.scatter [tilespmem:s28], [sflag:$0x4], $0x2800, $0x38;
	[tilespmem:$0x1C000] =	vst v63  }
0x92: {  	s25 =	sadd.s32 $0x500, s25  }
0x93: {  	[hbm4b:s25+s2] =	stream.linear.scatter [tilespmem:s29], [sflag:$0x4], $0x2800, $0x38;
	[tilespmem:$0x1C000] =	vst v63  }
0x94: {  	_ =	swait.ge [sflag:s31], $0x2800  }
0x95: {  	[sflag:s31] =	ssyncset.done $0x0  }
0x96: {  	[sflag:s31] =	ssyncadd.s32 $0xFFFFD800  }
0x97: {  	_ =	swait.ge [sflag:s31], $0x2800  }
0x98: {  	[sflag:s31] =	ssyncset.done $0x0  }
0x99: {  	[sflag:s31] =	ssyncadd.s32 $0xFFFFD800  }
0x9a: {  	_ =	swait.ge [sflag:s31], $0x2800  }
0x9b: {  	[sflag:s31] =	ssyncset.done $0x0  }
0x9c: {  	[sflag:s31] =	ssyncadd.s32 $0xFFFFD800  }
0x9d: {  	_ =	swait.ge [sflag:s31], $0x2800  }
0x9e: {  	[sflag:s31] =	ssyncset.done $0x0  }
0x9f: {  	[sflag:s31] =	ssyncadd.s32 $0xFFFFD800  }
0xa0: {  	[tilespmem:s19], [sflag:$0x1] =	stream.indirect.gather [hbm4b:s3+s17], $0x80, s7, s17, $0xb8;
	[tilespmem:$0x1C000] =	vst v63  }
0xa1: {  	p0 =	seq.s32 s5, $0x26200  }
0xa2: {  	[tilespmem:s20], [sflag:$0x1] =	stream.indirect.gather [hbm4b:s3+s17], $0x80, s6, s17, $0xb8;
	[tilespmem:$0x1C000] =	vst v63  }
.Ltmp4:
0xa3: {  	_ = 	snop;
	(pc) =	sbr.rel @p0 .LBB2_8-.Ltmp4, $4  }
0xa4: {  	_ = 	snop  }
0xa5: {  	[tilespmem:s21], [sflag:$0x1] =	stream.indirect.gather [hbm4b:s4+s17], $0x80, s7, s17, $0xb8;
	[tilespmem:$0x1C000] =	vst v63  }
0xa6: {  	_ = 	snop  }
0xa7: {  	[tilespmem:s22], [sflag:$0x1] =	stream.indirect.gather [hbm4b:s4+s17], $0x80, s6, s17, $0xb8;
	[tilespmem:$0x1C000] =	vst v63  }
0xa8: {  	_ =	swait.ge [sflag:s1], $0x2800  }
0xa9: {  	[sflag:s1] =	ssyncset.done $0x0  }
0xaa: {  	[sflag:s1] =	ssyncadd.s32 $0xFFFFD800  }
0xab: {  	_ =	swait.ge [sflag:s1], $0x2800  }
0xac: {  	[sflag:s1] =	ssyncset.done $0x0  }
0xad: {  	[sflag:s1] =	ssyncadd.s32 $0xFFFFD800  }
0xae: {  	_ =	swait.ge [sflag:s1], $0x2800  }
0xaf: {  	[sflag:s1] =	ssyncset.done $0x0  }
0xb0: {  	[sflag:s1] =	ssyncadd.s32 $0xFFFFD800  }
0xb1: {  	_ =	swait.ge [sflag:s1], $0x2800  }
0xb2: {  	[sflag:s1] =	ssyncset.done $0x0  }
0xb3: {  	s8 =	sadd.s32 $0x80, s7;
	[sflag:s1] =	ssyncadd.s32 $0xFFFFD800  }
0xb4: {  	[tilespmem:s24], [sflag:$0x2] =	stream.indirect.gather [hbm4b:s3+s17], $0x80, s8, s17, $0xb8;
	[tilespmem:$0x1C000] =	vst v63  }
0xb5: {  	s9 =	sadd.s32 $0x80, s6  }
0xb6: {  	[tilespmem:s26], [sflag:$0x2] =	stream.indirect.gather [hbm4b:s3+s17], $0x80, s9, s17, $0xb8;
	[tilespmem:$0x1C000] =	vst v63  }
.Ltmp5:
0xb7: {  	_ = 	snop;
	(pc) =	sbr.rel .LBB2_6-.Ltmp5, $4  }
0xb8: {  	_ = 	snop  }
0xb9: {  	[tilespmem:s28], [sflag:$0x2] =	stream.indirect.gather [hbm4b:s4+s17], $0x80, s8, s17, $0xb8;
	[tilespmem:$0x1C000] =	vst v63  }
0xba: {  	s5 =	sadd.s32 $0xA00, s5;
	s6 =	sadd.s32 $0x100, s6;
	s7 =	sadd.s32 $0x100, s7  }
0xbb: {  	[tilespmem:s29], [sflag:$0x2] =	stream.indirect.gather [hbm4b:s4+s17], $0x80, s9, s17, $0xb8;
	[tilespmem:$0x1C000] =	vst v63  }
.LBB2_9:
0xbc: {  	_ =	sfence.sel $0x180000  }
0xbd: {  	[bflag:$0x0] =	sbarrier.arrive $0xFFFF  }
0xbe: {  	_ =	strace $0x90000047  }
0xbf: {  	s0 =	stileid.u32;
	[bflag:$0x2] =	sbarrier.arrive $0xFFFF  }
0xc0: {  	p0 =	sne.s32 s0, $0x0;
	s0 =	rddreg [dreg:$0x1]  }
0xc1: {  	s0 =	sadd.s32 @!p0 $0x100000, s0  }
0xc2: {  	[sflag:s0] =	ssyncadd.tile.s32 @!p0 $0x1;
	_ =	shalt  }
.Lfunc_end2:
_tile_overlayer_lowered:
.L_overlay_start_2:
0xc3: {  	(tag) =	ssettag $0x2  }
0xc4: {  	s0 =	rddreg [dreg:$0x0];
	s2 =	stileid.u32  }
0xc5: {  	s1 =	rddreg [dreg:$0x1];
	p0 =	sne.s32 s2, $0x0  }
0xc6: {  	s3 =	rddreg [dreg:$0x2];
	[bflag:$0x3] =	sbarrier.arrive $0xFFFF;
	s2 =	simm.s32 @!p0 $0x1C05  }
0xc7: {  	[timem:s3], [sflag:s2] =	dma.local @!p0 [hbm:s0], s1  }
0xc8: {  	s0 =	simm.s32 @!p0 $0x5  }
0xc9: {  	_ =	swait.ge @!p0 [sflag:s0], s1  }
0xca: {  	s1 =	ssub.s32 @!p0 $0x0, s1;
	[sflag:s0] =	ssyncset.done @!p0 $0x0  }
0xcb: {  	[sflag:s0] =	ssyncadd.s32 @!p0 s1  }
0xcc: {  	[bflag:$0x3] =	sbarrier.arrive $0xFFFF  }
0xcd: {  	_ =	shalt  }

// kernel: kernel.15.cloned.1.call-start
scs
__scs_entry_jumppad:
0x0: {  	(pc) =	sbr.rel $0x88, $3  }
0x1: {  	(tag) =	ssettag $0x0;
	lr =	simm.s32 $0x1  }
0x2: {  	[smem:$0x3F82] =	sst lr;
	_ =	strace $0xD0000000  }
0x3: {  	_ = 	snop  }
0x4: {  	_ = 	snop  }
0x5: {  	_ = 	snop  }
0x6: {  	_ = 	snop  }
0x7: {  	_ = 	snop  }
__scs_overlays_trampoline_lowered:
0x8: {  	[smem:$0x3F91] =	sst s0  }
0x9: {  	[smem:$0x3F92] =	sst s1  }
0xa: {  	[smem:$0x3F93] =	sst s2  }
0xb: {  	[smem:$0x3F94] =	sst s3  }
0xc: {  	[smem:$0x3F95] =	sst s4  }
0xd: {  	[smem:$0x3F96] =	sst s5  }
0xe: {  	[smem:$0x3F97] =	sst s6  }
0xf: {  	[smem:$0x3F98] =	sst s7  }
0x10: {  	[smem:$0x3F99] =	sst s8  }
0x11: {  	[smem:$0x3F9A] =	sst s9;
	s0 =	simm.s32 @!p0 $0x0  }
0x12: {  	s1 =	sld [smem:$0x3F80];
	s0 =	simm.s32 @p0 $0x1  }
0x13: {  	[smem:$0x3F9B] =	sst s0;
	s0 =	simm.s32 @!p1 $0x0  }
0x14: {  	s2 =	sld [smem:$0x3F7F];
	s0 =	simm.s32 @p1 $0x1  }
0x15: {  	[smem:$0x3F9C] =	sst s0;
	s0 =	simm.s32 @!p2 $0x0  }
0x16: {  	s3 =	sld [smem:$0x3FDB];
	s0 =	simm.s32 @p2 $0x1  }
0x17: {  	s4 =	simm.s32 $0x1BF5;
	[smem:$0x3F9E] =	sst s0  }
0x18: {  	s0 =	sld [smem:$0x3F81];
	_ =	swait.ge [sflag:s4], $0x0  }
0x19: {  	s7 =	sld [smem:$0x3F82]  }
0x1a: {  	s8 =	sadd.s32 $0xFFFFE003, lr  }
0x1b: {  	s9 =	sadd.s32 $0xFFFFFEF7, lr;
	s5 =	simm.s32 $0xFFFFFFFF;
	p2 =	slt.u32 s8, $0xFFFFF086  }
0x1c: {  	p1 =	slt.u32 s9, $0xF7A;
	s5 =	simm.s32 @!p2 $0x0  }
0x1d: {  	s5 =	simm.s32 @p1 $0x1;
	p0 =	seq.s32 s7, s2  }
0x1e: {  	s7 =	smul.u32 @!p0 $0xF7A, s2;
	p2 =	seq.s32 @!p0 s5, $0x0  }
0x1f: {  	s9 =	smul.u32 $0xF7A, s1;
	s8 =	simm.s32 @!p0 $0x1BF5;
	p2 =	por !p2, p0  }
0x20: {  	[sflag:s8] =	ssyncset.s32 @!p0 $0xFFFFF086;
	s6 =	sadd.s32 @!p0 s3, s7;
	s7 =	simm.s32 @!p0 $0x108  }
0x21: {  	s3 =	sadd.s32 s3, s9;
	s6 =	sadd.s32 @!p0 $0x88, s6;
	s7 =	simm.s32 @p2 $0x1082  }
0x22: {  	[simem:s7], [sflag:s8] =	dma.local @!p0 [hbm:s6], $0xF7A  }
0x23: {  	s9 =	sor.u32 $0xD0000000, s2;
	s6 =	simm.s32 $0x108;
	_ =	swait.ge @!p0 [sflag:s8], $0x0  }
0x24: {  	s3 =	sadd.s32 $0x88, s3;
	s6 =	simm.s32 @!p1 $0x1082;
	[sflag:s4] =	ssyncset.s32 $0xFFFFF086  }
0x25: {  	[simem:s6], [sflag:s4] =	dma.local [hbm:s3], $0xF7A  }
0x26: {  	[smem:$0x3F82] =	sst s1;
	(tag) =	ssettag s2;
	_ =	strace s9  }
0x27: {  	s1 =	sld [smem:$0x3F92]  }
0x28: {  	s2 =	sld [smem:$0x3F93]  }
0x29: {  	s4 =	sld [smem:$0x3F95]  }
0x2a: {  	p0 =	seq.s32 s5, $0x0;
	s5 =	sld [smem:$0x3F96]  }
0x2b: {  	s6 =	sld [smem:$0x3F97]  }
0x2c: {  	s7 =	sld [smem:$0x3F98]  }
0x2d: {  	s3 =	simm.s32 $0x108;
	s8 =	sld [smem:$0x3F99]  }
0x2e: {  	s3 =	simm.s32 @!p0 $0x1082;
	s9 =	sld [smem:$0x3F9A]  }
0x2f: {  	lr =	sadd.s32 s0, s3;
	s0 =	sld [smem:$0x3F91]  }
0x30: {  	s3 =	sld [smem:$0x3F94]  }
0x31: {  	[smem:$0x3F9D] =	sst s10  }
0x32: {  	s10 =	sld [smem:$0x3F9B];
	_ =	sdelay $0x3  }
0x33: {  	p0 =	seq.s32 s10, $0x1;
	s10 =	sld [smem:$0x3F9D];
	_ =	sdelay $0x3  }
0x34: {  	[smem:$0x3F9D] =	sst s10  }
0x35: {  	s10 =	sld [smem:$0x3F9C];
	_ =	sdelay $0x3  }
0x36: {  	p1 =	seq.s32 s10, $0x1;
	s10 =	sld [smem:$0x3F9D];
	_ =	sdelay $0x3  }
0x37: {  	[smem:$0x3F9D] =	sst s10  }
0x38: {  	s10 =	sld [smem:$0x3F9E]  }
0x39: {  	_ = 	snop;
	(pc) =	sbr.ind lr, $3  }
0x3a: {  	_ = 	snop  }
0x3b: {  	_ = 	snop  }
0x3c: {  	p2 =	seq.s32 s10, $0x1;
	s10 =	sld [smem:$0x3F9D]  }
0x3d: {  	_ =	shalt  }
0x3e: {  	_ =	shalt  }
0x3f: {  	_ =	shalt  }
0x40: {  	_ =	shalt  }
0x41: {  	_ =	shalt  }
0x42: {  	_ =	shalt  }
0x43: {  	_ =	shalt  }
0x44: {  	_ =	shalt  }
0x45: {  	_ =	shalt  }
0x46: {  	_ =	shalt  }
0x47: {  	_ =	shalt  }
0x48: {  	_ =	shalt  }
0x49: {  	_ =	shalt  }
0x4a: {  	_ =	shalt  }
0x4b: {  	_ =	shalt  }
0x4c: {  	_ =	shalt  }
0x4d: {  	_ =	shalt  }
0x4e: {  	_ =	shalt  }
0x4f: {  	_ =	shalt  }
0x50: {  	_ =	shalt  }
0x51: {  	_ =	shalt  }
0x52: {  	_ =	shalt  }
0x53: {  	_ =	shalt  }
0x54: {  	_ =	shalt  }
0x55: {  	_ =	shalt  }
0x56: {  	_ =	shalt  }
0x57: {  	_ =	shalt  }
0x58: {  	_ =	shalt  }
0x59: {  	_ =	shalt  }
0x5a: {  	_ =	shalt  }
0x5b: {  	_ =	shalt  }
0x5c: {  	_ =	shalt  }
0x5d: {  	_ =	shalt  }
0x5e: {  	_ =	shalt  }
0x5f: {  	_ =	shalt  }
0x60: {  	_ =	shalt  }
0x61: {  	_ =	shalt  }
0x62: {  	_ =	shalt  }
0x63: {  	_ =	shalt  }
0x64: {  	_ =	shalt  }
0x65: {  	_ =	shalt  }
0x66: {  	_ =	shalt  }
0x67: {  	_ =	shalt  }
0x68: {  	_ =	shalt  }
0x69: {  	_ =	shalt  }
0x6a: {  	_ =	shalt  }
0x6b: {  	_ =	shalt  }
0x6c: {  	_ =	shalt  }
0x6d: {  	_ =	shalt  }
0x6e: {  	_ =	shalt  }
0x6f: {  	_ =	shalt  }
0x70: {  	_ =	shalt  }
0x71: {  	_ =	shalt  }
0x72: {  	_ =	shalt  }
0x73: {  	_ =	shalt  }
0x74: {  	_ =	shalt  }
0x75: {  	_ =	shalt  }
0x76: {  	_ =	shalt  }
0x77: {  	_ =	shalt  }
0x78: {  	_ =	shalt  }
0x79: {  	_ =	shalt  }
0x7a: {  	_ =	shalt  }
0x7b: {  	_ =	shalt  }
0x7c: {  	_ =	shalt  }
0x7d: {  	_ =	shalt  }
0x7e: {  	_ =	shalt  }
0x7f: {  	_ =	shalt  }
0x80: {  	_ =	shalt  }
0x81: {  	_ =	shalt  }
0x82: {  	_ =	shalt  }
0x83: {  	_ =	shalt  }
0x84: {  	_ =	shalt  }
0x85: {  	_ =	shalt  }
0x86: {  	_ =	shalt  }
0x87: {  	_ =	shalt  }
.Lfunc_end0:
.L_simem_size_0:
called_computation.1_lowered:
.L_overlay_start_0:
0x88: {  	s2 =	sld [smem:$0x3FD9]  }
0x89: {  	s3 =	sld [smem:$0x3FFE];
	_ =	sdelay $0x1  }
0x8a: {  	s1 =	srdreg.scid  }
0x8b: {  	s0 =	sand.u32 $0x1, s1  }
0x8c: {  	s16 =	sshll.u32 s0, $0xA;
	s2 =	sadd.s32 s3, s2  }
0x8d: {  	s2 =	sadd.s32 s2, s16  }
0x8e: {  	[smem:$0x3FA9] =	sst s2  }
0x8f: {  	_ = 	snop  }
0x90: {  	(tm) =	ssettm $0x1  }
0x91: {  	s17 =	sld [smem:$0x3FFB];
	_ =	sdelay $0x3  }
0x92: {  	_ =	strace s17  }
0x93: {  	s2 =	sld [smem:$0x3FFC];
	_ =	sdelay $0x3  }
0x94: {  	_ =	strace s2  }
0x95: {  	s2 =	sld [smem:$0x3FFD];
	_ =	sdelay $0x3  }
0x96: {  	_ =	strace s2  }
0x97: {  	_ =	strace $0x8FFFFFFF  }
0x98: {  	s18 =	sld [smem:$0x3FDB];
	_ =	sdelay $0x1  }
0x99: {  	s19 =	simm.s32 $_scs_section_size  }
0x9a: {  	s4 =	simm.s32 $_size__tile_overlayer_lowered;
	s5 =	simm.s32 $_tile_overlayer_lowered  }
0x9b: {  	s22 =	simm.s32 $0x1BFF;
	s21 =	sshll.u32 s5, $0x1;
	s2 =	sadd.s32 s19, s18  }
0x9c: {  	s6 =	simm.s32 $0x0;
	s20 =	sshll.u32 s4, $0x1;
	s4 =	sadd.s32 s21, s2  }
0x9d: {  	[timem:s6], [sflag:s22] =	dma.local [hbm:s4], s20  }
0x9e: {  	_ =	swait.ge [sflag:s22], s20  }
0x9f: {  	s3 =	ssub.s32 $0x0, s20;
	[sflag:s22] =	ssyncset.done $0x0  }
0xa0: {  	[sflag:s22] =	ssyncadd.s32 s3;
	_ =	sdelay $0x1  }
0xa1: {  	s23 =	simm.s32 $0x1B8B  }
0xa2: {  	_ =	swait.ge [sflag:s23], $0x1  }
0xa3: {  	[sflag:s23] =	ssyncset.done $0x0  }
0xa4: {  	s25 =	simm.s32 $0x1B8E;
	s24 =	sld [smem:$0x3FFE];
	[sflag:s23] =	ssyncadd.s32 $0xFFFFFFFF  }
0xa5: {  	s26 =	simm.s32 $execute0_lowered;
	[smem:$0x3FD2] =	sst s25  }
0xa6: {  	s4 =	sshll.u32 s26, $0x1;
	_ =	strace $0x80000049;
	[dreg:$0x1] =	wrdreg $0xFFFFFFFF  }
0xa7: {  	s28 =	simm.s32 $_size_execute0_lowered;
	s2 =	sadd.s32 s2, s4;
	[dreg:$0x0] =	wrdreg $0x0  }
0xa8: {  	s4 =	sshll.u32 s28, $0x1;
	[dreg:$0x2] =	wrdreg s2  }
0xa9: {  	[dreg:$0x3] =	wrdreg s4  }
0xaa: {  	[dreg:$0x4] =	wrdreg $0xC0  }
0xab: {  	_ =	task [dreg:s6], $0x5FFFF  }
0xac: {  	[dreg:$0x1] =	wrdreg $0xFFFFFFFF  }
0xad: {  	[dreg:$0x0] =	wrdreg $0x60  }
0xae: {  	[dreg:$0x2] =	wrdreg s24  }
0xaf: {  	[dreg:$0x3] =	wrdreg $0x0  }
0xb0: {  	[dreg:$0x4] =	wrdreg $0x9  }
0xb1: {  	_ =	task.clear_ibuf [dreg:s6], $0x5FFFF;
	_ =	strace $0x90000049  }
0xb2: {  	s29 =	simm.s32 $0x9;
	_ =	strace $0x8000004B  }
0xb3: {  	_ =	swait.ge [sflag:s29], $0x1  }
0xb4: {  	[sflag:s29] =	ssyncadd.s32 $0xFFFFFFFF  }
0xb5: {  	_ =	strace $0x9000004B  }
0xb6: {  	_ =	sfence  }
0xb7: {  	s30 =	sld [smem:$0x0];
	_ =	sdelay $0x2  }
0xb8: {  	s31 =	sshll.u32 s1, $0xD;
	s1 =	sshrl.u32 s1, $0x2  }
0xb9: {  	s3 =	sand.u32 $0x4000, s31;
	s1 =	sadd.s32 s1, s30  }
0xba: {  	s0 =	sor.u32 s3, s0;
	s1 =	sshll.u32 s1, $0x11  }
0xbb: {  	s0 =	sor.u32 s1, s0  }
0xbc: {  	s0 =	sadd.s32 $0x8F2B, s0  }
0xbd: {  	[sflag:s0] =	ssyncadd.remote.s32 $0x1  }
0xbe: {  	_ =	sfence.sel $0xFFFF  }
0xbf: {  	[dreg:$0x0] =	wrdreg $0xFFFFFFFF;
	(pc) =	sbr.abs _section_cstart, $3  }
0xc0: {  	[dreg:$0x1] =	wrdreg $0xFFFFFFFF  }
0xc1: {  	_ =	task.clear_ibuf [dreg:s6], $0x2FFFF;
	_ =	strace $0x9FFFFFFF  }
0xc2: {  	(tm) =	ssettm $0x7FFFFFFF  }
0xc3: {  	_ =	shalt  }
tec
execute0_lowered:
.L_overlay_start_1:
0x0: {  	(tag) =	ssettag $0x1  }
0x1: {  	s0 =	rddreg [dreg:$0x0]  }
0x2: {  	s1 =	rddreg [dreg:$0x1]  }
0x3: {  	s2 =	simm.s32 $0x0;
	s3 =	stileid.u32;
	s4 =	srdreg.scid  }
0x4: {  	s28 =	simm.s32 $0x3;
	s29 =	simm.s32 $0x13880;
	s30 =	simm.s32 $0x18880  }
0x5: {  	s31 =	simm.s32 $0x16080;
	[smem:$0x7FF] =	sst s2;
	s6 =	smul.u32 $0x13800, s3  }
0x6: {  	s4 =	sand.u32 $0x1, s4;
	s7 =	sadd.s32 $0x13F5C00, s0;
	s11 =	smul.u32 $0x4E000, s3  }
0x7: {  	s5 =	sshll.u32 s3, $0x1;
	s9 =	sadd.s32 $0x18D7C00, s0;
	s17 =	smul.u32 $0x4E20, s3  }
0x8: {  	s12 =	sadd.s32 $0x92A00, s0;
	s14 =	sadd.s32 $0xE0C00, s0;
	s16 =	smul.u32 $0x138800, s4  }
0x9: {  	p0 =	sne.s32 s3, $0x0;
	_ =	strace $0x8000004A;
	s21 =	smul.u32 $0x2710, s4  }
0xa: {  	s5 =	sor.u32 s4, s5;
	s13 =	ssub.s32 $0x2, s4;
	s4 =	smul.u32 $0x27100, s4  }
0xb: {  	s8 =	smul.u32 $0x2710, s5;
	s10 =	sshrl.u32 s6, $0x3;
	s15 =	sshrl.u32 s13, $0x1  }
0xc: {  	s5 =	smul.u32 $0x27100, s5;
	s11 =	sshrl.u32 s11, $0x2;
	s20 =	ssub.s32 s13, s15  }
0xd: {  	s6 =	sadd.s32 s6, s16;
	s23 =	sshrl.u32 s16, $0x3;
	s10 =	sadd.s32 s10, s0  }
0xe: {  	s22 =	sadd.s32 s7, s5;
	s19 =	sadd.s32 $0x50, s8;
	s6 =	sshrl.u32 s6, $0x3  }
0xf: {  	s13 =	sadd.s32 $0x27000, s23;
	s5 =	sadd.s32 s9, s5;
	s18 =	sadd.s32 $0x26C0, s8  }
0x10: {  	s23 =	smul.u32 $0x4E200, s3;
	s15 =	sadd.s32 $0x6B800, s10;
	s8 =	sshrl.u32 s8, $0x3  }
0x11: {  	[dreg:$0x3] =	wrdreg s22;
	s24 =	sshll.u32 s19, $0x4;
	s26 =	sadd.s32 s12, s6  }
0x12: {  	s12 =	sadd.s32 s12, s13;
	[dreg:$0x7] =	wrdreg s5;
	s6 =	sadd.s32 s14, s6  }
0x13: {  	s13 =	sadd.s32 s14, s13;
	s22 =	sshll.u32 s18, $0x4;
	[dreg:$0x5] =	wrdreg s26  }
0x14: {  	s5 =	sadd.s32 s21, s17;
	s14 =	sadd.s32 s11, s1;
	[dreg:$0x6] =	wrdreg s12  }
0x15: {  	s11 =	sshrl.u32 s19, $0x3;
	s17 =	smax.u32 s20, $0x1;
	[dreg:$0x9] =	wrdreg s6  }
0x16: {  	s18 =	sshrl.u32 s18, $0x3;
	s20 =	sadd.s32 $0x138000, s1;
	[dreg:$0xa] =	wrdreg s13  }
0x17: {  	s25 =	sadd.s32 s7, s24;
	s16 =	sadd.s32 s9, s24;
	[dreg:$0xe] =	wrdreg s17  }
0x18: {  	s24 =	sadd.s32 s7, s22;
	s7 =	sadd.s32 s23, s7;
	[dreg:$0xf] =	wrdreg s20  }
0x19: {  	s13 =	sadd.s32 $0x13600, s0;
	s26 =	sshll.u32 s3, $0x6;
	[dreg:$0x4] =	wrdreg s25  }
0x1a: {  	s12 =	sadd.s32 $0xF0, s5;
	s3 =	simm.s32 $0x1;
	[dreg:$0x8] =	wrdreg s16  }
0x1b: {  	s6 =	simm.s32 $0x0;
	[dreg:$0xb] =	wrdreg s24;
	s25 =	sadd.s32 s9, s22  }
0x1c: {  	s9 =	sadd.s32 s23, s9;
	s7 =	sadd.s32 s4, s7;
	s16 =	sor.u32 $0x1C03, s26  }
0x1d: {  	s26 =	sadd.s32 $0x92800, s0;
	s10 =	sadd.s32 s13, s8;
	s19 =	sadd.s32 s13, s11  }
0x1e: {  	s0 =	sshrl.u32 s12, $0x3;
	s21 =	sadd.s32 s13, s18;
	s24 =	sadd.s32 $0xA0, s5  }
0x1f: {  	s5 =	simm.s32 $0x2;
	[dreg:$0xc] =	wrdreg s25;
	s4 =	sadd.s32 s4, s9  }
0x20: {  	[dreg:$0xd] =	wrdreg s10;
	s22 =	sadd.s32 $0xF00, s7;
	s23 =	sadd.s32 s0, s13  }
0x21: {  	s0 =	simm.s32 $0x18900;
	s25 =	sadd.s32 $0xF00, s4;
	s4 =	simm.s32 $0x50  }
.LBB2_1:
0x22: {  	s7 =	sshrl.u32 s14, $0x3  }
0x23: {  	[spmem:s7], [sflag:s16] =	dma.local [hbm:s15], $0x2700  }
0x24: {  	_ =	swait.ge [sflag:s28], $0x2700  }
0x25: {  	[sflag:s28] =	ssyncset.done $0x0;
	s8 =	rddreg [dreg:$0xf]  }
0x26: {  	s9 =	simm.s32 @!p0 $0x3;
	[sflag:s28] =	ssyncadd.s32 $0xFFFFD900;
	s8 =	sshrl.u32 @!p0 s8, $0x3  }
0x27: {  	[spmem:s8], [sflag:s16] =	dma.local @!p0 [hbm:s26], $0x100  }
0x28: {  	_ =	swait.ge @!p0 [sflag:s9], $0x100  }
0x29: {  	[sflag:s9] =	ssyncset.done @!p0 $0x0  }
0x2a: {  	[sflag:s9] =	ssyncadd.s32 @!p0 $0xFFFFFF00  }
0x2b: {  	[bflag:$0x0] =	sbarrier.arrive $0xFFFF  }
0x2c: {  	s12 =	rddreg [dreg:$0x3]  }
0x2d: {  	[tilespmem:s29], [sflag:$0x1] =	stream.linear.gather [hbm4b:s12+s2], $0x2800, $0x38;
	[tilespmem:$0x18980] =	vst v63  }
0x2e: {  	s17 =	rddreg [dreg:$0xd]  }
0x2f: {  	[tilespmem:s30], [sflag:$0x1] =	stream.linear.gather [hbm4b:s17+s2], $0x50, $0x38;
	[tilespmem:$0x18980] =	vst v63  }
0x30: {  	s20 =	rddreg [dreg:$0x4]  }
0x31: {  	[tilespmem:s31], [sflag:$0x2] =	stream.linear.gather [hbm4b:s20+s2], $0x2800, $0x38;
	[tilespmem:$0x18980] =	vst v63  }
0x32: {  	_ = 	snop  }
0x33: {  	[tilespmem:s0], [sflag:$0x2] =	stream.linear.gather [hbm4b:s19+s2], $0x50, $0x38;
	[tilespmem:$0x18980] =	vst v63  }
0x34: {  	_ =	swait.ge [sflag:s3], $0x2800  }
0x35: {  	[sflag:s3] =	ssyncset.done $0x0  }
0x36: {  	[sflag:s3] =	ssyncadd.s32 $0xFFFFD800  }
0x37: {  	_ =	swait.ge [sflag:s3], $0x50  }
0x38: {  	[sflag:s3] =	ssyncset.done $0x0  }
0x39: {  	[sflag:s3] =	ssyncadd.s32 $0xFFFFFFB0  }
0x3a: {  	[spmem:s1] =	stream.indirect.scatter.add.f32 [tilespmem:s29], [sflag:$0x3], $0x80, s30, s4, $0xb8;
	[tilespmem:$0x18980] =	vst v63  }
0x3b: {  	_ =	swait.ge [sflag:s28], $0x2800  }
0x3c: {  	s18 =	smov.u32 s26;
	[sflag:s28] =	ssyncset.done $0x0  }
0x3d: {  	s10 =	sshrl.u32 s24, $0x3;
	s26 =	sadd.s32 $0xFFFFFB00, s22;
	[sflag:s28] =	ssyncadd.s32 $0xFFFFD800  }
0x3e: {  	[tilespmem:s29], [sflag:$0x1] =	stream.linear.gather [hbm4b:s26+s2], $0x2800, $0x38;
	[tilespmem:$0x18980] =	vst v63  }
0x3f: {  	s9 =	sadd.s32 s13, s10  }
0x40: {  	[tilespmem:s30], [sflag:$0x1] =	stream.linear.gather [hbm4b:s9+s2], $0x50, $0x38;
	[tilespmem:$0x18980] =	vst v63  }
0x41: {  	_ =	swait.ge [sflag:s5], $0x2800  }
0x42: {  	[sflag:s5] =	ssyncset.done $0x0  }
0x43: {  	[sflag:s5] =	ssyncadd.s32 $0xFFFFD800  }
0x44: {  	_ =	swait.ge [sflag:s5], $0x50  }
0x45: {  	[sflag:s5] =	ssyncset.done $0x0  }
0x46: {  	[sflag:s5] =	ssyncadd.s32 $0xFFFFFFB0  }
0x47: {  	[spmem:s1] =	stream.indirect.scatter.add.f32 [tilespmem:s31], [sflag:$0x3], $0x80, s0, s4, $0xb8;
	[tilespmem:$0x18980] =	vst v63  }
0x48: {  	_ =	swait.ge [sflag:s28], $0x2800  }
0x49: {  	s11 =	sadd.s32 $0xA00, s22;
	s10 =	simm.s32 $0x14;
	[sflag:s28] =	ssyncset.done $0x0  }
0x4a: {  	s12 =	sadd.s32 $0xA0, s24;
	s20 =	sadd.s32 $0x0, s23;
	[sflag:s28] =	ssyncadd.s32 $0xFFFFD800  }
0x4b: {  	[tilespmem:s31], [sflag:$0x2] =	stream.linear.gather [hbm4b:s22+s2], $0x2800, $0x38;
	[tilespmem:$0x18980] =	vst v63  }
.LBB2_2:
0x4c: {  	[tilespmem:s0], [sflag:$0x2] =	stream.linear.gather [hbm4b:s20+s2], $0x50, $0x38;
	[tilespmem:$0x18980] =	vst v63  }
0x4d: {  	s20 =	smov.u32 s10  }
0x4e: {  	p1 =	sne.s32 s10, $0x4B0;
	s10 =	sadd.s32 $0x14, s10;
	_ =	swait.ge [sflag:s3], $0x2800  }
0x4f: {  	[sflag:s3] =	ssyncset.done $0x0  }
0x50: {  	[sflag:s3] =	ssyncadd.s32 $0xFFFFD800  }
0x51: {  	_ =	swait.ge [sflag:s3], $0x50  }
0x52: {  	[sflag:s3] =	ssyncset.done $0x0  }
0x53: {  	[sflag:s3] =	ssyncadd.s32 $0xFFFFFFB0  }
0x54: {  	[spmem:s1] =	stream.indirect.scatter.add.f32 [tilespmem:s29], [sflag:$0x3], $0x80, s30, s4, $0xb8;
	[tilespmem:$0x18980] =	vst v63  }
0x55: {  	_ =	swait.ge [sflag:s28], $0x2800  }
0x56: {  	[sflag:s28] =	ssyncset.done $0x0  }
0x57: {  	s26 =	sadd.s32 $0xFFFFFB00, s11;
	s17 =	sshrl.u32 s12, $0x3;
	[sflag:s28] =	ssyncadd.s32 $0xFFFFD800  }
0x58: {  	[tilespmem:s29], [sflag:$0x1] =	stream.linear.gather [hbm4b:s26+s2], $0x2800, $0x38;
	[tilespmem:$0x18980] =	vst v63  }
0x59: {  	s17 =	sadd.s32 s13, s17  }
0x5a: {  	[tilespmem:s30], [sflag:$0x1] =	stream.linear.gather [hbm4b:s17+s2], $0x50, $0x38;
	[tilespmem:$0x18980] =	vst v63  }
0x5b: {  	_ =	swait.ge [sflag:s5], $0x2800  }
0x5c: {  	[sflag:s5] =	ssyncset.done $0x0  }
0x5d: {  	[sflag:s5] =	ssyncadd.s32 $0xFFFFD800  }
0x5e: {  	_ =	swait.ge [sflag:s5], $0x50  }
0x5f: {  	[sflag:s5] =	ssyncset.done $0x0  }
0x60: {  	[sflag:s5] =	ssyncadd.s32 $0xFFFFFFB0  }
0x61: {  	[spmem:s1] =	stream.indirect.scatter.add.f32 [tilespmem:s31], [sflag:$0x3], $0x80, s0, s4, $0xb8;
	[tilespmem:$0x18980] =	vst v63  }
.Ltmp0:
0x62: {  	_ =	swait.ge [sflag:s28], $0x2800;
	(pc) =	sbr.rel @p1 .LBB2_2-.Ltmp0, $4  }
0x63: {  	[sflag:s28] =	ssyncset.done $0x0  }
0x64: {  	[sflag:s28] =	ssyncadd.s32 $0xFFFFD800  }
0x65: {  	[tilespmem:s31], [sflag:$0x2] =	stream.linear.gather [hbm4b:s11+s2], $0x2800, $0x38;
	[tilespmem:$0x18980] =	vst v63  }
0x66: {  	s12 =	sadd.s32 $0xA0, s12;
	s20 =	sadd.s32 s20, s23;
	s11 =	sadd.s32 $0xA00, s11  }
0x67: {  	[tilespmem:s0], [sflag:$0x2] =	stream.linear.gather [hbm4b:s20+s2], $0x50, $0x38;
	[tilespmem:$0x18980] =	vst v63  }
0x68: {  	_ =	swait.ge [sflag:s3], $0x2800  }
0x69: {  	[sflag:s3] =	ssyncset.done $0x0  }
0x6a: {  	[sflag:s3] =	ssyncadd.s32 $0xFFFFD800  }
0x6b: {  	_ =	swait.ge [sflag:s3], $0x50  }
0x6c: {  	[sflag:s3] =	ssyncset.done $0x0  }
0x6d: {  	[sflag:s3] =	ssyncadd.s32 $0xFFFFFFB0  }
0x6e: {  	[spmem:s1] =	stream.indirect.scatter.add.f32 [tilespmem:s29], [sflag:$0x3], $0x80, s30, s4, $0xb8;
	[tilespmem:$0x18980] =	vst v63  }
0x6f: {  	_ =	swait.ge [sflag:s28], $0x2800  }
0x70: {  	[sflag:s28] =	ssyncset.done $0x0  }
0x71: {  	s10 =	rddreg [dreg:$0xb];
	[sflag:s28] =	ssyncadd.s32 $0xFFFFD800  }
0x72: {  	[tilespmem:s29], [sflag:$0x1] =	stream.linear.gather [hbm4b:s10+s2], $0x2800, $0x38;
	[tilespmem:$0x18980] =	vst v63  }
0x73: {  	_ = 	snop  }
0x74: {  	[tilespmem:s30], [sflag:$0x1] =	stream.linear.gather [hbm4b:s21+s2], $0x50, $0x38;
	[tilespmem:$0x18980] =	vst v63  }
0x75: {  	_ =	swait.ge [sflag:s5], $0x2800  }
0x76: {  	[sflag:s5] =	ssyncset.done $0x0  }
0x77: {  	[sflag:s5] =	ssyncadd.s32 $0xFFFFD800  }
0x78: {  	_ =	swait.ge [sflag:s5], $0x50  }
0x79: {  	[sflag:s5] =	ssyncset.done $0x0  }
0x7a: {  	[sflag:s5] =	ssyncadd.s32 $0xFFFFFFB0  }
0x7b: {  	[spmem:s1] =	stream.indirect.scatter.add.f32 [tilespmem:s31], [sflag:$0x3], $0x80, s0, s4, $0xb8;
	[tilespmem:$0x18980] =	vst v63  }
0x7c: {  	_ =	swait.ge [sflag:s28], $0x2800  }
0x7d: {  	[sflag:s28] =	ssyncset.done $0x0  }
0x7e: {  	[sflag:s28] =	ssyncadd.s32 $0xFFFFD800  }
0x7f: {  	_ =	swait.ge [sflag:s3], $0x2800  }
0x80: {  	[sflag:s3] =	ssyncset.done $0x0  }
0x81: {  	[sflag:s3] =	ssyncadd.s32 $0xFFFFD800  }
0x82: {  	_ =	swait.ge [sflag:s3], $0x50  }
0x83: {  	[sflag:s3] =	ssyncset.done $0x0  }
0x84: {  	[sflag:s3] =	ssyncadd.s32 $0xFFFFFFB0  }
0x85: {  	[spmem:s1] =	stream.indirect.scatter.add.f32 [tilespmem:s29], [sflag:$0x3], $0x80, s30, s4, $0xb8;
	[tilespmem:$0x18980] =	vst v63  }
0x86: {  	_ =	swait.ge [sflag:s28], $0x2800  }
0x87: {  	[sflag:s28] =	ssyncset.done $0x0  }
0x88: {  	[sflag:s28] =	ssyncadd.s32 $0xFFFFD800  }
0x89: {  	[bflag:$0x0] =	sbarrier.arrive $0xFFFF  }
0x8a: {  	s17 =	rddreg [dreg:$0x5]  }
0x8b: {  	[hbm:s17], [sflag:s16] =	dma.local [spmem:s7], $0x2700  }
0x8c: {  	_ =	swait.ge [sflag:s28], $0x2700  }
0x8d: {  	[sflag:s28] =	ssyncset.done $0x0  }
0x8e: {  	s10 =	sshrl.u32 @p0 s14, $0x3;
	[sflag:s28] =	ssyncadd.s32 $0xFFFFD900  }
0x8f: {  	[spmem:s10], [sflag:s16] =	dma.local @p0 [hbm:s15], $0x2700  }
0x90: {  	s10 =	simm.s32 @p0 $0x3  }
0x91: {  	_ =	swait.ge @p0 [sflag:s10], $0x2700  }
0x92: {  	[sflag:s10] =	ssyncset.done @p0 $0x0  }
0x93: {  	[sflag:s10] =	ssyncadd.s32 @p0 $0xFFFFD900;
	s10 =	rddreg [dreg:$0x6]  }
0x94: {  	[hbm:s10], [sflag:s16] =	dma.local @!p0 [spmem:s8], $0x100  }
0x95: {  	s10 =	simm.s32 @!p0 $0x3  }
0x96: {  	_ =	swait.ge @!p0 [sflag:s10], $0x100  }
0x97: {  	[sflag:s10] =	ssyncset.done @!p0 $0x0  }
0x98: {  	s11 =	sshrl.u32 @!p0 s14, $0x3;
	[sflag:s10] =	ssyncadd.s32 @!p0 $0xFFFFFF00  }
0x99: {  	[spmem:s11], [sflag:s16] =	dma.local @!p0 [hbm:s15], $0x2700  }
0x9a: {  	_ =	swait.ge @!p0 [sflag:s10], $0x2700  }
0x9b: {  	[sflag:s10] =	ssyncset.done @!p0 $0x0  }
0x9c: {  	[sflag:s10] =	ssyncadd.s32 @!p0 $0xFFFFD900  }
0x9d: {  	[spmem:s8], [sflag:s16] =	dma.local @!p0 [hbm:s18], $0x100  }
0x9e: {  	_ =	swait.ge @!p0 [sflag:s10], $0x100  }
0x9f: {  	[sflag:s10] =	ssyncset.done @!p0 $0x0  }
0xa0: {  	[sflag:s10] =	ssyncadd.s32 @!p0 $0xFFFFFF00  }
0xa1: {  	[bflag:$0x0] =	sbarrier.arrive $0xFFFF  }
0xa2: {  	s20 =	simm.s32 $0x0;
	s12 =	rddreg [dreg:$0x7]  }
0xa3: {  	[tilespmem:s29], [sflag:$0x1] =	stream.linear.gather [hbm4b:s12+s20], $0x2800, $0x38;
	[tilespmem:$0x18980] =	vst v63  }
0xa4: {  	s17 =	rddreg [dreg:$0xd]  }
0xa5: {  	[tilespmem:s30], [sflag:$0x1] =	stream.linear.gather [hbm4b:s17+s20], $0x50, $0x38;
	[tilespmem:$0x18980] =	vst v63  }
0xa6: {  	s26 =	smov.u32 s18;
	s18 =	rddreg [dreg:$0x8]  }
0xa7: {  	[tilespmem:s31], [sflag:$0x2] =	stream.linear.gather [hbm4b:s18+s20], $0x2800, $0x38;
	[tilespmem:$0x18980] =	vst v63  }
0xa8: {  	_ = 	snop  }
0xa9: {  	[tilespmem:s0], [sflag:$0x2] =	stream.linear.gather [hbm4b:s19+s20], $0x50, $0x38;
	[tilespmem:$0x18980] =	vst v63  }
0xaa: {  	_ =	swait.ge [sflag:s3], $0x2800  }
0xab: {  	[sflag:s3] =	ssyncset.done $0x0  }
0xac: {  	[sflag:s3] =	ssyncadd.s32 $0xFFFFD800  }
0xad: {  	_ =	swait.ge [sflag:s3], $0x50  }
0xae: {  	[sflag:s3] =	ssyncset.done $0x0  }
0xaf: {  	[sflag:s3] =	ssyncadd.s32 $0xFFFFFFB0  }
0xb0: {  	[spmem:s1] =	stream.indirect.scatter.add.f32 [tilespmem:s29], [sflag:$0x3], $0x80, s30, s4, $0xb8;
	[tilespmem:$0x18980] =	vst v63  }
0xb1: {  	_ =	swait.ge [sflag:s28], $0x2800  }
0xb2: {  	[sflag:s28] =	ssyncset.done $0x0  }
0xb3: {  	s20 =	sadd.s32 $0xFFFFFB00, s25;
	[sflag:s28] =	ssyncadd.s32 $0xFFFFD800  }
0xb4: {  	[tilespmem:s29], [sflag:$0x1] =	stream.linear.gather [hbm4b:s20+s2], $0x2800, $0x38;
	[tilespmem:$0x18980] =	vst v63  }
0xb5: {  	_ = 	snop  }
0xb6: {  	[tilespmem:s30], [sflag:$0x1] =	stream.linear.gather [hbm4b:s9+s2], $0x50, $0x38;
	[tilespmem:$0x18980] =	vst v63  }
0xb7: {  	_ =	swait.ge [sflag:s5], $0x2800  }
0xb8: {  	[sflag:s5] =	ssyncset.done $0x0  }
0xb9: {  	[sflag:s5] =	ssyncadd.s32 $0xFFFFD800  }
0xba: {  	_ =	swait.ge [sflag:s5], $0x50  }
0xbb: {  	[sflag:s5] =	ssyncset.done $0x0  }
0xbc: {  	[sflag:s5] =	ssyncadd.s32 $0xFFFFFFB0  }
0xbd: {  	[spmem:s1] =	stream.indirect.scatter.add.f32 [tilespmem:s31], [sflag:$0x3], $0x80, s0, s4, $0xb8;
	[tilespmem:$0x18980] =	vst v63  }
0xbe: {  	_ =	swait.ge [sflag:s28], $0x2800  }
0xbf: {  	s11 =	sadd.s32 $0xA0, s24;
	s10 =	sadd.s32 $0xA00, s25;
	[sflag:s28] =	ssyncset.done $0x0  }
0xc0: {  	s12 =	sadd.s32 $0x0, s23;
	s9 =	simm.s32 $0x14;
	[sflag:s28] =	ssyncadd.s32 $0xFFFFD800  }
0xc1: {  	[tilespmem:s31], [sflag:$0x2] =	stream.linear.gather [hbm4b:s25+s2], $0x2800, $0x38;
	[tilespmem:$0x18980] =	vst v63  }
.LBB2_4:
0xc2: {  	[tilespmem:s0], [sflag:$0x2] =	stream.linear.gather [hbm4b:s12+s2], $0x50, $0x38;
	[tilespmem:$0x18980] =	vst v63  }
0xc3: {  	s12 =	smov.u32 s9  }
0xc4: {  	p1 =	sne.s32 s9, $0x4B0;
	s9 =	sadd.s32 $0x14, s9;
	_ =	swait.ge [sflag:s3], $0x2800  }
0xc5: {  	[sflag:s3] =	ssyncset.done $0x0  }
0xc6: {  	[sflag:s3] =	ssyncadd.s32 $0xFFFFD800  }
0xc7: {  	_ =	swait.ge [sflag:s3], $0x50  }
0xc8: {  	[sflag:s3] =	ssyncset.done $0x0  }
0xc9: {  	[sflag:s3] =	ssyncadd.s32 $0xFFFFFFB0  }
0xca: {  	[spmem:s1] =	stream.indirect.scatter.add.f32 [tilespmem:s29], [sflag:$0x3], $0x80, s30, s4, $0xb8;
	[tilespmem:$0x18980] =	vst v63  }
0xcb: {  	_ =	swait.ge [sflag:s28], $0x2800  }
0xcc: {  	[sflag:s28] =	ssyncset.done $0x0  }
0xcd: {  	s17 =	sadd.s32 $0xFFFFFB00, s10;
	s20 =	sshrl.u32 s11, $0x3;
	[sflag:s28] =	ssyncadd.s32 $0xFFFFD800  }
0xce: {  	[tilespmem:s29], [sflag:$0x1] =	stream.linear.gather [hbm4b:s17+s2], $0x2800, $0x38;
	[tilespmem:$0x18980] =	vst v63  }
0xcf: {  	s17 =	sadd.s32 s13, s20  }
0xd0: {  	[tilespmem:s30], [sflag:$0x1] =	stream.linear.gather [hbm4b:s17+s2], $0x50, $0x38;
	[tilespmem:$0x18980] =	vst v63  }
0xd1: {  	_ =	swait.ge [sflag:s5], $0x2800  }
0xd2: {  	[sflag:s5] =	ssyncset.done $0x0  }
0xd3: {  	[sflag:s5] =	ssyncadd.s32 $0xFFFFD800  }
0xd4: {  	_ =	swait.ge [sflag:s5], $0x50  }
0xd5: {  	[sflag:s5] =	ssyncset.done $0x0  }
0xd6: {  	[sflag:s5] =	ssyncadd.s32 $0xFFFFFFB0  }
0xd7: {  	[spmem:s1] =	stream.indirect.scatter.add.f32 [tilespmem:s31], [sflag:$0x3], $0x80, s0, s4, $0xb8;
	[tilespmem:$0x18980] =	vst v63  }
.Ltmp1:
0xd8: {  	_ =	swait.ge [sflag:s28], $0x2800;
	(pc) =	sbr.rel @p1 .LBB2_4-.Ltmp1, $4  }
0xd9: {  	[sflag:s28] =	ssyncset.done $0x0  }
0xda: {  	[sflag:s28] =	ssyncadd.s32 $0xFFFFD800  }
0xdb: {  	[tilespmem:s31], [sflag:$0x2] =	stream.linear.gather [hbm4b:s10+s2], $0x2800, $0x38;
	[tilespmem:$0x18980] =	vst v63  }
0xdc: {  	s11 =	sadd.s32 $0xA0, s11;
	s12 =	sadd.s32 s12, s23;
	s10 =	sadd.s32 $0xA00, s10  }
0xdd: {  	[tilespmem:s0], [sflag:$0x2] =	stream.linear.gather [hbm4b:s12+s2], $0x50, $0x38;
	[tilespmem:$0x18980] =	vst v63  }
0xde: {  	_ =	swait.ge [sflag:s3], $0x2800  }
0xdf: {  	[sflag:s3] =	ssyncset.done $0x0  }
0xe0: {  	[sflag:s3] =	ssyncadd.s32 $0xFFFFD800  }
0xe1: {  	_ =	swait.ge [sflag:s3], $0x50  }
0xe2: {  	[sflag:s3] =	ssyncset.done $0x0  }
0xe3: {  	[sflag:s3] =	ssyncadd.s32 $0xFFFFFFB0  }
0xe4: {  	[spmem:s1] =	stream.indirect.scatter.add.f32 [tilespmem:s29], [sflag:$0x3], $0x80, s30, s4, $0xb8;
	[tilespmem:$0x18980] =	vst v63  }
0xe5: {  	_ =	swait.ge [sflag:s28], $0x2800  }
0xe6: {  	[sflag:s28] =	ssyncset.done $0x0  }
0xe7: {  	s9 =	rddreg [dreg:$0xc];
	[sflag:s28] =	ssyncadd.s32 $0xFFFFD800  }
0xe8: {  	[tilespmem:s29], [sflag:$0x1] =	stream.linear.gather [hbm4b:s9+s2], $0x2800, $0x38;
	[tilespmem:$0x18980] =	vst v63  }
0xe9: {  	_ = 	snop  }
0xea: {  	[tilespmem:s30], [sflag:$0x1] =	stream.linear.gather [hbm4b:s21+s2], $0x50, $0x38;
	[tilespmem:$0x18980] =	vst v63  }
0xeb: {  	_ =	swait.ge [sflag:s5], $0x2800  }
0xec: {  	[sflag:s5] =	ssyncset.done $0x0  }
0xed: {  	[sflag:s5] =	ssyncadd.s32 $0xFFFFD800  }
0xee: {  	_ =	swait.ge [sflag:s5], $0x50  }
0xef: {  	[sflag:s5] =	ssyncset.done $0x0  }
0xf0: {  	[sflag:s5] =	ssyncadd.s32 $0xFFFFFFB0  }
0xf1: {  	[spmem:s1] =	stream.indirect.scatter.add.f32 [tilespmem:s31], [sflag:$0x3], $0x80, s0, s4, $0xb8;
	[tilespmem:$0x18980] =	vst v63  }
0xf2: {  	_ =	swait.ge [sflag:s28], $0x2800  }
0xf3: {  	[sflag:s28] =	ssyncset.done $0x0  }
0xf4: {  	[sflag:s28] =	ssyncadd.s32 $0xFFFFD800  }
0xf5: {  	_ =	swait.ge [sflag:s3], $0x2800  }
0xf6: {  	[sflag:s3] =	ssyncset.done $0x0  }
0xf7: {  	[sflag:s3] =	ssyncadd.s32 $0xFFFFD800  }
0xf8: {  	_ =	swait.ge [sflag:s3], $0x50  }
0xf9: {  	[sflag:s3] =	ssyncset.done $0x0  }
0xfa: {  	[sflag:s3] =	ssyncadd.s32 $0xFFFFFFB0  }
0xfb: {  	[spmem:s1] =	stream.indirect.scatter.add.f32 [tilespmem:s29], [sflag:$0x3], $0x80, s30, s4, $0xb8;
	[tilespmem:$0x18980] =	vst v63  }
0xfc: {  	_ =	swait.ge [sflag:s28], $0x2800  }
0xfd: {  	[sflag:s28] =	ssyncset.done $0x0  }
0xfe: {  	[sflag:s28] =	ssyncadd.s32 $0xFFFFD800  }
0xff: {  	[bflag:$0x0] =	sbarrier.arrive $0xFFFF  }
0x100: {  	s18 =	rddreg [dreg:$0x9]  }
0x101: {  	[hbm:s18], [sflag:s16] =	dma.local [spmem:s7], $0x2700  }
0x102: {  	_ =	swait.ge [sflag:s28], $0x2700  }
0x103: {  	[sflag:s28] =	ssyncset.done $0x0  }
0x104: {  	s7 =	rddreg [dreg:$0xa];
	[sflag:s28] =	ssyncadd.s32 $0xFFFFD900  }
0x105: {  	[hbm:s7], [sflag:s16] =	dma.local @!p0 [spmem:s8], $0x100  }
0x106: {  	s7 =	simm.s32 @!p0 $0x3  }
0x107: {  	_ =	swait.ge @!p0 [sflag:s7], $0x100  }
0x108: {  	s6 =	sadd.s32 $0x1, s6;
	s20 =	rddreg [dreg:$0xe]  }
0x109: {  	p1 =	sne.s32 s6, s20  }
.Ltmp2:
0x10a: {  	_ = 	snop;
	(pc) =	sbr.rel @p1 .LBB2_1-.Ltmp2, $3  }
0x10b: {  	_ =	sdelay $0x1  }
0x10c: {  	[sflag:s7] =	ssyncset.done @!p0 $0x0  }
0x10d: {  	[sflag:s7] =	ssyncadd.s32 @!p0 $0xFFFFFF00  }
0x10e: {  	_ =	sfence.sel $0x180000  }
0x10f: {  	[bflag:$0x0] =	sbarrier.arrive $0xFFFF  }
0x110: {  	_ =	strace $0x9000004A  }
0x111: {  	[bflag:$0x2] =	sbarrier.arrive $0xFFFF  }
0x112: {  	s0 =	rddreg [dreg:$0x2]  }
0x113: {  	s0 =	sadd.s32 @!p0 $0x100000, s0  }
0x114: {  	[sflag:s0] =	ssyncadd.tile.s32 @!p0 $0x1;
	_ =	shalt  }
.Lfunc_end2:
_tile_overlayer_lowered:
.L_overlay_start_2:
0x115: {  	(tag) =	ssettag $0x2  }
0x116: {  	s0 =	rddreg [dreg:$0x0];
	s2 =	stileid.u32  }
0x117: {  	s1 =	rddreg [dreg:$0x1];
	p0 =	sne.s32 s2, $0x0  }
0x118: {  	s3 =	rddreg [dreg:$0x2];
	[bflag:$0x3] =	sbarrier.arrive $0xFFFF;
	s2 =	simm.s32 @!p0 $0x1C03  }
0x119: {  	[timem:s3], [sflag:s2] =	dma.local @!p0 [hbm:s0], s1  }
0x11a: {  	s0 =	simm.s32 @!p0 $0x3  }
0x11b: {  	_ =	swait.ge @!p0 [sflag:s0], s1  }
0x11c: {  	s1 =	ssub.s32 @!p0 $0x0, s1;
	[sflag:s0] =	ssyncset.done @!p0 $0x0  }
0x11d: {  	[sflag:s0] =	ssyncadd.s32 @!p0 s1  }
0x11e: {  	[bflag:$0x3] =	sbarrier.arrive $0xFFFF  }
0x11f: {  	_ =	shalt  }

// kernel: kernel.18.cloned.1.call-start
scs
__scs_entry_jumppad:
0x0: {  	(pc) =	sbr.rel $0x88, $3  }
0x1: {  	(tag) =	ssettag $0x0;
	lr =	simm.s32 $0x1  }
0x2: {  	[smem:$0x3F82] =	sst lr;
	_ =	strace $0xD0000000  }
0x3: {  	_ = 	snop  }
0x4: {  	_ = 	snop  }
0x5: {  	_ = 	snop  }
0x6: {  	_ = 	snop  }
0x7: {  	_ = 	snop  }
__scs_overlays_trampoline_lowered:
0x8: {  	[smem:$0x3F91] =	sst s0  }
0x9: {  	[smem:$0x3F92] =	sst s1  }
0xa: {  	[smem:$0x3F93] =	sst s2  }
0xb: {  	[smem:$0x3F94] =	sst s3  }
0xc: {  	[smem:$0x3F95] =	sst s4  }
0xd: {  	[smem:$0x3F96] =	sst s5  }
0xe: {  	[smem:$0x3F97] =	sst s6  }
0xf: {  	[smem:$0x3F98] =	sst s7  }
0x10: {  	[smem:$0x3F99] =	sst s8  }
0x11: {  	[smem:$0x3F9A] =	sst s9;
	s0 =	simm.s32 @!p0 $0x0  }
0x12: {  	s1 =	sld [smem:$0x3F80];
	s0 =	simm.s32 @p0 $0x1  }
0x13: {  	[smem:$0x3F9B] =	sst s0;
	s0 =	simm.s32 @!p1 $0x0  }
0x14: {  	s2 =	sld [smem:$0x3F7F];
	s0 =	simm.s32 @p1 $0x1  }
0x15: {  	[smem:$0x3F9C] =	sst s0;
	s0 =	simm.s32 @!p2 $0x0  }
0x16: {  	s3 =	sld [smem:$0x3FDB];
	s0 =	simm.s32 @p2 $0x1  }
0x17: {  	s4 =	simm.s32 $0x1BF5;
	[smem:$0x3F9E] =	sst s0  }
0x18: {  	s0 =	sld [smem:$0x3F81];
	_ =	swait.ge [sflag:s4], $0x0  }
0x19: {  	s7 =	sld [smem:$0x3F82]  }
0x1a: {  	s8 =	sadd.s32 $0xFFFFE003, lr  }
0x1b: {  	s9 =	sadd.s32 $0xFFFFFEF7, lr;
	s5 =	simm.s32 $0xFFFFFFFF;
	p2 =	slt.u32 s8, $0xFFFFF086  }
0x1c: {  	p1 =	slt.u32 s9, $0xF7A;
	s5 =	simm.s32 @!p2 $0x0  }
0x1d: {  	s5 =	simm.s32 @p1 $0x1;
	p0 =	seq.s32 s7, s2  }
0x1e: {  	s7 =	smul.u32 @!p0 $0xF7A, s2;
	p2 =	seq.s32 @!p0 s5, $0x0  }
0x1f: {  	s9 =	smul.u32 $0xF7A, s1;
	s8 =	simm.s32 @!p0 $0x1BF5;
	p2 =	por !p2, p0  }
0x20: {  	[sflag:s8] =	ssyncset.s32 @!p0 $0xFFFFF086;
	s6 =	sadd.s32 @!p0 s3, s7;
	s7 =	simm.s32 @!p0 $0x108  }
0x21: {  	s3 =	sadd.s32 s3, s9;
	s6 =	sadd.s32 @!p0 $0x88, s6;
	s7 =	simm.s32 @p2 $0x1082  }
0x22: {  	[simem:s7], [sflag:s8] =	dma.local @!p0 [hbm:s6], $0xF7A  }
0x23: {  	s9 =	sor.u32 $0xD0000000, s2;
	s6 =	simm.s32 $0x108;
	_ =	swait.ge @!p0 [sflag:s8], $0x0  }
0x24: {  	s3 =	sadd.s32 $0x88, s3;
	s6 =	simm.s32 @!p1 $0x1082;
	[sflag:s4] =	ssyncset.s32 $0xFFFFF086  }
0x25: {  	[simem:s6], [sflag:s4] =	dma.local [hbm:s3], $0xF7A  }
0x26: {  	[smem:$0x3F82] =	sst s1;
	(tag) =	ssettag s2;
	_ =	strace s9  }
0x27: {  	s1 =	sld [smem:$0x3F92]  }
0x28: {  	s2 =	sld [smem:$0x3F93]  }
0x29: {  	s4 =	sld [smem:$0x3F95]  }
0x2a: {  	p0 =	seq.s32 s5, $0x0;
	s5 =	sld [smem:$0x3F96]  }
0x2b: {  	s6 =	sld [smem:$0x3F97]  }
0x2c: {  	s7 =	sld [smem:$0x3F98]  }
0x2d: {  	s3 =	simm.s32 $0x108;
	s8 =	sld [smem:$0x3F99]  }
0x2e: {  	s3 =	simm.s32 @!p0 $0x1082;
	s9 =	sld [smem:$0x3F9A]  }
0x2f: {  	lr =	sadd.s32 s0, s3;
	s0 =	sld [smem:$0x3F91]  }
0x30: {  	s3 =	sld [smem:$0x3F94]  }
0x31: {  	[smem:$0x3F9D] =	sst s10  }
0x32: {  	s10 =	sld [smem:$0x3F9B];
	_ =	sdelay $0x3  }
0x33: {  	p0 =	seq.s32 s10, $0x1;
	s10 =	sld [smem:$0x3F9D];
	_ =	sdelay $0x3  }
0x34: {  	[smem:$0x3F9D] =	sst s10  }
0x35: {  	s10 =	sld [smem:$0x3F9C];
	_ =	sdelay $0x3  }
0x36: {  	p1 =	seq.s32 s10, $0x1;
	s10 =	sld [smem:$0x3F9D];
	_ =	sdelay $0x3  }
0x37: {  	[smem:$0x3F9D] =	sst s10  }
0x38: {  	s10 =	sld [smem:$0x3F9E]  }
0x39: {  	_ = 	snop;
	(pc) =	sbr.ind lr, $3  }
0x3a: {  	_ = 	snop  }
0x3b: {  	_ = 	snop  }
0x3c: {  	p2 =	seq.s32 s10, $0x1;
	s10 =	sld [smem:$0x3F9D]  }
0x3d: {  	_ =	shalt  }
0x3e: {  	_ =	shalt  }
0x3f: {  	_ =	shalt  }
0x40: {  	_ =	shalt  }
0x41: {  	_ =	shalt  }
0x42: {  	_ =	shalt  }
0x43: {  	_ =	shalt  }
0x44: {  	_ =	shalt  }
0x45: {  	_ =	shalt  }
0x46: {  	_ =	shalt  }
0x47: {  	_ =	shalt  }
0x48: {  	_ =	shalt  }
0x49: {  	_ =	shalt  }
0x4a: {  	_ =	shalt  }
0x4b: {  	_ =	shalt  }
0x4c: {  	_ =	shalt  }
0x4d: {  	_ =	shalt  }
0x4e: {  	_ =	shalt  }
0x4f: {  	_ =	shalt  }
0x50: {  	_ =	shalt  }
0x51: {  	_ =	shalt  }
0x52: {  	_ =	shalt  }
0x53: {  	_ =	shalt  }
0x54: {  	_ =	shalt  }
0x55: {  	_ =	shalt  }
0x56: {  	_ =	shalt  }
0x57: {  	_ =	shalt  }
0x58: {  	_ =	shalt  }
0x59: {  	_ =	shalt  }
0x5a: {  	_ =	shalt  }
0x5b: {  	_ =	shalt  }
0x5c: {  	_ =	shalt  }
0x5d: {  	_ =	shalt  }
0x5e: {  	_ =	shalt  }
0x5f: {  	_ =	shalt  }
0x60: {  	_ =	shalt  }
0x61: {  	_ =	shalt  }
0x62: {  	_ =	shalt  }
0x63: {  	_ =	shalt  }
0x64: {  	_ =	shalt  }
0x65: {  	_ =	shalt  }
0x66: {  	_ =	shalt  }
0x67: {  	_ =	shalt  }
0x68: {  	_ =	shalt  }
0x69: {  	_ =	shalt  }
0x6a: {  	_ =	shalt  }
0x6b: {  	_ =	shalt  }
0x6c: {  	_ =	shalt  }
0x6d: {  	_ =	shalt  }
0x6e: {  	_ =	shalt  }
0x6f: {  	_ =	shalt  }
0x70: {  	_ =	shalt  }
0x71: {  	_ =	shalt  }
0x72: {  	_ =	shalt  }
0x73: {  	_ =	shalt  }
0x74: {  	_ =	shalt  }
0x75: {  	_ =	shalt  }
0x76: {  	_ =	shalt  }
0x77: {  	_ =	shalt  }
0x78: {  	_ =	shalt  }
0x79: {  	_ =	shalt  }
0x7a: {  	_ =	shalt  }
0x7b: {  	_ =	shalt  }
0x7c: {  	_ =	shalt  }
0x7d: {  	_ =	shalt  }
0x7e: {  	_ =	shalt  }
0x7f: {  	_ =	shalt  }
0x80: {  	_ =	shalt  }
0x81: {  	_ =	shalt  }
0x82: {  	_ =	shalt  }
0x83: {  	_ =	shalt  }
0x84: {  	_ =	shalt  }
0x85: {  	_ =	shalt  }
0x86: {  	_ =	shalt  }
0x87: {  	_ =	shalt  }
.Lfunc_end0:
.L_simem_size_0:
called_computation.2_lowered:
.L_overlay_start_0:
0x88: {  	s2 =	sld [smem:$0x3FD9]  }
0x89: {  	s3 =	sld [smem:$0x3FFE];
	_ =	sdelay $0x1  }
0x8a: {  	s1 =	srdreg.scid  }
0x8b: {  	s0 =	sand.u32 $0x1, s1  }
0x8c: {  	s16 =	sshll.u32 s0, $0xA;
	s2 =	sadd.s32 s3, s2  }
0x8d: {  	s2 =	sadd.s32 s2, s16  }
0x8e: {  	[smem:$0x3FA9] =	sst s2  }
0x8f: {  	_ = 	snop  }
0x90: {  	(tm) =	ssettm $0x1  }
0x91: {  	s17 =	sld [smem:$0x3FFB];
	_ =	sdelay $0x3  }
0x92: {  	_ =	strace s17  }
0x93: {  	s2 =	sld [smem:$0x3FFC];
	_ =	sdelay $0x3  }
0x94: {  	_ =	strace s2  }
0x95: {  	s2 =	sld [smem:$0x3FFD];
	_ =	sdelay $0x3  }
0x96: {  	_ =	strace s2  }
0x97: {  	_ =	strace $0x8FFFFFFF  }
0x98: {  	s18 =	sld [smem:$0x3FDB];
	_ =	sdelay $0x1  }
0x99: {  	s19 =	simm.s32 $_scs_section_size  }
0x9a: {  	s4 =	simm.s32 $_size__tile_overlayer_lowered;
	s5 =	simm.s32 $_tile_overlayer_lowered  }
0x9b: {  	s22 =	simm.s32 $0x1BFF;
	s21 =	sshll.u32 s5, $0x1;
	s2 =	sadd.s32 s19, s18  }
0x9c: {  	s6 =	simm.s32 $0x0;
	s20 =	sshll.u32 s4, $0x1;
	s4 =	sadd.s32 s21, s2  }
0x9d: {  	[timem:s6], [sflag:s22] =	dma.local [hbm:s4], s20  }
0x9e: {  	_ =	swait.ge [sflag:s22], s20  }
0x9f: {  	s3 =	ssub.s32 $0x0, s20;
	[sflag:s22] =	ssyncset.done $0x0  }
0xa0: {  	[sflag:s22] =	ssyncadd.s32 s3;
	_ =	sdelay $0x1  }
0xa1: {  	s23 =	simm.s32 $0x1B8B  }
0xa2: {  	_ =	swait.ge [sflag:s23], $0x1  }
0xa3: {  	[sflag:s23] =	ssyncset.done $0x0  }
0xa4: {  	s25 =	simm.s32 $0x1B8E;
	s24 =	sld [smem:$0x3FFE];
	[sflag:s23] =	ssyncadd.s32 $0xFFFFFFFF  }
0xa5: {  	s26 =	simm.s32 $execute0_lowered;
	[smem:$0x3FD2] =	sst s25  }
0xa6: {  	s4 =	sshll.u32 s26, $0x1;
	_ =	strace $0x8000004C;
	[dreg:$0x1] =	wrdreg $0xFFFFFFFF  }
0xa7: {  	s28 =	simm.s32 $_size_execute0_lowered;
	s2 =	sadd.s32 s2, s4;
	[dreg:$0x0] =	wrdreg $0x0  }
0xa8: {  	s4 =	sshll.u32 s28, $0x1;
	[dreg:$0x2] =	wrdreg s2  }
0xa9: {  	[dreg:$0x3] =	wrdreg s4  }
0xaa: {  	[dreg:$0x4] =	wrdreg $0xC0  }
0xab: {  	_ =	task [dreg:s6], $0x5FFFF  }
0xac: {  	[dreg:$0x1] =	wrdreg $0xFFFFFFFF  }
0xad: {  	[dreg:$0x0] =	wrdreg $0x60  }
0xae: {  	[dreg:$0x2] =	wrdreg s24  }
0xaf: {  	[dreg:$0x3] =	wrdreg $0x9  }
0xb0: {  	_ =	task.clear_ibuf [dreg:s6], $0x4FFFF;
	_ =	strace $0x9000004C  }
0xb1: {  	s29 =	simm.s32 $0x9;
	_ =	strace $0x8000004E  }
0xb2: {  	_ =	swait.ge [sflag:s29], $0x1  }
0xb3: {  	[sflag:s29] =	ssyncadd.s32 $0xFFFFFFFF  }
0xb4: {  	_ =	strace $0x9000004E  }
0xb5: {  	_ =	sfence  }
0xb6: {  	s30 =	sld [smem:$0x0];
	_ =	sdelay $0x2  }
0xb7: {  	s31 =	sshll.u32 s1, $0xD;
	s1 =	sshrl.u32 s1, $0x2  }
0xb8: {  	s3 =	sand.u32 $0x4000, s31;
	s1 =	sadd.s32 s1, s30  }
0xb9: {  	s0 =	sor.u32 s3, s0;
	s1 =	sshll.u32 s1, $0x11  }
0xba: {  	s0 =	sor.u32 s1, s0  }
0xbb: {  	s0 =	sadd.s32 $0x8F2B, s0  }
0xbc: {  	[sflag:s0] =	ssyncadd.remote.s32 $0x1  }
0xbd: {  	_ =	sfence.sel $0xFFFF  }
0xbe: {  	[dreg:$0x0] =	wrdreg $0xFFFFFFFF;
	(pc) =	sbr.abs _section_cstart, $3  }
0xbf: {  	[dreg:$0x1] =	wrdreg $0xFFFFFFFF  }
0xc0: {  	_ =	task.clear_ibuf [dreg:s6], $0x2FFFF;
	_ =	strace $0x9FFFFFFF  }
0xc1: {  	(tm) =	ssettm $0x7FFFFFFF  }
tec
execute0_lowered:
.L_overlay_start_1:
0x0: {  	(tag) =	ssettag $0x1  }
0x1: {  	s0 =	srdreg.scid  }
0x2: {  	s10 =	stileid.u32;
	s1 =	rddreg [dreg:$0x0]  }
0x3: {  	s2 =	simm.s32 $0x0;
	s16 =	simm.s32 $0x1;
	s17 =	simm.s32 $0x50  }
0x4: {  	s18 =	simm.s32 $0x4000;
	s19 =	simm.s32 $0x8000;
	s28 =	simm.s32 $0x17000  }
0x5: {  	s29 =	simm.s32 $0x19800;
	s30 =	simm.s32 $0x2;
	s31 =	simm.s32 $0x3  }
0x6: {  	s0 =	sand.u32 $0x1, s0;
	s3 =	smul.u32 $0x4E20, s10;
	s7 =	sadd.s32 $0x131200, s1  }
0x7: {  	[smem:$0x7FF] =	sst s2;
	s13 =	sadd.s32 $0x613200, s1;
	s15 =	smul.u32 $0x4E200, s10  }
0x8: {  	s5 =	sshll.u32 s10, $0x1;
	s14 =	sadd.s32 $0xAF5200, s1;
	s4 =	smul.u32 $0x2710, s0  }
0x9: {  	s5 =	sor.u32 s0, s5;
	s8 =	ssub.s32 $0x2, s0;
	s0 =	smul.u32 $0x27100, s0  }
0xa: {  	_ =	strace $0x8000004D;
	s5 =	smul.u32 $0x27100, s5;
	s9 =	sshrl.u32 s8, $0x1  }
0xb: {  	s24 =	sadd.s32 s15, s7;
	s25 =	sadd.s32 s15, s13;
	s26 =	sadd.s32 s15, s14  }
0xc: {  	s4 =	sadd.s32 s4, s3;
	s3 =	sadd.s32 $0x1D400, s1;
	s9 =	ssub.s32 s8, s9  }
0xd: {  	s12 =	sadd.s32 s0, s24;
	s24 =	simm.s32 $0x12000;
	s6 =	sshrl.u32 s4, $0x3  }
0xe: {  	s4 =	sadd.s32 $0x44600, s1;
	s5 =	sadd.s32 $0x26C00, s5;
	s23 =	smax.u32 s9, $0x1  }
0xf: {  	s6 =	sadd.s32 s6, s1;
	s1 =	sadd.s32 $0x13F5C00, s1;
	s20 =	sadd.s32 s7, s5  }
0x10: {  	s21 =	sadd.s32 s13, s5;
	s22 =	sadd.s32 s14, s5;
	[dreg:$0x6] =	wrdreg s23  }
0x11: {  	s13 =	sadd.s32 s0, s25;
	s14 =	sadd.s32 s0, s26;
	[dreg:$0x2] =	wrdreg s20  }
.Ltmp0:
0x12: {  	s26 =	simm.s32 $0x14800;
	[dreg:$0x3] =	wrdreg s21;
	(pc) =	sbr.rel .LBB2_1-.Ltmp0, $4  }
0x13: {  	[dreg:$0x4] =	wrdreg s22;
	s5 =	sadd.s32 s1, s5;
	s10 =	sadd.s32 $0x13600, s6  }
0x14: {  	s11 =	sadd.s32 $0x9800, s6;
	s1 =	sadd.s32 s15, s1;
	s20 =	simm.s32 $0xA800  }
0x15: {  	s21 =	simm.s32 $0xD000;
	s22 =	simm.s32 $0xF800;
	[dreg:$0x5] =	wrdreg s5  }
0x16: {  	s15 =	sadd.s32 s0, s1;
	s1 =	simm.s32 $0x4;
	s0 =	simm.s32 $0x0  }
.LBB2_8:
0x17: {  	_ =	swait.ge [sflag:s1], $0x2800  }
0x18: {  	[sflag:s1] =	ssyncset.done $0x0  }
0x19: {  	[sflag:s1] =	ssyncadd.s32 $0xFFFFD800  }
0x1a: {  	_ =	swait.ge [sflag:s1], $0x2800  }
0x1b: {  	[sflag:s1] =	ssyncset.done $0x0  }
0x1c: {  	[sflag:s1] =	ssyncadd.s32 $0xFFFFD800  }
0x1d: {  	_ =	swait.ge [sflag:s1], $0x2800  }
0x1e: {  	[sflag:s1] =	ssyncset.done $0x0  }
0x1f: {  	[sflag:s1] =	ssyncadd.s32 $0xFFFFD800  }
0x20: {  	_ =	swait.ge [sflag:s1], $0x2800  }
0x21: {  	[sflag:s1] =	ssyncset.done $0x0  }
0x22: {  	[sflag:s1] =	ssyncadd.s32 $0xFFFFD800  }
0x23: {  	_ =	swait.ge [sflag:s16], $0x2800  }
0x24: {  	[sflag:s16] =	ssyncset.done $0x0  }
0x25: {  	[sflag:s16] =	ssyncadd.s32 $0xFFFFD800  }
0x26: {  	_ =	swait.ge [sflag:s16], $0x2800  }
0x27: {  	[sflag:s16] =	ssyncset.done $0x0  }
0x28: {  	[sflag:s16] =	ssyncadd.s32 $0xFFFFD800  }
0x29: {  	_ =	swait.ge [sflag:s16], $0x2800  }
0x2a: {  	[sflag:s16] =	ssyncset.done $0x0  }
0x2b: {  	[sflag:s16] =	ssyncadd.s32 $0xFFFFD800  }
0x2c: {  	_ =	swait.ge [sflag:s16], $0x2800  }
0x2d: {  	[sflag:s16] =	ssyncset.done $0x0  }
0x2e: {  	s5 =	rddreg [dreg:$0x2];
	[sflag:s16] =	ssyncadd.s32 $0xFFFFD800  }
0x2f: {  	[hbm4b:s5+s2] =	stream.linear.scatter [tilespmem:s19], [sflag:$0x3], $0x2800, $0x38;
	[tilespmem:$0x1C000] =	vst v63  }
0x30: {  	s8 =	rddreg [dreg:$0x3]  }
0x31: {  	[hbm4b:s8+s2] =	stream.linear.scatter [tilespmem:s20], [sflag:$0x3], $0x2800, $0x38;
	[tilespmem:$0x1C000] =	vst v63  }
0x32: {  	s9 =	rddreg [dreg:$0x4]  }
0x33: {  	[hbm4b:s9+s2] =	stream.linear.scatter [tilespmem:s21], [sflag:$0x3], $0x2800, $0x38;
	[tilespmem:$0x1C000] =	vst v63  }
0x34: {  	s23 =	rddreg [dreg:$0x5]  }
0x35: {  	[hbm4b:s23+s2] =	stream.linear.scatter [tilespmem:s22], [sflag:$0x3], $0x2800, $0x38;
	[tilespmem:$0x1C000] =	vst v63  }
0x36: {  	_ =	swait.ge [sflag:s31], $0x2800  }
0x37: {  	[sflag:s31] =	ssyncset.done $0x0  }
0x38: {  	[sflag:s31] =	ssyncadd.s32 $0xFFFFD800  }
0x39: {  	_ =	swait.ge [sflag:s31], $0x2800  }
0x3a: {  	[sflag:s31] =	ssyncset.done $0x0  }
0x3b: {  	[sflag:s31] =	ssyncadd.s32 $0xFFFFD800  }
0x3c: {  	_ =	swait.ge [sflag:s31], $0x2800  }
0x3d: {  	[sflag:s31] =	ssyncset.done $0x0  }
0x3e: {  	[sflag:s31] =	ssyncadd.s32 $0xFFFFD800  }
0x3f: {  	_ =	swait.ge [sflag:s31], $0x2800  }
0x40: {  	s0 =	sadd.s32 $0x1, s0;
	s25 =	rddreg [dreg:$0x6]  }
0x41: {  	p0 =	sne.s32 s0, s25  }
.Ltmp1:
0x42: {  	_ = 	snop;
	(pc) =	sbr.rel @!p0 .LBB2_9-.Ltmp1, $3  }
0x43: {  	_ =	sdelay $0x1  }
0x44: {  	[sflag:s31] =	ssyncset.done $0x0  }
0x45: {  	[sflag:s31] =	ssyncadd.s32 $0xFFFFD800  }
.LBB2_1:
0x46: {  	s5 =	sadd.s32 $0x0, s11;
	s25 =	sadd.s32 $0x0, s10  }
0x47: {  	[tilespmem:s2], [sflag:$0x1] =	stream.linear.gather [hbm4b:s5+s2], $0x50, $0x38;
	[tilespmem:$0x1C000] =	vst v63  }
0x48: {  	s6 =	simm.s32 $0x80;
	s7 =	simm.s32 $0x4000;
	s5 =	simm.s32 $0xA  }
0x49: {  	[tilespmem:s18], [sflag:$0x1] =	stream.linear.gather [hbm4b:s25+s2], $0x50, $0x38;
	[tilespmem:$0x1C000] =	vst v63  }
.LBB2_2:
0x4a: {  	s8 =	sadd.s32 s5, s11  }
0x4b: {  	p0 =	sne.s32 s5, $0x4D8;
	s9 =	smov.u32 s5;
	s5 =	sadd.s32 $0xA, s5  }
0x4c: {  	[tilespmem:s6], [sflag:$0x1] =	stream.linear.gather [hbm4b:s8+s2], $0x50, $0x38;
	[tilespmem:$0x1C000] =	vst v63  }
.Ltmp2:
0x4d: {  	_ = 	snop;
	(pc) =	sbr.rel @p0 .LBB2_2-.Ltmp2, $4  }
0x4e: {  	s7 =	sadd.s32 $0x80, s7;
	s8 =	sadd.s32 s9, s10  }
0x4f: {  	[tilespmem:s7], [sflag:$0x1] =	stream.linear.gather [hbm4b:s8+s2], $0x50, $0x38;
	[tilespmem:$0x1C000] =	vst v63  }
0x50: {  	_ = 	snop  }
0x51: {  	s6 =	sadd.s32 $0x80, s6  }
0x52: {  	_ =	swait.ge [sflag:s16], $0x50  }
0x53: {  	[sflag:s16] =	ssyncset.done $0x0  }
0x54: {  	[sflag:s16] =	ssyncadd.s32 $0xFFFFFFB0  }
0x55: {  	_ =	swait.ge [sflag:s16], $0x50  }
0x56: {  	s5 =	simm.s32 $0x7C;
	[sflag:s16] =	ssyncset.done $0x0  }
.LBB2_4:
0x57: {  	p0 =	sne.s32 s5, $0x1;
	s5 =	sadd.s32 $0xFFFFFFFF, s5;
	[sflag:s16] =	ssyncadd.s32 $0xFFFFFFB0  }
.Ltmp3:
0x58: {  	_ =	swait.ge [sflag:s16], $0x50;
	(pc) =	sbr.rel @p0 .LBB2_4-.Ltmp3, $4  }
0x59: {  	[sflag:s16] =	ssyncset.done $0x0  }
0x5a: {  	[sflag:s16] =	ssyncadd.s32 $0xFFFFFFB0  }
0x5b: {  	_ =	swait.ge [sflag:s16], $0x50  }
0x5c: {  	[sflag:s16] =	ssyncset.done $0x0  }
0x5d: {  	[sflag:s16] =	ssyncadd.s32 $0xFFFFFFB0  }
0x5e: {  	[tilespmem:s19], [sflag:$0x1] =	stream.indirect.gather [hbm4b:s3+s17], $0x80, s18, s17, $0xb8;
	[tilespmem:$0x1C000] =	vst v63  }
0x5f: {  	s5 =	simm.s32 $0x0  }
0x60: {  	[tilespmem:s20], [sflag:$0x1] =	stream.indirect.gather [hbm4b:s3+s17], $0x80, s5, s17, $0xb8;
	[tilespmem:$0x1C000] =	vst v63  }
0x61: {  	_ = 	snop  }
0x62: {  	[tilespmem:s21], [sflag:$0x1] =	stream.indirect.gather [hbm4b:s4+s17], $0x80, s18, s17, $0xb8;
	[tilespmem:$0x1C000] =	vst v63  }
0x63: {  	_ = 	snop  }
0x64: {  	[tilespmem:s22], [sflag:$0x1] =	stream.indirect.gather [hbm4b:s4+s17], $0x80, s5, s17, $0xb8;
	[tilespmem:$0x1C000] =	vst v63  }
0x65: {  	s6 =	simm.s32 $0x4080  }
0x66: {  	[tilespmem:s24], [sflag:$0x2] =	stream.indirect.gather [hbm4b:s3+s17], $0x80, s6, s17, $0xb8;
	[tilespmem:$0x1C000] =	vst v63  }
0x67: {  	s7 =	simm.s32 $0x80  }
0x68: {  	[tilespmem:s26], [sflag:$0x2] =	stream.indirect.gather [hbm4b:s3+s17], $0x80, s7, s17, $0xb8;
	[tilespmem:$0x1C000] =	vst v63  }
0x69: {  	_ = 	snop  }
0x6a: {  	[tilespmem:s28], [sflag:$0x2] =	stream.indirect.gather [hbm4b:s4+s17], $0x80, s6, s17, $0xb8;
	[tilespmem:$0x1C000] =	vst v63  }
0x6b: {  	_ = 	snop  }
0x6c: {  	[tilespmem:s29], [sflag:$0x2] =	stream.indirect.gather [hbm4b:s4+s17], $0x80, s7, s17, $0xb8;
	[tilespmem:$0x1C000] =	vst v63  }
0x6d: {  	s6 =	simm.s32 $0x100;
	s7 =	simm.s32 $0x4100  }
.LBB2_6:
0x6e: {  	_ =	swait.ge [sflag:s16], $0x2800  }
0x6f: {  	[sflag:s16] =	ssyncset.done $0x0  }
0x70: {  	[sflag:s16] =	ssyncadd.s32 $0xFFFFD800  }
0x71: {  	_ =	swait.ge [sflag:s16], $0x2800  }
0x72: {  	[sflag:s16] =	ssyncset.done $0x0  }
0x73: {  	[sflag:s16] =	ssyncadd.s32 $0xFFFFD800  }
0x74: {  	_ =	swait.ge [sflag:s16], $0x2800  }
0x75: {  	[sflag:s16] =	ssyncset.done $0x0  }
0x76: {  	[sflag:s16] =	ssyncadd.s32 $0xFFFFD800  }
0x77: {  	_ =	swait.ge [sflag:s16], $0x2800  }
0x78: {  	[sflag:s16] =	ssyncset.done $0x0  }
0x79: {  	s8 =	sadd.s32 s5, s12;
	[sflag:s16] =	ssyncadd.s32 $0xFFFFD800  }
0x7a: {  	[hbm4b:s8+s2] =	stream.linear.scatter [tilespmem:s19], [sflag:$0x3], $0x2800, $0x38;
	[tilespmem:$0x1C000] =	vst v63  }
0x7b: {  	s9 =	sadd.s32 s5, s13  }
0x7c: {  	[hbm4b:s9+s2] =	stream.linear.scatter [tilespmem:s20], [sflag:$0x3], $0x2800, $0x38;
	[tilespmem:$0x1C000] =	vst v63  }
0x7d: {  	s23 =	sadd.s32 s5, s14  }
0x7e: {  	[hbm4b:s23+s2] =	stream.linear.scatter [tilespmem:s21], [sflag:$0x3], $0x2800, $0x38;
	[tilespmem:$0x1C000] =	vst v63  }
0x7f: {  	s25 =	sadd.s32 s5, s15  }
0x80: {  	[hbm4b:s25+s2] =	stream.linear.scatter [tilespmem:s22], [sflag:$0x3], $0x2800, $0x38;
	[tilespmem:$0x1C000] =	vst v63  }
0x81: {  	_ =	swait.ge [sflag:s30], $0x2800  }
0x82: {  	[sflag:s30] =	ssyncset.done $0x0  }
0x83: {  	[sflag:s30] =	ssyncadd.s32 $0xFFFFD800  }
0x84: {  	_ =	swait.ge [sflag:s30], $0x2800  }
0x85: {  	[sflag:s30] =	ssyncset.done $0x0  }
0x86: {  	[sflag:s30] =	ssyncadd.s32 $0xFFFFD800  }
0x87: {  	_ =	swait.ge [sflag:s30], $0x2800  }
0x88: {  	[sflag:s30] =	ssyncset.done $0x0  }
0x89: {  	[sflag:s30] =	ssyncadd.s32 $0xFFFFD800  }
0x8a: {  	_ =	swait.ge [sflag:s30], $0x2800  }
0x8b: {  	[sflag:s30] =	ssyncset.done $0x0  }
0x8c: {  	s8 =	sadd.s32 $0x500, s8;
	[sflag:s30] =	ssyncadd.s32 $0xFFFFD800  }
0x8d: {  	[hbm4b:s8+s2] =	stream.linear.scatter [tilespmem:s24], [sflag:$0x4], $0x2800, $0x38;
	[tilespmem:$0x1C000] =	vst v63  }
0x8e: {  	s9 =	sadd.s32 $0x500, s9  }
0x8f: {  	[hbm4b:s9+s2] =	stream.linear.scatter [tilespmem:s26], [sflag:$0x4], $0x2800, $0x38;
	[tilespmem:$0x1C000] =	vst v63  }
0x90: {  	s23 =	sadd.s32 $0x500, s23  }
0x91: {  	[hbm4b:s23+s2] =	stream.linear.scatter [tilespmem:s28], [sflag:$0x4], $0x2800, $0x38;
	[tilespmem:$0x1C000] =	vst v63  }
0x92: {  	s25 =	sadd.s32 $0x500, s25  }
0x93: {  	[hbm4b:s25+s2] =	stream.linear.scatter [tilespmem:s29], [sflag:$0x4], $0x2800, $0x38;
	[tilespmem:$0x1C000] =	vst v63  }
0x94: {  	_ =	swait.ge [sflag:s31], $0x2800  }
0x95: {  	[sflag:s31] =	ssyncset.done $0x0  }
0x96: {  	[sflag:s31] =	ssyncadd.s32 $0xFFFFD800  }
0x97: {  	_ =	swait.ge [sflag:s31], $0x2800  }
0x98: {  	[sflag:s31] =	ssyncset.done $0x0  }
0x99: {  	[sflag:s31] =	ssyncadd.s32 $0xFFFFD800  }
0x9a: {  	_ =	swait.ge [sflag:s31], $0x2800  }
0x9b: {  	[sflag:s31] =	ssyncset.done $0x0  }
0x9c: {  	[sflag:s31] =	ssyncadd.s32 $0xFFFFD800  }
0x9d: {  	_ =	swait.ge [sflag:s31], $0x2800  }
0x9e: {  	[sflag:s31] =	ssyncset.done $0x0  }
0x9f: {  	[sflag:s31] =	ssyncadd.s32 $0xFFFFD800  }
0xa0: {  	[tilespmem:s19], [sflag:$0x1] =	stream.indirect.gather [hbm4b:s3+s17], $0x80, s7, s17, $0xb8;
	[tilespmem:$0x1C000] =	vst v63  }
0xa1: {  	p0 =	seq.s32 s5, $0x26200  }
0xa2: {  	[tilespmem:s20], [sflag:$0x1] =	stream.indirect.gather [hbm4b:s3+s17], $0x80, s6, s17, $0xb8;
	[tilespmem:$0x1C000] =	vst v63  }
.Ltmp4:
0xa3: {  	_ = 	snop;
	(pc) =	sbr.rel @p0 .LBB2_8-.Ltmp4, $4  }
0xa4: {  	_ = 	snop  }
0xa5: {  	[tilespmem:s21], [sflag:$0x1] =	stream.indirect.gather [hbm4b:s4+s17], $0x80, s7, s17, $0xb8;
	[tilespmem:$0x1C000] =	vst v63  }
0xa6: {  	_ = 	snop  }
0xa7: {  	[tilespmem:s22], [sflag:$0x1] =	stream.indirect.gather [hbm4b:s4+s17], $0x80, s6, s17, $0xb8;
	[tilespmem:$0x1C000] =	vst v63  }
0xa8: {  	_ =	swait.ge [sflag:s1], $0x2800  }
0xa9: {  	[sflag:s1] =	ssyncset.done $0x0  }
0xaa: {  	[sflag:s1] =	ssyncadd.s32 $0xFFFFD800  }
0xab: {  	_ =	swait.ge [sflag:s1], $0x2800  }
0xac: {  	[sflag:s1] =	ssyncset.done $0x0  }
0xad: {  	[sflag:s1] =	ssyncadd.s32 $0xFFFFD800  }
0xae: {  	_ =	swait.ge [sflag:s1], $0x2800  }
0xaf: {  	[sflag:s1] =	ssyncset.done $0x0  }
0xb0: {  	[sflag:s1] =	ssyncadd.s32 $0xFFFFD800  }
0xb1: {  	_ =	swait.ge [sflag:s1], $0x2800  }
0xb2: {  	[sflag:s1] =	ssyncset.done $0x0  }
0xb3: {  	s8 =	sadd.s32 $0x80, s7;
	[sflag:s1] =	ssyncadd.s32 $0xFFFFD800  }
0xb4: {  	[tilespmem:s24], [sflag:$0x2] =	stream.indirect.gather [hbm4b:s3+s17], $0x80, s8, s17, $0xb8;
	[tilespmem:$0x1C000] =	vst v63  }
0xb5: {  	s9 =	sadd.s32 $0x80, s6  }
0xb6: {  	[tilespmem:s26], [sflag:$0x2] =	stream.indirect.gather [hbm4b:s3+s17], $0x80, s9, s17, $0xb8;
	[tilespmem:$0x1C000] =	vst v63  }
.Ltmp5:
0xb7: {  	_ = 	snop;
	(pc) =	sbr.rel .LBB2_6-.Ltmp5, $4  }
0xb8: {  	_ = 	snop  }
0xb9: {  	[tilespmem:s28], [sflag:$0x2] =	stream.indirect.gather [hbm4b:s4+s17], $0x80, s8, s17, $0xb8;
	[tilespmem:$0x1C000] =	vst v63  }
0xba: {  	s5 =	sadd.s32 $0xA00, s5;
	s6 =	sadd.s32 $0x100, s6;
	s7 =	sadd.s32 $0x100, s7  }
0xbb: {  	[tilespmem:s29], [sflag:$0x2] =	stream.indirect.gather [hbm4b:s4+s17], $0x80, s9, s17, $0xb8;
	[tilespmem:$0x1C000] =	vst v63  }
.LBB2_9:
0xbc: {  	_ =	sfence.sel $0x180000  }
0xbd: {  	[bflag:$0x0] =	sbarrier.arrive $0xFFFF  }
0xbe: {  	_ =	strace $0x9000004D  }
0xbf: {  	s0 =	stileid.u32;
	[bflag:$0x2] =	sbarrier.arrive $0xFFFF  }
0xc0: {  	p0 =	sne.s32 s0, $0x0;
	s0 =	rddreg [dreg:$0x1]  }
0xc1: {  	s0 =	sadd.s32 @!p0 $0x100000, s0  }
0xc2: {  	[sflag:s0] =	ssyncadd.tile.s32 @!p0 $0x1;
	_ =	shalt  }
.Lfunc_end2:
_tile_overlayer_lowered:
.L_overlay_start_2:
0xc3: {  	(tag) =	ssettag $0x2  }
0xc4: {  	s0 =	rddreg [dreg:$0x0];
	s2 =	stileid.u32  }
0xc5: {  	s1 =	rddreg [dreg:$0x1];
	p0 =	sne.s32 s2, $0x0  }
0xc6: {  	s3 =	rddreg [dreg:$0x2];
	[bflag:$0x3] =	sbarrier.arrive $0xFFFF;
	s2 =	simm.s32 @!p0 $0x1C05  }
0xc7: {  	[timem:s3], [sflag:s2] =	dma.local @!p0 [hbm:s0], s1  }
0xc8: {  	s0 =	simm.s32 @!p0 $0x5  }
0xc9: {  	_ =	swait.ge @!p0 [sflag:s0], s1  }
0xca: {  	s1 =	ssub.s32 @!p0 $0x0, s1;
	[sflag:s0] =	ssyncset.done @!p0 $0x0  }
0xcb: {  	[sflag:s0] =	ssyncadd.s32 @!p0 s1  }
0xcc: {  	[bflag:$0x3] =	sbarrier.arrive $0xFFFF  }
0xcd: {  	_ =	shalt  }

// kernel: kernel.21.cloned.1.call-start
scs
__scs_entry_jumppad:
0x0: {  	(pc) =	sbr.rel $0x88, $3  }
0x1: {  	(tag) =	ssettag $0x0;
	lr =	simm.s32 $0x1  }
0x2: {  	[smem:$0x3F82] =	sst lr;
	_ =	strace $0xD0000000  }
0x3: {  	_ = 	snop  }
0x4: {  	_ = 	snop  }
0x5: {  	_ = 	snop  }
0x6: {  	_ = 	snop  }
0x7: {  	_ = 	snop  }
__scs_overlays_trampoline_lowered:
0x8: {  	[smem:$0x3F91] =	sst s0  }
0x9: {  	[smem:$0x3F92] =	sst s1  }
0xa: {  	[smem:$0x3F93] =	sst s2  }
0xb: {  	[smem:$0x3F94] =	sst s3  }
0xc: {  	[smem:$0x3F95] =	sst s4  }
0xd: {  	[smem:$0x3F96] =	sst s5  }
0xe: {  	[smem:$0x3F97] =	sst s6  }
0xf: {  	[smem:$0x3F98] =	sst s7  }
0x10: {  	[smem:$0x3F99] =	sst s8  }
0x11: {  	[smem:$0x3F9A] =	sst s9;
	s0 =	simm.s32 @!p0 $0x0  }
0x12: {  	s1 =	sld [smem:$0x3F80];
	s0 =	simm.s32 @p0 $0x1  }
0x13: {  	[smem:$0x3F9B] =	sst s0;
	s0 =	simm.s32 @!p1 $0x0  }
0x14: {  	s2 =	sld [smem:$0x3F7F];
	s0 =	simm.s32 @p1 $0x1  }
0x15: {  	[smem:$0x3F9C] =	sst s0;
	s0 =	simm.s32 @!p2 $0x0  }
0x16: {  	s3 =	sld [smem:$0x3FDB];
	s0 =	simm.s32 @p2 $0x1  }
0x17: {  	s4 =	simm.s32 $0x1BF5;
	[smem:$0x3F9E] =	sst s0  }
0x18: {  	s0 =	sld [smem:$0x3F81];
	_ =	swait.ge [sflag:s4], $0x0  }
0x19: {  	s7 =	sld [smem:$0x3F82]  }
0x1a: {  	s8 =	sadd.s32 $0xFFFFE003, lr  }
0x1b: {  	s9 =	sadd.s32 $0xFFFFFEF7, lr;
	s5 =	simm.s32 $0xFFFFFFFF;
	p2 =	slt.u32 s8, $0xFFFFF086  }
0x1c: {  	p1 =	slt.u32 s9, $0xF7A;
	s5 =	simm.s32 @!p2 $0x0  }
0x1d: {  	s5 =	simm.s32 @p1 $0x1;
	p0 =	seq.s32 s7, s2  }
0x1e: {  	s7 =	smul.u32 @!p0 $0xF7A, s2;
	p2 =	seq.s32 @!p0 s5, $0x0  }
0x1f: {  	s9 =	smul.u32 $0xF7A, s1;
	s8 =	simm.s32 @!p0 $0x1BF5;
	p2 =	por !p2, p0  }
0x20: {  	[sflag:s8] =	ssyncset.s32 @!p0 $0xFFFFF086;
	s6 =	sadd.s32 @!p0 s3, s7;
	s7 =	simm.s32 @!p0 $0x108  }
0x21: {  	s3 =	sadd.s32 s3, s9;
	s6 =	sadd.s32 @!p0 $0x88, s6;
	s7 =	simm.s32 @p2 $0x1082  }
0x22: {  	[simem:s7], [sflag:s8] =	dma.local @!p0 [hbm:s6], $0xF7A  }
0x23: {  	s9 =	sor.u32 $0xD0000000, s2;
	s6 =	simm.s32 $0x108;
	_ =	swait.ge @!p0 [sflag:s8], $0x0  }
0x24: {  	s3 =	sadd.s32 $0x88, s3;
	s6 =	simm.s32 @!p1 $0x1082;
	[sflag:s4] =	ssyncset.s32 $0xFFFFF086  }
0x25: {  	[simem:s6], [sflag:s4] =	dma.local [hbm:s3], $0xF7A  }
0x26: {  	[smem:$0x3F82] =	sst s1;
	(tag) =	ssettag s2;
	_ =	strace s9  }
0x27: {  	s1 =	sld [smem:$0x3F92]  }
0x28: {  	s2 =	sld [smem:$0x3F93]  }
0x29: {  	s4 =	sld [smem:$0x3F95]  }
0x2a: {  	p0 =	seq.s32 s5, $0x0;
	s5 =	sld [smem:$0x3F96]  }
0x2b: {  	s6 =	sld [smem:$0x3F97]  }
0x2c: {  	s7 =	sld [smem:$0x3F98]  }
0x2d: {  	s3 =	simm.s32 $0x108;
	s8 =	sld [smem:$0x3F99]  }
0x2e: {  	s3 =	simm.s32 @!p0 $0x1082;
	s9 =	sld [smem:$0x3F9A]  }
0x2f: {  	lr =	sadd.s32 s0, s3;
	s0 =	sld [smem:$0x3F91]  }
0x30: {  	s3 =	sld [smem:$0x3F94]  }
0x31: {  	[smem:$0x3F9D] =	sst s10  }
0x32: {  	s10 =	sld [smem:$0x3F9B];
	_ =	sdelay $0x3  }
0x33: {  	p0 =	seq.s32 s10, $0x1;
	s10 =	sld [smem:$0x3F9D];
	_ =	sdelay $0x3  }
0x34: {  	[smem:$0x3F9D] =	sst s10  }
0x35: {  	s10 =	sld [smem:$0x3F9C];
	_ =	sdelay $0x3  }
0x36: {  	p1 =	seq.s32 s10, $0x1;
	s10 =	sld [smem:$0x3F9D];
	_ =	sdelay $0x3  }
0x37: {  	[smem:$0x3F9D] =	sst s10  }
0x38: {  	s10 =	sld [smem:$0x3F9E]  }
0x39: {  	_ = 	snop;
	(pc) =	sbr.ind lr, $3  }
0x3a: {  	_ = 	snop  }
0x3b: {  	_ = 	snop  }
0x3c: {  	p2 =	seq.s32 s10, $0x1;
	s10 =	sld [smem:$0x3F9D]  }
0x3d: {  	_ =	shalt  }
0x3e: {  	_ =	shalt  }
0x3f: {  	_ =	shalt  }
0x40: {  	_ =	shalt  }
0x41: {  	_ =	shalt  }
0x42: {  	_ =	shalt  }
0x43: {  	_ =	shalt  }
0x44: {  	_ =	shalt  }
0x45: {  	_ =	shalt  }
0x46: {  	_ =	shalt  }
0x47: {  	_ =	shalt  }
0x48: {  	_ =	shalt  }
0x49: {  	_ =	shalt  }
0x4a: {  	_ =	shalt  }
0x4b: {  	_ =	shalt  }
0x4c: {  	_ =	shalt  }
0x4d: {  	_ =	shalt  }
0x4e: {  	_ =	shalt  }
0x4f: {  	_ =	shalt  }
0x50: {  	_ =	shalt  }
0x51: {  	_ =	shalt  }
0x52: {  	_ =	shalt  }
0x53: {  	_ =	shalt  }
0x54: {  	_ =	shalt  }
0x55: {  	_ =	shalt  }
0x56: {  	_ =	shalt  }
0x57: {  	_ =	shalt  }
0x58: {  	_ =	shalt  }
0x59: {  	_ =	shalt  }
0x5a: {  	_ =	shalt  }
0x5b: {  	_ =	shalt  }
0x5c: {  	_ =	shalt  }
0x5d: {  	_ =	shalt  }
0x5e: {  	_ =	shalt  }
0x5f: {  	_ =	shalt  }
0x60: {  	_ =	shalt  }
0x61: {  	_ =	shalt  }
0x62: {  	_ =	shalt  }
0x63: {  	_ =	shalt  }
0x64: {  	_ =	shalt  }
0x65: {  	_ =	shalt  }
0x66: {  	_ =	shalt  }
0x67: {  	_ =	shalt  }
0x68: {  	_ =	shalt  }
0x69: {  	_ =	shalt  }
0x6a: {  	_ =	shalt  }
0x6b: {  	_ =	shalt  }
0x6c: {  	_ =	shalt  }
0x6d: {  	_ =	shalt  }
0x6e: {  	_ =	shalt  }
0x6f: {  	_ =	shalt  }
0x70: {  	_ =	shalt  }
0x71: {  	_ =	shalt  }
0x72: {  	_ =	shalt  }
0x73: {  	_ =	shalt  }
0x74: {  	_ =	shalt  }
0x75: {  	_ =	shalt  }
0x76: {  	_ =	shalt  }
0x77: {  	_ =	shalt  }
0x78: {  	_ =	shalt  }
0x79: {  	_ =	shalt  }
0x7a: {  	_ =	shalt  }
0x7b: {  	_ =	shalt  }
0x7c: {  	_ =	shalt  }
0x7d: {  	_ =	shalt  }
0x7e: {  	_ =	shalt  }
0x7f: {  	_ =	shalt  }
0x80: {  	_ =	shalt  }
0x81: {  	_ =	shalt  }
0x82: {  	_ =	shalt  }
0x83: {  	_ =	shalt  }
0x84: {  	_ =	shalt  }
0x85: {  	_ =	shalt  }
0x86: {  	_ =	shalt  }
0x87: {  	_ =	shalt  }
.Lfunc_end0:
.L_simem_size_0:
called_computation.3_lowered:
.L_overlay_start_0:
0x88: {  	s2 =	sld [smem:$0x3FD9]  }
0x89: {  	s3 =	sld [smem:$0x3FFE];
	_ =	sdelay $0x1  }
0x8a: {  	s1 =	srdreg.scid  }
0x8b: {  	s0 =	sand.u32 $0x1, s1  }
0x8c: {  	s16 =	sshll.u32 s0, $0xA;
	s2 =	sadd.s32 s3, s2  }
0x8d: {  	s2 =	sadd.s32 s2, s16  }
0x8e: {  	[smem:$0x3FA9] =	sst s2  }
0x8f: {  	_ = 	snop  }
0x90: {  	(tm) =	ssettm $0x1  }
0x91: {  	s17 =	sld [smem:$0x3FFB];
	_ =	sdelay $0x3  }
0x92: {  	_ =	strace s17  }
0x93: {  	s2 =	sld [smem:$0x3FFC];
	_ =	sdelay $0x3  }
0x94: {  	_ =	strace s2  }
0x95: {  	s2 =	sld [smem:$0x3FFD];
	_ =	sdelay $0x3  }
0x96: {  	_ =	strace s2  }
0x97: {  	_ =	strace $0x8FFFFFFF  }
0x98: {  	s18 =	sld [smem:$0x3FDB];
	_ =	sdelay $0x1  }
0x99: {  	s19 =	simm.s32 $_scs_section_size  }
0x9a: {  	s4 =	simm.s32 $_size__tile_overlayer_lowered;
	s5 =	simm.s32 $_tile_overlayer_lowered  }
0x9b: {  	s22 =	simm.s32 $0x1BFF;
	s21 =	sshll.u32 s5, $0x1;
	s2 =	sadd.s32 s19, s18  }
0x9c: {  	s6 =	simm.s32 $0x0;
	s20 =	sshll.u32 s4, $0x1;
	s4 =	sadd.s32 s21, s2  }
0x9d: {  	[timem:s6], [sflag:s22] =	dma.local [hbm:s4], s20  }
0x9e: {  	_ =	swait.ge [sflag:s22], s20  }
0x9f: {  	s3 =	ssub.s32 $0x0, s20;
	[sflag:s22] =	ssyncset.done $0x0  }
0xa0: {  	[sflag:s22] =	ssyncadd.s32 s3;
	_ =	sdelay $0x1  }
0xa1: {  	s23 =	simm.s32 $0x1B8B  }
0xa2: {  	_ =	swait.ge [sflag:s23], $0x1  }
0xa3: {  	[sflag:s23] =	ssyncset.done $0x0  }
0xa4: {  	s25 =	simm.s32 $0x1B8E;
	s24 =	sld [smem:$0x3FFE];
	[sflag:s23] =	ssyncadd.s32 $0xFFFFFFFF  }
0xa5: {  	s26 =	simm.s32 $execute0_lowered;
	[smem:$0x3FD2] =	sst s25  }
0xa6: {  	s4 =	sshll.u32 s26, $0x1;
	_ =	strace $0x8000004F;
	[dreg:$0x1] =	wrdreg $0xFFFFFFFF  }
0xa7: {  	s28 =	simm.s32 $_size_execute0_lowered;
	s2 =	sadd.s32 s2, s4;
	[dreg:$0x0] =	wrdreg $0x0  }
0xa8: {  	s4 =	sshll.u32 s28, $0x1;
	[dreg:$0x2] =	wrdreg s2  }
0xa9: {  	[dreg:$0x3] =	wrdreg s4  }
0xaa: {  	[dreg:$0x4] =	wrdreg $0xC0  }
0xab: {  	_ =	task [dreg:s6], $0x5FFFF  }
0xac: {  	[dreg:$0x1] =	wrdreg $0xFFFFFFFF  }
0xad: {  	[dreg:$0x0] =	wrdreg $0x60  }
0xae: {  	[dreg:$0x2] =	wrdreg s24  }
0xaf: {  	[dreg:$0x3] =	wrdreg $0x0  }
0xb0: {  	[dreg:$0x4] =	wrdreg $0x9  }
0xb1: {  	_ =	task.clear_ibuf [dreg:s6], $0x5FFFF;
	_ =	strace $0x9000004F  }
0xb2: {  	s29 =	simm.s32 $0x9;
	_ =	strace $0x80000051  }
0xb3: {  	_ =	swait.ge [sflag:s29], $0x1  }
0xb4: {  	[sflag:s29] =	ssyncadd.s32 $0xFFFFFFFF  }
0xb5: {  	_ =	strace $0x90000051  }
0xb6: {  	_ =	sfence  }
0xb7: {  	s30 =	sld [smem:$0x0];
	_ =	sdelay $0x2  }
0xb8: {  	s31 =	sshll.u32 s1, $0xD;
	s1 =	sshrl.u32 s1, $0x2  }
0xb9: {  	s3 =	sand.u32 $0x4000, s31;
	s1 =	sadd.s32 s1, s30  }
0xba: {  	s0 =	sor.u32 s3, s0;
	s1 =	sshll.u32 s1, $0x11  }
0xbb: {  	s0 =	sor.u32 s1, s0  }
0xbc: {  	s0 =	sadd.s32 $0x8F2B, s0  }
0xbd: {  	[sflag:s0] =	ssyncadd.remote.s32 $0x1  }
0xbe: {  	_ =	sfence.sel $0xFFFF  }
0xbf: {  	[dreg:$0x0] =	wrdreg $0xFFFFFFFF;
	(pc) =	sbr.abs _section_cstart, $3  }
0xc0: {  	[dreg:$0x1] =	wrdreg $0xFFFFFFFF  }
0xc1: {  	_ =	task.clear_ibuf [dreg:s6], $0x2FFFF;
	_ =	strace $0x9FFFFFFF  }
0xc2: {  	(tm) =	ssettm $0x7FFFFFFF  }
0xc3: {  	_ =	shalt  }
tec
execute0_lowered:
.L_overlay_start_1:
0x0: {  	(tag) =	ssettag $0x1  }
0x1: {  	s0 =	rddreg [dreg:$0x0]  }
0x2: {  	s1 =	rddreg [dreg:$0x1];
	s2 =	simm.s32 $0x0  }
0x3: {  	s4 =	stileid.u32;
	s6 =	srdreg.scid;
	s28 =	simm.s32 $0x50  }
0x4: {  	s29 =	simm.s32 $0x2;
	s30 =	simm.s32 $0x0;
	[smem:$0x7FF] =	sst s2  }
0x5: {  	s5 =	smul.u32 $0x13800, s4;
	s7 =	sadd.s32 $0x18D7C00, s0;
	s3 =	sadd.s32 $0x13600, s0  }
0x6: {  	s16 =	sand.u32 $0x1, s6;
	s9 =	sshll.u32 s4, $0x1;
	s11 =	smul.u32 $0x4E000, s4  }
0x7: {  	s14 =	sadd.s32 $0x92A00, s0;
	s31 =	sshll.u32 s4, $0x6;
	s12 =	sadd.s32 $0x138000, s1  }
0x8: {  	s23 =	smul.u32 $0x4E20, s4;
	_ =	strace $0x80000050;
	s25 =	ssub.s32 $0x2, s16  }
0x9: {  	s9 =	sor.u32 s16, s9;
	[dreg:$0x5] =	wrdreg s12;
	s8 =	sshrl.u32 s5, $0x3  }
0xa: {  	s10 =	sshrl.u32 s25, $0x1;
	s15 =	smul.u32 $0x2710, s9;
	s26 =	sshrl.u32 s11, $0x2  }
0xb: {  	s24 =	sadd.s32 s8, s0;
	s8 =	ssub.s32 s25, s10;
	s10 =	sadd.s32 s26, s1  }
0xc: {  	s9 =	smul.u32 $0x27100, s9;
	s0 =	sadd.s32 $0x92800, s0;
	[dreg:$0x3] =	wrdreg s10  }
0xd: {  	p0 =	sne.s32 s4, $0x0;
	s6 =	sadd.s32 $0x6B800, s24;
	[dreg:$0x6] =	wrdreg s0  }
0xe: {  	s13 =	sadd.s32 s7, s9;
	s17 =	sshrl.u32 s15, $0x3;
	s18 =	sadd.s32 $0x50, s15  }
0xf: {  	s24 =	sadd.s32 $0x26C0, s15;
	s15 =	smax.u32 s8, $0x1;
	[dreg:$0x4] =	wrdreg s6  }
0x10: {  	s6 =	sor.u32 $0x1C03, s31;
	[dreg:$0x7] =	wrdreg s13;
	s13 =	smul.u32 $0x138800, s16  }
0x11: {  	s0 =	sadd.s32 s3, s17;
	s19 =	sshll.u32 s18, $0x4;
	s17 =	smul.u32 $0x4E200, s4  }
0x12: {  	s12 =	sshrl.u32 s18, $0x3;
	s18 =	smul.u32 $0x2710, s16;
	s25 =	sshll.u32 s24, $0x4  }
0x13: {  	[dreg:$0x8] =	wrdreg s0;
	s11 =	sadd.s32 s7, s19;
	s12 =	sadd.s32 s3, s12  }
0x14: {  	s19 =	smul.u32 $0x27100, s16;
	s16 =	sadd.s32 s7, s25;
	s25 =	simm.s32 $0x18900  }
0x15: {  	s20 =	sadd.s32 s5, s13;
	s21 =	sshrl.u32 s13, $0x3;
	s7 =	sadd.s32 s17, s7  }
0x16: {  	s5 =	sadd.s32 s18, s23;
	s23 =	simm.s32 $0x18880;
	s0 =	sshrl.u32 s20, $0x3  }
0x17: {  	s22 =	sadd.s32 s14, s21;
	s7 =	sadd.s32 s19, s7;
	s26 =	sadd.s32 $0xF0, s5  }
0x18: {  	s20 =	sadd.s32 $0xA0, s5;
	s21 =	simm.s32 $0x3;
	s13 =	sadd.s32 s14, s0  }
0x19: {  	s14 =	sadd.s32 $0x27000, s22;
	s0 =	sshrl.u32 s24, $0x3;
	s18 =	sadd.s32 $0xF00, s7  }
0x1a: {  	s31 =	sshrl.u32 s26, $0x3;
	s22 =	simm.s32 $0x13880;
	s24 =	simm.s32 $0x16080  }
0x1b: {  	s26 =	simm.s32 $0x1;
	s17 =	sadd.s32 s3, s0;
	s19 =	sadd.s32 s31, s3  }
.LBB2_1:
0x1c: {  	s0 =	rddreg [dreg:$0x3]  }
0x1d: {  	s5 =	rddreg [dreg:$0x4];
	s31 =	sshrl.u32 s0, $0x3  }
0x1e: {  	[spmem:s31], [sflag:s6] =	dma.local [hbm:s5], $0x2700  }
0x1f: {  	_ =	swait.ge [sflag:s21], $0x2700  }
0x20: {  	[sflag:s21] =	ssyncset.done $0x0;
	s0 =	rddreg [dreg:$0x5]  }
0x21: {  	s4 =	rddreg [dreg:$0x6];
	[sflag:s21] =	ssyncadd.s32 $0xFFFFD900;
	s0 =	sshrl.u32 @!p0 s0, $0x3  }
0x22: {  	[spmem:s0], [sflag:s6] =	dma.local @!p0 [hbm:s4], $0x100  }
0x23: {  	s4 =	simm.s32 @!p0 $0x3  }
0x24: {  	_ =	swait.ge @!p0 [sflag:s4], $0x100  }
0x25: {  	[sflag:s4] =	ssyncset.done @!p0 $0x0  }
0x26: {  	[sflag:s4] =	ssyncadd.s32 @!p0 $0xFFFFFF00  }
0x27: {  	[bflag:$0x0] =	sbarrier.arrive $0xFFFF  }
0x28: {  	s7 =	rddreg [dreg:$0x7]  }
0x29: {  	[tilespmem:s22], [sflag:$0x1] =	stream.linear.gather [hbm4b:s7+s2], $0x2800, $0x38;
	[tilespmem:$0x18980] =	vst v63  }
0x2a: {  	s8 =	rddreg [dreg:$0x8]  }
0x2b: {  	[tilespmem:s23], [sflag:$0x1] =	stream.linear.gather [hbm4b:s8+s2], $0x50, $0x38;
	[tilespmem:$0x18980] =	vst v63  }
0x2c: {  	_ = 	snop  }
0x2d: {  	[tilespmem:s24], [sflag:$0x2] =	stream.linear.gather [hbm4b:s11+s2], $0x2800, $0x38;
	[tilespmem:$0x18980] =	vst v63  }
0x2e: {  	_ = 	snop  }
0x2f: {  	[tilespmem:s25], [sflag:$0x2] =	stream.linear.gather [hbm4b:s12+s2], $0x50, $0x38;
	[tilespmem:$0x18980] =	vst v63  }
0x30: {  	_ =	swait.ge [sflag:s26], $0x2800  }
0x31: {  	[sflag:s26] =	ssyncset.done $0x0  }
0x32: {  	[sflag:s26] =	ssyncadd.s32 $0xFFFFD800  }
0x33: {  	_ =	swait.ge [sflag:s26], $0x50  }
0x34: {  	[sflag:s26] =	ssyncset.done $0x0  }
0x35: {  	[sflag:s26] =	ssyncadd.s32 $0xFFFFFFB0  }
0x36: {  	[spmem:s1] =	stream.indirect.scatter.add.f32 [tilespmem:s22], [sflag:$0x3], $0x80, s23, s28, $0xb8;
	[tilespmem:$0x18980] =	vst v63  }
0x37: {  	_ =	swait.ge [sflag:s21], $0x2800  }
0x38: {  	[sflag:s21] =	ssyncset.done $0x0  }
0x39: {  	s9 =	sadd.s32 $0xFFFFFB00, s18;
	s5 =	sshrl.u32 s20, $0x3;
	[sflag:s21] =	ssyncadd.s32 $0xFFFFD800  }
0x3a: {  	[tilespmem:s22], [sflag:$0x1] =	stream.linear.gather [hbm4b:s9+s2], $0x2800, $0x38;
	[tilespmem:$0x18980] =	vst v63  }
0x3b: {  	s10 =	sadd.s32 s3, s5  }
0x3c: {  	[tilespmem:s23], [sflag:$0x1] =	stream.linear.gather [hbm4b:s10+s2], $0x50, $0x38;
	[tilespmem:$0x18980] =	vst v63  }
0x3d: {  	_ =	swait.ge [sflag:s29], $0x2800  }
0x3e: {  	[sflag:s29] =	ssyncset.done $0x0  }
0x3f: {  	[sflag:s29] =	ssyncadd.s32 $0xFFFFD800  }
0x40: {  	_ =	swait.ge [sflag:s29], $0x50  }
0x41: {  	[sflag:s29] =	ssyncset.done $0x0  }
0x42: {  	[sflag:s29] =	ssyncadd.s32 $0xFFFFFFB0  }
0x43: {  	[spmem:s1] =	stream.indirect.scatter.add.f32 [tilespmem:s24], [sflag:$0x3], $0x80, s25, s28, $0xb8;
	[tilespmem:$0x18980] =	vst v63  }
0x44: {  	_ =	swait.ge [sflag:s21], $0x2800  }
0x45: {  	s5 =	sadd.s32 $0xA00, s18;
	s4 =	simm.s32 $0x14;
	[sflag:s21] =	ssyncset.done $0x0  }
0x46: {  	s7 =	sadd.s32 $0xA0, s20;
	s8 =	sadd.s32 $0x0, s19;
	[sflag:s21] =	ssyncadd.s32 $0xFFFFD800  }
0x47: {  	[tilespmem:s24], [sflag:$0x2] =	stream.linear.gather [hbm4b:s18+s2], $0x2800, $0x38;
	[tilespmem:$0x18980] =	vst v63  }
.LBB2_2:
0x48: {  	[tilespmem:s25], [sflag:$0x2] =	stream.linear.gather [hbm4b:s8+s2], $0x50, $0x38;
	[tilespmem:$0x18980] =	vst v63  }
0x49: {  	s8 =	smov.u32 s4  }
0x4a: {  	p1 =	sne.s32 s4, $0x4B0;
	s4 =	sadd.s32 $0x14, s4;
	_ =	swait.ge [sflag:s26], $0x2800  }
0x4b: {  	[sflag:s26] =	ssyncset.done $0x0  }
0x4c: {  	[sflag:s26] =	ssyncadd.s32 $0xFFFFD800  }
0x4d: {  	_ =	swait.ge [sflag:s26], $0x50  }
0x4e: {  	[sflag:s26] =	ssyncset.done $0x0  }
0x4f: {  	[sflag:s26] =	ssyncadd.s32 $0xFFFFFFB0  }
0x50: {  	[spmem:s1] =	stream.indirect.scatter.add.f32 [tilespmem:s22], [sflag:$0x3], $0x80, s23, s28, $0xb8;
	[tilespmem:$0x18980] =	vst v63  }
0x51: {  	_ =	swait.ge [sflag:s21], $0x2800  }
0x52: {  	[sflag:s21] =	ssyncset.done $0x0  }
0x53: {  	s9 =	sadd.s32 $0xFFFFFB00, s5;
	s10 =	sshrl.u32 s7, $0x3;
	[sflag:s21] =	ssyncadd.s32 $0xFFFFD800  }
0x54: {  	[tilespmem:s22], [sflag:$0x1] =	stream.linear.gather [hbm4b:s9+s2], $0x2800, $0x38;
	[tilespmem:$0x18980] =	vst v63  }
0x55: {  	s9 =	sadd.s32 s3, s10  }
0x56: {  	[tilespmem:s23], [sflag:$0x1] =	stream.linear.gather [hbm4b:s9+s2], $0x50, $0x38;
	[tilespmem:$0x18980] =	vst v63  }
0x57: {  	_ =	swait.ge [sflag:s29], $0x2800  }
0x58: {  	[sflag:s29] =	ssyncset.done $0x0  }
0x59: {  	[sflag:s29] =	ssyncadd.s32 $0xFFFFD800  }
0x5a: {  	_ =	swait.ge [sflag:s29], $0x50  }
0x5b: {  	[sflag:s29] =	ssyncset.done $0x0  }
0x5c: {  	[sflag:s29] =	ssyncadd.s32 $0xFFFFFFB0  }
0x5d: {  	[spmem:s1] =	stream.indirect.scatter.add.f32 [tilespmem:s24], [sflag:$0x3], $0x80, s25, s28, $0xb8;
	[tilespmem:$0x18980] =	vst v63  }
.Ltmp0:
0x5e: {  	_ =	swait.ge [sflag:s21], $0x2800;
	(pc) =	sbr.rel @p1 .LBB2_2-.Ltmp0, $4  }
0x5f: {  	[sflag:s21] =	ssyncset.done $0x0  }
0x60: {  	[sflag:s21] =	ssyncadd.s32 $0xFFFFD800  }
0x61: {  	[tilespmem:s24], [sflag:$0x2] =	stream.linear.gather [hbm4b:s5+s2], $0x2800, $0x38;
	[tilespmem:$0x18980] =	vst v63  }
0x62: {  	s7 =	sadd.s32 $0xA0, s7;
	s8 =	sadd.s32 s8, s19;
	s5 =	sadd.s32 $0xA00, s5  }
0x63: {  	[tilespmem:s25], [sflag:$0x2] =	stream.linear.gather [hbm4b:s8+s2], $0x50, $0x38;
	[tilespmem:$0x18980] =	vst v63  }
0x64: {  	_ =	swait.ge [sflag:s26], $0x2800  }
0x65: {  	[sflag:s26] =	ssyncset.done $0x0  }
0x66: {  	[sflag:s26] =	ssyncadd.s32 $0xFFFFD800  }
0x67: {  	_ =	swait.ge [sflag:s26], $0x50  }
0x68: {  	[sflag:s26] =	ssyncset.done $0x0  }
0x69: {  	[sflag:s26] =	ssyncadd.s32 $0xFFFFFFB0  }
0x6a: {  	[spmem:s1] =	stream.indirect.scatter.add.f32 [tilespmem:s22], [sflag:$0x3], $0x80, s23, s28, $0xb8;
	[tilespmem:$0x18980] =	vst v63  }
0x6b: {  	_ =	swait.ge [sflag:s21], $0x2800  }
0x6c: {  	[sflag:s21] =	ssyncset.done $0x0  }
0x6d: {  	[sflag:s21] =	ssyncadd.s32 $0xFFFFD800  }
0x6e: {  	[tilespmem:s22], [sflag:$0x1] =	stream.linear.gather [hbm4b:s16+s2], $0x2800, $0x38;
	[tilespmem:$0x18980] =	vst v63  }
0x6f: {  	_ = 	snop  }
0x70: {  	[tilespmem:s23], [sflag:$0x1] =	stream.linear.gather [hbm4b:s17+s2], $0x50, $0x38;
	[tilespmem:$0x18980] =	vst v63  }
0x71: {  	_ =	swait.ge [sflag:s29], $0x2800  }
0x72: {  	[sflag:s29] =	ssyncset.done $0x0  }
0x73: {  	[sflag:s29] =	ssyncadd.s32 $0xFFFFD800  }
0x74: {  	_ =	swait.ge [sflag:s29], $0x50  }
0x75: {  	[sflag:s29] =	ssyncset.done $0x0  }
0x76: {  	[sflag:s29] =	ssyncadd.s32 $0xFFFFFFB0  }
0x77: {  	[spmem:s1] =	stream.indirect.scatter.add.f32 [tilespmem:s24], [sflag:$0x3], $0x80, s25, s28, $0xb8;
	[tilespmem:$0x18980] =	vst v63  }
0x78: {  	_ =	swait.ge [sflag:s21], $0x2800  }
0x79: {  	[sflag:s21] =	ssyncset.done $0x0  }
0x7a: {  	[sflag:s21] =	ssyncadd.s32 $0xFFFFD800  }
0x7b: {  	_ =	swait.ge [sflag:s26], $0x2800  }
0x7c: {  	[sflag:s26] =	ssyncset.done $0x0  }
0x7d: {  	[sflag:s26] =	ssyncadd.s32 $0xFFFFD800  }
0x7e: {  	_ =	swait.ge [sflag:s26], $0x50  }
0x7f: {  	[sflag:s26] =	ssyncset.done $0x0  }
0x80: {  	[sflag:s26] =	ssyncadd.s32 $0xFFFFFFB0  }
0x81: {  	[spmem:s1] =	stream.indirect.scatter.add.f32 [tilespmem:s22], [sflag:$0x3], $0x80, s23, s28, $0xb8;
	[tilespmem:$0x18980] =	vst v63  }
0x82: {  	_ =	swait.ge [sflag:s21], $0x2800  }
0x83: {  	[sflag:s21] =	ssyncset.done $0x0  }
0x84: {  	[sflag:s21] =	ssyncadd.s32 $0xFFFFD800  }
0x85: {  	[bflag:$0x0] =	sbarrier.arrive $0xFFFF  }
0x86: {  	[hbm:s13], [sflag:s6] =	dma.local [spmem:s31], $0x2700  }
0x87: {  	_ =	swait.ge [sflag:s21], $0x2700  }
0x88: {  	s30 =	sadd.s32 $0x1, s30;
	[sflag:s21] =	ssyncset.done $0x0  }
0x89: {  	p1 =	sne.s32 s30, s15;
	[sflag:s21] =	ssyncadd.s32 $0xFFFFD900  }
0x8a: {  	[hbm:s14], [sflag:s6] =	dma.local @!p0 [spmem:s0], $0x100  }
.Ltmp1:
0x8b: {  	_ = 	snop;
	(pc) =	sbr.rel @p1 .LBB2_1-.Ltmp1, $4  }
0x8c: {  	s0 =	simm.s32 @!p0 $0x3  }
0x8d: {  	_ =	swait.ge @!p0 [sflag:s0], $0x100  }
0x8e: {  	[sflag:s0] =	ssyncset.done @!p0 $0x0  }
0x8f: {  	[sflag:s0] =	ssyncadd.s32 @!p0 $0xFFFFFF00  }
0x90: {  	_ =	sfence.sel $0x180000  }
0x91: {  	[bflag:$0x0] =	sbarrier.arrive $0xFFFF  }
0x92: {  	_ =	strace $0x90000050  }
0x93: {  	[bflag:$0x2] =	sbarrier.arrive $0xFFFF  }
0x94: {  	s0 =	rddreg [dreg:$0x2]  }
0x95: {  	s0 =	sadd.s32 @!p0 $0x100000, s0  }
0x96: {  	[sflag:s0] =	ssyncadd.tile.s32 @!p0 $0x1;
	_ =	shalt  }
.Lfunc_end2:
_tile_overlayer_lowered:
.L_overlay_start_2:
0x97: {  	(tag) =	ssettag $0x2  }
0x98: {  	s0 =	rddreg [dreg:$0x0];
	s2 =	stileid.u32  }
0x99: {  	s1 =	rddreg [dreg:$0x1];
	p0 =	sne.s32 s2, $0x0  }
0x9a: {  	s3 =	rddreg [dreg:$0x2];
	[bflag:$0x3] =	sbarrier.arrive $0xFFFF;
	s2 =	simm.s32 @!p0 $0x1C03  }
0x9b: {  	[timem:s3], [sflag:s2] =	dma.local @!p0 [hbm:s0], s1  }
0x9c: {  	s0 =	simm.s32 @!p0 $0x3  }
0x9d: {  	_ =	swait.ge @!p0 [sflag:s0], s1  }
0x9e: {  	s1 =	ssub.s32 @!p0 $0x0, s1;
	[sflag:s0] =	ssyncset.done @!p0 $0x0  }
0x9f: {  	[sflag:s0] =	ssyncadd.s32 @!p0 s1  }
0xa0: {  	[bflag:$0x3] =	sbarrier.arrive $0xFFFF  }
0xa1: {  	_ =	shalt  }

</sc_bundles>
